<compile_context>
chip_gen: v7x
topology: tpu7x:2x2x1
jax: 0.10.2.dev20260603
libtpu: 0.0.44.dev20260713+nightly
codegen_flags: <defaults>
</compile_context>

<pallas_src>
import functools

import jax
import jax.numpy as jnp
from jax import lax
from jax.experimental import pallas as pl
from jax.experimental.pallas import tpu as pltpu
from jax.experimental.pallas import tpu_sc as plsc

NU = 1000000
NI = 1000000
D = 32
B = 16384
R = 128

_NC, _NS = 2, 16
_NW = _NC * _NS
_BPW = B // _NW
_G = 8
_NGRP = _BPW // _G
_CMAX = (NU - 1) >> 7


def _sc_body(ug_hbm, ui_hbm, um_hbm, im_hbm, uidx_hbm, iidx_hbm, out,
             uvals, ivals, big0, big1, rows, sem0, sem1):
    wid = lax.axis_index("s") * _NC + lax.axis_index("c")
    base = wid * _BPW

    pltpu.sync_copy(uidx_hbm.at[pl.ds(base, _BPW)], uvals.at[pl.ds(0, _BPW)])
    pltpu.sync_copy(iidx_hbm.at[pl.ds(base, _BPW)], ivals.at[pl.ds(0, _BPW)])

    ei = lax.iota(jnp.int32, 16)
    eic = jnp.minimum(ei, _G - 1)
    msk = ei < _G

    def fire(tab, vec, buf, sem):
        for e in range(_G):
            c = jnp.maximum(jnp.minimum(vec[e] >> 7, _CMAX), 0)
            off = pl.multiple_of(c * 128, 128)
            pltpu.async_copy(tab.at[:, pl.ds(off, 128)],
                             buf.at[pl.ds(e * D, D)], sem)

    def wait(buf, sem):
        for e in range(_G):
            pltpu.make_async_copy(ug_hbm.at[:, pl.ds(0, 128)],
                                  buf.at[pl.ds(e * D, D)], sem).wait()

    def extract(buf, lvec, t):
        for d in range(D):
            dsp = jnp.full((16,), d, jnp.int32)
            vals = plsc.load_gather(buf, [eic * D + dsp, lvec])
            plsc.store_scatter(rows, [ei, dsp + t * D], vals, mask=msk)

    fire(ug_hbm, uvals[pl.ds(0, 16)], big0, sem0)

    def group(g, carry):
        uvec = uvals[pl.ds(g * _G, 16)]
        ivec = ivals[pl.ds(g * _G, 16)]
        unext = uvals[pl.ds(g * _G + _G, 16)]
        lu = jnp.bitwise_and(uvec, 127)
        li = jnp.bitwise_and(ivec, 127)
        fire(ui_hbm, ivec, big1, sem1)
        wait(big0, sem0)
        extract(big0, lu, 0)
        fire(um_hbm, uvec, big0, sem0)
        wait(big1, sem1)
        extract(big1, li, 1)
        fire(im_hbm, ivec, big1, sem1)
        wait(big0, sem0)
        extract(big0, lu, 2)
        fire(ug_hbm, unext, big0, sem0)
        wait(big1, sem1)
        extract(big1, li, 3)
        pltpu.sync_copy(rows.at[pl.ds(0, _G)],
                        out.at[pl.ds(base + g * _G, _G)])
        return carry

    lax.fori_loop(0, _NGRP, group, 0)
    wait(big0, sem0)


@functools.lru_cache(maxsize=1)
def _sc_gather():
    mesh = plsc.VectorSubcoreMesh(core_axis_name="c", subcore_axis_name="s",
                                  num_cores=_NC, num_subcores=_NS)
    return pl.kernel(
        _sc_body,
        out_type=jax.ShapeDtypeStruct((B, R), jnp.float32),
        mesh=mesh,
        scratch_types=[
            pltpu.VMEM((_BPW + 16,), jnp.int32),
            pltpu.VMEM((_BPW + 16,), jnp.int32),
            pltpu.VMEM((_G * D, 128), jnp.float32),
            pltpu.VMEM((_G * D, 128), jnp.float32),
            pltpu.VMEM((16, R), jnp.float32),
            pltpu.SemaphoreType.DMA,
            pltpu.SemaphoreType.DMA,
        ],
        compiler_params=pltpu.CompilerParams(needs_layout_passes=False),
    )


def _tc_body(x, w0t, b0, w1t, b1, w2t, b2, w3t, b3, wpg, wpm, bp, out):
    xv = x[...]
    g_u = xv[:, 0 * D:1 * D]
    g_i = xv[:, 1 * D:2 * D]
    m_u = xv[:, 2 * D:3 * D]
    m_i = xv[:, 3 * D:4 * D]
    gmf = g_u * g_i
    w0 = w0t[...]
    h = jnp.maximum(m_u @ w0[:D] + m_i @ w0[D:] + b0[...], 0.0)
    h = jnp.maximum(h @ w1t[...] + b1[...], 0.0)
    h = jnp.maximum(h @ w2t[...] + b2[...], 0.0)
    h = jnp.maximum(h @ w3t[...] + b3[...], 0.0)
    p = gmf @ wpg[...] + h @ wpm[...] + bp[...]
    out[...] = 1.0 / (1.0 + jnp.exp(-p))


def kernel(user_indices, item_indices, embed_user_gmf, embed_item_gmf,
           embed_user_mlp, embed_item_mlp, W0, b0, W1, b1, W2, b2, W3, b3,
           Wp, bp):
    uidx = user_indices.astype(jnp.int32)
    iidx = item_indices.astype(jnp.int32)

    packed = _sc_gather()(embed_user_gmf.T, embed_item_gmf.T,
                          embed_user_mlp.T, embed_item_mlp.T, uidx, iidx)

    blk = 2048
    grid = B // blk

    def full(shape):
        return pl.BlockSpec(shape, lambda i: tuple(0 for _ in shape))

    w0t = W0.T
    w1t = W1.T
    w2t = W2.T
    w3t = W3.T
    wpg = Wp[:, :D].T
    wpm = Wp[:, D:].T

    out = pl.pallas_call(
        _tc_body,
        grid=(grid,),
        in_specs=[
            pl.BlockSpec((blk, R), lambda i: (i, 0)),
            full((2 * D, 2 * D)), full((1, 2 * D)),
            full((2 * D, 32)), full((1, 32)),
            full((32, 16)), full((1, 16)),
            full((16, 8)), full((1, 8)),
            full((D, 1)), full((8, 1)), full((1, 1)),
        ],
        out_specs=pl.BlockSpec((blk, 1), lambda i: (i, 0)),
        out_shape=jax.ShapeDtypeStruct((B, 1), jnp.float32),
    )(packed,
      w0t, b0.reshape(1, -1), w1t, b1.reshape(1, -1), w2t, b2.reshape(1, -1),
      w3t, b3.reshape(1, -1), wpg, wpm, bp.reshape(1, 1))

    return out.reshape(B)

# --- scband reference (transcript-rebuilt; emitter-appended) ---
"""Pipeline reference for scband-ncfmodel-71399536328974 (READ-ONLY COPY).

The authoritative reference and input builder live on the scoring server;
editing this copy changes nothing except your own understanding.
"""

import jax, jax.numpy as jnp
import numpy as np

NU = 1000000
NI = 1000000
D = 32
B = 16384
LAYERS = [64, 32, 16, 8]


def setup_inputs(seed: int = 0) -> dict:
    key = jax.random.key(seed)
    ks = jax.random.split(key, 20)
    inp = {}
    inp["user_indices"] = jax.random.randint(ks[0], (B,), 0, NU, dtype=jnp.int64 if jax.config.jax_enable_x64 else jnp.int32)
    inp["item_indices"] = jax.random.randint(ks[1], (B,), 0, NI, dtype=jnp.int64 if jax.config.jax_enable_x64 else jnp.int32)
    inp["embed_user_gmf"] = (jax.random.normal(ks[2], (NU, D), dtype=jnp.float32) * 0.01)
    inp["embed_item_gmf"] = (jax.random.normal(ks[3], (NI, D), dtype=jnp.float32) * 0.01)
    inp["embed_user_mlp"] = (jax.random.normal(ks[4], (NU, D), dtype=jnp.float32) * 0.01)
    inp["embed_item_mlp"] = (jax.random.normal(ks[5], (NI, D), dtype=jnp.float32) * 0.01)
    in_size = 2 * D
    kidx = 6
    for i, out_size in enumerate(LAYERS):
        bound = np.sqrt(6.0 / in_size)
        inp[f"W{i}"] = jax.random.uniform(ks[kidx], (out_size, in_size), dtype=jnp.float32, minval=-bound, maxval=bound)
        kidx += 1
        inp[f"b{i}"] = jnp.zeros((out_size,), dtype=jnp.float32)
        in_size = out_size
    pin = D + LAYERS[-1]
    bound = np.sqrt(6.0 / pin)
    inp["Wp"] = jax.random.uniform(ks[kidx], (1, pin), dtype=jnp.float32, minval=-bound, maxval=bound)
    inp["bp"] = jnp.zeros((1,), dtype=jnp.float32)
    return inp


def reference(user_indices, item_indices, embed_user_gmf, embed_item_gmf, embed_user_mlp, embed_item_mlp, W0, b0, W1, b1, W2, b2, W3, b3, Wp, bp):
    user_gmf = jnp.take(embed_user_gmf, user_indices, axis=0)
    item_gmf = jnp.take(embed_item_gmf, item_indices, axis=0)
    gmf_output = user_gmf * item_gmf
    user_mlp = jnp.take(embed_user_mlp, user_indices, axis=0)
    item_mlp = jnp.take(embed_item_mlp, item_indices, axis=0)
    x = jnp.concatenate([user_mlp, item_mlp], axis=-1)
    for W, b in ((W0, b0), (W1, b1), (W2, b2), (W3, b3)):
        x = jax.nn.relu(x @ W.T + b)
    combined = jnp.concatenate([gmf_output, x], axis=-1)
    prediction = combined @ Wp.T + bp
    return jnp.squeeze(jax.nn.sigmoid(prediction))

if __name__ == "__main__":
    import jax
    _d = setup_inputs()
    print(jax.jit(kernel)(*tuple(_d.values())))

</pallas_src>

<mosaic_0001>
#map = affine_map<(d0, d1) -> (0, 0)>
#map1 = affine_map<(d0, d1) -> (0)>
module attributes {stable_mosaic.version = 14 : i64} {
  func.func @_sc_body(%arg0: i32, %arg1: i32, %arg2: memref<32x1000000xf32, #tpu.memory_space<hbm>>, %arg3: memref<32x1000000xf32, #tpu.memory_space<hbm>>, %arg4: memref<32x1000000xf32, #tpu.memory_space<hbm>>, %arg5: memref<32x1000000xf32, #tpu.memory_space<hbm>>, %arg6: memref<16384xi32, #tpu.memory_space<hbm>>, %arg7: memref<16384xi32, #tpu.memory_space<hbm>>, %arg8: memref<16384x128xf32, #tpu.memory_space<hbm>>, %arg9: memref<528xi32, #tpu.memory_space<vmem>>, %arg10: memref<528xi32, #tpu.memory_space<vmem>>, %arg11: memref<256x128xf32, #tpu.memory_space<vmem>>, %arg12: memref<256x128xf32, #tpu.memory_space<vmem>>, %arg13: memref<16x128xf32, #tpu.memory_space<vmem>>, %arg14: memref<!tpu.dma_semaphore, #tpu.memory_space<semaphore_mem>>, %arg15: memref<!tpu.dma_semaphore, #tpu.memory_space<semaphore_mem>>) attributes {dimension_semantics = [#tpu.dimension_semantics<core_parallel>, #tpu.dimension_semantics<subcore_parallel>], iteration_bounds = array<i64: 2, 16>, scalar_prefetch = 0 : i64, scratch_operands = 7 : i64, tpu.core_type = #tpu.core_type<sc_vector_subcore>, window_params = [{transform_indices = #map}, {transform_indices = #map}, {transform_indices = #map}, {transform_indices = #map}, {transform_indices = #map1}, {transform_indices = #map1}, {transform_indices = #map}]} {
    %mul3A = arith.constant 2 : i32
    %mul3A_0 = arith.muli %arg1, %mul3A : i32
    %add3A = arith.addi %mul3A_0, %arg0 : i32
    %mul3A_1 = arith.constant 512 : i32
    %mul3A_2 = arith.muli %add3A, %mul3A_1 : i32
    "tpu.region"() ({
      %run_scoped3A = tpu.sem_alloc : memref<!tpu.dma_semaphore, #tpu.memory_space<semaphore_mem>>
      %dma_start3A_270 = arith.constant 0 : i32
      %dma_start3A_271 = tpu.memref_slice %arg9[%dma_start3A_270] : memref<528xi32, #tpu.memory_space<vmem>> -> memref<512xi32, #tpu.memory_space<vmem>>
      %dma_start3A_272 = tpu.memref_slice %arg6[%mul3A_2] : memref<16384xi32, #tpu.memory_space<hbm>> -> memref<512xi32, #tpu.memory_space<hbm>>
      %dma_start3A_273 = arith.constant 0 : i32
      %dma_start3A_274 = tpu.memref_slice %arg9[%dma_start3A_273] : memref<528xi32, #tpu.memory_space<vmem>> -> memref<512xi32, #tpu.memory_space<vmem>>
      %dma_start3A_275 = tpu.memref_slice %arg6[%mul3A_2] : memref<16384xi32, #tpu.memory_space<hbm>> -> memref<512xi32, #tpu.memory_space<hbm>>
      tpu.enqueue_dma source(%dma_start3A_275 : memref<512xi32, #tpu.memory_space<hbm>>) target(%dma_start3A_274 : memref<512xi32, #tpu.memory_space<vmem>>) target_semaphore(%run_scoped3A : memref<!tpu.dma_semaphore, #tpu.memory_space<semaphore_mem>>)
      %dma_wait3A_276 = arith.constant 0 : i32
      %dma_wait3A_277 = tpu.memref_slice %arg9[%dma_wait3A_276] : memref<528xi32, #tpu.memory_space<vmem>> -> memref<512xi32, #tpu.memory_space<vmem>>
      %dma_wait3A_278 = tpu.memref_slice %arg6[%mul3A_2] : memref<16384xi32, #tpu.memory_space<hbm>> -> memref<512xi32, #tpu.memory_space<hbm>>
      %dma_wait3A_279 = arith.constant 0 : i32
      %dma_wait3A_280 = tpu.memref_slice %arg9[%dma_wait3A_279] : memref<528xi32, #tpu.memory_space<vmem>> -> memref<512xi32, #tpu.memory_space<vmem>>
      %dma_wait3A_281 = tpu.memref_slice %arg6[%mul3A_2] : memref<16384xi32, #tpu.memory_space<hbm>> -> memref<512xi32, #tpu.memory_space<hbm>>
      tpu.wait_dma2 semaphore(%run_scoped3A : memref<!tpu.dma_semaphore, #tpu.memory_space<semaphore_mem>>) src(%dma_wait3A_281 : memref<512xi32, #tpu.memory_space<hbm>>) dst(%dma_wait3A_280 : memref<512xi32, #tpu.memory_space<vmem>>)
      tpu.yield
    }) : () -> ()
    "tpu.region"() ({
      %run_scoped3A = tpu.sem_alloc : memref<!tpu.dma_semaphore, #tpu.memory_space<semaphore_mem>>
      %dma_start3A_270 = arith.constant 0 : i32
      %dma_start3A_271 = tpu.memref_slice %arg10[%dma_start3A_270] : memref<528xi32, #tpu.memory_space<vmem>> -> memref<512xi32, #tpu.memory_space<vmem>>
      %dma_start3A_272 = tpu.memref_slice %arg7[%mul3A_2] : memref<16384xi32, #tpu.memory_space<hbm>> -> memref<512xi32, #tpu.memory_space<hbm>>
      %dma_start3A_273 = arith.constant 0 : i32
      %dma_start3A_274 = tpu.memref_slice %arg10[%dma_start3A_273] : memref<528xi32, #tpu.memory_space<vmem>> -> memref<512xi32, #tpu.memory_space<vmem>>
      %dma_start3A_275 = tpu.memref_slice %arg7[%mul3A_2] : memref<16384xi32, #tpu.memory_space<hbm>> -> memref<512xi32, #tpu.memory_space<hbm>>
      tpu.enqueue_dma source(%dma_start3A_275 : memref<512xi32, #tpu.memory_space<hbm>>) target(%dma_start3A_274 : memref<512xi32, #tpu.memory_space<vmem>>) target_semaphore(%run_scoped3A : memref<!tpu.dma_semaphore, #tpu.memory_space<semaphore_mem>>)
      %dma_wait3A_276 = arith.constant 0 : i32
      %dma_wait3A_277 = tpu.memref_slice %arg10[%dma_wait3A_276] : memref<528xi32, #tpu.memory_space<vmem>> -> memref<512xi32, #tpu.memory_space<vmem>>
      %dma_wait3A_278 = tpu.memref_slice %arg7[%mul3A_2] : memref<16384xi32, #tpu.memory_space<hbm>> -> memref<512xi32, #tpu.memory_space<hbm>>
      %dma_wait3A_279 = arith.constant 0 : i32
      %dma_wait3A_280 = tpu.memref_slice %arg10[%dma_wait3A_279] : memref<528xi32, #tpu.memory_space<vmem>> -> memref<512xi32, #tpu.memory_space<vmem>>
      %dma_wait3A_281 = tpu.memref_slice %arg7[%mul3A_2] : memref<16384xi32, #tpu.memory_space<hbm>> -> memref<512xi32, #tpu.memory_space<hbm>>
      tpu.wait_dma2 semaphore(%run_scoped3A : memref<!tpu.dma_semaphore, #tpu.memory_space<semaphore_mem>>) src(%dma_wait3A_281 : memref<512xi32, #tpu.memory_space<hbm>>) dst(%dma_wait3A_280 : memref<512xi32, #tpu.memory_space<vmem>>)
      tpu.yield
    }) : () -> ()
    %iota3A = tpu.iota {dimensions = array<i32: 0>} : vector<16xi32>
    %min3A = arith.constant 7 : i32
    %min3A_3 = vector.broadcast %min3A : i32 to vector<16xi32>
    %min3A_4 = arith.minsi %iota3A, %min3A_3 : vector<16xi32>
    %lt3A = arith.constant 8 : i32
    %lt3A_5 = vector.broadcast %lt3A : i32 to vector<16xi32>
    %lt3A_6 = arith.cmpi slt, %iota3A, %lt3A_5 : vector<16xi32>
    %get3A = arith.constant 0 : index
    %get3A_7 = tpu.vector_load %arg9[%get3A] {strides = array<i32>} : memref<528xi32, #tpu.memory_space<vmem>>, vector<16xi32>,
    %slice3A = vector.extract_strided_slice %get3A_7 {offsets = [0], sizes = [1], strides = [1]} : vector<16xi32> to vector<1xi32>
    %squeeze3A = vector.extract %slice3A[0] : i32 from vector<1xi32>
    %shift_right_arithmetic3A = arith.constant 7 : i32
    %shift_right_arithmetic3A_8 = arith.shrsi %squeeze3A, %shift_right_arithmetic3A : i32
    %min3A_9 = arith.constant 7812 : i32
    %min3A_10 = arith.minsi %shift_right_arithmetic3A_8, %min3A_9 : i32
    %max3A = arith.constant 0 : i32
    %max3A_11 = arith.maxsi %min3A_10, %max3A : i32
    %mul3A_12 = arith.constant 128 : i32
    %mul3A_13 = arith.muli %max3A_11, %mul3A_12 : i32
    %multiple_of3A = tpu.assume_multiple %mul3A_13, 128 : i32
    %dma_start3A = arith.constant 0 : i32
    %dma_start3A_14 = arith.constant 0 : i32
    %dma_start3A_15 = tpu.memref_slice %arg11[%dma_start3A, %dma_start3A_14] : memref<256x128xf32, #tpu.memory_space<vmem>> -> memref<32x128xf32, #tpu.memory_space<vmem>>
    %dma_start3A_16 = arith.constant 0 : i32
    %dma_start3A_17 = tpu.memref_slice %arg2[%dma_start3A_16, %multiple_of3A] : memref<32x1000000xf32, #tpu.memory_space<hbm>> -> memref<32x128xf32, #tpu.memory_space<hbm>>
    %dma_start3A_18 = arith.constant 0 : i32
    %dma_start3A_19 = arith.constant 0 : i32
    %dma_start3A_20 = tpu.memref_slice %arg11[%dma_start3A_18, %dma_start3A_19] : memref<256x128xf32, #tpu.memory_space<vmem>> -> memref<32x128xf32, #tpu.memory_space<vmem>>
    %dma_start3A_21 = arith.constant 0 : i32
    %dma_start3A_22 = tpu.memref_slice %arg2[%dma_start3A_21, %multiple_of3A] : memref<32x1000000xf32, #tpu.memory_space<hbm>> -> memref<32x128xf32, #tpu.memory_space<hbm>>
    tpu.enqueue_dma source(%dma_start3A_22 : memref<32x128xf32, #tpu.memory_space<hbm>>) target(%dma_start3A_20 : memref<32x128xf32, #tpu.memory_space<vmem>>) target_semaphore(%arg14 : memref<!tpu.dma_semaphore, #tpu.memory_space<semaphore_mem>>)
    %slice3A_23 = vector.extract_strided_slice %get3A_7 {offsets = [1], sizes = [1], strides = [1]} : vector<16xi32> to vector<1xi32>
    %squeeze3A_24 = vector.extract %slice3A_23[0] : i32 from vector<1xi32>
    %shift_right_arithmetic3A_25 = arith.constant 7 : i32
    %shift_right_arithmetic3A_26 = arith.shrsi %squeeze3A_24, %shift_right_arithmetic3A_25 : i32
    %min3A_27 = arith.constant 7812 : i32
    %min3A_28 = arith.minsi %shift_right_arithmetic3A_26, %min3A_27 : i32
    %max3A_29 = arith.constant 0 : i32
    %max3A_30 = arith.maxsi %min3A_28, %max3A_29 : i32
    %mul3A_31 = arith.constant 128 : i32
    %mul3A_32 = arith.muli %max3A_30, %mul3A_31 : i32
    %multiple_of3A_33 = tpu.assume_multiple %mul3A_32, 128 : i32
    %dma_start3A_34 = arith.constant 32 : i32
    %dma_start3A_35 = arith.constant 0 : i32
    %dma_start3A_36 = tpu.memref_slice %arg11[%dma_start3A_34, %dma_start3A_35] : memref<256x128xf32, #tpu.memory_space<vmem>> -> memref<32x128xf32, #tpu.memory_space<vmem>>
    %dma_start3A_37 = arith.constant 0 : i32
    %dma_start3A_38 = tpu.memref_slice %arg2[%dma_start3A_37, %multiple_of3A_33] : memref<32x1000000xf32, #tpu.memory_space<hbm>> -> memref<32x128xf32, #tpu.memory_space<hbm>>
    %dma_start3A_39 = arith.constant 32 : i32
    %dma_start3A_40 = arith.constant 0 : i32
    %dma_start3A_41 = tpu.memref_slice %arg11[%dma_start3A_39, %dma_start3A_40] : memref<256x128xf32, #tpu.memory_space<vmem>> -> memref<32x128xf32, #tpu.memory_space<vmem>>
    %dma_start3A_42 = arith.constant 0 : i32
    %dma_start3A_43 = tpu.memref_slice %arg2[%dma_start3A_42, %multiple_of3A_33] : memref<32x1000000xf32, #tpu.memory_space<hbm>> -> memref<32x128xf32, #tpu.memory_space<hbm>>
    tpu.enqueue_dma source(%dma_start3A_43 : memref<32x128xf32, #tpu.memory_space<hbm>>) target(%dma_start3A_41 : memref<32x128xf32, #tpu.memory_space<vmem>>) target_semaphore(%arg14 : memref<!tpu.dma_semaphore, #tpu.memory_space<semaphore_mem>>)
    %slice3A_44 = vector.extract_strided_slice %get3A_7 {offsets = [2], sizes = [1], strides = [1]} : vector<16xi32> to vector<1xi32>
    %squeeze3A_45 = vector.extract %slice3A_44[0] : i32 from vector<1xi32>
    %shift_right_arithmetic3A_46 = arith.constant 7 : i32
    %shift_right_arithmetic3A_47 = arith.shrsi %squeeze3A_45, %shift_right_arithmetic3A_46 : i32
    %min3A_48 = arith.constant 7812 : i32
    %min3A_49 = arith.minsi %shift_right_arithmetic3A_47, %min3A_48 : i32
    %max3A_50 = arith.constant 0 : i32
    %max3A_51 = arith.maxsi %min3A_49, %max3A_50 : i32
    %mul3A_52 = arith.constant 128 : i32
    %mul3A_53 = arith.muli %max3A_51, %mul3A_52 : i32
    %multiple_of3A_54 = tpu.assume_multiple %mul3A_53, 128 : i32
    %dma_start3A_55 = arith.constant 64 : i32
    %dma_start3A_56 = arith.constant 0 : i32
    %dma_start3A_57 = tpu.memref_slice %arg11[%dma_start3A_55, %dma_start3A_56] : memref<256x128xf32, #tpu.memory_space<vmem>> -> memref<32x128xf32, #tpu.memory_space<vmem>>
    %dma_start3A_58 = arith.constant 0 : i32
    %dma_start3A_59 = tpu.memref_slice %arg2[%dma_start3A_58, %multiple_of3A_54] : memref<32x1000000xf32, #tpu.memory_space<hbm>> -> memref<32x128xf32, #tpu.memory_space<hbm>>
    %dma_start3A_60 = arith.constant 64 : i32
    %dma_start3A_61 = arith.constant 0 : i32
    %dma_start3A_62 = tpu.memref_slice %arg11[%dma_start3A_60, %dma_start3A_61] : memref<256x128xf32, #tpu.memory_space<vmem>> -> memref<32x128xf32, #tpu.memory_space<vmem>>
    %dma_start3A_63 = arith.constant 0 : i32
    %dma_start3A_64 = tpu.memref_slice %arg2[%dma_start3A_63, %multiple_of3A_54] : memref<32x1000000xf32, #tpu.memory_space<hbm>> -> memref<32x128xf32, #tpu.memory_space<hbm>>
    tpu.enqueue_dma source(%dma_start3A_64 : memref<32x128xf32, #tpu.memory_space<hbm>>) target(%dma_start3A_62 : memref<32x128xf32, #tpu.memory_space<vmem>>) target_semaphore(%arg14 : memref<!tpu.dma_semaphore, #tpu.memory_space<semaphore_mem>>)
    %slice3A_65 = vector.extract_strided_slice %get3A_7 {offsets = [3], sizes = [1], strides = [1]} : vector<16xi32> to vector<1xi32>
    %squeeze3A_66 = vector.extract %slice3A_65[0] : i32 from vector<1xi32>
    %shift_right_arithmetic3A_67 = arith.constant 7 : i32
    %shift_right_arithmetic3A_68 = arith.shrsi %squeeze3A_66, %shift_right_arithmetic3A_67 : i32
    %min3A_69 = arith.constant 7812 : i32
    %min3A_70 = arith.minsi %shift_right_arithmetic3A_68, %min3A_69 : i32
    %max3A_71 = arith.constant 0 : i32
    %max3A_72 = arith.maxsi %min3A_70, %max3A_71 : i32
    %mul3A_73 = arith.constant 128 : i32
    %mul3A_74 = arith.muli %max3A_72, %mul3A_73 : i32
    %multiple_of3A_75 = tpu.assume_multiple %mul3A_74, 128 : i32
    %dma_start3A_76 = arith.constant 96 : i32
    %dma_start3A_77 = arith.constant 0 : i32
    %dma_start3A_78 = tpu.memref_slice %arg11[%dma_start3A_76, %dma_start3A_77] : memref<256x128xf32, #tpu.memory_space<vmem>> -> memref<32x128xf32, #tpu.memory_space<vmem>>
    %dma_start3A_79 = arith.constant 0 : i32
    %dma_start3A_80 = tpu.memref_slice %arg2[%dma_start3A_79, %multiple_of3A_75] : memref<32x1000000xf32, #tpu.memory_space<hbm>> -> memref<32x128xf32, #tpu.memory_space<hbm>>
    %dma_start3A_81 = arith.constant 96 : i32
    %dma_start3A_82 = arith.constant 0 : i32
    %dma_start3A_83 = tpu.memref_slice %arg11[%dma_start3A_81, %dma_start3A_82] : memref<256x128xf32, #tpu.memory_space<vmem>> -> memref<32x128xf32, #tpu.memory_space<vmem>>
    %dma_start3A_84 = arith.constant 0 : i32
    %dma_start3A_85 = tpu.memref_slice %arg2[%dma_start3A_84, %multiple_of3A_75] : memref<32x1000000xf32, #tpu.memory_space<hbm>> -> memref<32x128xf32, #tpu.memory_space<hbm>>
    tpu.enqueue_dma source(%dma_start3A_85 : memref<32x128xf32, #tpu.memory_space<hbm>>) target(%dma_start3A_83 : memref<32x128xf32, #tpu.memory_space<vmem>>) target_semaphore(%arg14 : memref<!tpu.dma_semaphore, #tpu.memory_space<semaphore_mem>>)
    %slice3A_86 = vector.extract_strided_slice %get3A_7 {offsets = [4], sizes = [1], strides = [1]} : vector<16xi32> to vector<1xi32>
    %squeeze3A_87 = vector.extract %slice3A_86[0] : i32 from vector<1xi32>
    %shift_right_arithmetic3A_88 = arith.constant 7 : i32
    %shift_right_arithmetic3A_89 = arith.shrsi %squeeze3A_87, %shift_right_arithmetic3A_88 : i32
    %min3A_90 = arith.constant 7812 : i32
    %min3A_91 = arith.minsi %shift_right_arithmetic3A_89, %min3A_90 : i32
    %max3A_92 = arith.constant 0 : i32
    %max3A_93 = arith.maxsi %min3A_91, %max3A_92 : i32
    %mul3A_94 = arith.constant 128 : i32
    %mul3A_95 = arith.muli %max3A_93, %mul3A_94 : i32
    %multiple_of3A_96 = tpu.assume_multiple %mul3A_95, 128 : i32
    %dma_start3A_97 = arith.constant 128 : i32
    %dma_start3A_98 = arith.constant 0 : i32
    %dma_start3A_99 = tpu.memref_slice %arg11[%dma_start3A_97, %dma_start3A_98] : memref<256x128xf32, #tpu.memory_space<vmem>> -> memref<32x128xf32, #tpu.memory_space<vmem>>
    %dma_start3A_100 = arith.constant 0 : i32
    %dma_start3A_101 = tpu.memref_slice %arg2[%dma_start3A_100, %multiple_of3A_96] : memref<32x1000000xf32, #tpu.memory_space<hbm>> -> memref<32x128xf32, #tpu.memory_space<hbm>>
    %dma_start3A_102 = arith.constant 128 : i32
    %dma_start3A_103 = arith.constant 0 : i32
    %dma_start3A_104 = tpu.memref_slice %arg11[%dma_start3A_102, %dma_start3A_103] : memref<256x128xf32, #tpu.memory_space<vmem>> -> memref<32x128xf32, #tpu.memory_space<vmem>>
    %dma_start3A_105 = arith.constant 0 : i32
    %dma_start3A_106 = tpu.memref_slice %arg2[%dma_start3A_105, %multiple_of3A_96] : memref<32x1000000xf32, #tpu.memory_space<hbm>> -> memref<32x128xf32, #tpu.memory_space<hbm>>
    tpu.enqueue_dma source(%dma_start3A_106 : memref<32x128xf32, #tpu.memory_space<hbm>>) target(%dma_start3A_104 : memref<32x128xf32, #tpu.memory_space<vmem>>) target_semaphore(%arg14 : memref<!tpu.dma_semaphore, #tpu.memory_space<semaphore_mem>>)
    %slice3A_107 = vector.extract_strided_slice %get3A_7 {offsets = [5], sizes = [1], strides = [1]} : vector<16xi32> to vector<1xi32>
    %squeeze3A_108 = vector.extract %slice3A_107[0] : i32 from vector<1xi32>
    %shift_right_arithmetic3A_109 = arith.constant 7 : i32
    %shift_right_arithmetic3A_110 = arith.shrsi %squeeze3A_108, %shift_right_arithmetic3A_109 : i32
    %min3A_111 = arith.constant 7812 : i32
    %min3A_112 = arith.minsi %shift_right_arithmetic3A_110, %min3A_111 : i32
    %max3A_113 = arith.constant 0 : i32
    %max3A_114 = arith.maxsi %min3A_112, %max3A_113 : i32
    %mul3A_115 = arith.constant 128 : i32
    %mul3A_116 = arith.muli %max3A_114, %mul3A_115 : i32
    %multiple_of3A_117 = tpu.assume_multiple %mul3A_116, 128 : i32
    %dma_start3A_118 = arith.constant 160 : i32
    %dma_start3A_119 = arith.constant 0 : i32
    %dma_start3A_120 = tpu.memref_slice %arg11[%dma_start3A_118, %dma_start3A_119] : memref<256x128xf32, #tpu.memory_space<vmem>> -> memref<32x128xf32, #tpu.memory_space<vmem>>
    %dma_start3A_121 = arith.constant 0 : i32
    %dma_start3A_122 = tpu.memref_slice %arg2[%dma_start3A_121, %multiple_of3A_117] : memref<32x1000000xf32, #tpu.memory_space<hbm>> -> memref<32x128xf32, #tpu.memory_space<hbm>>
    %dma_start3A_123 = arith.constant 160 : i32
    %dma_start3A_124 = arith.constant 0 : i32
    %dma_start3A_125 = tpu.memref_slice %arg11[%dma_start3A_123, %dma_start3A_124] : memref<256x128xf32, #tpu.memory_space<vmem>> -> memref<32x128xf32, #tpu.memory_space<vmem>>
    %dma_start3A_126 = arith.constant 0 : i32
    %dma_start3A_127 = tpu.memref_slice %arg2[%dma_start3A_126, %multiple_of3A_117] : memref<32x1000000xf32, #tpu.memory_space<hbm>> -> memref<32x128xf32, #tpu.memory_space<hbm>>
    tpu.enqueue_dma source(%dma_start3A_127 : memref<32x128xf32, #tpu.memory_space<hbm>>) target(%dma_start3A_125 : memref<32x128xf32, #tpu.memory_space<vmem>>) target_semaphore(%arg14 : memref<!tpu.dma_semaphore, #tpu.memory_space<semaphore_mem>>)
    %slice3A_128 = vector.extract_strided_slice %get3A_7 {offsets = [6], sizes = [1], strides = [1]} : vector<16xi32> to vector<1xi32>
    %squeeze3A_129 = vector.extract %slice3A_128[0] : i32 from vector<1xi32>
    %shift_right_arithmetic3A_130 = arith.constant 7 : i32
    %shift_right_arithmetic3A_131 = arith.shrsi %squeeze3A_129, %shift_right_arithmetic3A_130 : i32
    %min3A_132 = arith.constant 7812 : i32
    %min3A_133 = arith.minsi %shift_right_arithmetic3A_131, %min3A_132 : i32
    %max3A_134 = arith.constant 0 : i32
    %max3A_135 = arith.maxsi %min3A_133, %max3A_134 : i32
    %mul3A_136 = arith.constant 128 : i32
    %mul3A_137 = arith.muli %max3A_135, %mul3A_136 : i32
    %multiple_of3A_138 = tpu.assume_multiple %mul3A_137, 128 : i32
    %dma_start3A_139 = arith.constant 192 : i32
    %dma_start3A_140 = arith.constant 0 : i32
    %dma_start3A_141 = tpu.memref_slice %arg11[%dma_start3A_139, %dma_start3A_140] : memref<256x128xf32, #tpu.memory_space<vmem>> -> memref<32x128xf32, #tpu.memory_space<vmem>>
    %dma_start3A_142 = arith.constant 0 : i32
    %dma_start3A_143 = tpu.memref_slice %arg2[%dma_start3A_142, %multiple_of3A_138] : memref<32x1000000xf32, #tpu.memory_space<hbm>> -> memref<32x128xf32, #tpu.memory_space<hbm>>
    %dma_start3A_144 = arith.constant 192 : i32
    %dma_start3A_145 = arith.constant 0 : i32
    %dma_start3A_146 = tpu.memref_slice %arg11[%dma_start3A_144, %dma_start3A_145] : memref<256x128xf32, #tpu.memory_space<vmem>> -> memref<32x128xf32, #tpu.memory_space<vmem>>
    %dma_start3A_147 = arith.constant 0 : i32
    %dma_start3A_148 = tpu.memref_slice %arg2[%dma_start3A_147, %multiple_of3A_138] : memref<32x1000000xf32, #tpu.memory_space<hbm>> -> memref<32x128xf32, #tpu.memory_space<hbm>>
    tpu.enqueue_dma source(%dma_start3A_148 : memref<32x128xf32, #tpu.memory_space<hbm>>) target(%dma_start3A_146 : memref<32x128xf32, #tpu.memory_space<vmem>>) target_semaphore(%arg14 : memref<!tpu.dma_semaphore, #tpu.memory_space<semaphore_mem>>)
    %slice3A_149 = vector.extract_strided_slice %get3A_7 {offsets = [7], sizes = [1], strides = [1]} : vector<16xi32> to vector<1xi32>
    %squeeze3A_150 = vector.extract %slice3A_149[0] : i32 from vector<1xi32>
    %shift_right_arithmetic3A_151 = arith.constant 7 : i32
    %shift_right_arithmetic3A_152 = arith.shrsi %squeeze3A_150, %shift_right_arithmetic3A_151 : i32
    %min3A_153 = arith.constant 7812 : i32
    %min3A_154 = arith.minsi %shift_right_arithmetic3A_152, %min3A_153 : i32
    %max3A_155 = arith.constant 0 : i32
    %max3A_156 = arith.maxsi %min3A_154, %max3A_155 : i32
    %mul3A_157 = arith.constant 128 : i32
    %mul3A_158 = arith.muli %max3A_156, %mul3A_157 : i32
    %multiple_of3A_159 = tpu.assume_multiple %mul3A_158, 128 : i32
    %dma_start3A_160 = arith.constant 224 : i32
    %dma_start3A_161 = arith.constant 0 : i32
    %dma_start3A_162 = tpu.memref_slice %arg11[%dma_start3A_160, %dma_start3A_161] : memref<256x128xf32, #tpu.memory_space<vmem>> -> memref<32x128xf32, #tpu.memory_space<vmem>>
    %dma_start3A_163 = arith.constant 0 : i32
    %dma_start3A_164 = tpu.memref_slice %arg2[%dma_start3A_163, %multiple_of3A_159] : memref<32x1000000xf32, #tpu.memory_space<hbm>> -> memref<32x128xf32, #tpu.memory_space<hbm>>
    %dma_start3A_165 = arith.constant 224 : i32
    %dma_start3A_166 = arith.constant 0 : i32
    %dma_start3A_167 = tpu.memref_slice %arg11[%dma_start3A_165, %dma_start3A_166] : memref<256x128xf32, #tpu.memory_space<vmem>> -> memref<32x128xf32, #tpu.memory_space<vmem>>
    %dma_start3A_168 = arith.constant 0 : i32
    %dma_start3A_169 = tpu.memref_slice %arg2[%dma_start3A_168, %multiple_of3A_159] : memref<32x1000000xf32, #tpu.memory_space<hbm>> -> memref<32x128xf32, #tpu.memory_space<hbm>>
    tpu.enqueue_dma source(%dma_start3A_169 : memref<32x128xf32, #tpu.memory_space<hbm>>) target(%dma_start3A_167 : memref<32x128xf32, #tpu.memory_space<vmem>>) target_semaphore(%arg14 : memref<!tpu.dma_semaphore, #tpu.memory_space<semaphore_mem>>)
    %scan3A = arith.constant 0 : i32
    %scan3A_170 = arith.constant 0 : i32
    %scan3A_171 = arith.constant 64 : i32
    %scan3A_172 = arith.addi %scan3A_170, %scan3A_171 : i32
    %scan3A_173 = arith.constant 1 : i32
    scf.for %scan3A_270 = %scan3A_170 to %scan3A_172 step %scan3A_173  : i32 {
      %mul3A_271 = arith.constant 8 : i32
      %mul3A_272 = arith.muli %scan3A_270, %mul3A_271 : i32
      %get3A_273 = arith.index_cast %mul3A_272 : i32 to index
      %get3A_274 = tpu.vector_load %arg9[%get3A_273] {strides = array<i32>} : memref<528xi32, #tpu.memory_space<vmem>>, vector<16xi32>,
      %mul3A_275 = arith.constant 8 : i32
      %mul3A_276 = arith.muli %scan3A_270, %mul3A_275 : i32
      %get3A_277 = arith.index_cast %mul3A_276 : i32 to index
      %get3A_278 = tpu.vector_load %arg10[%get3A_277] {strides = array<i32>} : memref<528xi32, #tpu.memory_space<vmem>>, vector<16xi32>,
      %mul3A_279 = arith.constant 8 : i32
      %mul3A_280 = arith.muli %scan3A_270, %mul3A_279 : i32
      %add3A_281 = arith.constant 8 : i32
      %add3A_282 = arith.addi %mul3A_280, %add3A_281 : i32
      %get3A_283 = arith.index_cast %add3A_282 : i32 to index
      %get3A_284 = tpu.vector_load %arg9[%get3A_283] {strides = array<i32>} : memref<528xi32, #tpu.memory_space<vmem>>, vector<16xi32>,
      %and3A = arith.constant 127 : i32
      %and3A_285 = vector.broadcast %and3A : i32 to vector<16xi32>
      %and3A_286 = arith.andi %get3A_274, %and3A_285 : vector<16xi32>
      %and3A_287 = arith.constant 127 : i32
      %and3A_288 = vector.broadcast %and3A_287 : i32 to vector<16xi32>
      %and3A_289 = arith.andi %get3A_278, %and3A_288 : vector<16xi32>
      %slice3A_290 = vector.extract_strided_slice %get3A_278 {offsets = [0], sizes = [1], strides = [1]} : vector<16xi32> to vector<1xi32>
      %squeeze3A_291 = vector.extract %slice3A_290[0] : i32 from vector<1xi32>
      %shift_right_arithmetic3A_292 = arith.constant 7 : i32
      %shift_right_arithmetic3A_293 = arith.shrsi %squeeze3A_291, %shift_right_arithmetic3A_292 : i32
      %min3A_294 = arith.constant 7812 : i32
      %min3A_295 = arith.minsi %shift_right_arithmetic3A_293, %min3A_294 : i32
      %max3A_296 = arith.constant 0 : i32
      %max3A_297 = arith.maxsi %min3A_295, %max3A_296 : i32
      %mul3A_298 = arith.constant 128 : i32
      %mul3A_299 = arith.muli %max3A_297, %mul3A_298 : i32
      %multiple_of3A_300 = tpu.assume_multiple %mul3A_299, 128 : i32
      %dma_start3A_301 = arith.constant 0 : i32
      %dma_start3A_302 = arith.constant 0 : i32
      %dma_start3A_303 = tpu.memref_slice %arg12[%dma_start3A_301, %dma_start3A_302] : memref<256x128xf32, #tpu.memory_space<vmem>> -> memref<32x128xf32, #tpu.memory_space<vmem>>
      %dma_start3A_304 = arith.constant 0 : i32
      %dma_start3A_305 = tpu.memref_slice %arg3[%dma_start3A_304, %multiple_of3A_300] : memref<32x1000000xf32, #tpu.memory_space<hbm>> -> memref<32x128xf32, #tpu.memory_space<hbm>>
      %dma_start3A_306 = arith.constant 0 : i32
      %dma_start3A_307 = arith.constant 0 : i32
      %dma_start3A_308 = tpu.memref_slice %arg12[%dma_start3A_306, %dma_start3A_307] : memref<256x128xf32, #tpu.memory_space<vmem>> -> memref<32x128xf32, #tpu.memory_space<vmem>>
      %dma_start3A_309 = arith.constant 0 : i32
      %dma_start3A_310 = tpu.memref_slice %arg3[%dma_start3A_309, %multiple_of3A_300] : memref<32x1000000xf32, #tpu.memory_space<hbm>> -> memref<32x128xf32, #tpu.memory_space<hbm>>
      tpu.enqueue_dma source(%dma_start3A_310 : memref<32x128xf32, #tpu.memory_space<hbm>>) target(%dma_start3A_308 : memref<32x128xf32, #tpu.memory_space<vmem>>) target_semaphore(%arg15 : memref<!tpu.dma_semaphore, #tpu.memory_space<semaphore_mem>>)
      %slice3A_311 = vector.extract_strided_slice %get3A_278 {offsets = [1], sizes = [1], strides = [1]} : vector<16xi32> to vector<1xi32>
      %squeeze3A_312 = vector.extract %slice3A_311[0] : i32 from vector<1xi32>
      %shift_right_arithmetic3A_313 = arith.constant 7 : i32
      %shift_right_arithmetic3A_314 = arith.shrsi %squeeze3A_312, %shift_right_arithmetic3A_313 : i32
      %min3A_315 = arith.constant 7812 : i32
      %min3A_316 = arith.minsi %shift_right_arithmetic3A_314, %min3A_315 : i32
      %max3A_317 = arith.constant 0 : i32
      %max3A_318 = arith.maxsi %min3A_316, %max3A_317 : i32
      %mul3A_319 = arith.constant 128 : i32
      %mul3A_320 = arith.muli %max3A_318, %mul3A_319 : i32
      %multiple_of3A_321 = tpu.assume_multiple %mul3A_320, 128 : i32
      %dma_start3A_322 = arith.constant 32 : i32
      %dma_start3A_323 = arith.constant 0 : i32
      %dma_start3A_324 = tpu.memref_slice %arg12[%dma_start3A_322, %dma_start3A_323] : memref<256x128xf32, #tpu.memory_space<vmem>> -> memref<32x128xf32, #tpu.memory_space<vmem>>
      %dma_start3A_325 = arith.constant 0 : i32
      %dma_start3A_326 = tpu.memref_slice %arg3[%dma_start3A_325, %multiple_of3A_321] : memref<32x1000000xf32, #tpu.memory_space<hbm>> -> memref<32x128xf32, #tpu.memory_space<hbm>>
      %dma_start3A_327 = arith.constant 32 : i32
      %dma_start3A_328 = arith.constant 0 : i32
      %dma_start3A_329 = tpu.memref_slice %arg12[%dma_start3A_327, %dma_start3A_328] : memref<256x128xf32, #tpu.memory_space<vmem>> -> memref<32x128xf32, #tpu.memory_space<vmem>>
      %dma_start3A_330 = arith.constant 0 : i32
      %dma_start3A_331 = tpu.memref_slice %arg3[%dma_start3A_330, %multiple_of3A_321] : memref<32x1000000xf32, #tpu.memory_space<hbm>> -> memref<32x128xf32, #tpu.memory_space<hbm>>
      tpu.enqueue_dma source(%dma_start3A_331 : memref<32x128xf32, #tpu.memory_space<hbm>>) target(%dma_start3A_329 : memref<32x128xf32, #tpu.memory_space<vmem>>) target_semaphore(%arg15 : memref<!tpu.dma_semaphore, #tpu.memory_space<semaphore_mem>>)
      %slice3A_332 = vector.extract_strided_slice %get3A_278 {offsets = [2], sizes = [1], strides = [1]} : vector<16xi32> to vector<1xi32>
      %squeeze3A_333 = vector.extract %slice3A_332[0] : i32 from vector<1xi32>
      %shift_right_arithmetic3A_334 = arith.constant 7 : i32
      %shift_right_arithmetic3A_335 = arith.shrsi %squeeze3A_333, %shift_right_arithmetic3A_334 : i32
      %min3A_336 = arith.constant 7812 : i32
      %min3A_337 = arith.minsi %shift_right_arithmetic3A_335, %min3A_336 : i32
      %max3A_338 = arith.constant 0 : i32
      %max3A_339 = arith.maxsi %min3A_337, %max3A_338 : i32
      %mul3A_340 = arith.constant 128 : i32
      %mul3A_341 = arith.muli %max3A_339, %mul3A_340 : i32
      %multiple_of3A_342 = tpu.assume_multiple %mul3A_341, 128 : i32
      %dma_start3A_343 = arith.constant 64 : i32
      %dma_start3A_344 = arith.constant 0 : i32
      %dma_start3A_345 = tpu.memref_slice %arg12[%dma_start3A_343, %dma_start3A_344] : memref<256x128xf32, #tpu.memory_space<vmem>> -> memref<32x128xf32, #tpu.memory_space<vmem>>
      %dma_start3A_346 = arith.constant 0 : i32
      %dma_start3A_347 = tpu.memref_slice %arg3[%dma_start3A_346, %multiple_of3A_342] : memref<32x1000000xf32, #tpu.memory_space<hbm>> -> memref<32x128xf32, #tpu.memory_space<hbm>>
      %dma_start3A_348 = arith.constant 64 : i32
      %dma_start3A_349 = arith.constant 0 : i32
      %dma_start3A_350 = tpu.memref_slice %arg12[%dma_start3A_348, %dma_start3A_349] : memref<256x128xf32, #tpu.memory_space<vmem>> -> memref<32x128xf32, #tpu.memory_space<vmem>>
      %dma_start3A_351 = arith.constant 0 : i32
      %dma_start3A_352 = tpu.memref_slice %arg3[%dma_start3A_351, %multiple_of3A_342] : memref<32x1000000xf32, #tpu.memory_space<hbm>> -> memref<32x128xf32, #tpu.memory_space<hbm>>
      tpu.enqueue_dma source(%dma_start3A_352 : memref<32x128xf32, #tpu.memory_space<hbm>>) target(%dma_start3A_350 : memref<32x128xf32, #tpu.memory_space<vmem>>) target_semaphore(%arg15 : memref<!tpu.dma_semaphore, #tpu.memory_space<semaphore_mem>>)
      %slice3A_353 = vector.extract_strided_slice %get3A_278 {offsets = [3], sizes = [1], strides = [1]} : vector<16xi32> to vector<1xi32>
      %squeeze3A_354 = vector.extract %slice3A_353[0] : i32 from vector<1xi32>
      %shift_right_arithmetic3A_355 = arith.constant 7 : i32
      %shift_right_arithmetic3A_356 = arith.shrsi %squeeze3A_354, %shift_right_arithmetic3A_355 : i32
      %min3A_357 = arith.constant 7812 : i32
      %min3A_358 = arith.minsi %shift_right_arithmetic3A_356, %min3A_357 : i32
      %max3A_359 = arith.constant 0 : i32
      %max3A_360 = arith.maxsi %min3A_358, %max3A_359 : i32
      %mul3A_361 = arith.constant 128 : i32
      %mul3A_362 = arith.muli %max3A_360, %mul3A_361 : i32
      %multiple_of3A_363 = tpu.assume_multiple %mul3A_362, 128 : i32
      %dma_start3A_364 = arith.constant 96 : i32
      %dma_start3A_365 = arith.constant 0 : i32
      %dma_start3A_366 = tpu.memref_slice %arg12[%dma_start3A_364, %dma_start3A_365] : memref<256x128xf32, #tpu.memory_space<vmem>> -> memref<32x128xf32, #tpu.memory_space<vmem>>
      %dma_start3A_367 = arith.constant 0 : i32
      %dma_start3A_368 = tpu.memref_slice %arg3[%dma_start3A_367, %multiple_of3A_363] : memref<32x1000000xf32, #tpu.memory_space<hbm>> -> memref<32x128xf32, #tpu.memory_space<hbm>>
      %dma_start3A_369 = arith.constant 96 : i32
      %dma_start3A_370 = arith.constant 0 : i32
      %dma_start3A_371 = tpu.memref_slice %arg12[%dma_start3A_369, %dma_start3A_370] : memref<256x128xf32, #tpu.memory_space<vmem>> -> memref<32x128xf32, #tpu.memory_space<vmem>>
      %dma_start3A_372 = arith.constant 0 : i32
      %dma_start3A_373 = tpu.memref_slice %arg3[%dma_start3A_372, %multiple_of3A_363] : memref<32x1000000xf32, #tpu.memory_space<hbm>> -> memref<32x128xf32, #tpu.memory_space<hbm>>
      tpu.enqueue_dma source(%dma_start3A_373 : memref<32x128xf32, #tpu.memory_space<hbm>>) target(%dma_start3A_371 : memref<32x128xf32, #tpu.memory_space<vmem>>) target_semaphore(%arg15 : memref<!tpu.dma_semaphore, #tpu.memory_space<semaphore_mem>>)
      %slice3A_374 = vector.extract_strided_slice %get3A_278 {offsets = [4], sizes = [1], strides = [1]} : vector<16xi32> to vector<1xi32>
      %squeeze3A_375 = vector.extract %slice3A_374[0] : i32 from vector<1xi32>
      %shift_right_arithmetic3A_376 = arith.constant 7 : i32
      %shift_right_arithmetic3A_377 = arith.shrsi %squeeze3A_375, %shift_right_arithmetic3A_376 : i32
      %min3A_378 = arith.constant 7812 : i32
      %min3A_379 = arith.minsi %shift_right_arithmetic3A_377, %min3A_378 : i32
      %max3A_380 = arith.constant 0 : i32
      %max3A_381 = arith.maxsi %min3A_379, %max3A_380 : i32
      %mul3A_382 = arith.constant 128 : i32
      %mul3A_383 = arith.muli %max3A_381, %mul3A_382 : i32
      %multiple_of3A_384 = tpu.assume_multiple %mul3A_383, 128 : i32
      %dma_start3A_385 = arith.constant 128 : i32
      %dma_start3A_386 = arith.constant 0 : i32
      %dma_start3A_387 = tpu.memref_slice %arg12[%dma_start3A_385, %dma_start3A_386] : memref<256x128xf32, #tpu.memory_space<vmem>> -> memref<32x128xf32, #tpu.memory_space<vmem>>
      %dma_start3A_388 = arith.constant 0 : i32
      %dma_start3A_389 = tpu.memref_slice %arg3[%dma_start3A_388, %multiple_of3A_384] : memref<32x1000000xf32, #tpu.memory_space<hbm>> -> memref<32x128xf32, #tpu.memory_space<hbm>>
      %dma_start3A_390 = arith.constant 128 : i32
      %dma_start3A_391 = arith.constant 0 : i32
      %dma_start3A_392 = tpu.memref_slice %arg12[%dma_start3A_390, %dma_start3A_391] : memref<256x128xf32, #tpu.memory_space<vmem>> -> memref<32x128xf32, #tpu.memory_space<vmem>>
      %dma_start3A_393 = arith.constant 0 : i32
      %dma_start3A_394 = tpu.memref_slice %arg3[%dma_start3A_393, %multiple_of3A_384] : memref<32x1000000xf32, #tpu.memory_space<hbm>> -> memref<32x128xf32, #tpu.memory_space<hbm>>
      tpu.enqueue_dma source(%dma_start3A_394 : memref<32x128xf32, #tpu.memory_space<hbm>>) target(%dma_start3A_392 : memref<32x128xf32, #tpu.memory_space<vmem>>) target_semaphore(%arg15 : memref<!tpu.dma_semaphore, #tpu.memory_space<semaphore_mem>>)
      %slice3A_395 = vector.extract_strided_slice %get3A_278 {offsets = [5], sizes = [1], strides = [1]} : vector<16xi32> to vector<1xi32>
      %squeeze3A_396 = vector.extract %slice3A_395[0] : i32 from vector<1xi32>
      %shift_right_arithmetic3A_397 = arith.constant 7 : i32
      %shift_right_arithmetic3A_398 = arith.shrsi %squeeze3A_396, %shift_right_arithmetic3A_397 : i32
      %min3A_399 = arith.constant 7812 : i32
      %min3A_400 = arith.minsi %shift_right_arithmetic3A_398, %min3A_399 : i32
      %max3A_401 = arith.constant 0 : i32
      %max3A_402 = arith.maxsi %min3A_400, %max3A_401 : i32
      %mul3A_403 = arith.constant 128 : i32
      %mul3A_404 = arith.muli %max3A_402, %mul3A_403 : i32
      %multiple_of3A_405 = tpu.assume_multiple %mul3A_404, 128 : i32
      %dma_start3A_406 = arith.constant 160 : i32
      %dma_start3A_407 = arith.constant 0 : i32
      %dma_start3A_408 = tpu.memref_slice %arg12[%dma_start3A_406, %dma_start3A_407] : memref<256x128xf32, #tpu.memory_space<vmem>> -> memref<32x128xf32, #tpu.memory_space<vmem>>
      %dma_start3A_409 = arith.constant 0 : i32
      %dma_start3A_410 = tpu.memref_slice %arg3[%dma_start3A_409, %multiple_of3A_405] : memref<32x1000000xf32, #tpu.memory_space<hbm>> -> memref<32x128xf32, #tpu.memory_space<hbm>>
      %dma_start3A_411 = arith.constant 160 : i32
      %dma_start3A_412 = arith.constant 0 : i32
      %dma_start3A_413 = tpu.memref_slice %arg12[%dma_start3A_411, %dma_start3A_412] : memref<256x128xf32, #tpu.memory_space<vmem>> -> memref<32x128xf32, #tpu.memory_space<vmem>>
      %dma_start3A_414 = arith.constant 0 : i32
      %dma_start3A_415 = tpu.memref_slice %arg3[%dma_start3A_414, %multiple_of3A_405] : memref<32x1000000xf32, #tpu.memory_space<hbm>> -> memref<32x128xf32, #tpu.memory_space<hbm>>
      tpu.enqueue_dma source(%dma_start3A_415 : memref<32x128xf32, #tpu.memory_space<hbm>>) target(%dma_start3A_413 : memref<32x128xf32, #tpu.memory_space<vmem>>) target_semaphore(%arg15 : memref<!tpu.dma_semaphore, #tpu.memory_space<semaphore_mem>>)
      %slice3A_416 = vector.extract_strided_slice %get3A_278 {offsets = [6], sizes = [1], strides = [1]} : vector<16xi32> to vector<1xi32>
      %squeeze3A_417 = vector.extract %slice3A_416[0] : i32 from vector<1xi32>
      %shift_right_arithmetic3A_418 = arith.constant 7 : i32
      %shift_right_arithmetic3A_419 = arith.shrsi %squeeze3A_417, %shift_right_arithmetic3A_418 : i32
      %min3A_420 = arith.constant 7812 : i32
      %min3A_421 = arith.minsi %shift_right_arithmetic3A_419, %min3A_420 : i32
      %max3A_422 = arith.constant 0 : i32
      %max3A_423 = arith.maxsi %min3A_421, %max3A_422 : i32
      %mul3A_424 = arith.constant 128 : i32
      %mul3A_425 = arith.muli %max3A_423, %mul3A_424 : i32
      %multiple_of3A_426 = tpu.assume_multiple %mul3A_425, 128 : i32
      %dma_start3A_427 = arith.constant 192 : i32
      %dma_start3A_428 = arith.constant 0 : i32
      %dma_start3A_429 = tpu.memref_slice %arg12[%dma_start3A_427, %dma_start3A_428] : memref<256x128xf32, #tpu.memory_space<vmem>> -> memref<32x128xf32, #tpu.memory_space<vmem>>
      %dma_start3A_430 = arith.constant 0 : i32
      %dma_start3A_431 = tpu.memref_slice %arg3[%dma_start3A_430, %multiple_of3A_426] : memref<32x1000000xf32, #tpu.memory_space<hbm>> -> memref<32x128xf32, #tpu.memory_space<hbm>>
      %dma_start3A_432 = arith.constant 192 : i32
      %dma_start3A_433 = arith.constant 0 : i32
      %dma_start3A_434 = tpu.memref_slice %arg12[%dma_start3A_432, %dma_start3A_433] : memref<256x128xf32, #tpu.memory_space<vmem>> -> memref<32x128xf32, #tpu.memory_space<vmem>>
      %dma_start3A_435 = arith.constant 0 : i32
      %dma_start3A_436 = tpu.memref_slice %arg3[%dma_start3A_435, %multiple_of3A_426] : memref<32x1000000xf32, #tpu.memory_space<hbm>> -> memref<32x128xf32, #tpu.memory_space<hbm>>
      tpu.enqueue_dma source(%dma_start3A_436 : memref<32x128xf32, #tpu.memory_space<hbm>>) target(%dma_start3A_434 : memref<32x128xf32, #tpu.memory_space<vmem>>) target_semaphore(%arg15 : memref<!tpu.dma_semaphore, #tpu.memory_space<semaphore_mem>>)
      %slice3A_437 = vector.extract_strided_slice %get3A_278 {offsets = [7], sizes = [1], strides = [1]} : vector<16xi32> to vector<1xi32>
      %squeeze3A_438 = vector.extract %slice3A_437[0] : i32 from vector<1xi32>
      %shift_right_arithmetic3A_439 = arith.constant 7 : i32
      %shift_right_arithmetic3A_440 = arith.shrsi %squeeze3A_438, %shift_right_arithmetic3A_439 : i32
      %min3A_441 = arith.constant 7812 : i32
      %min3A_442 = arith.minsi %shift_right_arithmetic3A_440, %min3A_441 : i32
      %max3A_443 = arith.constant 0 : i32
      %max3A_444 = arith.maxsi %min3A_442, %max3A_443 : i32
      %mul3A_445 = arith.constant 128 : i32
      %mul3A_446 = arith.muli %max3A_444, %mul3A_445 : i32
      %multiple_of3A_447 = tpu.assume_multiple %mul3A_446, 128 : i32
      %dma_start3A_448 = arith.constant 224 : i32
      %dma_start3A_449 = arith.constant 0 : i32
      %dma_start3A_450 = tpu.memref_slice %arg12[%dma_start3A_448, %dma_start3A_449] : memref<256x128xf32, #tpu.memory_space<vmem>> -> memref<32x128xf32, #tpu.memory_space<vmem>>
      %dma_start3A_451 = arith.constant 0 : i32
      %dma_start3A_452 = tpu.memref_slice %arg3[%dma_start3A_451, %multiple_of3A_447] : memref<32x1000000xf32, #tpu.memory_space<hbm>> -> memref<32x128xf32, #tpu.memory_space<hbm>>
      %dma_start3A_453 = arith.constant 224 : i32
      %dma_start3A_454 = arith.constant 0 : i32
      %dma_start3A_455 = tpu.memref_slice %arg12[%dma_start3A_453, %dma_start3A_454] : memref<256x128xf32, #tpu.memory_space<vmem>> -> memref<32x128xf32, #tpu.memory_space<vmem>>
      %dma_start3A_456 = arith.constant 0 : i32
      %dma_start3A_457 = tpu.memref_slice %arg3[%dma_start3A_456, %multiple_of3A_447] : memref<32x1000000xf32, #tpu.memory_space<hbm>> -> memref<32x128xf32, #tpu.memory_space<hbm>>
      tpu.enqueue_dma source(%dma_start3A_457 : memref<32x128xf32, #tpu.memory_space<hbm>>) target(%dma_start3A_455 : memref<32x128xf32, #tpu.memory_space<vmem>>) target_semaphore(%arg15 : memref<!tpu.dma_semaphore, #tpu.memory_space<semaphore_mem>>)
      %dma_wait3A_458 = arith.constant 0 : i32
      %dma_wait3A_459 = arith.constant 0 : i32
      %dma_wait3A_460 = tpu.memref_slice %arg11[%dma_wait3A_458, %dma_wait3A_459] : memref<256x128xf32, #tpu.memory_space<vmem>> -> memref<32x128xf32, #tpu.memory_space<vmem>>
      %dma_wait3A_461 = arith.constant 0 : i32
      %dma_wait3A_462 = arith.constant 0 : i32
      %dma_wait3A_463 = tpu.memref_slice %arg2[%dma_wait3A_461, %dma_wait3A_462] : memref<32x1000000xf32, #tpu.memory_space<hbm>> -> memref<32x128xf32, #tpu.memory_space<hbm>>
      %dma_wait3A_464 = arith.constant 0 : i32
      %dma_wait3A_465 = arith.constant 0 : i32
      %dma_wait3A_466 = tpu.memref_slice %arg11[%dma_wait3A_464, %dma_wait3A_465] : memref<256x128xf32, #tpu.memory_space<vmem>> -> memref<32x128xf32, #tpu.memory_space<vmem>>
      %dma_wait3A_467 = arith.constant 0 : i32
      %dma_wait3A_468 = arith.constant 0 : i32
      %dma_wait3A_469 = tpu.memref_slice %arg2[%dma_wait3A_467, %dma_wait3A_468] : memref<32x1000000xf32, #tpu.memory_space<hbm>> -> memref<32x128xf32, #tpu.memory_space<hbm>>
      tpu.wait_dma2 semaphore(%arg14 : memref<!tpu.dma_semaphore, #tpu.memory_space<semaphore_mem>>) src(%dma_wait3A_469 : memref<32x128xf32, #tpu.memory_space<hbm>>) dst(%dma_wait3A_466 : memref<32x128xf32, #tpu.memory_space<vmem>>)
      %dma_wait3A_470 = arith.constant 32 : i32
      %dma_wait3A_471 = arith.constant 0 : i32
      %dma_wait3A_472 = tpu.memref_slice %arg11[%dma_wait3A_470, %dma_wait3A_471] : memref<256x128xf32, #tpu.memory_space<vmem>> -> memref<32x128xf32, #tpu.memory_space<vmem>>
      %dma_wait3A_473 = arith.constant 0 : i32
      %dma_wait3A_474 = arith.constant 0 : i32
      %dma_wait3A_475 = tpu.memref_slice %arg2[%dma_wait3A_473, %dma_wait3A_474] : memref<32x1000000xf32, #tpu.memory_space<hbm>> -> memref<32x128xf32, #tpu.memory_space<hbm>>
      %dma_wait3A_476 = arith.constant 32 : i32
      %dma_wait3A_477 = arith.constant 0 : i32
      %dma_wait3A_478 = tpu.memref_slice %arg11[%dma_wait3A_476, %dma_wait3A_477] : memref<256x128xf32, #tpu.memory_space<vmem>> -> memref<32x128xf32, #tpu.memory_space<vmem>>
      %dma_wait3A_479 = arith.constant 0 : i32
      %dma_wait3A_480 = arith.constant 0 : i32
      %dma_wait3A_481 = tpu.memref_slice %arg2[%dma_wait3A_479, %dma_wait3A_480] : memref<32x1000000xf32, #tpu.memory_space<hbm>> -> memref<32x128xf32, #tpu.memory_space<hbm>>
      tpu.wait_dma2 semaphore(%arg14 : memref<!tpu.dma_semaphore, #tpu.memory_space<semaphore_mem>>) src(%dma_wait3A_481 : memref<32x128xf32, #tpu.memory_space<hbm>>) dst(%dma_wait3A_478 : memref<32x128xf32, #tpu.memory_space<vmem>>)
      %dma_wait3A_482 = arith.constant 64 : i32
      %dma_wait3A_483 = arith.constant 0 : i32
      %dma_wait3A_484 = tpu.memref_slice %arg11[%dma_wait3A_482, %dma_wait3A_483] : memref<256x128xf32, #tpu.memory_space<vmem>> -> memref<32x128xf32, #tpu.memory_space<vmem>>
      %dma_wait3A_485 = arith.constant 0 : i32
      %dma_wait3A_486 = arith.constant 0 : i32
      %dma_wait3A_487 = tpu.memref_slice %arg2[%dma_wait3A_485, %dma_wait3A_486] : memref<32x1000000xf32, #tpu.memory_space<hbm>> -> memref<32x128xf32, #tpu.memory_space<hbm>>
      %dma_wait3A_488 = arith.constant 64 : i32
      %dma_wait3A_489 = arith.constant 0 : i32
      %dma_wait3A_490 = tpu.memref_slice %arg11[%dma_wait3A_488, %dma_wait3A_489] : memref<256x128xf32, #tpu.memory_space<vmem>> -> memref<32x128xf32, #tpu.memory_space<vmem>>
      %dma_wait3A_491 = arith.constant 0 : i32
      %dma_wait3A_492 = arith.constant 0 : i32
      %dma_wait3A_493 = tpu.memref_slice %arg2[%dma_wait3A_491, %dma_wait3A_492] : memref<32x1000000xf32, #tpu.memory_space<hbm>> -> memref<32x128xf32, #tpu.memory_space<hbm>>
      tpu.wait_dma2 semaphore(%arg14 : memref<!tpu.dma_semaphore, #tpu.memory_space<semaphore_mem>>) src(%dma_wait3A_493 : memref<32x128xf32, #tpu.memory_space<hbm>>) dst(%dma_wait3A_490 : memref<32x128xf32, #tpu.memory_space<vmem>>)
      %dma_wait3A_494 = arith.constant 96 : i32
      %dma_wait3A_495 = arith.constant 0 : i32
      %dma_wait3A_496 = tpu.memref_slice %arg11[%dma_wait3A_494, %dma_wait3A_495] : memref<256x128xf32, #tpu.memory_space<vmem>> -> memref<32x128xf32, #tpu.memory_space<vmem>>
      %dma_wait3A_497 = arith.constant 0 : i32
      %dma_wait3A_498 = arith.constant 0 : i32
      %dma_wait3A_499 = tpu.memref_slice %arg2[%dma_wait3A_497, %dma_wait3A_498] : memref<32x1000000xf32, #tpu.memory_space<hbm>> -> memref<32x128xf32, #tpu.memory_space<hbm>>
      %dma_wait3A_500 = arith.constant 96 : i32
      %dma_wait3A_501 = arith.constant 0 : i32
      %dma_wait3A_502 = tpu.memref_slice %arg11[%dma_wait3A_500, %dma_wait3A_501] : memref<256x128xf32, #tpu.memory_space<vmem>> -> memref<32x128xf32, #tpu.memory_space<vmem>>
      %dma_wait3A_503 = arith.constant 0 : i32
      %dma_wait3A_504 = arith.constant 0 : i32
      %dma_wait3A_505 = tpu.memref_slice %arg2[%dma_wait3A_503, %dma_wait3A_504] : memref<32x1000000xf32, #tpu.memory_space<hbm>> -> memref<32x128xf32, #tpu.memory_space<hbm>>
      tpu.wait_dma2 semaphore(%arg14 : memref<!tpu.dma_semaphore, #tpu.memory_space<semaphore_mem>>) src(%dma_wait3A_505 : memref<32x128xf32, #tpu.memory_space<hbm>>) dst(%dma_wait3A_502 : memref<32x128xf32, #tpu.memory_space<vmem>>)
      %dma_wait3A_506 = arith.constant 128 : i32
      %dma_wait3A_507 = arith.constant 0 : i32
      %dma_wait3A_508 = tpu.memref_slice %arg11[%dma_wait3A_506, %dma_wait3A_507] : memref<256x128xf32, #tpu.memory_space<vmem>> -> memref<32x128xf32, #tpu.memory_space<vmem>>
      %dma_wait3A_509 = arith.constant 0 : i32
      %dma_wait3A_510 = arith.constant 0 : i32
      %dma_wait3A_511 = tpu.memref_slice %arg2[%dma_wait3A_509, %dma_wait3A_510] : memref<32x1000000xf32, #tpu.memory_space<hbm>> -> memref<32x128xf32, #tpu.memory_space<hbm>>
      %dma_wait3A_512 = arith.constant 128 : i32
      %dma_wait3A_513 = arith.constant 0 : i32
      %dma_wait3A_514 = tpu.memref_slice %arg11[%dma_wait3A_512, %dma_wait3A_513] : memref<256x128xf32, #tpu.memory_space<vmem>> -> memref<32x128xf32, #tpu.memory_space<vmem>>
      %dma_wait3A_515 = arith.constant 0 : i32
      %dma_wait3A_516 = arith.constant 0 : i32
      %dma_wait3A_517 = tpu.memref_slice %arg2[%dma_wait3A_515, %dma_wait3A_516] : memref<32x1000000xf32, #tpu.memory_space<hbm>> -> memref<32x128xf32, #tpu.memory_space<hbm>>
      tpu.wait_dma2 semaphore(%arg14 : memref<!tpu.dma_semaphore, #tpu.memory_space<semaphore_mem>>) src(%dma_wait3A_517 : memref<32x128xf32, #tpu.memory_space<hbm>>) dst(%dma_wait3A_514 : memref<32x128xf32, #tpu.memory_space<vmem>>)
      %dma_wait3A_518 = arith.constant 160 : i32
      %dma_wait3A_519 = arith.constant 0 : i32
      %dma_wait3A_520 = tpu.memref_slice %arg11[%dma_wait3A_518, %dma_wait3A_519] : memref<256x128xf32, #tpu.memory_space<vmem>> -> memref<32x128xf32, #tpu.memory_space<vmem>>
      %dma_wait3A_521 = arith.constant 0 : i32
      %dma_wait3A_522 = arith.constant 0 : i32
      %dma_wait3A_523 = tpu.memref_slice %arg2[%dma_wait3A_521, %dma_wait3A_522] : memref<32x1000000xf32, #tpu.memory_space<hbm>> -> memref<32x128xf32, #tpu.memory_space<hbm>>
      %dma_wait3A_524 = arith.constant 160 : i32
      %dma_wait3A_525 = arith.constant 0 : i32
      %dma_wait3A_526 = tpu.memref_slice %arg11[%dma_wait3A_524, %dma_wait3A_525] : memref<256x128xf32, #tpu.memory_space<vmem>> -> memref<32x128xf32, #tpu.memory_space<vmem>>
      %dma_wait3A_527 = arith.constant 0 : i32
      %dma_wait3A_528 = arith.constant 0 : i32
      %dma_wait3A_529 = tpu.memref_slice %arg2[%dma_wait3A_527, %dma_wait3A_528] : memref<32x1000000xf32, #tpu.memory_space<hbm>> -> memref<32x128xf32, #tpu.memory_space<hbm>>
      tpu.wait_dma2 semaphore(%arg14 : memref<!tpu.dma_semaphore, #tpu.memory_space<semaphore_mem>>) src(%dma_wait3A_529 : memref<32x128xf32, #tpu.memory_space<hbm>>) dst(%dma_wait3A_526 : memref<32x128xf32, #tpu.memory_space<vmem>>)
      %dma_wait3A_530 = arith.constant 192 : i32
      %dma_wait3A_531 = arith.constant 0 : i32
      %dma_wait3A_532 = tpu.memref_slice %arg11[%dma_wait3A_530, %dma_wait3A_531] : memref<256x128xf32, #tpu.memory_space<vmem>> -> memref<32x128xf32, #tpu.memory_space<vmem>>
      %dma_wait3A_533 = arith.constant 0 : i32
      %dma_wait3A_534 = arith.constant 0 : i32
      %dma_wait3A_535 = tpu.memref_slice %arg2[%dma_wait3A_533, %dma_wait3A_534] : memref<32x1000000xf32, #tpu.memory_space<hbm>> -> memref<32x128xf32, #tpu.memory_space<hbm>>
      %dma_wait3A_536 = arith.constant 192 : i32
      %dma_wait3A_537 = arith.constant 0 : i32
      %dma_wait3A_538 = tpu.memref_slice %arg11[%dma_wait3A_536, %dma_wait3A_537] : memref<256x128xf32, #tpu.memory_space<vmem>> -> memref<32x128xf32, #tpu.memory_space<vmem>>
      %dma_wait3A_539 = arith.constant 0 : i32
      %dma_wait3A_540 = arith.constant 0 : i32
      %dma_wait3A_541 = tpu.memref_slice %arg2[%dma_wait3A_539, %dma_wait3A_540] : memref<32x1000000xf32, #tpu.memory_space<hbm>> -> memref<32x128xf32, #tpu.memory_space<hbm>>
      tpu.wait_dma2 semaphore(%arg14 : memref<!tpu.dma_semaphore, #tpu.memory_space<semaphore_mem>>) src(%dma_wait3A_541 : memref<32x128xf32, #tpu.memory_space<hbm>>) dst(%dma_wait3A_538 : memref<32x128xf32, #tpu.memory_space<vmem>>)
      %dma_wait3A_542 = arith.constant 224 : i32
      %dma_wait3A_543 = arith.constant 0 : i32
      %dma_wait3A_544 = tpu.memref_slice %arg11[%dma_wait3A_542, %dma_wait3A_543] : memref<256x128xf32, #tpu.memory_space<vmem>> -> memref<32x128xf32, #tpu.memory_space<vmem>>
      %dma_wait3A_545 = arith.constant 0 : i32
      %dma_wait3A_546 = arith.constant 0 : i32
      %dma_wait3A_547 = tpu.memref_slice %arg2[%dma_wait3A_545, %dma_wait3A_546] : memref<32x1000000xf32, #tpu.memory_space<hbm>> -> memref<32x128xf32, #tpu.memory_space<hbm>>
      %dma_wait3A_548 = arith.constant 224 : i32
      %dma_wait3A_549 = arith.constant 0 : i32
      %dma_wait3A_550 = tpu.memref_slice %arg11[%dma_wait3A_548, %dma_wait3A_549] : memref<256x128xf32, #tpu.memory_space<vmem>> -> memref<32x128xf32, #tpu.memory_space<vmem>>
      %dma_wait3A_551 = arith.constant 0 : i32
      %dma_wait3A_552 = arith.constant 0 : i32
      %dma_wait3A_553 = tpu.memref_slice %arg2[%dma_wait3A_551, %dma_wait3A_552] : memref<32x1000000xf32, #tpu.memory_space<hbm>> -> memref<32x128xf32, #tpu.memory_space<hbm>>
      tpu.wait_dma2 semaphore(%arg14 : memref<!tpu.dma_semaphore, #tpu.memory_space<semaphore_mem>>) src(%dma_wait3A_553 : memref<32x128xf32, #tpu.memory_space<hbm>>) dst(%dma_wait3A_550 : memref<32x128xf32, #tpu.memory_space<vmem>>)
      %broadcast_in_dim3A = arith.constant 0 : i32
      %broadcast_in_dim3A_554 = vector.broadcast %broadcast_in_dim3A : i32 to vector<16xi32>
      %mul3A_555 = arith.constant 32 : i32
      %mul3A_556 = vector.broadcast %mul3A_555 : i32 to vector<16xi32>
      %mul3A_557 = arith.muli %min3A_4, %mul3A_556 : vector<16xi32>
      %add3A_558 = arith.addi %mul3A_557, %broadcast_in_dim3A_554 : vector<16xi32>
      %gather3A = tpu.vector_load_idx %arg11[%add3A_558, %and3A_286] : memref<256x128xf32, #tpu.memory_space<vmem>>[vector<16xi32>, vector<16xi32>], vector<16xf32>,
      %add3A_559 = arith.constant 0 : i32
      %add3A_560 = vector.broadcast %add3A_559 : i32 to vector<16xi32>
      %add3A_561 = arith.addi %broadcast_in_dim3A_554, %add3A_560 : vector<16xi32>
      tpu.vector_store_idx %arg13[%iota3A, %add3A_561], %gather3A masked %lt3A_6 : memref<16x128xf32, #tpu.memory_space<vmem>>[vector<16xi32>, vector<16xi32>], vector<16xf32>, vector<16xi1>
      %broadcast_in_dim3A_562 = arith.constant 1 : i32
      %broadcast_in_dim3A_563 = vector.broadcast %broadcast_in_dim3A_562 : i32 to vector<16xi32>
      %mul3A_564 = arith.constant 32 : i32
      %mul3A_565 = vector.broadcast %mul3A_564 : i32 to vector<16xi32>
      %mul3A_566 = arith.muli %min3A_4, %mul3A_565 : vector<16xi32>
      %add3A_567 = arith.addi %mul3A_566, %broadcast_in_dim3A_563 : vector<16xi32>
      %gather3A_568 = tpu.vector_load_idx %arg11[%add3A_567, %and3A_286] : memref<256x128xf32, #tpu.memory_space<vmem>>[vector<16xi32>, vector<16xi32>], vector<16xf32>,
      %add3A_569 = arith.constant 0 : i32
      %add3A_570 = vector.broadcast %add3A_569 : i32 to vector<16xi32>
      %add3A_571 = arith.addi %broadcast_in_dim3A_563, %add3A_570 : vector<16xi32>
      tpu.vector_store_idx %arg13[%iota3A, %add3A_571], %gather3A_568 masked %lt3A_6 : memref<16x128xf32, #tpu.memory_space<vmem>>[vector<16xi32>, vector<16xi32>], vector<16xf32>, vector<16xi1>
      %broadcast_in_dim3A_572 = arith.constant 2 : i32
      %broadcast_in_dim3A_573 = vector.broadcast %broadcast_in_dim3A_572 : i32 to vector<16xi32>
      %mul3A_574 = arith.constant 32 : i32
      %mul3A_575 = vector.broadcast %mul3A_574 : i32 to vector<16xi32>
      %mul3A_576 = arith.muli %min3A_4, %mul3A_575 : vector<16xi32>
      %add3A_577 = arith.addi %mul3A_576, %broadcast_in_dim3A_573 : vector<16xi32>
      %gather3A_578 = tpu.vector_load_idx %arg11[%add3A_577, %and3A_286] : memref<256x128xf32, #tpu.memory_space<vmem>>[vector<16xi32>, vector<16xi32>], vector<16xf32>,
      %add3A_579 = arith.constant 0 : i32
      %add3A_580 = vector.broadcast %add3A_579 : i32 to vector<16xi32>
      %add3A_581 = arith.addi %broadcast_in_dim3A_573, %add3A_580 : vector<16xi32>
      tpu.vector_store_idx %arg13[%iota3A, %add3A_581], %gather3A_578 masked %lt3A_6 : memref<16x128xf32, #tpu.memory_space<vmem>>[vector<16xi32>, vector<16xi32>], vector<16xf32>, vector<16xi1>
      %broadcast_in_dim3A_582 = arith.constant 3 : i32
      %broadcast_in_dim3A_583 = vector.broadcast %broadcast_in_dim3A_582 : i32 to vector<16xi32>
      %mul3A_584 = arith.constant 32 : i32
      %mul3A_585 = vector.broadcast %mul3A_584 : i32 to vector<16xi32>
      %mul3A_586 = arith.muli %min3A_4, %mul3A_585 : vector<16xi32>
      %add3A_587 = arith.addi %mul3A_586, %broadcast_in_dim3A_583 : vector<16xi32>
      %gather3A_588 = tpu.vector_load_idx %arg11[%add3A_587, %and3A_286] : memref<256x128xf32, #tpu.memory_space<vmem>>[vector<16xi32>, vector<16xi32>], vector<16xf32>,
      %add3A_589 = arith.constant 0 : i32
      %add3A_590 = vector.broadcast %add3A_589 : i32 to vector<16xi32>
      %add3A_591 = arith.addi %broadcast_in_dim3A_583, %add3A_590 : vector<16xi32>
      tpu.vector_store_idx %arg13[%iota3A, %add3A_591], %gather3A_588 masked %lt3A_6 : memref<16x128xf32, #tpu.memory_space<vmem>>[vector<16xi32>, vector<16xi32>], vector<16xf32>, vector<16xi1>
      %broadcast_in_dim3A_592 = arith.constant 4 : i32
      %broadcast_in_dim3A_593 = vector.broadcast %broadcast_in_dim3A_592 : i32 to vector<16xi32>
      %mul3A_594 = arith.constant 32 : i32
      %mul3A_595 = vector.broadcast %mul3A_594 : i32 to vector<16xi32>
      %mul3A_596 = arith.muli %min3A_4, %mul3A_595 : vector<16xi32>
      %add3A_597 = arith.addi %mul3A_596, %broadcast_in_dim3A_593 : vector<16xi32>
      %gather3A_598 = tpu.vector_load_idx %arg11[%add3A_597, %and3A_286] : memref<256x128xf32, #tpu.memory_space<vmem>>[vector<16xi32>, vector<16xi32>], vector<16xf32>,
      %add3A_599 = arith.constant 0 : i32
      %add3A_600 = vector.broadcast %add3A_599 : i32 to vector<16xi32>
      %add3A_601 = arith.addi %broadcast_in_dim3A_593, %add3A_600 : vector<16xi32>
      tpu.vector_store_idx %arg13[%iota3A, %add3A_601], %gather3A_598 masked %lt3A_6 : memref<16x128xf32, #tpu.memory_space<vmem>>[vector<16xi32>, vector<16xi32>], vector<16xf32>, vector<16xi1>
      %broadcast_in_dim3A_602 = arith.constant 5 : i32
      %broadcast_in_dim3A_603 = vector.broadcast %broadcast_in_dim3A_602 : i32 to vector<16xi32>
      %mul3A_604 = arith.constant 32 : i32
      %mul3A_605 = vector.broadcast %mul3A_604 : i32 to vector<16xi32>
      %mul3A_606 = arith.muli %min3A_4, %mul3A_605 : vector<16xi32>
      %add3A_607 = arith.addi %mul3A_606, %broadcast_in_dim3A_603 : vector<16xi32>
      %gather3A_608 = tpu.vector_load_idx %arg11[%add3A_607, %and3A_286] : memref<256x128xf32, #tpu.memory_space<vmem>>[vector<16xi32>, vector<16xi32>], vector<16xf32>,
      %add3A_609 = arith.constant 0 : i32
      %add3A_610 = vector.broadcast %add3A_609 : i32 to vector<16xi32>
      %add3A_611 = arith.addi %broadcast_in_dim3A_603, %add3A_610 : vector<16xi32>
      tpu.vector_store_idx %arg13[%iota3A, %add3A_611], %gather3A_608 masked %lt3A_6 : memref<16x128xf32, #tpu.memory_space<vmem>>[vector<16xi32>, vector<16xi32>], vector<16xf32>, vector<16xi1>
      %broadcast_in_dim3A_612 = arith.constant 6 : i32
      %broadcast_in_dim3A_613 = vector.broadcast %broadcast_in_dim3A_612 : i32 to vector<16xi32>
      %mul3A_614 = arith.constant 32 : i32
      %mul3A_615 = vector.broadcast %mul3A_614 : i32 to vector<16xi32>
      %mul3A_616 = arith.muli %min3A_4, %mul3A_615 : vector<16xi32>
      %add3A_617 = arith.addi %mul3A_616, %broadcast_in_dim3A_613 : vector<16xi32>
      %gather3A_618 = tpu.vector_load_idx %arg11[%add3A_617, %and3A_286] : memref<256x128xf32, #tpu.memory_space<vmem>>[vector<16xi32>, vector<16xi32>], vector<16xf32>,
      %add3A_619 = arith.constant 0 : i32
      %add3A_620 = vector.broadcast %add3A_619 : i32 to vector<16xi32>
      %add3A_621 = arith.addi %broadcast_in_dim3A_613, %add3A_620 : vector<16xi32>
      tpu.vector_store_idx %arg13[%iota3A, %add3A_621], %gather3A_618 masked %lt3A_6 : memref<16x128xf32, #tpu.memory_space<vmem>>[vector<16xi32>, vector<16xi32>], vector<16xf32>, vector<16xi1>
      %broadcast_in_dim3A_622 = arith.constant 7 : i32
      %broadcast_in_dim3A_623 = vector.broadcast %broadcast_in_dim3A_622 : i32 to vector<16xi32>
      %mul3A_624 = arith.constant 32 : i32
      %mul3A_625 = vector.broadcast %mul3A_624 : i32 to vector<16xi32>
      %mul3A_626 = arith.muli %min3A_4, %mul3A_625 : vector<16xi32>
      %add3A_627 = arith.addi %mul3A_626, %broadcast_in_dim3A_623 : vector<16xi32>
      %gather3A_628 = tpu.vector_load_idx %arg11[%add3A_627, %and3A_286] : memref<256x128xf32, #tpu.memory_space<vmem>>[vector<16xi32>, vector<16xi32>], vector<16xf32>,
      %add3A_629 = arith.constant 0 : i32
      %add3A_630 = vector.broadcast %add3A_629 : i32 to vector<16xi32>
      %add3A_631 = arith.addi %broadcast_in_dim3A_623, %add3A_630 : vector<16xi32>
      tpu.vector_store_idx %arg13[%iota3A, %add3A_631], %gather3A_628 masked %lt3A_6 : memref<16x128xf32, #tpu.memory_space<vmem>>[vector<16xi32>, vector<16xi32>], vector<16xf32>, vector<16xi1>
      %broadcast_in_dim3A_632 = arith.constant 8 : i32
      %broadcast_in_dim3A_633 = vector.broadcast %broadcast_in_dim3A_632 : i32 to vector<16xi32>
      %mul3A_634 = arith.constant 32 : i32
      %mul3A_635 = vector.broadcast %mul3A_634 : i32 to vector<16xi32>
      %mul3A_636 = arith.muli %min3A_4, %mul3A_635 : vector<16xi32>
      %add3A_637 = arith.addi %mul3A_636, %broadcast_in_dim3A_633 : vector<16xi32>
      %gather3A_638 = tpu.vector_load_idx %arg11[%add3A_637, %and3A_286] : memref<256x128xf32, #tpu.memory_space<vmem>>[vector<16xi32>, vector<16xi32>], vector<16xf32>,
      %add3A_639 = arith.constant 0 : i32
      %add3A_640 = vector.broadcast %add3A_639 : i32 to vector<16xi32>
      %add3A_641 = arith.addi %broadcast_in_dim3A_633, %add3A_640 : vector<16xi32>
      tpu.vector_store_idx %arg13[%iota3A, %add3A_641], %gather3A_638 masked %lt3A_6 : memref<16x128xf32, #tpu.memory_space<vmem>>[vector<16xi32>, vector<16xi32>], vector<16xf32>, vector<16xi1>
      %broadcast_in_dim3A_642 = arith.constant 9 : i32
      %broadcast_in_dim3A_643 = vector.broadcast %broadcast_in_dim3A_642 : i32 to vector<16xi32>
      %mul3A_644 = arith.constant 32 : i32
      %mul3A_645 = vector.broadcast %mul3A_644 : i32 to vector<16xi32>
      %mul3A_646 = arith.muli %min3A_4, %mul3A_645 : vector<16xi32>
      %add3A_647 = arith.addi %mul3A_646, %broadcast_in_dim3A_643 : vector<16xi32>
      %gather3A_648 = tpu.vector_load_idx %arg11[%add3A_647, %and3A_286] : memref<256x128xf32, #tpu.memory_space<vmem>>[vector<16xi32>, vector<16xi32>], vector<16xf32>,
      %add3A_649 = arith.constant 0 : i32
      %add3A_650 = vector.broadcast %add3A_649 : i32 to vector<16xi32>
      %add3A_651 = arith.addi %broadcast_in_dim3A_643, %add3A_650 : vector<16xi32>
      tpu.vector_store_idx %arg13[%iota3A, %add3A_651], %gather3A_648 masked %lt3A_6 : memref<16x128xf32, #tpu.memory_space<vmem>>[vector<16xi32>, vector<16xi32>], vector<16xf32>, vector<16xi1>
      %broadcast_in_dim3A_652 = arith.constant 10 : i32
      %broadcast_in_dim3A_653 = vector.broadcast %broadcast_in_dim3A_652 : i32 to vector<16xi32>
      %mul3A_654 = arith.constant 32 : i32
      %mul3A_655 = vector.broadcast %mul3A_654 : i32 to vector<16xi32>
      %mul3A_656 = arith.muli %min3A_4, %mul3A_655 : vector<16xi32>
      %add3A_657 = arith.addi %mul3A_656, %broadcast_in_dim3A_653 : vector<16xi32>
      %gather3A_658 = tpu.vector_load_idx %arg11[%add3A_657, %and3A_286] : memref<256x128xf32, #tpu.memory_space<vmem>>[vector<16xi32>, vector<16xi32>], vector<16xf32>,
      %add3A_659 = arith.constant 0 : i32
      %add3A_660 = vector.broadcast %add3A_659 : i32 to vector<16xi32>
      %add3A_661 = arith.addi %broadcast_in_dim3A_653, %add3A_660 : vector<16xi32>
      tpu.vector_store_idx %arg13[%iota3A, %add3A_661], %gather3A_658 masked %lt3A_6 : memref<16x128xf32, #tpu.memory_space<vmem>>[vector<16xi32>, vector<16xi32>], vector<16xf32>, vector<16xi1>
      %broadcast_in_dim3A_662 = arith.constant 11 : i32
      %broadcast_in_dim3A_663 = vector.broadcast %broadcast_in_dim3A_662 : i32 to vector<16xi32>
      %mul3A_664 = arith.constant 32 : i32
      %mul3A_665 = vector.broadcast %mul3A_664 : i32 to vector<16xi32>
      %mul3A_666 = arith.muli %min3A_4, %mul3A_665 : vector<16xi32>
      %add3A_667 = arith.addi %mul3A_666, %broadcast_in_dim3A_663 : vector<16xi32>
      %gather3A_668 = tpu.vector_load_idx %arg11[%add3A_667, %and3A_286] : memref<256x128xf32, #tpu.memory_space<vmem>>[vector<16xi32>, vector<16xi32>], vector<16xf32>,
      %add3A_669 = arith.constant 0 : i32
      %add3A_670 = vector.broadcast %add3A_669 : i32 to vector<16xi32>
      %add3A_671 = arith.addi %broadcast_in_dim3A_663, %add3A_670 : vector<16xi32>
      tpu.vector_store_idx %arg13[%iota3A, %add3A_671], %gather3A_668 masked %lt3A_6 : memref<16x128xf32, #tpu.memory_space<vmem>>[vector<16xi32>, vector<16xi32>], vector<16xf32>, vector<16xi1>
      %broadcast_in_dim3A_672 = arith.constant 12 : i32
      %broadcast_in_dim3A_673 = vector.broadcast %broadcast_in_dim3A_672 : i32 to vector<16xi32>
      %mul3A_674 = arith.constant 32 : i32
      %mul3A_675 = vector.broadcast %mul3A_674 : i32 to vector<16xi32>
      %mul3A_676 = arith.muli %min3A_4, %mul3A_675 : vector<16xi32>
      %add3A_677 = arith.addi %mul3A_676, %broadcast_in_dim3A_673 : vector<16xi32>
      %gather3A_678 = tpu.vector_load_idx %arg11[%add3A_677, %and3A_286] : memref<256x128xf32, #tpu.memory_space<vmem>>[vector<16xi32>, vector<16xi32>], vector<16xf32>,
      %add3A_679 = arith.constant 0 : i32
      %add3A_680 = vector.broadcast %add3A_679 : i32 to vector<16xi32>
      %add3A_681 = arith.addi %broadcast_in_dim3A_673, %add3A_680 : vector<16xi32>
      tpu.vector_store_idx %arg13[%iota3A, %add3A_681], %gather3A_678 masked %lt3A_6 : memref<16x128xf32, #tpu.memory_space<vmem>>[vector<16xi32>, vector<16xi32>], vector<16xf32>, vector<16xi1>
      %broadcast_in_dim3A_682 = arith.constant 13 : i32
      %broadcast_in_dim3A_683 = vector.broadcast %broadcast_in_dim3A_682 : i32 to vector<16xi32>
      %mul3A_684 = arith.constant 32 : i32
      %mul3A_685 = vector.broadcast %mul3A_684 : i32 to vector<16xi32>
      %mul3A_686 = arith.muli %min3A_4, %mul3A_685 : vector<16xi32>
      %add3A_687 = arith.addi %mul3A_686, %broadcast_in_dim3A_683 : vector<16xi32>
      %gather3A_688 = tpu.vector_load_idx %arg11[%add3A_687, %and3A_286] : memref<256x128xf32, #tpu.memory_space<vmem>>[vector<16xi32>, vector<16xi32>], vector<16xf32>,
      %add3A_689 = arith.constant 0 : i32
      %add3A_690 = vector.broadcast %add3A_689 : i32 to vector<16xi32>
      %add3A_691 = arith.addi %broadcast_in_dim3A_683, %add3A_690 : vector<16xi32>
      tpu.vector_store_idx %arg13[%iota3A, %add3A_691], %gather3A_688 masked %lt3A_6 : memref<16x128xf32, #tpu.memory_space<vmem>>[vector<16xi32>, vector<16xi32>], vector<16xf32>, vector<16xi1>
      %broadcast_in_dim3A_692 = arith.constant 14 : i32
      %broadcast_in_dim3A_693 = vector.broadcast %broadcast_in_dim3A_692 : i32 to vector<16xi32>
      %mul3A_694 = arith.constant 32 : i32
      %mul3A_695 = vector.broadcast %mul3A_694 : i32 to vector<16xi32>
      %mul3A_696 = arith.muli %min3A_4, %mul3A_695 : vector<16xi32>
      %add3A_697 = arith.addi %mul3A_696, %broadcast_in_dim3A_693 : vector<16xi32>
      %gather3A_698 = tpu.vector_load_idx %arg11[%add3A_697, %and3A_286] : memref<256x128xf32, #tpu.memory_space<vmem>>[vector<16xi32>, vector<16xi32>], vector<16xf32>,
      %add3A_699 = arith.constant 0 : i32
      %add3A_700 = vector.broadcast %add3A_699 : i32 to vector<16xi32>
      %add3A_701 = arith.addi %broadcast_in_dim3A_693, %add3A_700 : vector<16xi32>
      tpu.vector_store_idx %arg13[%iota3A, %add3A_701], %gather3A_698 masked %lt3A_6 : memref<16x128xf32, #tpu.memory_space<vmem>>[vector<16xi32>, vector<16xi32>], vector<16xf32>, vector<16xi1>
      %broadcast_in_dim3A_702 = arith.constant 15 : i32
      %broadcast_in_dim3A_703 = vector.broadcast %broadcast_in_dim3A_702 : i32 to vector<16xi32>
      %mul3A_704 = arith.constant 32 : i32
      %mul3A_705 = vector.broadcast %mul3A_704 : i32 to vector<16xi32>
      %mul3A_706 = arith.muli %min3A_4, %mul3A_705 : vector<16xi32>
      %add3A_707 = arith.addi %mul3A_706, %broadcast_in_dim3A_703 : vector<16xi32>
      %gather3A_708 = tpu.vector_load_idx %arg11[%add3A_707, %and3A_286] : memref<256x128xf32, #tpu.memory_space<vmem>>[vector<16xi32>, vector<16xi32>], vector<16xf32>,
      %add3A_709 = arith.constant 0 : i32
      %add3A_710 = vector.broadcast %add3A_709 : i32 to vector<16xi32>
      %add3A_711 = arith.addi %broadcast_in_dim3A_703, %add3A_710 : vector<16xi32>
      tpu.vector_store_idx %arg13[%iota3A, %add3A_711], %gather3A_708 masked %lt3A_6 : memref<16x128xf32, #tpu.memory_space<vmem>>[vector<16xi32>, vector<16xi32>], vector<16xf32>, vector<16xi1>
      %broadcast_in_dim3A_712 = arith.constant 16 : i32
      %broadcast_in_dim3A_713 = vector.broadcast %broadcast_in_dim3A_712 : i32 to vector<16xi32>
      %mul3A_714 = arith.constant 32 : i32
      %mul3A_715 = vector.broadcast %mul3A_714 : i32 to vector<16xi32>
      %mul3A_716 = arith.muli %min3A_4, %mul3A_715 : vector<16xi32>
      %add3A_717 = arith.addi %mul3A_716, %broadcast_in_dim3A_713 : vector<16xi32>
      %gather3A_718 = tpu.vector_load_idx %arg11[%add3A_717, %and3A_286] : memref<256x128xf32, #tpu.memory_space<vmem>>[vector<16xi32>, vector<16xi32>], vector<16xf32>,
      %add3A_719 = arith.constant 0 : i32
      %add3A_720 = vector.broadcast %add3A_719 : i32 to vector<16xi32>
      %add3A_721 = arith.addi %broadcast_in_dim3A_713, %add3A_720 : vector<16xi32>
      tpu.vector_store_idx %arg13[%iota3A, %add3A_721], %gather3A_718 masked %lt3A_6 : memref<16x128xf32, #tpu.memory_space<vmem>>[vector<16xi32>, vector<16xi32>], vector<16xf32>, vector<16xi1>
      %broadcast_in_dim3A_722 = arith.constant 17 : i32
      %broadcast_in_dim3A_723 = vector.broadcast %broadcast_in_dim3A_722 : i32 to vector<16xi32>
      %mul3A_724 = arith.constant 32 : i32
      %mul3A_725 = vector.broadcast %mul3A_724 : i32 to vector<16xi32>
      %mul3A_726 = arith.muli %min3A_4, %mul3A_725 : vector<16xi32>
      %add3A_727 = arith.addi %mul3A_726, %broadcast_in_dim3A_723 : vector<16xi32>
      %gather3A_728 = tpu.vector_load_idx %arg11[%add3A_727, %and3A_286] : memref<256x128xf32, #tpu.memory_space<vmem>>[vector<16xi32>, vector<16xi32>], vector<16xf32>,
      %add3A_729 = arith.constant 0 : i32
      %add3A_730 = vector.broadcast %add3A_729 : i32 to vector<16xi32>
      %add3A_731 = arith.addi %broadcast_in_dim3A_723, %add3A_730 : vector<16xi32>
      tpu.vector_store_idx %arg13[%iota3A, %add3A_731], %gather3A_728 masked %lt3A_6 : memref<16x128xf32, #tpu.memory_space<vmem>>[vector<16xi32>, vector<16xi32>], vector<16xf32>, vector<16xi1>
      %broadcast_in_dim3A_732 = arith.constant 18 : i32
      %broadcast_in_dim3A_733 = vector.broadcast %broadcast_in_dim3A_732 : i32 to vector<16xi32>
      %mul3A_734 = arith.constant 32 : i32
      %mul3A_735 = vector.broadcast %mul3A_734 : i32 to vector<16xi32>
      %mul3A_736 = arith.muli %min3A_4, %mul3A_735 : vector<16xi32>
      %add3A_737 = arith.addi %mul3A_736, %broadcast_in_dim3A_733 : vector<16xi32>
      %gather3A_738 = tpu.vector_load_idx %arg11[%add3A_737, %and3A_286] : memref<256x128xf32, #tpu.memory_space<vmem>>[vector<16xi32>, vector<16xi32>], vector<16xf32>,
      %add3A_739 = arith.constant 0 : i32
      %add3A_740 = vector.broadcast %add3A_739 : i32 to vector<16xi32>
      %add3A_741 = arith.addi %broadcast_in_dim3A_733, %add3A_740 : vector<16xi32>
      tpu.vector_store_idx %arg13[%iota3A, %add3A_741], %gather3A_738 masked %lt3A_6 : memref<16x128xf32, #tpu.memory_space<vmem>>[vector<16xi32>, vector<16xi32>], vector<16xf32>, vector<16xi1>
      %broadcast_in_dim3A_742 = arith.constant 19 : i32
      %broadcast_in_dim3A_743 = vector.broadcast %broadcast_in_dim3A_742 : i32 to vector<16xi32>
      %mul3A_744 = arith.constant 32 : i32
      %mul3A_745 = vector.broadcast %mul3A_744 : i32 to vector<16xi32>
      %mul3A_746 = arith.muli %min3A_4, %mul3A_745 : vector<16xi32>
      %add3A_747 = arith.addi %mul3A_746, %broadcast_in_dim3A_743 : vector<16xi32>
      %gather3A_748 = tpu.vector_load_idx %arg11[%add3A_747, %and3A_286] : memref<256x128xf32, #tpu.memory_space<vmem>>[vector<16xi32>, vector<16xi32>], vector<16xf32>,
      %add3A_749 = arith.constant 0 : i32
      %add3A_750 = vector.broadcast %add3A_749 : i32 to vector<16xi32>
      %add3A_751 = arith.addi %broadcast_in_dim3A_743, %add3A_750 : vector<16xi32>
      tpu.vector_store_idx %arg13[%iota3A, %add3A_751], %gather3A_748 masked %lt3A_6 : memref<16x128xf32, #tpu.memory_space<vmem>>[vector<16xi32>, vector<16xi32>], vector<16xf32>, vector<16xi1>
      %broadcast_in_dim3A_752 = arith.constant 20 : i32
      %broadcast_in_dim3A_753 = vector.broadcast %broadcast_in_dim3A_752 : i32 to vector<16xi32>
      %mul3A_754 = arith.constant 32 : i32
      %mul3A_755 = vector.broadcast %mul3A_754 : i32 to vector<16xi32>
      %mul3A_756 = arith.muli %min3A_4, %mul3A_755 : vector<16xi32>
      %add3A_757 = arith.addi %mul3A_756, %broadcast_in_dim3A_753 : vector<16xi32>
      %gather3A_758 = tpu.vector_load_idx %arg11[%add3A_757, %and3A_286] : memref<256x128xf32, #tpu.memory_space<vmem>>[vector<16xi32>, vector<16xi32>], vector<16xf32>,
      %add3A_759 = arith.constant 0 : i32
      %add3A_760 = vector.broadcast %add3A_759 : i32 to vector<16xi32>
      %add3A_761 = arith.addi %broadcast_in_dim3A_753, %add3A_760 : vector<16xi32>
      tpu.vector_store_idx %arg13[%iota3A, %add3A_761], %gather3A_758 masked %lt3A_6 : memref<16x128xf32, #tpu.memory_space<vmem>>[vector<16xi32>, vector<16xi32>], vector<16xf32>, vector<16xi1>
      %broadcast_in_dim3A_762 = arith.constant 21 : i32
      %broadcast_in_dim3A_763 = vector.broadcast %broadcast_in_dim3A_762 : i32 to vector<16xi32>
      %mul3A_764 = arith.constant 32 : i32
      %mul3A_765 = vector.broadcast %mul3A_764 : i32 to vector<16xi32>
      %mul3A_766 = arith.muli %min3A_4, %mul3A_765 : vector<16xi32>
      %add3A_767 = arith.addi %mul3A_766, %broadcast_in_dim3A_763 : vector<16xi32>
      %gather3A_768 = tpu.vector_load_idx %arg11[%add3A_767, %and3A_286] : memref<256x128xf32, #tpu.memory_space<vmem>>[vector<16xi32>, vector<16xi32>], vector<16xf32>,
      %add3A_769 = arith.constant 0 : i32
      %add3A_770 = vector.broadcast %add3A_769 : i32 to vector<16xi32>
      %add3A_771 = arith.addi %broadcast_in_dim3A_763, %add3A_770 : vector<16xi32>
      tpu.vector_store_idx %arg13[%iota3A, %add3A_771], %gather3A_768 masked %lt3A_6 : memref<16x128xf32, #tpu.memory_space<vmem>>[vector<16xi32>, vector<16xi32>], vector<16xf32>, vector<16xi1>
      %broadcast_in_dim3A_772 = arith.constant 22 : i32
      %broadcast_in_dim3A_773 = vector.broadcast %broadcast_in_dim3A_772 : i32 to vector<16xi32>
      %mul3A_774 = arith.constant 32 : i32
      %mul3A_775 = vector.broadcast %mul3A_774 : i32 to vector<16xi32>
      %mul3A_776 = arith.muli %min3A_4, %mul3A_775 : vector<16xi32>
      %add3A_777 = arith.addi %mul3A_776, %broadcast_in_dim3A_773 : vector<16xi32>
      %gather3A_778 = tpu.vector_load_idx %arg11[%add3A_777, %and3A_286] : memref<256x128xf32, #tpu.memory_space<vmem>>[vector<16xi32>, vector<16xi32>], vector<16xf32>,
      %add3A_779 = arith.constant 0 : i32
      %add3A_780 = vector.broadcast %add3A_779 : i32 to vector<16xi32>
      %add3A_781 = arith.addi %broadcast_in_dim3A_773, %add3A_780 : vector<16xi32>
      tpu.vector_store_idx %arg13[%iota3A, %add3A_781], %gather3A_778 masked %lt3A_6 : memref<16x128xf32, #tpu.memory_space<vmem>>[vector<16xi32>, vector<16xi32>], vector<16xf32>, vector<16xi1>
      %broadcast_in_dim3A_782 = arith.constant 23 : i32
      %broadcast_in_dim3A_783 = vector.broadcast %broadcast_in_dim3A_782 : i32 to vector<16xi32>
      %mul3A_784 = arith.constant 32 : i32
      %mul3A_785 = vector.broadcast %mul3A_784 : i32 to vector<16xi32>
      %mul3A_786 = arith.muli %min3A_4, %mul3A_785 : vector<16xi32>
      %add3A_787 = arith.addi %mul3A_786, %broadcast_in_dim3A_783 : vector<16xi32>
      %gather3A_788 = tpu.vector_load_idx %arg11[%add3A_787, %and3A_286] : memref<256x128xf32, #tpu.memory_space<vmem>>[vector<16xi32>, vector<16xi32>], vector<16xf32>,
      %add3A_789 = arith.constant 0 : i32
      %add3A_790 = vector.broadcast %add3A_789 : i32 to vector<16xi32>
      %add3A_791 = arith.addi %broadcast_in_dim3A_783, %add3A_790 : vector<16xi32>
      tpu.vector_store_idx %arg13[%iota3A, %add3A_791], %gather3A_788 masked %lt3A_6 : memref<16x128xf32, #tpu.memory_space<vmem>>[vector<16xi32>, vector<16xi32>], vector<16xf32>, vector<16xi1>
      %broadcast_in_dim3A_792 = arith.constant 24 : i32
      %broadcast_in_dim3A_793 = vector.broadcast %broadcast_in_dim3A_792 : i32 to vector<16xi32>
      %mul3A_794 = arith.constant 32 : i32
      %mul3A_795 = vector.broadcast %mul3A_794 : i32 to vector<16xi32>
      %mul3A_796 = arith.muli %min3A_4, %mul3A_795 : vector<16xi32>
      %add3A_797 = arith.addi %mul3A_796, %broadcast_in_dim3A_793 : vector<16xi32>
      %gather3A_798 = tpu.vector_load_idx %arg11[%add3A_797, %and3A_286] : memref<256x128xf32, #tpu.memory_space<vmem>>[vector<16xi32>, vector<16xi32>], vector<16xf32>,
      %add3A_799 = arith.constant 0 : i32
      %add3A_800 = vector.broadcast %add3A_799 : i32 to vector<16xi32>
      %add3A_801 = arith.addi %broadcast_in_dim3A_793, %add3A_800 : vector<16xi32>
      tpu.vector_store_idx %arg13[%iota3A, %add3A_801], %gather3A_798 masked %lt3A_6 : memref<16x128xf32, #tpu.memory_space<vmem>>[vector<16xi32>, vector<16xi32>], vector<16xf32>, vector<16xi1>
      %broadcast_in_dim3A_802 = arith.constant 25 : i32
      %broadcast_in_dim3A_803 = vector.broadcast %broadcast_in_dim3A_802 : i32 to vector<16xi32>
      %mul3A_804 = arith.constant 32 : i32
      %mul3A_805 = vector.broadcast %mul3A_804 : i32 to vector<16xi32>
      %mul3A_806 = arith.muli %min3A_4, %mul3A_805 : vector<16xi32>
      %add3A_807 = arith.addi %mul3A_806, %broadcast_in_dim3A_803 : vector<16xi32>
      %gather3A_808 = tpu.vector_load_idx %arg11[%add3A_807, %and3A_286] : memref<256x128xf32, #tpu.memory_space<vmem>>[vector<16xi32>, vector<16xi32>], vector<16xf32>,
      %add3A_809 = arith.constant 0 : i32
      %add3A_810 = vector.broadcast %add3A_809 : i32 to vector<16xi32>
      %add3A_811 = arith.addi %broadcast_in_dim3A_803, %add3A_810 : vector<16xi32>
      tpu.vector_store_idx %arg13[%iota3A, %add3A_811], %gather3A_808 masked %lt3A_6 : memref<16x128xf32, #tpu.memory_space<vmem>>[vector<16xi32>, vector<16xi32>], vector<16xf32>, vector<16xi1>
      %broadcast_in_dim3A_812 = arith.constant 26 : i32
      %broadcast_in_dim3A_813 = vector.broadcast %broadcast_in_dim3A_812 : i32 to vector<16xi32>
      %mul3A_814 = arith.constant 32 : i32
      %mul3A_815 = vector.broadcast %mul3A_814 : i32 to vector<16xi32>
      %mul3A_816 = arith.muli %min3A_4, %mul3A_815 : vector<16xi32>
      %add3A_817 = arith.addi %mul3A_816, %broadcast_in_dim3A_813 : vector<16xi32>
      %gather3A_818 = tpu.vector_load_idx %arg11[%add3A_817, %and3A_286] : memref<256x128xf32, #tpu.memory_space<vmem>>[vector<16xi32>, vector<16xi32>], vector<16xf32>,
      %add3A_819 = arith.constant 0 : i32
      %add3A_820 = vector.broadcast %add3A_819 : i32 to vector<16xi32>
      %add3A_821 = arith.addi %broadcast_in_dim3A_813, %add3A_820 : vector<16xi32>
      tpu.vector_store_idx %arg13[%iota3A, %add3A_821], %gather3A_818 masked %lt3A_6 : memref<16x128xf32, #tpu.memory_space<vmem>>[vector<16xi32>, vector<16xi32>], vector<16xf32>, vector<16xi1>
      %broadcast_in_dim3A_822 = arith.constant 27 : i32
      %broadcast_in_dim3A_823 = vector.broadcast %broadcast_in_dim3A_822 : i32 to vector<16xi32>
      %mul3A_824 = arith.constant 32 : i32
      %mul3A_825 = vector.broadcast %mul3A_824 : i32 to vector<16xi32>
      %mul3A_826 = arith.muli %min3A_4, %mul3A_825 : vector<16xi32>
      %add3A_827 = arith.addi %mul3A_826, %broadcast_in_dim3A_823 : vector<16xi32>
      %gather3A_828 = tpu.vector_load_idx %arg11[%add3A_827, %and3A_286] : memref<256x128xf32, #tpu.memory_space<vmem>>[vector<16xi32>, vector<16xi32>], vector<16xf32>,
      %add3A_829 = arith.constant 0 : i32
      %add3A_830 = vector.broadcast %add3A_829 : i32 to vector<16xi32>
      %add3A_831 = arith.addi %broadcast_in_dim3A_823, %add3A_830 : vector<16xi32>
      tpu.vector_store_idx %arg13[%iota3A, %add3A_831], %gather3A_828 masked %lt3A_6 : memref<16x128xf32, #tpu.memory_space<vmem>>[vector<16xi32>, vector<16xi32>], vector<16xf32>, vector<16xi1>
      %broadcast_in_dim3A_832 = arith.constant 28 : i32
      %broadcast_in_dim3A_833 = vector.broadcast %broadcast_in_dim3A_832 : i32 to vector<16xi32>
      %mul3A_834 = arith.constant 32 : i32
      %mul3A_835 = vector.broadcast %mul3A_834 : i32 to vector<16xi32>
      %mul3A_836 = arith.muli %min3A_4, %mul3A_835 : vector<16xi32>
      %add3A_837 = arith.addi %mul3A_836, %broadcast_in_dim3A_833 : vector<16xi32>
      %gather3A_838 = tpu.vector_load_idx %arg11[%add3A_837, %and3A_286] : memref<256x128xf32, #tpu.memory_space<vmem>>[vector<16xi32>, vector<16xi32>], vector<16xf32>,
      %add3A_839 = arith.constant 0 : i32
      %add3A_840 = vector.broadcast %add3A_839 : i32 to vector<16xi32>
      %add3A_841 = arith.addi %broadcast_in_dim3A_833, %add3A_840 : vector<16xi32>
      tpu.vector_store_idx %arg13[%iota3A, %add3A_841], %gather3A_838 masked %lt3A_6 : memref<16x128xf32, #tpu.memory_space<vmem>>[vector<16xi32>, vector<16xi32>], vector<16xf32>, vector<16xi1>
      %broadcast_in_dim3A_842 = arith.constant 29 : i32
      %broadcast_in_dim3A_843 = vector.broadcast %broadcast_in_dim3A_842 : i32 to vector<16xi32>
      %mul3A_844 = arith.constant 32 : i32
      %mul3A_845 = vector.broadcast %mul3A_844 : i32 to vector<16xi32>
      %mul3A_846 = arith.muli %min3A_4, %mul3A_845 : vector<16xi32>
      %add3A_847 = arith.addi %mul3A_846, %broadcast_in_dim3A_843 : vector<16xi32>
      %gather3A_848 = tpu.vector_load_idx %arg11[%add3A_847, %and3A_286] : memref<256x128xf32, #tpu.memory_space<vmem>>[vector<16xi32>, vector<16xi32>], vector<16xf32>,
      %add3A_849 = arith.constant 0 : i32
      %add3A_850 = vector.broadcast %add3A_849 : i32 to vector<16xi32>
      %add3A_851 = arith.addi %broadcast_in_dim3A_843, %add3A_850 : vector<16xi32>
      tpu.vector_store_idx %arg13[%iota3A, %add3A_851], %gather3A_848 masked %lt3A_6 : memref<16x128xf32, #tpu.memory_space<vmem>>[vector<16xi32>, vector<16xi32>], vector<16xf32>, vector<16xi1>
      %broadcast_in_dim3A_852 = arith.constant 30 : i32
      %broadcast_in_dim3A_853 = vector.broadcast %broadcast_in_dim3A_852 : i32 to vector<16xi32>
      %mul3A_854 = arith.constant 32 : i32
      %mul3A_855 = vector.broadcast %mul3A_854 : i32 to vector<16xi32>
      %mul3A_856 = arith.muli %min3A_4, %mul3A_855 : vector<16xi32>
      %add3A_857 = arith.addi %mul3A_856, %broadcast_in_dim3A_853 : vector<16xi32>
      %gather3A_858 = tpu.vector_load_idx %arg11[%add3A_857, %and3A_286] : memref<256x128xf32, #tpu.memory_space<vmem>>[vector<16xi32>, vector<16xi32>], vector<16xf32>,
      %add3A_859 = arith.constant 0 : i32
      %add3A_860 = vector.broadcast %add3A_859 : i32 to vector<16xi32>
      %add3A_861 = arith.addi %broadcast_in_dim3A_853, %add3A_860 : vector<16xi32>
      tpu.vector_store_idx %arg13[%iota3A, %add3A_861], %gather3A_858 masked %lt3A_6 : memref<16x128xf32, #tpu.memory_space<vmem>>[vector<16xi32>, vector<16xi32>], vector<16xf32>, vector<16xi1>
      %broadcast_in_dim3A_862 = arith.constant 31 : i32
      %broadcast_in_dim3A_863 = vector.broadcast %broadcast_in_dim3A_862 : i32 to vector<16xi32>
      %mul3A_864 = arith.constant 32 : i32
      %mul3A_865 = vector.broadcast %mul3A_864 : i32 to vector<16xi32>
      %mul3A_866 = arith.muli %min3A_4, %mul3A_865 : vector<16xi32>
      %add3A_867 = arith.addi %mul3A_866, %broadcast_in_dim3A_863 : vector<16xi32>
      %gather3A_868 = tpu.vector_load_idx %arg11[%add3A_867, %and3A_286] : memref<256x128xf32, #tpu.memory_space<vmem>>[vector<16xi32>, vector<16xi32>], vector<16xf32>,
      %add3A_869 = arith.constant 0 : i32
      %add3A_870 = vector.broadcast %add3A_869 : i32 to vector<16xi32>
      %add3A_871 = arith.addi %broadcast_in_dim3A_863, %add3A_870 : vector<16xi32>
      tpu.vector_store_idx %arg13[%iota3A, %add3A_871], %gather3A_868 masked %lt3A_6 : memref<16x128xf32, #tpu.memory_space<vmem>>[vector<16xi32>, vector<16xi32>], vector<16xf32>, vector<16xi1>
      %slice3A_872 = vector.extract_strided_slice %get3A_274 {offsets = [0], sizes = [1], strides = [1]} : vector<16xi32> to vector<1xi32>
      %squeeze3A_873 = vector.extract %slice3A_872[0] : i32 from vector<1xi32>
      %shift_right_arithmetic3A_874 = arith.constant 7 : i32
      %shift_right_arithmetic3A_875 = arith.shrsi %squeeze3A_873, %shift_right_arithmetic3A_874 : i32
      %min3A_876 = arith.constant 7812 : i32
      %min3A_877 = arith.minsi %shift_right_arithmetic3A_875, %min3A_876 : i32
      %max3A_878 = arith.constant 0 : i32
      %max3A_879 = arith.maxsi %min3A_877, %max3A_878 : i32
      %mul3A_880 = arith.constant 128 : i32
      %mul3A_881 = arith.muli %max3A_879, %mul3A_880 : i32
      %multiple_of3A_882 = tpu.assume_multiple %mul3A_881, 128 : i32
      %dma_start3A_883 = arith.constant 0 : i32
      %dma_start3A_884 = arith.constant 0 : i32
      %dma_start3A_885 = tpu.memref_slice %arg11[%dma_start3A_883, %dma_start3A_884] : memref<256x128xf32, #tpu.memory_space<vmem>> -> memref<32x128xf32, #tpu.memory_space<vmem>>
      %dma_start3A_886 = arith.constant 0 : i32
      %dma_start3A_887 = tpu.memref_slice %arg4[%dma_start3A_886, %multiple_of3A_882] : memref<32x1000000xf32, #tpu.memory_space<hbm>> -> memref<32x128xf32, #tpu.memory_space<hbm>>
      %dma_start3A_888 = arith.constant 0 : i32
      %dma_start3A_889 = arith.constant 0 : i32
      %dma_start3A_890 = tpu.memref_slice %arg11[%dma_start3A_888, %dma_start3A_889] : memref<256x128xf32, #tpu.memory_space<vmem>> -> memref<32x128xf32, #tpu.memory_space<vmem>>
      %dma_start3A_891 = arith.constant 0 : i32
      %dma_start3A_892 = tpu.memref_slice %arg4[%dma_start3A_891, %multiple_of3A_882] : memref<32x1000000xf32, #tpu.memory_space<hbm>> -> memref<32x128xf32, #tpu.memory_space<hbm>>
      tpu.enqueue_dma source(%dma_start3A_892 : memref<32x128xf32, #tpu.memory_space<hbm>>) target(%dma_start3A_890 : memref<32x128xf32, #tpu.memory_space<vmem>>) target_semaphore(%arg14 : memref<!tpu.dma_semaphore, #tpu.memory_space<semaphore_mem>>)
      %slice3A_893 = vector.extract_strided_slice %get3A_274 {offsets = [1], sizes = [1], strides = [1]} : vector<16xi32> to vector<1xi32>
      %squeeze3A_894 = vector.extract %slice3A_893[0] : i32 from vector<1xi32>
      %shift_right_arithmetic3A_895 = arith.constant 7 : i32
      %shift_right_arithmetic3A_896 = arith.shrsi %squeeze3A_894, %shift_right_arithmetic3A_895 : i32
      %min3A_897 = arith.constant 7812 : i32
      %min3A_898 = arith.minsi %shift_right_arithmetic3A_896, %min3A_897 : i32
      %max3A_899 = arith.constant 0 : i32
      %max3A_900 = arith.maxsi %min3A_898, %max3A_899 : i32
      %mul3A_901 = arith.constant 128 : i32
      %mul3A_902 = arith.muli %max3A_900, %mul3A_901 : i32
      %multiple_of3A_903 = tpu.assume_multiple %mul3A_902, 128 : i32
      %dma_start3A_904 = arith.constant 32 : i32
      %dma_start3A_905 = arith.constant 0 : i32
      %dma_start3A_906 = tpu.memref_slice %arg11[%dma_start3A_904, %dma_start3A_905] : memref<256x128xf32, #tpu.memory_space<vmem>> -> memref<32x128xf32, #tpu.memory_space<vmem>>
      %dma_start3A_907 = arith.constant 0 : i32
      %dma_start3A_908 = tpu.memref_slice %arg4[%dma_start3A_907, %multiple_of3A_903] : memref<32x1000000xf32, #tpu.memory_space<hbm>> -> memref<32x128xf32, #tpu.memory_space<hbm>>
      %dma_start3A_909 = arith.constant 32 : i32
      %dma_start3A_910 = arith.constant 0 : i32
      %dma_start3A_911 = tpu.memref_slice %arg11[%dma_start3A_909, %dma_start3A_910] : memref<256x128xf32, #tpu.memory_space<vmem>> -> memref<32x128xf32, #tpu.memory_space<vmem>>
      %dma_start3A_912 = arith.constant 0 : i32
      %dma_start3A_913 = tpu.memref_slice %arg4[%dma_start3A_912, %multiple_of3A_903] : memref<32x1000000xf32, #tpu.memory_space<hbm>> -> memref<32x128xf32, #tpu.memory_space<hbm>>
      tpu.enqueue_dma source(%dma_start3A_913 : memref<32x128xf32, #tpu.memory_space<hbm>>) target(%dma_start3A_911 : memref<32x128xf32, #tpu.memory_space<vmem>>) target_semaphore(%arg14 : memref<!tpu.dma_semaphore, #tpu.memory_space<semaphore_mem>>)
      %slice3A_914 = vector.extract_strided_slice %get3A_274 {offsets = [2], sizes = [1], strides = [1]} : vector<16xi32> to vector<1xi32>
      %squeeze3A_915 = vector.extract %slice3A_914[0] : i32 from vector<1xi32>
      %shift_right_arithmetic3A_916 = arith.constant 7 : i32
      %shift_right_arithmetic3A_917 = arith.shrsi %squeeze3A_915, %shift_right_arithmetic3A_916 : i32
      %min3A_918 = arith.constant 7812 : i32
      %min3A_919 = arith.minsi %shift_right_arithmetic3A_917, %min3A_918 : i32
      %max3A_920 = arith.constant 0 : i32
      %max3A_921 = arith.maxsi %min3A_919, %max3A_920 : i32
      %mul3A_922 = arith.constant 128 : i32
      %mul3A_923 = arith.muli %max3A_921, %mul3A_922 : i32
      %multiple_of3A_924 = tpu.assume_multiple %mul3A_923, 128 : i32
      %dma_start3A_925 = arith.constant 64 : i32
      %dma_start3A_926 = arith.constant 0 : i32
      %dma_start3A_927 = tpu.memref_slice %arg11[%dma_start3A_925, %dma_start3A_926] : memref<256x128xf32, #tpu.memory_space<vmem>> -> memref<32x128xf32, #tpu.memory_space<vmem>>
      %dma_start3A_928 = arith.constant 0 : i32
      %dma_start3A_929 = tpu.memref_slice %arg4[%dma_start3A_928, %multiple_of3A_924] : memref<32x1000000xf32, #tpu.memory_space<hbm>> -> memref<32x128xf32, #tpu.memory_space<hbm>>
      %dma_start3A_930 = arith.constant 64 : i32
      %dma_start3A_931 = arith.constant 0 : i32
      %dma_start3A_932 = tpu.memref_slice %arg11[%dma_start3A_930, %dma_start3A_931] : memref<256x128xf32, #tpu.memory_space<vmem>> -> memref<32x128xf32, #tpu.memory_space<vmem>>
      %dma_start3A_933 = arith.constant 0 : i32
      %dma_start3A_934 = tpu.memref_slice %arg4[%dma_start3A_933, %multiple_of3A_924] : memref<32x1000000xf32, #tpu.memory_space<hbm>> -> memref<32x128xf32, #tpu.memory_space<hbm>>
      tpu.enqueue_dma source(%dma_start3A_934 : memref<32x128xf32, #tpu.memory_space<hbm>>) target(%dma_start3A_932 : memref<32x128xf32, #tpu.memory_space<vmem>>) target_semaphore(%arg14 : memref<!tpu.dma_semaphore, #tpu.memory_space<semaphore_mem>>)
      %slice3A_935 = vector.extract_strided_slice %get3A_274 {offsets = [3], sizes = [1], strides = [1]} : vector<16xi32> to vector<1xi32>
      %squeeze3A_936 = vector.extract %slice3A_935[0] : i32 from vector<1xi32>
      %shift_right_arithmetic3A_937 = arith.constant 7 : i32
      %shift_right_arithmetic3A_938 = arith.shrsi %squeeze3A_936, %shift_right_arithmetic3A_937 : i32
      %min3A_939 = arith.constant 7812 : i32
      %min3A_940 = arith.minsi %shift_right_arithmetic3A_938, %min3A_939 : i32
      %max3A_941 = arith.constant 0 : i32
      %max3A_942 = arith.maxsi %min3A_940, %max3A_941 : i32
      %mul3A_943 = arith.constant 128 : i32
      %mul3A_944 = arith.muli %max3A_942, %mul3A_943 : i32
      %multiple_of3A_945 = tpu.assume_multiple %mul3A_944, 128 : i32
      %dma_start3A_946 = arith.constant 96 : i32
      %dma_start3A_947 = arith.constant 0 : i32
      %dma_start3A_948 = tpu.memref_slice %arg11[%dma_start3A_946, %dma_start3A_947] : memref<256x128xf32, #tpu.memory_space<vmem>> -> memref<32x128xf32, #tpu.memory_space<vmem>>
      %dma_start3A_949 = arith.constant 0 : i32
      %dma_start3A_950 = tpu.memref_slice %arg4[%dma_start3A_949, %multiple_of3A_945] : memref<32x1000000xf32, #tpu.memory_space<hbm>> -> memref<32x128xf32, #tpu.memory_space<hbm>>
      %dma_start3A_951 = arith.constant 96 : i32
      %dma_start3A_952 = arith.constant 0 : i32
      %dma_start3A_953 = tpu.memref_slice %arg11[%dma_start3A_951, %dma_start3A_952] : memref<256x128xf32, #tpu.memory_space<vmem>> -> memref<32x128xf32, #tpu.memory_space<vmem>>
      %dma_start3A_954 = arith.constant 0 : i32
      %dma_start3A_955 = tpu.memref_slice %arg4[%dma_start3A_954, %multiple_of3A_945] : memref<32x1000000xf32, #tpu.memory_space<hbm>> -> memref<32x128xf32, #tpu.memory_space<hbm>>
      tpu.enqueue_dma source(%dma_start3A_955 : memref<32x128xf32, #tpu.memory_space<hbm>>) target(%dma_start3A_953 : memref<32x128xf32, #tpu.memory_space<vmem>>) target_semaphore(%arg14 : memref<!tpu.dma_semaphore, #tpu.memory_space<semaphore_mem>>)
      %slice3A_956 = vector.extract_strided_slice %get3A_274 {offsets = [4], sizes = [1], strides = [1]} : vector<16xi32> to vector<1xi32>
      %squeeze3A_957 = vector.extract %slice3A_956[0] : i32 from vector<1xi32>
      %shift_right_arithmetic3A_958 = arith.constant 7 : i32
      %shift_right_arithmetic3A_959 = arith.shrsi %squeeze3A_957, %shift_right_arithmetic3A_958 : i32
      %min3A_960 = arith.constant 7812 : i32
      %min3A_961 = arith.minsi %shift_right_arithmetic3A_959, %min3A_960 : i32
      %max3A_962 = arith.constant 0 : i32
      %max3A_963 = arith.maxsi %min3A_961, %max3A_962 : i32
      %mul3A_964 = arith.constant 128 : i32
      %mul3A_965 = arith.muli %max3A_963, %mul3A_964 : i32
      %multiple_of3A_966 = tpu.assume_multiple %mul3A_965, 128 : i32
      %dma_start3A_967 = arith.constant 128 : i32
      %dma_start3A_968 = arith.constant 0 : i32
      %dma_start3A_969 = tpu.memref_slice %arg11[%dma_start3A_967, %dma_start3A_968] : memref<256x128xf32, #tpu.memory_space<vmem>> -> memref<32x128xf32, #tpu.memory_space<vmem>>
      %dma_start3A_970 = arith.constant 0 : i32
      %dma_start3A_971 = tpu.memref_slice %arg4[%dma_start3A_970, %multiple_of3A_966] : memref<32x1000000xf32, #tpu.memory_space<hbm>> -> memref<32x128xf32, #tpu.memory_space<hbm>>
      %dma_start3A_972 = arith.constant 128 : i32
      %dma_start3A_973 = arith.constant 0 : i32
      %dma_start3A_974 = tpu.memref_slice %arg11[%dma_start3A_972, %dma_start3A_973] : memref<256x128xf32, #tpu.memory_space<vmem>> -> memref<32x128xf32, #tpu.memory_space<vmem>>
      %dma_start3A_975 = arith.constant 0 : i32
      %dma_start3A_976 = tpu.memref_slice %arg4[%dma_start3A_975, %multiple_of3A_966] : memref<32x1000000xf32, #tpu.memory_space<hbm>> -> memref<32x128xf32, #tpu.memory_space<hbm>>
      tpu.enqueue_dma source(%dma_start3A_976 : memref<32x128xf32, #tpu.memory_space<hbm>>) target(%dma_start3A_974 : memref<32x128xf32, #tpu.memory_space<vmem>>) target_semaphore(%arg14 : memref<!tpu.dma_semaphore, #tpu.memory_space<semaphore_mem>>)
      %slice3A_977 = vector.extract_strided_slice %get3A_274 {offsets = [5], sizes = [1], strides = [1]} : vector<16xi32> to vector<1xi32>
      %squeeze3A_978 = vector.extract %slice3A_977[0] : i32 from vector<1xi32>
      %shift_right_arithmetic3A_979 = arith.constant 7 : i32
      %shift_right_arithmetic3A_980 = arith.shrsi %squeeze3A_978, %shift_right_arithmetic3A_979 : i32
      %min3A_981 = arith.constant 7812 : i32
      %min3A_982 = arith.minsi %shift_right_arithmetic3A_980, %min3A_981 : i32
      %max3A_983 = arith.constant 0 : i32
      %max3A_984 = arith.maxsi %min3A_982, %max3A_983 : i32
      %mul3A_985 = arith.constant 128 : i32
      %mul3A_986 = arith.muli %max3A_984, %mul3A_985 : i32
      %multiple_of3A_987 = tpu.assume_multiple %mul3A_986, 128 : i32
      %dma_start3A_988 = arith.constant 160 : i32
      %dma_start3A_989 = arith.constant 0 : i32
      %dma_start3A_990 = tpu.memref_slice %arg11[%dma_start3A_988, %dma_start3A_989] : memref<256x128xf32, #tpu.memory_space<vmem>> -> memref<32x128xf32, #tpu.memory_space<vmem>>
      %dma_start3A_991 = arith.constant 0 : i32
      %dma_start3A_992 = tpu.memref_slice %arg4[%dma_start3A_991, %multiple_of3A_987] : memref<32x1000000xf32, #tpu.memory_space<hbm>> -> memref<32x128xf32, #tpu.memory_space<hbm>>
      %dma_start3A_993 = arith.constant 160 : i32
      %dma_start3A_994 = arith.constant 0 : i32
      %dma_start3A_995 = tpu.memref_slice %arg11[%dma_start3A_993, %dma_start3A_994] : memref<256x128xf32, #tpu.memory_space<vmem>> -> memref<32x128xf32, #tpu.memory_space<vmem>>
      %dma_start3A_996 = arith.constant 0 : i32
      %dma_start3A_997 = tpu.memref_slice %arg4[%dma_start3A_996, %multiple_of3A_987] : memref<32x1000000xf32, #tpu.memory_space<hbm>> -> memref<32x128xf32, #tpu.memory_space<hbm>>
      tpu.enqueue_dma source(%dma_start3A_997 : memref<32x128xf32, #tpu.memory_space<hbm>>) target(%dma_start3A_995 : memref<32x128xf32, #tpu.memory_space<vmem>>) target_semaphore(%arg14 : memref<!tpu.dma_semaphore, #tpu.memory_space<semaphore_mem>>)
      %slice3A_998 = vector.extract_strided_slice %get3A_274 {offsets = [6], sizes = [1], strides = [1]} : vector<16xi32> to vector<1xi32>
      %squeeze3A_999 = vector.extract %slice3A_998[0] : i32 from vector<1xi32>
      %shift_right_arithmetic3A_1000 = arith.constant 7 : i32
      %shift_right_arithmetic3A_1001 = arith.shrsi %squeeze3A_999, %shift_right_arithmetic3A_1000 : i32
      %min3A_1002 = arith.constant 7812 : i32
      %min3A_1003 = arith.minsi %shift_right_arithmetic3A_1001, %min3A_1002 : i32
      %max3A_1004 = arith.constant 0 : i32
      %max3A_1005 = arith.maxsi %min3A_1003, %max3A_1004 : i32
      %mul3A_1006 = arith.constant 128 : i32
      %mul3A_1007 = arith.muli %max3A_1005, %mul3A_1006 : i32
      %multiple_of3A_1008 = tpu.assume_multiple %mul3A_1007, 128 : i32
      %dma_start3A_1009 = arith.constant 192 : i32
      %dma_start3A_1010 = arith.constant 0 : i32
      %dma_start3A_1011 = tpu.memref_slice %arg11[%dma_start3A_1009, %dma_start3A_1010] : memref<256x128xf32, #tpu.memory_space<vmem>> -> memref<32x128xf32, #tpu.memory_space<vmem>>
      %dma_start3A_1012 = arith.constant 0 : i32
      %dma_start3A_1013 = tpu.memref_slice %arg4[%dma_start3A_1012, %multiple_of3A_1008] : memref<32x1000000xf32, #tpu.memory_space<hbm>> -> memref<32x128xf32, #tpu.memory_space<hbm>>
      %dma_start3A_1014 = arith.constant 192 : i32
      %dma_start3A_1015 = arith.constant 0 : i32
      %dma_start3A_1016 = tpu.memref_slice %arg11[%dma_start3A_1014, %dma_start3A_1015] : memref<256x128xf32, #tpu.memory_space<vmem>> -> memref<32x128xf32, #tpu.memory_space<vmem>>
      %dma_start3A_1017 = arith.constant 0 : i32
      %dma_start3A_1018 = tpu.memref_slice %arg4[%dma_start3A_1017, %multiple_of3A_1008] : memref<32x1000000xf32, #tpu.memory_space<hbm>> -> memref<32x128xf32, #tpu.memory_space<hbm>>
      tpu.enqueue_dma source(%dma_start3A_1018 : memref<32x128xf32, #tpu.memory_space<hbm>>) target(%dma_start3A_1016 : memref<32x128xf32, #tpu.memory_space<vmem>>) target_semaphore(%arg14 : memref<!tpu.dma_semaphore, #tpu.memory_space<semaphore_mem>>)
      %slice3A_1019 = vector.extract_strided_slice %get3A_274 {offsets = [7], sizes = [1], strides = [1]} : vector<16xi32> to vector<1xi32>
      %squeeze3A_1020 = vector.extract %slice3A_1019[0] : i32 from vector<1xi32>
      %shift_right_arithmetic3A_1021 = arith.constant 7 : i32
      %shift_right_arithmetic3A_1022 = arith.shrsi %squeeze3A_1020, %shift_right_arithmetic3A_1021 : i32
      %min3A_1023 = arith.constant 7812 : i32
      %min3A_1024 = arith.minsi %shift_right_arithmetic3A_1022, %min3A_1023 : i32
      %max3A_1025 = arith.constant 0 : i32
      %max3A_1026 = arith.maxsi %min3A_1024, %max3A_1025 : i32
      %mul3A_1027 = arith.constant 128 : i32
      %mul3A_1028 = arith.muli %max3A_1026, %mul3A_1027 : i32
      %multiple_of3A_1029 = tpu.assume_multiple %mul3A_1028, 128 : i32
      %dma_start3A_1030 = arith.constant 224 : i32
      %dma_start3A_1031 = arith.constant 0 : i32
      %dma_start3A_1032 = tpu.memref_slice %arg11[%dma_start3A_1030, %dma_start3A_1031] : memref<256x128xf32, #tpu.memory_space<vmem>> -> memref<32x128xf32, #tpu.memory_space<vmem>>
      %dma_start3A_1033 = arith.constant 0 : i32
      %dma_start3A_1034 = tpu.memref_slice %arg4[%dma_start3A_1033, %multiple_of3A_1029] : memref<32x1000000xf32, #tpu.memory_space<hbm>> -> memref<32x128xf32, #tpu.memory_space<hbm>>
      %dma_start3A_1035 = arith.constant 224 : i32
      %dma_start3A_1036 = arith.constant 0 : i32
      %dma_start3A_1037 = tpu.memref_slice %arg11[%dma_start3A_1035, %dma_start3A_1036] : memref<256x128xf32, #tpu.memory_space<vmem>> -> memref<32x128xf32, #tpu.memory_space<vmem>>
      %dma_start3A_1038 = arith.constant 0 : i32
      %dma_start3A_1039 = tpu.memref_slice %arg4[%dma_start3A_1038, %multiple_of3A_1029] : memref<32x1000000xf32, #tpu.memory_space<hbm>> -> memref<32x128xf32, #tpu.memory_space<hbm>>
      tpu.enqueue_dma source(%dma_start3A_1039 : memref<32x128xf32, #tpu.memory_space<hbm>>) target(%dma_start3A_1037 : memref<32x128xf32, #tpu.memory_space<vmem>>) target_semaphore(%arg14 : memref<!tpu.dma_semaphore, #tpu.memory_space<semaphore_mem>>)
      %dma_wait3A_1040 = arith.constant 0 : i32
      %dma_wait3A_1041 = arith.constant 0 : i32
      %dma_wait3A_1042 = tpu.memref_slice %arg12[%dma_wait3A_1040, %dma_wait3A_1041] : memref<256x128xf32, #tpu.memory_space<vmem>> -> memref<32x128xf32, #tpu.memory_space<vmem>>
      %dma_wait3A_1043 = arith.constant 0 : i32
      %dma_wait3A_1044 = arith.constant 0 : i32
      %dma_wait3A_1045 = tpu.memref_slice %arg2[%dma_wait3A_1043, %dma_wait3A_1044] : memref<32x1000000xf32, #tpu.memory_space<hbm>> -> memref<32x128xf32, #tpu.memory_space<hbm>>
      %dma_wait3A_1046 = arith.constant 0 : i32
      %dma_wait3A_1047 = arith.constant 0 : i32
      %dma_wait3A_1048 = tpu.memref_slice %arg12[%dma_wait3A_1046, %dma_wait3A_1047] : memref<256x128xf32, #tpu.memory_space<vmem>> -> memref<32x128xf32, #tpu.memory_space<vmem>>
      %dma_wait3A_1049 = arith.constant 0 : i32
      %dma_wait3A_1050 = arith.constant 0 : i32
      %dma_wait3A_1051 = tpu.memref_slice %arg2[%dma_wait3A_1049, %dma_wait3A_1050] : memref<32x1000000xf32, #tpu.memory_space<hbm>> -> memref<32x128xf32, #tpu.memory_space<hbm>>
      tpu.wait_dma2 semaphore(%arg15 : memref<!tpu.dma_semaphore, #tpu.memory_space<semaphore_mem>>) src(%dma_wait3A_1051 : memref<32x128xf32, #tpu.memory_space<hbm>>) dst(%dma_wait3A_1048 : memref<32x128xf32, #tpu.memory_space<vmem>>)
      %dma_wait3A_1052 = arith.constant 32 : i32
      %dma_wait3A_1053 = arith.constant 0 : i32
      %dma_wait3A_1054 = tpu.memref_slice %arg12[%dma_wait3A_1052, %dma_wait3A_1053] : memref<256x128xf32, #tpu.memory_space<vmem>> -> memref<32x128xf32, #tpu.memory_space<vmem>>
      %dma_wait3A_1055 = arith.constant 0 : i32
      %dma_wait3A_1056 = arith.constant 0 : i32
      %dma_wait3A_1057 = tpu.memref_slice %arg2[%dma_wait3A_1055, %dma_wait3A_1056] : memref<32x1000000xf32, #tpu.memory_space<hbm>> -> memref<32x128xf32, #tpu.memory_space<hbm>>
      %dma_wait3A_1058 = arith.constant 32 : i32
      %dma_wait3A_1059 = arith.constant 0 : i32
      %dma_wait3A_1060 = tpu.memref_slice %arg12[%dma_wait3A_1058, %dma_wait3A_1059] : memref<256x128xf32, #tpu.memory_space<vmem>> -> memref<32x128xf32, #tpu.memory_space<vmem>>
      %dma_wait3A_1061 = arith.constant 0 : i32
      %dma_wait3A_1062 = arith.constant 0 : i32
      %dma_wait3A_1063 = tpu.memref_slice %arg2[%dma_wait3A_1061, %dma_wait3A_1062] : memref<32x1000000xf32, #tpu.memory_space<hbm>> -> memref<32x128xf32, #tpu.memory_space<hbm>>
      tpu.wait_dma2 semaphore(%arg15 : memref<!tpu.dma_semaphore, #tpu.memory_space<semaphore_mem>>) src(%dma_wait3A_1063 : memref<32x128xf32, #tpu.memory_space<hbm>>) dst(%dma_wait3A_1060 : memref<32x128xf32, #tpu.memory_space<vmem>>)
      %dma_wait3A_1064 = arith.constant 64 : i32
      %dma_wait3A_1065 = arith.constant 0 : i32
      %dma_wait3A_1066 = tpu.memref_slice %arg12[%dma_wait3A_1064, %dma_wait3A_1065] : memref<256x128xf32, #tpu.memory_space<vmem>> -> memref<32x128xf32, #tpu.memory_space<vmem>>
      %dma_wait3A_1067 = arith.constant 0 : i32
      %dma_wait3A_1068 = arith.constant 0 : i32
      %dma_wait3A_1069 = tpu.memref_slice %arg2[%dma_wait3A_1067, %dma_wait3A_1068] : memref<32x1000000xf32, #tpu.memory_space<hbm>> -> memref<32x128xf32, #tpu.memory_space<hbm>>
      %dma_wait3A_1070 = arith.constant 64 : i32
      %dma_wait3A_1071 = arith.constant 0 : i32
      %dma_wait3A_1072 = tpu.memref_slice %arg12[%dma_wait3A_1070, %dma_wait3A_1071] : memref<256x128xf32, #tpu.memory_space<vmem>> -> memref<32x128xf32, #tpu.memory_space<vmem>>
      %dma_wait3A_1073 = arith.constant 0 : i32
      %dma_wait3A_1074 = arith.constant 0 : i32
      %dma_wait3A_1075 = tpu.memref_slice %arg2[%dma_wait3A_1073, %dma_wait3A_1074] : memref<32x1000000xf32, #tpu.memory_space<hbm>> -> memref<32x128xf32, #tpu.memory_space<hbm>>
      tpu.wait_dma2 semaphore(%arg15 : memref<!tpu.dma_semaphore, #tpu.memory_space<semaphore_mem>>) src(%dma_wait3A_1075 : memref<32x128xf32, #tpu.memory_space<hbm>>) dst(%dma_wait3A_1072 : memref<32x128xf32, #tpu.memory_space<vmem>>)
      %dma_wait3A_1076 = arith.constant 96 : i32
      %dma_wait3A_1077 = arith.constant 0 : i32
      %dma_wait3A_1078 = tpu.memref_slice %arg12[%dma_wait3A_1076, %dma_wait3A_1077] : memref<256x128xf32, #tpu.memory_space<vmem>> -> memref<32x128xf32, #tpu.memory_space<vmem>>
      %dma_wait3A_1079 = arith.constant 0 : i32
      %dma_wait3A_1080 = arith.constant 0 : i32
      %dma_wait3A_1081 = tpu.memref_slice %arg2[%dma_wait3A_1079, %dma_wait3A_1080] : memref<32x1000000xf32, #tpu.memory_space<hbm>> -> memref<32x128xf32, #tpu.memory_space<hbm>>
      %dma_wait3A_1082 = arith.constant 96 : i32
      %dma_wait3A_1083 = arith.constant 0 : i32
      %dma_wait3A_1084 = tpu.memref_slice %arg12[%dma_wait3A_1082, %dma_wait3A_1083] : memref<256x128xf32, #tpu.memory_space<vmem>> -> memref<32x128xf32, #tpu.memory_space<vmem>>
      %dma_wait3A_1085 = arith.constant 0 : i32
      %dma_wait3A_1086 = arith.constant 0 : i32
      %dma_wait3A_1087 = tpu.memref_slice %arg2[%dma_wait3A_1085, %dma_wait3A_1086] : memref<32x1000000xf32, #tpu.memory_space<hbm>> -> memref<32x128xf32, #tpu.memory_space<hbm>>
      tpu.wait_dma2 semaphore(%arg15 : memref<!tpu.dma_semaphore, #tpu.memory_space<semaphore_mem>>) src(%dma_wait3A_1087 : memref<32x128xf32, #tpu.memory_space<hbm>>) dst(%dma_wait3A_1084 : memref<32x128xf32, #tpu.memory_space<vmem>>)
      %dma_wait3A_1088 = arith.constant 128 : i32
      %dma_wait3A_1089 = arith.constant 0 : i32
      %dma_wait3A_1090 = tpu.memref_slice %arg12[%dma_wait3A_1088, %dma_wait3A_1089] : memref<256x128xf32, #tpu.memory_space<vmem>> -> memref<32x128xf32, #tpu.memory_space<vmem>>
      %dma_wait3A_1091 = arith.constant 0 : i32
      %dma_wait3A_1092 = arith.constant 0 : i32
      %dma_wait3A_1093 = tpu.memref_slice %arg2[%dma_wait3A_1091, %dma_wait3A_1092] : memref<32x1000000xf32, #tpu.memory_space<hbm>> -> memref<32x128xf32, #tpu.memory_space<hbm>>
      %dma_wait3A_1094 = arith.constant 128 : i32
      %dma_wait3A_1095 = arith.constant 0 : i32
      %dma_wait3A_1096 = tpu.memref_slice %arg12[%dma_wait3A_1094, %dma_wait3A_1095] : memref<256x128xf32, #tpu.memory_space<vmem>> -> memref<32x128xf32, #tpu.memory_space<vmem>>
      %dma_wait3A_1097 = arith.constant 0 : i32
      %dma_wait3A_1098 = arith.constant 0 : i32
      %dma_wait3A_1099 = tpu.memref_slice %arg2[%dma_wait3A_1097, %dma_wait3A_1098] : memref<32x1000000xf32, #tpu.memory_space<hbm>> -> memref<32x128xf32, #tpu.memory_space<hbm>>
      tpu.wait_dma2 semaphore(%arg15 : memref<!tpu.dma_semaphore, #tpu.memory_space<semaphore_mem>>) src(%dma_wait3A_1099 : memref<32x128xf32, #tpu.memory_space<hbm>>) dst(%dma_wait3A_1096 : memref<32x128xf32, #tpu.memory_space<vmem>>)
      %dma_wait3A_1100 = arith.constant 160 : i32
      %dma_wait3A_1101 = arith.constant 0 : i32
      %dma_wait3A_1102 = tpu.memref_slice %arg12[%dma_wait3A_1100, %dma_wait3A_1101] : memref<256x128xf32, #tpu.memory_space<vmem>> -> memref<32x128xf32, #tpu.memory_space<vmem>>
      %dma_wait3A_1103 = arith.constant 0 : i32
      %dma_wait3A_1104 = arith.constant 0 : i32
      %dma_wait3A_1105 = tpu.memref_slice %arg2[%dma_wait3A_1103, %dma_wait3A_1104] : memref<32x1000000xf32, #tpu.memory_space<hbm>> -> memref<32x128xf32, #tpu.memory_space<hbm>>
      %dma_wait3A_1106 = arith.constant 160 : i32
      %dma_wait3A_1107 = arith.constant 0 : i32
      %dma_wait3A_1108 = tpu.memref_slice %arg12[%dma_wait3A_1106, %dma_wait3A_1107] : memref<256x128xf32, #tpu.memory_space<vmem>> -> memref<32x128xf32, #tpu.memory_space<vmem>>
      %dma_wait3A_1109 = arith.constant 0 : i32
      %dma_wait3A_1110 = arith.constant 0 : i32
      %dma_wait3A_1111 = tpu.memref_slice %arg2[%dma_wait3A_1109, %dma_wait3A_1110] : memref<32x1000000xf32, #tpu.memory_space<hbm>> -> memref<32x128xf32, #tpu.memory_space<hbm>>
      tpu.wait_dma2 semaphore(%arg15 : memref<!tpu.dma_semaphore, #tpu.memory_space<semaphore_mem>>) src(%dma_wait3A_1111 : memref<32x128xf32, #tpu.memory_space<hbm>>) dst(%dma_wait3A_1108 : memref<32x128xf32, #tpu.memory_space<vmem>>)
      %dma_wait3A_1112 = arith.constant 192 : i32
      %dma_wait3A_1113 = arith.constant 0 : i32
      %dma_wait3A_1114 = tpu.memref_slice %arg12[%dma_wait3A_1112, %dma_wait3A_1113] : memref<256x128xf32, #tpu.memory_space<vmem>> -> memref<32x128xf32, #tpu.memory_space<vmem>>
      %dma_wait3A_1115 = arith.constant 0 : i32
      %dma_wait3A_1116 = arith.constant 0 : i32
      %dma_wait3A_1117 = tpu.memref_slice %arg2[%dma_wait3A_1115, %dma_wait3A_1116] : memref<32x1000000xf32, #tpu.memory_space<hbm>> -> memref<32x128xf32, #tpu.memory_space<hbm>>
      %dma_wait3A_1118 = arith.constant 192 : i32
      %dma_wait3A_1119 = arith.constant 0 : i32
      %dma_wait3A_1120 = tpu.memref_slice %arg12[%dma_wait3A_1118, %dma_wait3A_1119] : memref<256x128xf32, #tpu.memory_space<vmem>> -> memref<32x128xf32, #tpu.memory_space<vmem>>
      %dma_wait3A_1121 = arith.constant 0 : i32
      %dma_wait3A_1122 = arith.constant 0 : i32
      %dma_wait3A_1123 = tpu.memref_slice %arg2[%dma_wait3A_1121, %dma_wait3A_1122] : memref<32x1000000xf32, #tpu.memory_space<hbm>> -> memref<32x128xf32, #tpu.memory_space<hbm>>
      tpu.wait_dma2 semaphore(%arg15 : memref<!tpu.dma_semaphore, #tpu.memory_space<semaphore_mem>>) src(%dma_wait3A_1123 : memref<32x128xf32, #tpu.memory_space<hbm>>) dst(%dma_wait3A_1120 : memref<32x128xf32, #tpu.memory_space<vmem>>)
      %dma_wait3A_1124 = arith.constant 224 : i32
      %dma_wait3A_1125 = arith.constant 0 : i32
      %dma_wait3A_1126 = tpu.memref_slice %arg12[%dma_wait3A_1124, %dma_wait3A_1125] : memref<256x128xf32, #tpu.memory_space<vmem>> -> memref<32x128xf32, #tpu.memory_space<vmem>>
      %dma_wait3A_1127 = arith.constant 0 : i32
      %dma_wait3A_1128 = arith.constant 0 : i32
      %dma_wait3A_1129 = tpu.memref_slice %arg2[%dma_wait3A_1127, %dma_wait3A_1128] : memref<32x1000000xf32, #tpu.memory_space<hbm>> -> memref<32x128xf32, #tpu.memory_space<hbm>>
      %dma_wait3A_1130 = arith.constant 224 : i32
      %dma_wait3A_1131 = arith.constant 0 : i32
      %dma_wait3A_1132 = tpu.memref_slice %arg12[%dma_wait3A_1130, %dma_wait3A_1131] : memref<256x128xf32, #tpu.memory_space<vmem>> -> memref<32x128xf32, #tpu.memory_space<vmem>>
      %dma_wait3A_1133 = arith.constant 0 : i32
      %dma_wait3A_1134 = arith.constant 0 : i32
      %dma_wait3A_1135 = tpu.memref_slice %arg2[%dma_wait3A_1133, %dma_wait3A_1134] : memref<32x1000000xf32, #tpu.memory_space<hbm>> -> memref<32x128xf32, #tpu.memory_space<hbm>>
      tpu.wait_dma2 semaphore(%arg15 : memref<!tpu.dma_semaphore, #tpu.memory_space<semaphore_mem>>) src(%dma_wait3A_1135 : memref<32x128xf32, #tpu.memory_space<hbm>>) dst(%dma_wait3A_1132 : memref<32x128xf32, #tpu.memory_space<vmem>>)
      %broadcast_in_dim3A_1136 = arith.constant 0 : i32
      %broadcast_in_dim3A_1137 = vector.broadcast %broadcast_in_dim3A_1136 : i32 to vector<16xi32>
      %mul3A_1138 = arith.constant 32 : i32
      %mul3A_1139 = vector.broadcast %mul3A_1138 : i32 to vector<16xi32>
      %mul3A_1140 = arith.muli %min3A_4, %mul3A_1139 : vector<16xi32>
      %add3A_1141 = arith.addi %mul3A_1140, %broadcast_in_dim3A_1137 : vector<16xi32>
      %gather3A_1142 = tpu.vector_load_idx %arg12[%add3A_1141, %and3A_289] : memref<256x128xf32, #tpu.memory_space<vmem>>[vector<16xi32>, vector<16xi32>], vector<16xf32>,
      %add3A_1143 = arith.constant 32 : i32
      %add3A_1144 = vector.broadcast %add3A_1143 : i32 to vector<16xi32>
      %add3A_1145 = arith.addi %broadcast_in_dim3A_1137, %add3A_1144 : vector<16xi32>
      tpu.vector_store_idx %arg13[%iota3A, %add3A_1145], %gather3A_1142 masked %lt3A_6 : memref<16x128xf32, #tpu.memory_space<vmem>>[vector<16xi32>, vector<16xi32>], vector<16xf32>, vector<16xi1>
      %broadcast_in_dim3A_1146 = arith.constant 1 : i32
      %broadcast_in_dim3A_1147 = vector.broadcast %broadcast_in_dim3A_1146 : i32 to vector<16xi32>
      %mul3A_1148 = arith.constant 32 : i32
      %mul3A_1149 = vector.broadcast %mul3A_1148 : i32 to vector<16xi32>
      %mul3A_1150 = arith.muli %min3A_4, %mul3A_1149 : vector<16xi32>
      %add3A_1151 = arith.addi %mul3A_1150, %broadcast_in_dim3A_1147 : vector<16xi32>
      %gather3A_1152 = tpu.vector_load_idx %arg12[%add3A_1151, %and3A_289] : memref<256x128xf32, #tpu.memory_space<vmem>>[vector<16xi32>, vector<16xi32>], vector<16xf32>,
      %add3A_1153 = arith.constant 32 : i32
      %add3A_1154 = vector.broadcast %add3A_1153 : i32 to vector<16xi32>
      %add3A_1155 = arith.addi %broadcast_in_dim3A_1147, %add3A_1154 : vector<16xi32>
      tpu.vector_store_idx %arg13[%iota3A, %add3A_1155], %gather3A_1152 masked %lt3A_6 : memref<16x128xf32, #tpu.memory_space<vmem>>[vector<16xi32>, vector<16xi32>], vector<16xf32>, vector<16xi1>
      %broadcast_in_dim3A_1156 = arith.constant 2 : i32
      %broadcast_in_dim3A_1157 = vector.broadcast %broadcast_in_dim3A_1156 : i32 to vector<16xi32>
      %mul3A_1158 = arith.constant 32 : i32
      %mul3A_1159 = vector.broadcast %mul3A_1158 : i32 to vector<16xi32>
      %mul3A_1160 = arith.muli %min3A_4, %mul3A_1159 : vector<16xi32>
      %add3A_1161 = arith.addi %mul3A_1160, %broadcast_in_dim3A_1157 : vector<16xi32>
      %gather3A_1162 = tpu.vector_load_idx %arg12[%add3A_1161, %and3A_289] : memref<256x128xf32, #tpu.memory_space<vmem>>[vector<16xi32>, vector<16xi32>], vector<16xf32>,
      %add3A_1163 = arith.constant 32 : i32
      %add3A_1164 = vector.broadcast %add3A_1163 : i32 to vector<16xi32>
      %add3A_1165 = arith.addi %broadcast_in_dim3A_1157, %add3A_1164 : vector<16xi32>
      tpu.vector_store_idx %arg13[%iota3A, %add3A_1165], %gather3A_1162 masked %lt3A_6 : memref<16x128xf32, #tpu.memory_space<vmem>>[vector<16xi32>, vector<16xi32>], vector<16xf32>, vector<16xi1>
      %broadcast_in_dim3A_1166 = arith.constant 3 : i32
      %broadcast_in_dim3A_1167 = vector.broadcast %broadcast_in_dim3A_1166 : i32 to vector<16xi32>
      %mul3A_1168 = arith.constant 32 : i32
      %mul3A_1169 = vector.broadcast %mul3A_1168 : i32 to vector<16xi32>
      %mul3A_1170 = arith.muli %min3A_4, %mul3A_1169 : vector<16xi32>
      %add3A_1171 = arith.addi %mul3A_1170, %broadcast_in_dim3A_1167 : vector<16xi32>
      %gather3A_1172 = tpu.vector_load_idx %arg12[%add3A_1171, %and3A_289] : memref<256x128xf32, #tpu.memory_space<vmem>>[vector<16xi32>, vector<16xi32>], vector<16xf32>,
      %add3A_1173 = arith.constant 32 : i32
      %add3A_1174 = vector.broadcast %add3A_1173 : i32 to vector<16xi32>
      %add3A_1175 = arith.addi %broadcast_in_dim3A_1167, %add3A_1174 : vector<16xi32>
      tpu.vector_store_idx %arg13[%iota3A, %add3A_1175], %gather3A_1172 masked %lt3A_6 : memref<16x128xf32, #tpu.memory_space<vmem>>[vector<16xi32>, vector<16xi32>], vector<16xf32>, vector<16xi1>
      %broadcast_in_dim3A_1176 = arith.constant 4 : i32
      %broadcast_in_dim3A_1177 = vector.broadcast %broadcast_in_dim3A_1176 : i32 to vector<16xi32>
      %mul3A_1178 = arith.constant 32 : i32
      %mul3A_1179 = vector.broadcast %mul3A_1178 : i32 to vector<16xi32>
      %mul3A_1180 = arith.muli %min3A_4, %mul3A_1179 : vector<16xi32>
      %add3A_1181 = arith.addi %mul3A_1180, %broadcast_in_dim3A_1177 : vector<16xi32>
      %gather3A_1182 = tpu.vector_load_idx %arg12[%add3A_1181, %and3A_289] : memref<256x128xf32, #tpu.memory_space<vmem>>[vector<16xi32>, vector<16xi32>], vector<16xf32>,
      %add3A_1183 = arith.constant 32 : i32
      %add3A_1184 = vector.broadcast %add3A_1183 : i32 to vector<16xi32>
      %add3A_1185 = arith.addi %broadcast_in_dim3A_1177, %add3A_1184 : vector<16xi32>
      tpu.vector_store_idx %arg13[%iota3A, %add3A_1185], %gather3A_1182 masked %lt3A_6 : memref<16x128xf32, #tpu.memory_space<vmem>>[vector<16xi32>, vector<16xi32>], vector<16xf32>, vector<16xi1>
      %broadcast_in_dim3A_1186 = arith.constant 5 : i32
      %broadcast_in_dim3A_1187 = vector.broadcast %broadcast_in_dim3A_1186 : i32 to vector<16xi32>
      %mul3A_1188 = arith.constant 32 : i32
      %mul3A_1189 = vector.broadcast %mul3A_1188 : i32 to vector<16xi32>
      %mul3A_1190 = arith.muli %min3A_4, %mul3A_1189 : vector<16xi32>
      %add3A_1191 = arith.addi %mul3A_1190, %broadcast_in_dim3A_1187 : vector<16xi32>
      %gather3A_1192 = tpu.vector_load_idx %arg12[%add3A_1191, %and3A_289] : memref<256x128xf32, #tpu.memory_space<vmem>>[vector<16xi32>, vector<16xi32>], vector<16xf32>,
      %add3A_1193 = arith.constant 32 : i32
      %add3A_1194 = vector.broadcast %add3A_1193 : i32 to vector<16xi32>
      %add3A_1195 = arith.addi %broadcast_in_dim3A_1187, %add3A_1194 : vector<16xi32>
      tpu.vector_store_idx %arg13[%iota3A, %add3A_1195], %gather3A_1192 masked %lt3A_6 : memref<16x128xf32, #tpu.memory_space<vmem>>[vector<16xi32>, vector<16xi32>], vector<16xf32>, vector<16xi1>
      %broadcast_in_dim3A_1196 = arith.constant 6 : i32
      %broadcast_in_dim3A_1197 = vector.broadcast %broadcast_in_dim3A_1196 : i32 to vector<16xi32>
      %mul3A_1198 = arith.constant 32 : i32
      %mul3A_1199 = vector.broadcast %mul3A_1198 : i32 to vector<16xi32>
      %mul3A_1200 = arith.muli %min3A_4, %mul3A_1199 : vector<16xi32>
      %add3A_1201 = arith.addi %mul3A_1200, %broadcast_in_dim3A_1197 : vector<16xi32>
      %gather3A_1202 = tpu.vector_load_idx %arg12[%add3A_1201, %and3A_289] : memref<256x128xf32, #tpu.memory_space<vmem>>[vector<16xi32>, vector<16xi32>], vector<16xf32>,
      %add3A_1203 = arith.constant 32 : i32
      %add3A_1204 = vector.broadcast %add3A_1203 : i32 to vector<16xi32>
      %add3A_1205 = arith.addi %broadcast_in_dim3A_1197, %add3A_1204 : vector<16xi32>
      tpu.vector_store_idx %arg13[%iota3A, %add3A_1205], %gather3A_1202 masked %lt3A_6 : memref<16x128xf32, #tpu.memory_space<vmem>>[vector<16xi32>, vector<16xi32>], vector<16xf32>, vector<16xi1>
      %broadcast_in_dim3A_1206 = arith.constant 7 : i32
      %broadcast_in_dim3A_1207 = vector.broadcast %broadcast_in_dim3A_1206 : i32 to vector<16xi32>
      %mul3A_1208 = arith.constant 32 : i32
      %mul3A_1209 = vector.broadcast %mul3A_1208 : i32 to vector<16xi32>
      %mul3A_1210 = arith.muli %min3A_4, %mul3A_1209 : vector<16xi32>
      %add3A_1211 = arith.addi %mul3A_1210, %broadcast_in_dim3A_1207 : vector<16xi32>
      %gather3A_1212 = tpu.vector_load_idx %arg12[%add3A_1211, %and3A_289] : memref<256x128xf32, #tpu.memory_space<vmem>>[vector<16xi32>, vector<16xi32>], vector<16xf32>,
      %add3A_1213 = arith.constant 32 : i32
      %add3A_1214 = vector.broadcast %add3A_1213 : i32 to vector<16xi32>
      %add3A_1215 = arith.addi %broadcast_in_dim3A_1207, %add3A_1214 : vector<16xi32>
      tpu.vector_store_idx %arg13[%iota3A, %add3A_1215], %gather3A_1212 masked %lt3A_6 : memref<16x128xf32, #tpu.memory_space<vmem>>[vector<16xi32>, vector<16xi32>], vector<16xf32>, vector<16xi1>
      %broadcast_in_dim3A_1216 = arith.constant 8 : i32
      %broadcast_in_dim3A_1217 = vector.broadcast %broadcast_in_dim3A_1216 : i32 to vector<16xi32>
      %mul3A_1218 = arith.constant 32 : i32
      %mul3A_1219 = vector.broadcast %mul3A_1218 : i32 to vector<16xi32>
      %mul3A_1220 = arith.muli %min3A_4, %mul3A_1219 : vector<16xi32>
      %add3A_1221 = arith.addi %mul3A_1220, %broadcast_in_dim3A_1217 : vector<16xi32>
      %gather3A_1222 = tpu.vector_load_idx %arg12[%add3A_1221, %and3A_289] : memref<256x128xf32, #tpu.memory_space<vmem>>[vector<16xi32>, vector<16xi32>], vector<16xf32>,
      %add3A_1223 = arith.constant 32 : i32
      %add3A_1224 = vector.broadcast %add3A_1223 : i32 to vector<16xi32>
      %add3A_1225 = arith.addi %broadcast_in_dim3A_1217, %add3A_1224 : vector<16xi32>
      tpu.vector_store_idx %arg13[%iota3A, %add3A_1225], %gather3A_1222 masked %lt3A_6 : memref<16x128xf32, #tpu.memory_space<vmem>>[vector<16xi32>, vector<16xi32>], vector<16xf32>, vector<16xi1>
      %broadcast_in_dim3A_1226 = arith.constant 9 : i32
      %broadcast_in_dim3A_1227 = vector.broadcast %broadcast_in_dim3A_1226 : i32 to vector<16xi32>
      %mul3A_1228 = arith.constant 32 : i32
      %mul3A_1229 = vector.broadcast %mul3A_1228 : i32 to vector<16xi32>
      %mul3A_1230 = arith.muli %min3A_4, %mul3A_1229 : vector<16xi32>
      %add3A_1231 = arith.addi %mul3A_1230, %broadcast_in_dim3A_1227 : vector<16xi32>
      %gather3A_1232 = tpu.vector_load_idx %arg12[%add3A_1231, %and3A_289] : memref<256x128xf32, #tpu.memory_space<vmem>>[vector<16xi32>, vector<16xi32>], vector<16xf32>,
      %add3A_1233 = arith.constant 32 : i32
      %add3A_1234 = vector.broadcast %add3A_1233 : i32 to vector<16xi32>
      %add3A_1235 = arith.addi %broadcast_in_dim3A_1227, %add3A_1234 : vector<16xi32>
      tpu.vector_store_idx %arg13[%iota3A, %add3A_1235], %gather3A_1232 masked %lt3A_6 : memref<16x128xf32, #tpu.memory_space<vmem>>[vector<16xi32>, vector<16xi32>], vector<16xf32>, vector<16xi1>
      %broadcast_in_dim3A_1236 = arith.constant 10 : i32
      %broadcast_in_dim3A_1237 = vector.broadcast %broadcast_in_dim3A_1236 : i32 to vector<16xi32>
      %mul3A_1238 = arith.constant 32 : i32
      %mul3A_1239 = vector.broadcast %mul3A_1238 : i32 to vector<16xi32>
      %mul3A_1240 = arith.muli %min3A_4, %mul3A_1239 : vector<16xi32>
      %add3A_1241 = arith.addi %mul3A_1240, %broadcast_in_dim3A_1237 : vector<16xi32>
      %gather3A_1242 = tpu.vector_load_idx %arg12[%add3A_1241, %and3A_289] : memref<256x128xf32, #tpu.memory_space<vmem>>[vector<16xi32>, vector<16xi32>], vector<16xf32>,
      %add3A_1243 = arith.constant 32 : i32
      %add3A_1244 = vector.broadcast %add3A_1243 : i32 to vector<16xi32>
      %add3A_1245 = arith.addi %broadcast_in_dim3A_1237, %add3A_1244 : vector<16xi32>
      tpu.vector_store_idx %arg13[%iota3A, %add3A_1245], %gather3A_1242 masked %lt3A_6 : memref<16x128xf32, #tpu.memory_space<vmem>>[vector<16xi32>, vector<16xi32>], vector<16xf32>, vector<16xi1>
      %broadcast_in_dim3A_1246 = arith.constant 11 : i32
      %broadcast_in_dim3A_1247 = vector.broadcast %broadcast_in_dim3A_1246 : i32 to vector<16xi32>
      %mul3A_1248 = arith.constant 32 : i32
      %mul3A_1249 = vector.broadcast %mul3A_1248 : i32 to vector<16xi32>
      %mul3A_1250 = arith.muli %min3A_4, %mul3A_1249 : vector<16xi32>
      %add3A_1251 = arith.addi %mul3A_1250, %broadcast_in_dim3A_1247 : vector<16xi32>
      %gather3A_1252 = tpu.vector_load_idx %arg12[%add3A_1251, %and3A_289] : memref<256x128xf32, #tpu.memory_space<vmem>>[vector<16xi32>, vector<16xi32>], vector<16xf32>,
      %add3A_1253 = arith.constant 32 : i32
      %add3A_1254 = vector.broadcast %add3A_1253 : i32 to vector<16xi32>
      %add3A_1255 = arith.addi %broadcast_in_dim3A_1247, %add3A_1254 : vector<16xi32>
      tpu.vector_store_idx %arg13[%iota3A, %add3A_1255], %gather3A_1252 masked %lt3A_6 : memref<16x128xf32, #tpu.memory_space<vmem>>[vector<16xi32>, vector<16xi32>], vector<16xf32>, vector<16xi1>
      %broadcast_in_dim3A_1256 = arith.constant 12 : i32
      %broadcast_in_dim3A_1257 = vector.broadcast %broadcast_in_dim3A_1256 : i32 to vector<16xi32>
      %mul3A_1258 = arith.constant 32 : i32
      %mul3A_1259 = vector.broadcast %mul3A_1258 : i32 to vector<16xi32>
      %mul3A_1260 = arith.muli %min3A_4, %mul3A_1259 : vector<16xi32>
      %add3A_1261 = arith.addi %mul3A_1260, %broadcast_in_dim3A_1257 : vector<16xi32>
      %gather3A_1262 = tpu.vector_load_idx %arg12[%add3A_1261, %and3A_289] : memref<256x128xf32, #tpu.memory_space<vmem>>[vector<16xi32>, vector<16xi32>], vector<16xf32>,
      %add3A_1263 = arith.constant 32 : i32
      %add3A_1264 = vector.broadcast %add3A_1263 : i32 to vector<16xi32>
      %add3A_1265 = arith.addi %broadcast_in_dim3A_1257, %add3A_1264 : vector<16xi32>
      tpu.vector_store_idx %arg13[%iota3A, %add3A_1265], %gather3A_1262 masked %lt3A_6 : memref<16x128xf32, #tpu.memory_space<vmem>>[vector<16xi32>, vector<16xi32>], vector<16xf32>, vector<16xi1>
      %broadcast_in_dim3A_1266 = arith.constant 13 : i32
      %broadcast_in_dim3A_1267 = vector.broadcast %broadcast_in_dim3A_1266 : i32 to vector<16xi32>
      %mul3A_1268 = arith.constant 32 : i32
      %mul3A_1269 = vector.broadcast %mul3A_1268 : i32 to vector<16xi32>
      %mul3A_1270 = arith.muli %min3A_4, %mul3A_1269 : vector<16xi32>
      %add3A_1271 = arith.addi %mul3A_1270, %broadcast_in_dim3A_1267 : vector<16xi32>
      %gather3A_1272 = tpu.vector_load_idx %arg12[%add3A_1271, %and3A_289] : memref<256x128xf32, #tpu.memory_space<vmem>>[vector<16xi32>, vector<16xi32>], vector<16xf32>,
      %add3A_1273 = arith.constant 32 : i32
      %add3A_1274 = vector.broadcast %add3A_1273 : i32 to vector<16xi32>
      %add3A_1275 = arith.addi %broadcast_in_dim3A_1267, %add3A_1274 : vector<16xi32>
      tpu.vector_store_idx %arg13[%iota3A, %add3A_1275], %gather3A_1272 masked %lt3A_6 : memref<16x128xf32, #tpu.memory_space<vmem>>[vector<16xi32>, vector<16xi32>], vector<16xf32>, vector<16xi1>
      %broadcast_in_dim3A_1276 = arith.constant 14 : i32
      %broadcast_in_dim3A_1277 = vector.broadcast %broadcast_in_dim3A_1276 : i32 to vector<16xi32>
      %mul3A_1278 = arith.constant 32 : i32
      %mul3A_1279 = vector.broadcast %mul3A_1278 : i32 to vector<16xi32>
      %mul3A_1280 = arith.muli %min3A_4, %mul3A_1279 : vector<16xi32>
      %add3A_1281 = arith.addi %mul3A_1280, %broadcast_in_dim3A_1277 : vector<16xi32>
      %gather3A_1282 = tpu.vector_load_idx %arg12[%add3A_1281, %and3A_289] : memref<256x128xf32, #tpu.memory_space<vmem>>[vector<16xi32>, vector<16xi32>], vector<16xf32>,
      %add3A_1283 = arith.constant 32 : i32
      %add3A_1284 = vector.broadcast %add3A_1283 : i32 to vector<16xi32>
      %add3A_1285 = arith.addi %broadcast_in_dim3A_1277, %add3A_1284 : vector<16xi32>
      tpu.vector_store_idx %arg13[%iota3A, %add3A_1285], %gather3A_1282 masked %lt3A_6 : memref<16x128xf32, #tpu.memory_space<vmem>>[vector<16xi32>, vector<16xi32>], vector<16xf32>, vector<16xi1>
      %broadcast_in_dim3A_1286 = arith.constant 15 : i32
      %broadcast_in_dim3A_1287 = vector.broadcast %broadcast_in_dim3A_1286 : i32 to vector<16xi32>
      %mul3A_1288 = arith.constant 32 : i32
      %mul3A_1289 = vector.broadcast %mul3A_1288 : i32 to vector<16xi32>
      %mul3A_1290 = arith.muli %min3A_4, %mul3A_1289 : vector<16xi32>
      %add3A_1291 = arith.addi %mul3A_1290, %broadcast_in_dim3A_1287 : vector<16xi32>
      %gather3A_1292 = tpu.vector_load_idx %arg12[%add3A_1291, %and3A_289] : memref<256x128xf32, #tpu.memory_space<vmem>>[vector<16xi32>, vector<16xi32>], vector<16xf32>,
      %add3A_1293 = arith.constant 32 : i32
      %add3A_1294 = vector.broadcast %add3A_1293 : i32 to vector<16xi32>
      %add3A_1295 = arith.addi %broadcast_in_dim3A_1287, %add3A_1294 : vector<16xi32>
      tpu.vector_store_idx %arg13[%iota3A, %add3A_1295], %gather3A_1292 masked %lt3A_6 : memref<16x128xf32, #tpu.memory_space<vmem>>[vector<16xi32>, vector<16xi32>], vector<16xf32>, vector<16xi1>
      %broadcast_in_dim3A_1296 = arith.constant 16 : i32
      %broadcast_in_dim3A_1297 = vector.broadcast %broadcast_in_dim3A_1296 : i32 to vector<16xi32>
      %mul3A_1298 = arith.constant 32 : i32
      %mul3A_1299 = vector.broadcast %mul3A_1298 : i32 to vector<16xi32>
      %mul3A_1300 = arith.muli %min3A_4, %mul3A_1299 : vector<16xi32>
      %add3A_1301 = arith.addi %mul3A_1300, %broadcast_in_dim3A_1297 : vector<16xi32>
      %gather3A_1302 = tpu.vector_load_idx %arg12[%add3A_1301, %and3A_289] : memref<256x128xf32, #tpu.memory_space<vmem>>[vector<16xi32>, vector<16xi32>], vector<16xf32>,
      %add3A_1303 = arith.constant 32 : i32
      %add3A_1304 = vector.broadcast %add3A_1303 : i32 to vector<16xi32>
      %add3A_1305 = arith.addi %broadcast_in_dim3A_1297, %add3A_1304 : vector<16xi32>
      tpu.vector_store_idx %arg13[%iota3A, %add3A_1305], %gather3A_1302 masked %lt3A_6 : memref<16x128xf32, #tpu.memory_space<vmem>>[vector<16xi32>, vector<16xi32>], vector<16xf32>, vector<16xi1>
      %broadcast_in_dim3A_1306 = arith.constant 17 : i32
      %broadcast_in_dim3A_1307 = vector.broadcast %broadcast_in_dim3A_1306 : i32 to vector<16xi32>
      %mul3A_1308 = arith.constant 32 : i32
      %mul3A_1309 = vector.broadcast %mul3A_1308 : i32 to vector<16xi32>
      %mul3A_1310 = arith.muli %min3A_4, %mul3A_1309 : vector<16xi32>
      %add3A_1311 = arith.addi %mul3A_1310, %broadcast_in_dim3A_1307 : vector<16xi32>
      %gather3A_1312 = tpu.vector_load_idx %arg12[%add3A_1311, %and3A_289] : memref<256x128xf32, #tpu.memory_space<vmem>>[vector<16xi32>, vector<16xi32>], vector<16xf32>,
      %add3A_1313 = arith.constant 32 : i32
      %add3A_1314 = vector.broadcast %add3A_1313 : i32 to vector<16xi32>
      %add3A_1315 = arith.addi %broadcast_in_dim3A_1307, %add3A_1314 : vector<16xi32>
      tpu.vector_store_idx %arg13[%iota3A, %add3A_1315], %gather3A_1312 masked %lt3A_6 : memref<16x128xf32, #tpu.memory_space<vmem>>[vector<16xi32>, vector<16xi32>], vector<16xf32>, vector<16xi1>
      %broadcast_in_dim3A_1316 = arith.constant 18 : i32
      %broadcast_in_dim3A_1317 = vector.broadcast %broadcast_in_dim3A_1316 : i32 to vector<16xi32>
      %mul3A_1318 = arith.constant 32 : i32
      %mul3A_1319 = vector.broadcast %mul3A_1318 : i32 to vector<16xi32>
      %mul3A_1320 = arith.muli %min3A_4, %mul3A_1319 : vector<16xi32>
      %add3A_1321 = arith.addi %mul3A_1320, %broadcast_in_dim3A_1317 : vector<16xi32>
      %gather3A_1322 = tpu.vector_load_idx %arg12[%add3A_1321, %and3A_289] : memref<256x128xf32, #tpu.memory_space<vmem>>[vector<16xi32>, vector<16xi32>], vector<16xf32>,
      %add3A_1323 = arith.constant 32 : i32
      %add3A_1324 = vector.broadcast %add3A_1323 : i32 to vector<16xi32>
      %add3A_1325 = arith.addi %broadcast_in_dim3A_1317, %add3A_1324 : vector<16xi32>
      tpu.vector_store_idx %arg13[%iota3A, %add3A_1325], %gather3A_1322 masked %lt3A_6 : memref<16x128xf32, #tpu.memory_space<vmem>>[vector<16xi32>, vector<16xi32>], vector<16xf32>, vector<16xi1>
      %broadcast_in_dim3A_1326 = arith.constant 19 : i32
      %broadcast_in_dim3A_1327 = vector.broadcast %broadcast_in_dim3A_1326 : i32 to vector<16xi32>
      %mul3A_1328 = arith.constant 32 : i32
      %mul3A_1329 = vector.broadcast %mul3A_1328 : i32 to vector<16xi32>
      %mul3A_1330 = arith.muli %min3A_4, %mul3A_1329 : vector<16xi32>
      %add3A_1331 = arith.addi %mul3A_1330, %broadcast_in_dim3A_1327 : vector<16xi32>
      %gather3A_1332 = tpu.vector_load_idx %arg12[%add3A_1331, %and3A_289] : memref<256x128xf32, #tpu.memory_space<vmem>>[vector<16xi32>, vector<16xi32>], vector<16xf32>,
      %add3A_1333 = arith.constant 32 : i32
      %add3A_1334 = vector.broadcast %add3A_1333 : i32 to vector<16xi32>
      %add3A_1335 = arith.addi %broadcast_in_dim3A_1327, %add3A_1334 : vector<16xi32>
      tpu.vector_store_idx %arg13[%iota3A, %add3A_1335], %gather3A_1332 masked %lt3A_6 : memref<16x128xf32, #tpu.memory_space<vmem>>[vector<16xi32>, vector<16xi32>], vector<16xf32>, vector<16xi1>
      %broadcast_in_dim3A_1336 = arith.constant 20 : i32
      %broadcast_in_dim3A_1337 = vector.broadcast %broadcast_in_dim3A_1336 : i32 to vector<16xi32>
      %mul3A_1338 = arith.constant 32 : i32
      %mul3A_1339 = vector.broadcast %mul3A_1338 : i32 to vector<16xi32>
      %mul3A_1340 = arith.muli %min3A_4, %mul3A_1339 : vector<16xi32>
      %add3A_1341 = arith.addi %mul3A_1340, %broadcast_in_dim3A_1337 : vector<16xi32>
      %gather3A_1342 = tpu.vector_load_idx %arg12[%add3A_1341, %and3A_289] : memref<256x128xf32, #tpu.memory_space<vmem>>[vector<16xi32>, vector<16xi32>], vector<16xf32>,
      %add3A_1343 = arith.constant 32 : i32
      %add3A_1344 = vector.broadcast %add3A_1343 : i32 to vector<16xi32>
      %add3A_1345 = arith.addi %broadcast_in_dim3A_1337, %add3A_1344 : vector<16xi32>
      tpu.vector_store_idx %arg13[%iota3A, %add3A_1345], %gather3A_1342 masked %lt3A_6 : memref<16x128xf32, #tpu.memory_space<vmem>>[vector<16xi32>, vector<16xi32>], vector<16xf32>, vector<16xi1>
      %broadcast_in_dim3A_1346 = arith.constant 21 : i32
      %broadcast_in_dim3A_1347 = vector.broadcast %broadcast_in_dim3A_1346 : i32 to vector<16xi32>
      %mul3A_1348 = arith.constant 32 : i32
      %mul3A_1349 = vector.broadcast %mul3A_1348 : i32 to vector<16xi32>
      %mul3A_1350 = arith.muli %min3A_4, %mul3A_1349 : vector<16xi32>
      %add3A_1351 = arith.addi %mul3A_1350, %broadcast_in_dim3A_1347 : vector<16xi32>
      %gather3A_1352 = tpu.vector_load_idx %arg12[%add3A_1351, %and3A_289] : memref<256x128xf32, #tpu.memory_space<vmem>>[vector<16xi32>, vector<16xi32>], vector<16xf32>,
      %add3A_1353 = arith.constant 32 : i32
      %add3A_1354 = vector.broadcast %add3A_1353 : i32 to vector<16xi32>
      %add3A_1355 = arith.addi %broadcast_in_dim3A_1347, %add3A_1354 : vector<16xi32>
      tpu.vector_store_idx %arg13[%iota3A, %add3A_1355], %gather3A_1352 masked %lt3A_6 : memref<16x128xf32, #tpu.memory_space<vmem>>[vector<16xi32>, vector<16xi32>], vector<16xf32>, vector<16xi1>
      %broadcast_in_dim3A_1356 = arith.constant 22 : i32
      %broadcast_in_dim3A_1357 = vector.broadcast %broadcast_in_dim3A_1356 : i32 to vector<16xi32>
      %mul3A_1358 = arith.constant 32 : i32
      %mul3A_1359 = vector.broadcast %mul3A_1358 : i32 to vector<16xi32>
      %mul3A_1360 = arith.muli %min3A_4, %mul3A_1359 : vector<16xi32>
      %add3A_1361 = arith.addi %mul3A_1360, %broadcast_in_dim3A_1357 : vector<16xi32>
      %gather3A_1362 = tpu.vector_load_idx %arg12[%add3A_1361, %and3A_289] : memref<256x128xf32, #tpu.memory_space<vmem>>[vector<16xi32>, vector<16xi32>], vector<16xf32>,
      %add3A_1363 = arith.constant 32 : i32
      %add3A_1364 = vector.broadcast %add3A_1363 : i32 to vector<16xi32>
      %add3A_1365 = arith.addi %broadcast_in_dim3A_1357, %add3A_1364 : vector<16xi32>
      tpu.vector_store_idx %arg13[%iota3A, %add3A_1365], %gather3A_1362 masked %lt3A_6 : memref<16x128xf32, #tpu.memory_space<vmem>>[vector<16xi32>, vector<16xi32>], vector<16xf32>, vector<16xi1>
      %broadcast_in_dim3A_1366 = arith.constant 23 : i32
      %broadcast_in_dim3A_1367 = vector.broadcast %broadcast_in_dim3A_1366 : i32 to vector<16xi32>
      %mul3A_1368 = arith.constant 32 : i32
      %mul3A_1369 = vector.broadcast %mul3A_1368 : i32 to vector<16xi32>
      %mul3A_1370 = arith.muli %min3A_4, %mul3A_1369 : vector<16xi32>
      %add3A_1371 = arith.addi %mul3A_1370, %broadcast_in_dim3A_1367 : vector<16xi32>
      %gather3A_1372 = tpu.vector_load_idx %arg12[%add3A_1371, %and3A_289] : memref<256x128xf32, #tpu.memory_space<vmem>>[vector<16xi32>, vector<16xi32>], vector<16xf32>,
      %add3A_1373 = arith.constant 32 : i32
      %add3A_1374 = vector.broadcast %add3A_1373 : i32 to vector<16xi32>
      %add3A_1375 = arith.addi %broadcast_in_dim3A_1367, %add3A_1374 : vector<16xi32>
      tpu.vector_store_idx %arg13[%iota3A, %add3A_1375], %gather3A_1372 masked %lt3A_6 : memref<16x128xf32, #tpu.memory_space<vmem>>[vector<16xi32>, vector<16xi32>], vector<16xf32>, vector<16xi1>
      %broadcast_in_dim3A_1376 = arith.constant 24 : i32
      %broadcast_in_dim3A_1377 = vector.broadcast %broadcast_in_dim3A_1376 : i32 to vector<16xi32>
      %mul3A_1378 = arith.constant 32 : i32
      %mul3A_1379 = vector.broadcast %mul3A_1378 : i32 to vector<16xi32>
      %mul3A_1380 = arith.muli %min3A_4, %mul3A_1379 : vector<16xi32>
      %add3A_1381 = arith.addi %mul3A_1380, %broadcast_in_dim3A_1377 : vector<16xi32>
      %gather3A_1382 = tpu.vector_load_idx %arg12[%add3A_1381, %and3A_289] : memref<256x128xf32, #tpu.memory_space<vmem>>[vector<16xi32>, vector<16xi32>], vector<16xf32>,
      %add3A_1383 = arith.constant 32 : i32
      %add3A_1384 = vector.broadcast %add3A_1383 : i32 to vector<16xi32>
      %add3A_1385 = arith.addi %broadcast_in_dim3A_1377, %add3A_1384 : vector<16xi32>
      tpu.vector_store_idx %arg13[%iota3A, %add3A_1385], %gather3A_1382 masked %lt3A_6 : memref<16x128xf32, #tpu.memory_space<vmem>>[vector<16xi32>, vector<16xi32>], vector<16xf32>, vector<16xi1>
      %broadcast_in_dim3A_1386 = arith.constant 25 : i32
      %broadcast_in_dim3A_1387 = vector.broadcast %broadcast_in_dim3A_1386 : i32 to vector<16xi32>
      %mul3A_1388 = arith.constant 32 : i32
      %mul3A_1389 = vector.broadcast %mul3A_1388 : i32 to vector<16xi32>
      %mul3A_1390 = arith.muli %min3A_4, %mul3A_1389 : vector<16xi32>
      %add3A_1391 = arith.addi %mul3A_1390, %broadcast_in_dim3A_1387 : vector<16xi32>
      %gather3A_1392 = tpu.vector_load_idx %arg12[%add3A_1391, %and3A_289] : memref<256x128xf32, #tpu.memory_space<vmem>>[vector<16xi32>, vector<16xi32>], vector<16xf32>,
      %add3A_1393 = arith.constant 32 : i32
      %add3A_1394 = vector.broadcast %add3A_1393 : i32 to vector<16xi32>
      %add3A_1395 = arith.addi %broadcast_in_dim3A_1387, %add3A_1394 : vector<16xi32>
      tpu.vector_store_idx %arg13[%iota3A, %add3A_1395], %gather3A_1392 masked %lt3A_6 : memref<16x128xf32, #tpu.memory_space<vmem>>[vector<16xi32>, vector<16xi32>], vector<16xf32>, vector<16xi1>
      %broadcast_in_dim3A_1396 = arith.constant 26 : i32
      %broadcast_in_dim3A_1397 = vector.broadcast %broadcast_in_dim3A_1396 : i32 to vector<16xi32>
      %mul3A_1398 = arith.constant 32 : i32
      %mul3A_1399 = vector.broadcast %mul3A_1398 : i32 to vector<16xi32>
      %mul3A_1400 = arith.muli %min3A_4, %mul3A_1399 : vector<16xi32>
      %add3A_1401 = arith.addi %mul3A_1400, %broadcast_in_dim3A_1397 : vector<16xi32>
      %gather3A_1402 = tpu.vector_load_idx %arg12[%add3A_1401, %and3A_289] : memref<256x128xf32, #tpu.memory_space<vmem>>[vector<16xi32>, vector<16xi32>], vector<16xf32>,
      %add3A_1403 = arith.constant 32 : i32
      %add3A_1404 = vector.broadcast %add3A_1403 : i32 to vector<16xi32>
      %add3A_1405 = arith.addi %broadcast_in_dim3A_1397, %add3A_1404 : vector<16xi32>
      tpu.vector_store_idx %arg13[%iota3A, %add3A_1405], %gather3A_1402 masked %lt3A_6 : memref<16x128xf32, #tpu.memory_space<vmem>>[vector<16xi32>, vector<16xi32>], vector<16xf32>, vector<16xi1>
      %broadcast_in_dim3A_1406 = arith.constant 27 : i32
      %broadcast_in_dim3A_1407 = vector.broadcast %broadcast_in_dim3A_1406 : i32 to vector<16xi32>
      %mul3A_1408 = arith.constant 32 : i32
      %mul3A_1409 = vector.broadcast %mul3A_1408 : i32 to vector<16xi32>
      %mul3A_1410 = arith.muli %min3A_4, %mul3A_1409 : vector<16xi32>
      %add3A_1411 = arith.addi %mul3A_1410, %broadcast_in_dim3A_1407 : vector<16xi32>
      %gather3A_1412 = tpu.vector_load_idx %arg12[%add3A_1411, %and3A_289] : memref<256x128xf32, #tpu.memory_space<vmem>>[vector<16xi32>, vector<16xi32>], vector<16xf32>,
      %add3A_1413 = arith.constant 32 : i32
      %add3A_1414 = vector.broadcast %add3A_1413 : i32 to vector<16xi32>
      %add3A_1415 = arith.addi %broadcast_in_dim3A_1407, %add3A_1414 : vector<16xi32>
      tpu.vector_store_idx %arg13[%iota3A, %add3A_1415], %gather3A_1412 masked %lt3A_6 : memref<16x128xf32, #tpu.memory_space<vmem>>[vector<16xi32>, vector<16xi32>], vector<16xf32>, vector<16xi1>
      %broadcast_in_dim3A_1416 = arith.constant 28 : i32
      %broadcast_in_dim3A_1417 = vector.broadcast %broadcast_in_dim3A_1416 : i32 to vector<16xi32>
      %mul3A_1418 = arith.constant 32 : i32
      %mul3A_1419 = vector.broadcast %mul3A_1418 : i32 to vector<16xi32>
      %mul3A_1420 = arith.muli %min3A_4, %mul3A_1419 : vector<16xi32>
      %add3A_1421 = arith.addi %mul3A_1420, %broadcast_in_dim3A_1417 : vector<16xi32>
      %gather3A_1422 = tpu.vector_load_idx %arg12[%add3A_1421, %and3A_289] : memref<256x128xf32, #tpu.memory_space<vmem>>[vector<16xi32>, vector<16xi32>], vector<16xf32>,
      %add3A_1423 = arith.constant 32 : i32
      %add3A_1424 = vector.broadcast %add3A_1423 : i32 to vector<16xi32>
      %add3A_1425 = arith.addi %broadcast_in_dim3A_1417, %add3A_1424 : vector<16xi32>
      tpu.vector_store_idx %arg13[%iota3A, %add3A_1425], %gather3A_1422 masked %lt3A_6 : memref<16x128xf32, #tpu.memory_space<vmem>>[vector<16xi32>, vector<16xi32>], vector<16xf32>, vector<16xi1>
      %broadcast_in_dim3A_1426 = arith.constant 29 : i32
      %broadcast_in_dim3A_1427 = vector.broadcast %broadcast_in_dim3A_1426 : i32 to vector<16xi32>
      %mul3A_1428 = arith.constant 32 : i32
      %mul3A_1429 = vector.broadcast %mul3A_1428 : i32 to vector<16xi32>
      %mul3A_1430 = arith.muli %min3A_4, %mul3A_1429 : vector<16xi32>
      %add3A_1431 = arith.addi %mul3A_1430, %broadcast_in_dim3A_1427 : vector<16xi32>
      %gather3A_1432 = tpu.vector_load_idx %arg12[%add3A_1431, %and3A_289] : memref<256x128xf32, #tpu.memory_space<vmem>>[vector<16xi32>, vector<16xi32>], vector<16xf32>,
      %add3A_1433 = arith.constant 32 : i32
      %add3A_1434 = vector.broadcast %add3A_1433 : i32 to vector<16xi32>
      %add3A_1435 = arith.addi %broadcast_in_dim3A_1427, %add3A_1434 : vector<16xi32>
      tpu.vector_store_idx %arg13[%iota3A, %add3A_1435], %gather3A_1432 masked %lt3A_6 : memref<16x128xf32, #tpu.memory_space<vmem>>[vector<16xi32>, vector<16xi32>], vector<16xf32>, vector<16xi1>
      %broadcast_in_dim3A_1436 = arith.constant 30 : i32
      %broadcast_in_dim3A_1437 = vector.broadcast %broadcast_in_dim3A_1436 : i32 to vector<16xi32>
      %mul3A_1438 = arith.constant 32 : i32
      %mul3A_1439 = vector.broadcast %mul3A_1438 : i32 to vector<16xi32>
      %mul3A_1440 = arith.muli %min3A_4, %mul3A_1439 : vector<16xi32>
      %add3A_1441 = arith.addi %mul3A_1440, %broadcast_in_dim3A_1437 : vector<16xi32>
      %gather3A_1442 = tpu.vector_load_idx %arg12[%add3A_1441, %and3A_289] : memref<256x128xf32, #tpu.memory_space<vmem>>[vector<16xi32>, vector<16xi32>], vector<16xf32>,
      %add3A_1443 = arith.constant 32 : i32
      %add3A_1444 = vector.broadcast %add3A_1443 : i32 to vector<16xi32>
      %add3A_1445 = arith.addi %broadcast_in_dim3A_1437, %add3A_1444 : vector<16xi32>
      tpu.vector_store_idx %arg13[%iota3A, %add3A_1445], %gather3A_1442 masked %lt3A_6 : memref<16x128xf32, #tpu.memory_space<vmem>>[vector<16xi32>, vector<16xi32>], vector<16xf32>, vector<16xi1>
      %broadcast_in_dim3A_1446 = arith.constant 31 : i32
      %broadcast_in_dim3A_1447 = vector.broadcast %broadcast_in_dim3A_1446 : i32 to vector<16xi32>
      %mul3A_1448 = arith.constant 32 : i32
      %mul3A_1449 = vector.broadcast %mul3A_1448 : i32 to vector<16xi32>
      %mul3A_1450 = arith.muli %min3A_4, %mul3A_1449 : vector<16xi32>
      %add3A_1451 = arith.addi %mul3A_1450, %broadcast_in_dim3A_1447 : vector<16xi32>
      %gather3A_1452 = tpu.vector_load_idx %arg12[%add3A_1451, %and3A_289] : memref<256x128xf32, #tpu.memory_space<vmem>>[vector<16xi32>, vector<16xi32>], vector<16xf32>,
      %add3A_1453 = arith.constant 32 : i32
      %add3A_1454 = vector.broadcast %add3A_1453 : i32 to vector<16xi32>
      %add3A_1455 = arith.addi %broadcast_in_dim3A_1447, %add3A_1454 : vector<16xi32>
      tpu.vector_store_idx %arg13[%iota3A, %add3A_1455], %gather3A_1452 masked %lt3A_6 : memref<16x128xf32, #tpu.memory_space<vmem>>[vector<16xi32>, vector<16xi32>], vector<16xf32>, vector<16xi1>
      %slice3A_1456 = vector.extract_strided_slice %get3A_278 {offsets = [0], sizes = [1], strides = [1]} : vector<16xi32> to vector<1xi32>
      %squeeze3A_1457 = vector.extract %slice3A_1456[0] : i32 from vector<1xi32>
      %shift_right_arithmetic3A_1458 = arith.constant 7 : i32
      %shift_right_arithmetic3A_1459 = arith.shrsi %squeeze3A_1457, %shift_right_arithmetic3A_1458 : i32
      %min3A_1460 = arith.constant 7812 : i32
      %min3A_1461 = arith.minsi %shift_right_arithmetic3A_1459, %min3A_1460 : i32
      %max3A_1462 = arith.constant 0 : i32
      %max3A_1463 = arith.maxsi %min3A_1461, %max3A_1462 : i32
      %mul3A_1464 = arith.constant 128 : i32
      %mul3A_1465 = arith.muli %max3A_1463, %mul3A_1464 : i32
      %multiple_of3A_1466 = tpu.assume_multiple %mul3A_1465, 128 : i32
      %dma_start3A_1467 = arith.constant 0 : i32
      %dma_start3A_1468 = arith.constant 0 : i32
      %dma_start3A_1469 = tpu.memref_slice %arg12[%dma_start3A_1467, %dma_start3A_1468] : memref<256x128xf32, #tpu.memory_space<vmem>> -> memref<32x128xf32, #tpu.memory_space<vmem>>
      %dma_start3A_1470 = arith.constant 0 : i32
      %dma_start3A_1471 = tpu.memref_slice %arg5[%dma_start3A_1470, %multiple_of3A_1466] : memref<32x1000000xf32, #tpu.memory_space<hbm>> -> memref<32x128xf32, #tpu.memory_space<hbm>>
      %dma_start3A_1472 = arith.constant 0 : i32
      %dma_start3A_1473 = arith.constant 0 : i32
      %dma_start3A_1474 = tpu.memref_slice %arg12[%dma_start3A_1472, %dma_start3A_1473] : memref<256x128xf32, #tpu.memory_space<vmem>> -> memref<32x128xf32, #tpu.memory_space<vmem>>
      %dma_start3A_1475 = arith.constant 0 : i32
      %dma_start3A_1476 = tpu.memref_slice %arg5[%dma_start3A_1475, %multiple_of3A_1466] : memref<32x1000000xf32, #tpu.memory_space<hbm>> -> memref<32x128xf32, #tpu.memory_space<hbm>>
      tpu.enqueue_dma source(%dma_start3A_1476 : memref<32x128xf32, #tpu.memory_space<hbm>>) target(%dma_start3A_1474 : memref<32x128xf32, #tpu.memory_space<vmem>>) target_semaphore(%arg15 : memref<!tpu.dma_semaphore, #tpu.memory_space<semaphore_mem>>)
      %slice3A_1477 = vector.extract_strided_slice %get3A_278 {offsets = [1], sizes = [1], strides = [1]} : vector<16xi32> to vector<1xi32>
      %squeeze3A_1478 = vector.extract %slice3A_1477[0] : i32 from vector<1xi32>
      %shift_right_arithmetic3A_1479 = arith.constant 7 : i32
      %shift_right_arithmetic3A_1480 = arith.shrsi %squeeze3A_1478, %shift_right_arithmetic3A_1479 : i32
      %min3A_1481 = arith.constant 7812 : i32
      %min3A_1482 = arith.minsi %shift_right_arithmetic3A_1480, %min3A_1481 : i32
      %max3A_1483 = arith.constant 0 : i32
      %max3A_1484 = arith.maxsi %min3A_1482, %max3A_1483 : i32
      %mul3A_1485 = arith.constant 128 : i32
      %mul3A_1486 = arith.muli %max3A_1484, %mul3A_1485 : i32
      %multiple_of3A_1487 = tpu.assume_multiple %mul3A_1486, 128 : i32
      %dma_start3A_1488 = arith.constant 32 : i32
      %dma_start3A_1489 = arith.constant 0 : i32
      %dma_start3A_1490 = tpu.memref_slice %arg12[%dma_start3A_1488, %dma_start3A_1489] : memref<256x128xf32, #tpu.memory_space<vmem>> -> memref<32x128xf32, #tpu.memory_space<vmem>>
      %dma_start3A_1491 = arith.constant 0 : i32
      %dma_start3A_1492 = tpu.memref_slice %arg5[%dma_start3A_1491, %multiple_of3A_1487] : memref<32x1000000xf32, #tpu.memory_space<hbm>> -> memref<32x128xf32, #tpu.memory_space<hbm>>
      %dma_start3A_1493 = arith.constant 32 : i32
      %dma_start3A_1494 = arith.constant 0 : i32
      %dma_start3A_1495 = tpu.memref_slice %arg12[%dma_start3A_1493, %dma_start3A_1494] : memref<256x128xf32, #tpu.memory_space<vmem>> -> memref<32x128xf32, #tpu.memory_space<vmem>>
      %dma_start3A_1496 = arith.constant 0 : i32
      %dma_start3A_1497 = tpu.memref_slice %arg5[%dma_start3A_1496, %multiple_of3A_1487] : memref<32x1000000xf32, #tpu.memory_space<hbm>> -> memref<32x128xf32, #tpu.memory_space<hbm>>
      tpu.enqueue_dma source(%dma_start3A_1497 : memref<32x128xf32, #tpu.memory_space<hbm>>) target(%dma_start3A_1495 : memref<32x128xf32, #tpu.memory_space<vmem>>) target_semaphore(%arg15 : memref<!tpu.dma_semaphore, #tpu.memory_space<semaphore_mem>>)
      %slice3A_1498 = vector.extract_strided_slice %get3A_278 {offsets = [2], sizes = [1], strides = [1]} : vector<16xi32> to vector<1xi32>
      %squeeze3A_1499 = vector.extract %slice3A_1498[0] : i32 from vector<1xi32>
      %shift_right_arithmetic3A_1500 = arith.constant 7 : i32
      %shift_right_arithmetic3A_1501 = arith.shrsi %squeeze3A_1499, %shift_right_arithmetic3A_1500 : i32
      %min3A_1502 = arith.constant 7812 : i32
      %min3A_1503 = arith.minsi %shift_right_arithmetic3A_1501, %min3A_1502 : i32
      %max3A_1504 = arith.constant 0 : i32
      %max3A_1505 = arith.maxsi %min3A_1503, %max3A_1504 : i32
      %mul3A_1506 = arith.constant 128 : i32
      %mul3A_1507 = arith.muli %max3A_1505, %mul3A_1506 : i32
      %multiple_of3A_1508 = tpu.assume_multiple %mul3A_1507, 128 : i32
      %dma_start3A_1509 = arith.constant 64 : i32
      %dma_start3A_1510 = arith.constant 0 : i32
      %dma_start3A_1511 = tpu.memref_slice %arg12[%dma_start3A_1509, %dma_start3A_1510] : memref<256x128xf32, #tpu.memory_space<vmem>> -> memref<32x128xf32, #tpu.memory_space<vmem>>
      %dma_start3A_1512 = arith.constant 0 : i32
      %dma_start3A_1513 = tpu.memref_slice %arg5[%dma_start3A_1512, %multiple_of3A_1508] : memref<32x1000000xf32, #tpu.memory_space<hbm>> -> memref<32x128xf32, #tpu.memory_space<hbm>>
      %dma_start3A_1514 = arith.constant 64 : i32
      %dma_start3A_1515 = arith.constant 0 : i32
      %dma_start3A_1516 = tpu.memref_slice %arg12[%dma_start3A_1514, %dma_start3A_1515] : memref<256x128xf32, #tpu.memory_space<vmem>> -> memref<32x128xf32, #tpu.memory_space<vmem>>
      %dma_start3A_1517 = arith.constant 0 : i32
      %dma_start3A_1518 = tpu.memref_slice %arg5[%dma_start3A_1517, %multiple_of3A_1508] : memref<32x1000000xf32, #tpu.memory_space<hbm>> -> memref<32x128xf32, #tpu.memory_space<hbm>>
      tpu.enqueue_dma source(%dma_start3A_1518 : memref<32x128xf32, #tpu.memory_space<hbm>>) target(%dma_start3A_1516 : memref<32x128xf32, #tpu.memory_space<vmem>>) target_semaphore(%arg15 : memref<!tpu.dma_semaphore, #tpu.memory_space<semaphore_mem>>)
      %slice3A_1519 = vector.extract_strided_slice %get3A_278 {offsets = [3], sizes = [1], strides = [1]} : vector<16xi32> to vector<1xi32>
      %squeeze3A_1520 = vector.extract %slice3A_1519[0] : i32 from vector<1xi32>
      %shift_right_arithmetic3A_1521 = arith.constant 7 : i32
      %shift_right_arithmetic3A_1522 = arith.shrsi %squeeze3A_1520, %shift_right_arithmetic3A_1521 : i32
      %min3A_1523 = arith.constant 7812 : i32
      %min3A_1524 = arith.minsi %shift_right_arithmetic3A_1522, %min3A_1523 : i32
      %max3A_1525 = arith.constant 0 : i32
      %max3A_1526 = arith.maxsi %min3A_1524, %max3A_1525 : i32
      %mul3A_1527 = arith.constant 128 : i32
      %mul3A_1528 = arith.muli %max3A_1526, %mul3A_1527 : i32
      %multiple_of3A_1529 = tpu.assume_multiple %mul3A_1528, 128 : i32
      %dma_start3A_1530 = arith.constant 96 : i32
      %dma_start3A_1531 = arith.constant 0 : i32
      %dma_start3A_1532 = tpu.memref_slice %arg12[%dma_start3A_1530, %dma_start3A_1531] : memref<256x128xf32, #tpu.memory_space<vmem>> -> memref<32x128xf32, #tpu.memory_space<vmem>>
      %dma_start3A_1533 = arith.constant 0 : i32
      %dma_start3A_1534 = tpu.memref_slice %arg5[%dma_start3A_1533, %multiple_of3A_1529] : memref<32x1000000xf32, #tpu.memory_space<hbm>> -> memref<32x128xf32, #tpu.memory_space<hbm>>
      %dma_start3A_1535 = arith.constant 96 : i32
      %dma_start3A_1536 = arith.constant 0 : i32
      %dma_start3A_1537 = tpu.memref_slice %arg12[%dma_start3A_1535, %dma_start3A_1536] : memref<256x128xf32, #tpu.memory_space<vmem>> -> memref<32x128xf32, #tpu.memory_space<vmem>>
      %dma_start3A_1538 = arith.constant 0 : i32
      %dma_start3A_1539 = tpu.memref_slice %arg5[%dma_start3A_1538, %multiple_of3A_1529] : memref<32x1000000xf32, #tpu.memory_space<hbm>> -> memref<32x128xf32, #tpu.memory_space<hbm>>
      tpu.enqueue_dma source(%dma_start3A_1539 : memref<32x128xf32, #tpu.memory_space<hbm>>) target(%dma_start3A_1537 : memref<32x128xf32, #tpu.memory_space<vmem>>) target_semaphore(%arg15 : memref<!tpu.dma_semaphore, #tpu.memory_space<semaphore_mem>>)
      %slice3A_1540 = vector.extract_strided_slice %get3A_278 {offsets = [4], sizes = [1], strides = [1]} : vector<16xi32> to vector<1xi32>
      %squeeze3A_1541 = vector.extract %slice3A_1540[0] : i32 from vector<1xi32>
      %shift_right_arithmetic3A_1542 = arith.constant 7 : i32
      %shift_right_arithmetic3A_1543 = arith.shrsi %squeeze3A_1541, %shift_right_arithmetic3A_1542 : i32
      %min3A_1544 = arith.constant 7812 : i32
      %min3A_1545 = arith.minsi %shift_right_arithmetic3A_1543, %min3A_1544 : i32
      %max3A_1546 = arith.constant 0 : i32
      %max3A_1547 = arith.maxsi %min3A_1545, %max3A_1546 : i32
      %mul3A_1548 = arith.constant 128 : i32
      %mul3A_1549 = arith.muli %max3A_1547, %mul3A_1548 : i32
      %multiple_of3A_1550 = tpu.assume_multiple %mul3A_1549, 128 : i32
      %dma_start3A_1551 = arith.constant 128 : i32
      %dma_start3A_1552 = arith.constant 0 : i32
      %dma_start3A_1553 = tpu.memref_slice %arg12[%dma_start3A_1551, %dma_start3A_1552] : memref<256x128xf32, #tpu.memory_space<vmem>> -> memref<32x128xf32, #tpu.memory_space<vmem>>
      %dma_start3A_1554 = arith.constant 0 : i32
      %dma_start3A_1555 = tpu.memref_slice %arg5[%dma_start3A_1554, %multiple_of3A_1550] : memref<32x1000000xf32, #tpu.memory_space<hbm>> -> memref<32x128xf32, #tpu.memory_space<hbm>>
      %dma_start3A_1556 = arith.constant 128 : i32
      %dma_start3A_1557 = arith.constant 0 : i32
      %dma_start3A_1558 = tpu.memref_slice %arg12[%dma_start3A_1556, %dma_start3A_1557] : memref<256x128xf32, #tpu.memory_space<vmem>> -> memref<32x128xf32, #tpu.memory_space<vmem>>
      %dma_start3A_1559 = arith.constant 0 : i32
      %dma_start3A_1560 = tpu.memref_slice %arg5[%dma_start3A_1559, %multiple_of3A_1550] : memref<32x1000000xf32, #tpu.memory_space<hbm>> -> memref<32x128xf32, #tpu.memory_space<hbm>>
      tpu.enqueue_dma source(%dma_start3A_1560 : memref<32x128xf32, #tpu.memory_space<hbm>>) target(%dma_start3A_1558 : memref<32x128xf32, #tpu.memory_space<vmem>>) target_semaphore(%arg15 : memref<!tpu.dma_semaphore, #tpu.memory_space<semaphore_mem>>)
      %slice3A_1561 = vector.extract_strided_slice %get3A_278 {offsets = [5], sizes = [1], strides = [1]} : vector<16xi32> to vector<1xi32>
      %squeeze3A_1562 = vector.extract %slice3A_1561[0] : i32 from vector<1xi32>
      %shift_right_arithmetic3A_1563 = arith.constant 7 : i32
      %shift_right_arithmetic3A_1564 = arith.shrsi %squeeze3A_1562, %shift_right_arithmetic3A_1563 : i32
      %min3A_1565 = arith.constant 7812 : i32
      %min3A_1566 = arith.minsi %shift_right_arithmetic3A_1564, %min3A_1565 : i32
      %max3A_1567 = arith.constant 0 : i32
      %max3A_1568 = arith.maxsi %min3A_1566, %max3A_1567 : i32
      %mul3A_1569 = arith.constant 128 : i32
      %mul3A_1570 = arith.muli %max3A_1568, %mul3A_1569 : i32
      %multiple_of3A_1571 = tpu.assume_multiple %mul3A_1570, 128 : i32
      %dma_start3A_1572 = arith.constant 160 : i32
      %dma_start3A_1573 = arith.constant 0 : i32
      %dma_start3A_1574 = tpu.memref_slice %arg12[%dma_start3A_1572, %dma_start3A_1573] : memref<256x128xf32, #tpu.memory_space<vmem>> -> memref<32x128xf32, #tpu.memory_space<vmem>>
      %dma_start3A_1575 = arith.constant 0 : i32
      %dma_start3A_1576 = tpu.memref_slice %arg5[%dma_start3A_1575, %multiple_of3A_1571] : memref<32x1000000xf32, #tpu.memory_space<hbm>> -> memref<32x128xf32, #tpu.memory_space<hbm>>
      %dma_start3A_1577 = arith.constant 160 : i32
      %dma_start3A_1578 = arith.constant 0 : i32
      %dma_start3A_1579 = tpu.memref_slice %arg12[%dma_start3A_1577, %dma_start3A_1578] : memref<256x128xf32, #tpu.memory_space<vmem>> -> memref<32x128xf32, #tpu.memory_space<vmem>>
      %dma_start3A_1580 = arith.constant 0 : i32
      %dma_start3A_1581 = tpu.memref_slice %arg5[%dma_start3A_1580, %multiple_of3A_1571] : memref<32x1000000xf32, #tpu.memory_space<hbm>> -> memref<32x128xf32, #tpu.memory_space<hbm>>
      tpu.enqueue_dma source(%dma_start3A_1581 : memref<32x128xf32, #tpu.memory_space<hbm>>) target(%dma_start3A_1579 : memref<32x128xf32, #tpu.memory_space<vmem>>) target_semaphore(%arg15 : memref<!tpu.dma_semaphore, #tpu.memory_space<semaphore_mem>>)
      %slice3A_1582 = vector.extract_strided_slice %get3A_278 {offsets = [6], sizes = [1], strides = [1]} : vector<16xi32> to vector<1xi32>
      %squeeze3A_1583 = vector.extract %slice3A_1582[0] : i32 from vector<1xi32>
      %shift_right_arithmetic3A_1584 = arith.constant 7 : i32
      %shift_right_arithmetic3A_1585 = arith.shrsi %squeeze3A_1583, %shift_right_arithmetic3A_1584 : i32
      %min3A_1586 = arith.constant 7812 : i32
      %min3A_1587 = arith.minsi %shift_right_arithmetic3A_1585, %min3A_1586 : i32
      %max3A_1588 = arith.constant 0 : i32
      %max3A_1589 = arith.maxsi %min3A_1587, %max3A_1588 : i32
      %mul3A_1590 = arith.constant 128 : i32
      %mul3A_1591 = arith.muli %max3A_1589, %mul3A_1590 : i32
      %multiple_of3A_1592 = tpu.assume_multiple %mul3A_1591, 128 : i32
      %dma_start3A_1593 = arith.constant 192 : i32
      %dma_start3A_1594 = arith.constant 0 : i32
      %dma_start3A_1595 = tpu.memref_slice %arg12[%dma_start3A_1593, %dma_start3A_1594] : memref<256x128xf32, #tpu.memory_space<vmem>> -> memref<32x128xf32, #tpu.memory_space<vmem>>
      %dma_start3A_1596 = arith.constant 0 : i32
      %dma_start3A_1597 = tpu.memref_slice %arg5[%dma_start3A_1596, %multiple_of3A_1592] : memref<32x1000000xf32, #tpu.memory_space<hbm>> -> memref<32x128xf32, #tpu.memory_space<hbm>>
      %dma_start3A_1598 = arith.constant 192 : i32
      %dma_start3A_1599 = arith.constant 0 : i32
      %dma_start3A_1600 = tpu.memref_slice %arg12[%dma_start3A_1598, %dma_start3A_1599] : memref<256x128xf32, #tpu.memory_space<vmem>> -> memref<32x128xf32, #tpu.memory_space<vmem>>
      %dma_start3A_1601 = arith.constant 0 : i32
      %dma_start3A_1602 = tpu.memref_slice %arg5[%dma_start3A_1601, %multiple_of3A_1592] : memref<32x1000000xf32, #tpu.memory_space<hbm>> -> memref<32x128xf32, #tpu.memory_space<hbm>>
      tpu.enqueue_dma source(%dma_start3A_1602 : memref<32x128xf32, #tpu.memory_space<hbm>>) target(%dma_start3A_1600 : memref<32x128xf32, #tpu.memory_space<vmem>>) target_semaphore(%arg15 : memref<!tpu.dma_semaphore, #tpu.memory_space<semaphore_mem>>)
      %slice3A_1603 = vector.extract_strided_slice %get3A_278 {offsets = [7], sizes = [1], strides = [1]} : vector<16xi32> to vector<1xi32>
      %squeeze3A_1604 = vector.extract %slice3A_1603[0] : i32 from vector<1xi32>
      %shift_right_arithmetic3A_1605 = arith.constant 7 : i32
      %shift_right_arithmetic3A_1606 = arith.shrsi %squeeze3A_1604, %shift_right_arithmetic3A_1605 : i32
      %min3A_1607 = arith.constant 7812 : i32
      %min3A_1608 = arith.minsi %shift_right_arithmetic3A_1606, %min3A_1607 : i32
      %max3A_1609 = arith.constant 0 : i32
      %max3A_1610 = arith.maxsi %min3A_1608, %max3A_1609 : i32
      %mul3A_1611 = arith.constant 128 : i32
      %mul3A_1612 = arith.muli %max3A_1610, %mul3A_1611 : i32
      %multiple_of3A_1613 = tpu.assume_multiple %mul3A_1612, 128 : i32
      %dma_start3A_1614 = arith.constant 224 : i32
      %dma_start3A_1615 = arith.constant 0 : i32
      %dma_start3A_1616 = tpu.memref_slice %arg12[%dma_start3A_1614, %dma_start3A_1615] : memref<256x128xf32, #tpu.memory_space<vmem>> -> memref<32x128xf32, #tpu.memory_space<vmem>>
      %dma_start3A_1617 = arith.constant 0 : i32
      %dma_start3A_1618 = tpu.memref_slice %arg5[%dma_start3A_1617, %multiple_of3A_1613] : memref<32x1000000xf32, #tpu.memory_space<hbm>> -> memref<32x128xf32, #tpu.memory_space<hbm>>
      %dma_start3A_1619 = arith.constant 224 : i32
      %dma_start3A_1620 = arith.constant 0 : i32
      %dma_start3A_1621 = tpu.memref_slice %arg12[%dma_start3A_1619, %dma_start3A_1620] : memref<256x128xf32, #tpu.memory_space<vmem>> -> memref<32x128xf32, #tpu.memory_space<vmem>>
      %dma_start3A_1622 = arith.constant 0 : i32
      %dma_start3A_1623 = tpu.memref_slice %arg5[%dma_start3A_1622, %multiple_of3A_1613] : memref<32x1000000xf32, #tpu.memory_space<hbm>> -> memref<32x128xf32, #tpu.memory_space<hbm>>
      tpu.enqueue_dma source(%dma_start3A_1623 : memref<32x128xf32, #tpu.memory_space<hbm>>) target(%dma_start3A_1621 : memref<32x128xf32, #tpu.memory_space<vmem>>) target_semaphore(%arg15 : memref<!tpu.dma_semaphore, #tpu.memory_space<semaphore_mem>>)
      %dma_wait3A_1624 = arith.constant 0 : i32
      %dma_wait3A_1625 = arith.constant 0 : i32
      %dma_wait3A_1626 = tpu.memref_slice %arg11[%dma_wait3A_1624, %dma_wait3A_1625] : memref<256x128xf32, #tpu.memory_space<vmem>> -> memref<32x128xf32, #tpu.memory_space<vmem>>
      %dma_wait3A_1627 = arith.constant 0 : i32
      %dma_wait3A_1628 = arith.constant 0 : i32
      %dma_wait3A_1629 = tpu.memref_slice %arg2[%dma_wait3A_1627, %dma_wait3A_1628] : memref<32x1000000xf32, #tpu.memory_space<hbm>> -> memref<32x128xf32, #tpu.memory_space<hbm>>
      %dma_wait3A_1630 = arith.constant 0 : i32
      %dma_wait3A_1631 = arith.constant 0 : i32
      %dma_wait3A_1632 = tpu.memref_slice %arg11[%dma_wait3A_1630, %dma_wait3A_1631] : memref<256x128xf32, #tpu.memory_space<vmem>> -> memref<32x128xf32, #tpu.memory_space<vmem>>
      %dma_wait3A_1633 = arith.constant 0 : i32
      %dma_wait3A_1634 = arith.constant 0 : i32
      %dma_wait3A_1635 = tpu.memref_slice %arg2[%dma_wait3A_1633, %dma_wait3A_1634] : memref<32x1000000xf32, #tpu.memory_space<hbm>> -> memref<32x128xf32, #tpu.memory_space<hbm>>
      tpu.wait_dma2 semaphore(%arg14 : memref<!tpu.dma_semaphore, #tpu.memory_space<semaphore_mem>>) src(%dma_wait3A_1635 : memref<32x128xf32, #tpu.memory_space<hbm>>) dst(%dma_wait3A_1632 : memref<32x128xf32, #tpu.memory_space<vmem>>)
      %dma_wait3A_1636 = arith.constant 32 : i32
      %dma_wait3A_1637 = arith.constant 0 : i32
      %dma_wait3A_1638 = tpu.memref_slice %arg11[%dma_wait3A_1636, %dma_wait3A_1637] : memref<256x128xf32, #tpu.memory_space<vmem>> -> memref<32x128xf32, #tpu.memory_space<vmem>>
      %dma_wait3A_1639 = arith.constant 0 : i32
      %dma_wait3A_1640 = arith.constant 0 : i32
      %dma_wait3A_1641 = tpu.memref_slice %arg2[%dma_wait3A_1639, %dma_wait3A_1640] : memref<32x1000000xf32, #tpu.memory_space<hbm>> -> memref<32x128xf32, #tpu.memory_space<hbm>>
      %dma_wait3A_1642 = arith.constant 32 : i32
      %dma_wait3A_1643 = arith.constant 0 : i32
      %dma_wait3A_1644 = tpu.memref_slice %arg11[%dma_wait3A_1642, %dma_wait3A_1643] : memref<256x128xf32, #tpu.memory_space<vmem>> -> memref<32x128xf32, #tpu.memory_space<vmem>>
      %dma_wait3A_1645 = arith.constant 0 : i32
      %dma_wait3A_1646 = arith.constant 0 : i32
      %dma_wait3A_1647 = tpu.memref_slice %arg2[%dma_wait3A_1645, %dma_wait3A_1646] : memref<32x1000000xf32, #tpu.memory_space<hbm>> -> memref<32x128xf32, #tpu.memory_space<hbm>>
      tpu.wait_dma2 semaphore(%arg14 : memref<!tpu.dma_semaphore, #tpu.memory_space<semaphore_mem>>) src(%dma_wait3A_1647 : memref<32x128xf32, #tpu.memory_space<hbm>>) dst(%dma_wait3A_1644 : memref<32x128xf32, #tpu.memory_space<vmem>>)
      %dma_wait3A_1648 = arith.constant 64 : i32
      %dma_wait3A_1649 = arith.constant 0 : i32
      %dma_wait3A_1650 = tpu.memref_slice %arg11[%dma_wait3A_1648, %dma_wait3A_1649] : memref<256x128xf32, #tpu.memory_space<vmem>> -> memref<32x128xf32, #tpu.memory_space<vmem>>
      %dma_wait3A_1651 = arith.constant 0 : i32
      %dma_wait3A_1652 = arith.constant 0 : i32
      %dma_wait3A_1653 = tpu.memref_slice %arg2[%dma_wait3A_1651, %dma_wait3A_1652] : memref<32x1000000xf32, #tpu.memory_space<hbm>> -> memref<32x128xf32, #tpu.memory_space<hbm>>
      %dma_wait3A_1654 = arith.constant 64 : i32
      %dma_wait3A_1655 = arith.constant 0 : i32
      %dma_wait3A_1656 = tpu.memref_slice %arg11[%dma_wait3A_1654, %dma_wait3A_1655] : memref<256x128xf32, #tpu.memory_space<vmem>> -> memref<32x128xf32, #tpu.memory_space<vmem>>
      %dma_wait3A_1657 = arith.constant 0 : i32
      %dma_wait3A_1658 = arith.constant 0 : i32
      %dma_wait3A_1659 = tpu.memref_slice %arg2[%dma_wait3A_1657, %dma_wait3A_1658] : memref<32x1000000xf32, #tpu.memory_space<hbm>> -> memref<32x128xf32, #tpu.memory_space<hbm>>
      tpu.wait_dma2 semaphore(%arg14 : memref<!tpu.dma_semaphore, #tpu.memory_space<semaphore_mem>>) src(%dma_wait3A_1659 : memref<32x128xf32, #tpu.memory_space<hbm>>) dst(%dma_wait3A_1656 : memref<32x128xf32, #tpu.memory_space<vmem>>)
      %dma_wait3A_1660 = arith.constant 96 : i32
      %dma_wait3A_1661 = arith.constant 0 : i32
      %dma_wait3A_1662 = tpu.memref_slice %arg11[%dma_wait3A_1660, %dma_wait3A_1661] : memref<256x128xf32, #tpu.memory_space<vmem>> -> memref<32x128xf32, #tpu.memory_space<vmem>>
      %dma_wait3A_1663 = arith.constant 0 : i32
      %dma_wait3A_1664 = arith.constant 0 : i32
      %dma_wait3A_1665 = tpu.memref_slice %arg2[%dma_wait3A_1663, %dma_wait3A_1664] : memref<32x1000000xf32, #tpu.memory_space<hbm>> -> memref<32x128xf32, #tpu.memory_space<hbm>>
      %dma_wait3A_1666 = arith.constant 96 : i32
      %dma_wait3A_1667 = arith.constant 0 : i32
      %dma_wait3A_1668 = tpu.memref_slice %arg11[%dma_wait3A_1666, %dma_wait3A_1667] : memref<256x128xf32, #tpu.memory_space<vmem>> -> memref<32x128xf32, #tpu.memory_space<vmem>>
      %dma_wait3A_1669 = arith.constant 0 : i32
      %dma_wait3A_1670 = arith.constant 0 : i32
      %dma_wait3A_1671 = tpu.memref_slice %arg2[%dma_wait3A_1669, %dma_wait3A_1670] : memref<32x1000000xf32, #tpu.memory_space<hbm>> -> memref<32x128xf32, #tpu.memory_space<hbm>>
      tpu.wait_dma2 semaphore(%arg14 : memref<!tpu.dma_semaphore, #tpu.memory_space<semaphore_mem>>) src(%dma_wait3A_1671 : memref<32x128xf32, #tpu.memory_space<hbm>>) dst(%dma_wait3A_1668 : memref<32x128xf32, #tpu.memory_space<vmem>>)
      %dma_wait3A_1672 = arith.constant 128 : i32
      %dma_wait3A_1673 = arith.constant 0 : i32
      %dma_wait3A_1674 = tpu.memref_slice %arg11[%dma_wait3A_1672, %dma_wait3A_1673] : memref<256x128xf32, #tpu.memory_space<vmem>> -> memref<32x128xf32, #tpu.memory_space<vmem>>
      %dma_wait3A_1675 = arith.constant 0 : i32
      %dma_wait3A_1676 = arith.constant 0 : i32
      %dma_wait3A_1677 = tpu.memref_slice %arg2[%dma_wait3A_1675, %dma_wait3A_1676] : memref<32x1000000xf32, #tpu.memory_space<hbm>> -> memref<32x128xf32, #tpu.memory_space<hbm>>
      %dma_wait3A_1678 = arith.constant 128 : i32
      %dma_wait3A_1679 = arith.constant 0 : i32
      %dma_wait3A_1680 = tpu.memref_slice %arg11[%dma_wait3A_1678, %dma_wait3A_1679] : memref<256x128xf32, #tpu.memory_space<vmem>> -> memref<32x128xf32, #tpu.memory_space<vmem>>
      %dma_wait3A_1681 = arith.constant 0 : i32
      %dma_wait3A_1682 = arith.constant 0 : i32
      %dma_wait3A_1683 = tpu.memref_slice %arg2[%dma_wait3A_1681, %dma_wait3A_1682] : memref<32x1000000xf32, #tpu.memory_space<hbm>> -> memref<32x128xf32, #tpu.memory_space<hbm>>
      tpu.wait_dma2 semaphore(%arg14 : memref<!tpu.dma_semaphore, #tpu.memory_space<semaphore_mem>>) src(%dma_wait3A_1683 : memref<32x128xf32, #tpu.memory_space<hbm>>) dst(%dma_wait3A_1680 : memref<32x128xf32, #tpu.memory_space<vmem>>)
      %dma_wait3A_1684 = arith.constant 160 : i32
      %dma_wait3A_1685 = arith.constant 0 : i32
      %dma_wait3A_1686 = tpu.memref_slice %arg11[%dma_wait3A_1684, %dma_wait3A_1685] : memref<256x128xf32, #tpu.memory_space<vmem>> -> memref<32x128xf32, #tpu.memory_space<vmem>>
      %dma_wait3A_1687 = arith.constant 0 : i32
      %dma_wait3A_1688 = arith.constant 0 : i32
      %dma_wait3A_1689 = tpu.memref_slice %arg2[%dma_wait3A_1687, %dma_wait3A_1688] : memref<32x1000000xf32, #tpu.memory_space<hbm>> -> memref<32x128xf32, #tpu.memory_space<hbm>>
      %dma_wait3A_1690 = arith.constant 160 : i32
      %dma_wait3A_1691 = arith.constant 0 : i32
      %dma_wait3A_1692 = tpu.memref_slice %arg11[%dma_wait3A_1690, %dma_wait3A_1691] : memref<256x128xf32, #tpu.memory_space<vmem>> -> memref<32x128xf32, #tpu.memory_space<vmem>>
      %dma_wait3A_1693 = arith.constant 0 : i32
      %dma_wait3A_1694 = arith.constant 0 : i32
      %dma_wait3A_1695 = tpu.memref_slice %arg2[%dma_wait3A_1693, %dma_wait3A_1694] : memref<32x1000000xf32, #tpu.memory_space<hbm>> -> memref<32x128xf32, #tpu.memory_space<hbm>>
      tpu.wait_dma2 semaphore(%arg14 : memref<!tpu.dma_semaphore, #tpu.memory_space<semaphore_mem>>) src(%dma_wait3A_1695 : memref<32x128xf32, #tpu.memory_space<hbm>>) dst(%dma_wait3A_1692 : memref<32x128xf32, #tpu.memory_space<vmem>>)
      %dma_wait3A_1696 = arith.constant 192 : i32
      %dma_wait3A_1697 = arith.constant 0 : i32
      %dma_wait3A_1698 = tpu.memref_slice %arg11[%dma_wait3A_1696, %dma_wait3A_1697] : memref<256x128xf32, #tpu.memory_space<vmem>> -> memref<32x128xf32, #tpu.memory_space<vmem>>
      %dma_wait3A_1699 = arith.constant 0 : i32
      %dma_wait3A_1700 = arith.constant 0 : i32
      %dma_wait3A_1701 = tpu.memref_slice %arg2[%dma_wait3A_1699, %dma_wait3A_1700] : memref<32x1000000xf32, #tpu.memory_space<hbm>> -> memref<32x128xf32, #tpu.memory_space<hbm>>
      %dma_wait3A_1702 = arith.constant 192 : i32
      %dma_wait3A_1703 = arith.constant 0 : i32
      %dma_wait3A_1704 = tpu.memref_slice %arg11[%dma_wait3A_1702, %dma_wait3A_1703] : memref<256x128xf32, #tpu.memory_space<vmem>> -> memref<32x128xf32, #tpu.memory_space<vmem>>
      %dma_wait3A_1705 = arith.constant 0 : i32
      %dma_wait3A_1706 = arith.constant 0 : i32
      %dma_wait3A_1707 = tpu.memref_slice %arg2[%dma_wait3A_1705, %dma_wait3A_1706] : memref<32x1000000xf32, #tpu.memory_space<hbm>> -> memref<32x128xf32, #tpu.memory_space<hbm>>
      tpu.wait_dma2 semaphore(%arg14 : memref<!tpu.dma_semaphore, #tpu.memory_space<semaphore_mem>>) src(%dma_wait3A_1707 : memref<32x128xf32, #tpu.memory_space<hbm>>) dst(%dma_wait3A_1704 : memref<32x128xf32, #tpu.memory_space<vmem>>)
      %dma_wait3A_1708 = arith.constant 224 : i32
      %dma_wait3A_1709 = arith.constant 0 : i32
      %dma_wait3A_1710 = tpu.memref_slice %arg11[%dma_wait3A_1708, %dma_wait3A_1709] : memref<256x128xf32, #tpu.memory_space<vmem>> -> memref<32x128xf32, #tpu.memory_space<vmem>>
      %dma_wait3A_1711 = arith.constant 0 : i32
      %dma_wait3A_1712 = arith.constant 0 : i32
      %dma_wait3A_1713 = tpu.memref_slice %arg2[%dma_wait3A_1711, %dma_wait3A_1712] : memref<32x1000000xf32, #tpu.memory_space<hbm>> -> memref<32x128xf32, #tpu.memory_space<hbm>>
      %dma_wait3A_1714 = arith.constant 224 : i32
      %dma_wait3A_1715 = arith.constant 0 : i32
      %dma_wait3A_1716 = tpu.memref_slice %arg11[%dma_wait3A_1714, %dma_wait3A_1715] : memref<256x128xf32, #tpu.memory_space<vmem>> -> memref<32x128xf32, #tpu.memory_space<vmem>>
      %dma_wait3A_1717 = arith.constant 0 : i32
      %dma_wait3A_1718 = arith.constant 0 : i32
      %dma_wait3A_1719 = tpu.memref_slice %arg2[%dma_wait3A_1717, %dma_wait3A_1718] : memref<32x1000000xf32, #tpu.memory_space<hbm>> -> memref<32x128xf32, #tpu.memory_space<hbm>>
      tpu.wait_dma2 semaphore(%arg14 : memref<!tpu.dma_semaphore, #tpu.memory_space<semaphore_mem>>) src(%dma_wait3A_1719 : memref<32x128xf32, #tpu.memory_space<hbm>>) dst(%dma_wait3A_1716 : memref<32x128xf32, #tpu.memory_space<vmem>>)
      %broadcast_in_dim3A_1720 = arith.constant 0 : i32
      %broadcast_in_dim3A_1721 = vector.broadcast %broadcast_in_dim3A_1720 : i32 to vector<16xi32>
      %mul3A_1722 = arith.constant 32 : i32
      %mul3A_1723 = vector.broadcast %mul3A_1722 : i32 to vector<16xi32>
      %mul3A_1724 = arith.muli %min3A_4, %mul3A_1723 : vector<16xi32>
      %add3A_1725 = arith.addi %mul3A_1724, %broadcast_in_dim3A_1721 : vector<16xi32>
      %gather3A_1726 = tpu.vector_load_idx %arg11[%add3A_1725, %and3A_286] : memref<256x128xf32, #tpu.memory_space<vmem>>[vector<16xi32>, vector<16xi32>], vector<16xf32>,
      %add3A_1727 = arith.constant 64 : i32
      %add3A_1728 = vector.broadcast %add3A_1727 : i32 to vector<16xi32>
      %add3A_1729 = arith.addi %broadcast_in_dim3A_1721, %add3A_1728 : vector<16xi32>
      tpu.vector_store_idx %arg13[%iota3A, %add3A_1729], %gather3A_1726 masked %lt3A_6 : memref<16x128xf32, #tpu.memory_space<vmem>>[vector<16xi32>, vector<16xi32>], vector<16xf32>, vector<16xi1>
      %broadcast_in_dim3A_1730 = arith.constant 1 : i32
      %broadcast_in_dim3A_1731 = vector.broadcast %broadcast_in_dim3A_1730 : i32 to vector<16xi32>
      %mul3A_1732 = arith.constant 32 : i32
      %mul3A_1733 = vector.broadcast %mul3A_1732 : i32 to vector<16xi32>
      %mul3A_1734 = arith.muli %min3A_4, %mul3A_1733 : vector<16xi32>
      %add3A_1735 = arith.addi %mul3A_1734, %broadcast_in_dim3A_1731 : vector<16xi32>
      %gather3A_1736 = tpu.vector_load_idx %arg11[%add3A_1735, %and3A_286] : memref<256x128xf32, #tpu.memory_space<vmem>>[vector<16xi32>, vector<16xi32>], vector<16xf32>,
      %add3A_1737 = arith.constant 64 : i32
      %add3A_1738 = vector.broadcast %add3A_1737 : i32 to vector<16xi32>
      %add3A_1739 = arith.addi %broadcast_in_dim3A_1731, %add3A_1738 : vector<16xi32>
      tpu.vector_store_idx %arg13[%iota3A, %add3A_1739], %gather3A_1736 masked %lt3A_6 : memref<16x128xf32, #tpu.memory_space<vmem>>[vector<16xi32>, vector<16xi32>], vector<16xf32>, vector<16xi1>
      %broadcast_in_dim3A_1740 = arith.constant 2 : i32
      %broadcast_in_dim3A_1741 = vector.broadcast %broadcast_in_dim3A_1740 : i32 to vector<16xi32>
      %mul3A_1742 = arith.constant 32 : i32
      %mul3A_1743 = vector.broadcast %mul3A_1742 : i32 to vector<16xi32>
      %mul3A_1744 = arith.muli %min3A_4, %mul3A_1743 : vector<16xi32>
      %add3A_1745 = arith.addi %mul3A_1744, %broadcast_in_dim3A_1741 : vector<16xi32>
      %gather3A_1746 = tpu.vector_load_idx %arg11[%add3A_1745, %and3A_286] : memref<256x128xf32, #tpu.memory_space<vmem>>[vector<16xi32>, vector<16xi32>], vector<16xf32>,
      %add3A_1747 = arith.constant 64 : i32
      %add3A_1748 = vector.broadcast %add3A_1747 : i32 to vector<16xi32>
      %add3A_1749 = arith.addi %broadcast_in_dim3A_1741, %add3A_1748 : vector<16xi32>
      tpu.vector_store_idx %arg13[%iota3A, %add3A_1749], %gather3A_1746 masked %lt3A_6 : memref<16x128xf32, #tpu.memory_space<vmem>>[vector<16xi32>, vector<16xi32>], vector<16xf32>, vector<16xi1>
      %broadcast_in_dim3A_1750 = arith.constant 3 : i32
      %broadcast_in_dim3A_1751 = vector.broadcast %broadcast_in_dim3A_1750 : i32 to vector<16xi32>
      %mul3A_1752 = arith.constant 32 : i32
      %mul3A_1753 = vector.broadcast %mul3A_1752 : i32 to vector<16xi32>
      %mul3A_1754 = arith.muli %min3A_4, %mul3A_1753 : vector<16xi32>
      %add3A_1755 = arith.addi %mul3A_1754, %broadcast_in_dim3A_1751 : vector<16xi32>
      %gather3A_1756 = tpu.vector_load_idx %arg11[%add3A_1755, %and3A_286] : memref<256x128xf32, #tpu.memory_space<vmem>>[vector<16xi32>, vector<16xi32>], vector<16xf32>,
      %add3A_1757 = arith.constant 64 : i32
      %add3A_1758 = vector.broadcast %add3A_1757 : i32 to vector<16xi32>
      %add3A_1759 = arith.addi %broadcast_in_dim3A_1751, %add3A_1758 : vector<16xi32>
      tpu.vector_store_idx %arg13[%iota3A, %add3A_1759], %gather3A_1756 masked %lt3A_6 : memref<16x128xf32, #tpu.memory_space<vmem>>[vector<16xi32>, vector<16xi32>], vector<16xf32>, vector<16xi1>
      %broadcast_in_dim3A_1760 = arith.constant 4 : i32
      %broadcast_in_dim3A_1761 = vector.broadcast %broadcast_in_dim3A_1760 : i32 to vector<16xi32>
      %mul3A_1762 = arith.constant 32 : i32
      %mul3A_1763 = vector.broadcast %mul3A_1762 : i32 to vector<16xi32>
      %mul3A_1764 = arith.muli %min3A_4, %mul3A_1763 : vector<16xi32>
      %add3A_1765 = arith.addi %mul3A_1764, %broadcast_in_dim3A_1761 : vector<16xi32>
      %gather3A_1766 = tpu.vector_load_idx %arg11[%add3A_1765, %and3A_286] : memref<256x128xf32, #tpu.memory_space<vmem>>[vector<16xi32>, vector<16xi32>], vector<16xf32>,
      %add3A_1767 = arith.constant 64 : i32
      %add3A_1768 = vector.broadcast %add3A_1767 : i32 to vector<16xi32>
      %add3A_1769 = arith.addi %broadcast_in_dim3A_1761, %add3A_1768 : vector<16xi32>
      tpu.vector_store_idx %arg13[%iota3A, %add3A_1769], %gather3A_1766 masked %lt3A_6 : memref<16x128xf32, #tpu.memory_space<vmem>>[vector<16xi32>, vector<16xi32>], vector<16xf32>, vector<16xi1>
      %broadcast_in_dim3A_1770 = arith.constant 5 : i32
      %broadcast_in_dim3A_1771 = vector.broadcast %broadcast_in_dim3A_1770 : i32 to vector<16xi32>
      %mul3A_1772 = arith.constant 32 : i32
      %mul3A_1773 = vector.broadcast %mul3A_1772 : i32 to vector<16xi32>
      %mul3A_1774 = arith.muli %min3A_4, %mul3A_1773 : vector<16xi32>
      %add3A_1775 = arith.addi %mul3A_1774, %broadcast_in_dim3A_1771 : vector<16xi32>
      %gather3A_1776 = tpu.vector_load_idx %arg11[%add3A_1775, %and3A_286] : memref<256x128xf32, #tpu.memory_space<vmem>>[vector<16xi32>, vector<16xi32>], vector<16xf32>,
      %add3A_1777 = arith.constant 64 : i32
      %add3A_1778 = vector.broadcast %add3A_1777 : i32 to vector<16xi32>
      %add3A_1779 = arith.addi %broadcast_in_dim3A_1771, %add3A_1778 : vector<16xi32>
      tpu.vector_store_idx %arg13[%iota3A, %add3A_1779], %gather3A_1776 masked %lt3A_6 : memref<16x128xf32, #tpu.memory_space<vmem>>[vector<16xi32>, vector<16xi32>], vector<16xf32>, vector<16xi1>
      %broadcast_in_dim3A_1780 = arith.constant 6 : i32
      %broadcast_in_dim3A_1781 = vector.broadcast %broadcast_in_dim3A_1780 : i32 to vector<16xi32>
      %mul3A_1782 = arith.constant 32 : i32
      %mul3A_1783 = vector.broadcast %mul3A_1782 : i32 to vector<16xi32>
      %mul3A_1784 = arith.muli %min3A_4, %mul3A_1783 : vector<16xi32>
      %add3A_1785 = arith.addi %mul3A_1784, %broadcast_in_dim3A_1781 : vector<16xi32>
      %gather3A_1786 = tpu.vector_load_idx %arg11[%add3A_1785, %and3A_286] : memref<256x128xf32, #tpu.memory_space<vmem>>[vector<16xi32>, vector<16xi32>], vector<16xf32>,
      %add3A_1787 = arith.constant 64 : i32
      %add3A_1788 = vector.broadcast %add3A_1787 : i32 to vector<16xi32>
      %add3A_1789 = arith.addi %broadcast_in_dim3A_1781, %add3A_1788 : vector<16xi32>
      tpu.vector_store_idx %arg13[%iota3A, %add3A_1789], %gather3A_1786 masked %lt3A_6 : memref<16x128xf32, #tpu.memory_space<vmem>>[vector<16xi32>, vector<16xi32>], vector<16xf32>, vector<16xi1>
      %broadcast_in_dim3A_1790 = arith.constant 7 : i32
      %broadcast_in_dim3A_1791 = vector.broadcast %broadcast_in_dim3A_1790 : i32 to vector<16xi32>
      %mul3A_1792 = arith.constant 32 : i32
      %mul3A_1793 = vector.broadcast %mul3A_1792 : i32 to vector<16xi32>
      %mul3A_1794 = arith.muli %min3A_4, %mul3A_1793 : vector<16xi32>
      %add3A_1795 = arith.addi %mul3A_1794, %broadcast_in_dim3A_1791 : vector<16xi32>
      %gather3A_1796 = tpu.vector_load_idx %arg11[%add3A_1795, %and3A_286] : memref<256x128xf32, #tpu.memory_space<vmem>>[vector<16xi32>, vector<16xi32>], vector<16xf32>,
      %add3A_1797 = arith.constant 64 : i32
      %add3A_1798 = vector.broadcast %add3A_1797 : i32 to vector<16xi32>
      %add3A_1799 = arith.addi %broadcast_in_dim3A_1791, %add3A_1798 : vector<16xi32>
      tpu.vector_store_idx %arg13[%iota3A, %add3A_1799], %gather3A_1796 masked %lt3A_6 : memref<16x128xf32, #tpu.memory_space<vmem>>[vector<16xi32>, vector<16xi32>], vector<16xf32>, vector<16xi1>
      %broadcast_in_dim3A_1800 = arith.constant 8 : i32
      %broadcast_in_dim3A_1801 = vector.broadcast %broadcast_in_dim3A_1800 : i32 to vector<16xi32>
      %mul3A_1802 = arith.constant 32 : i32
      %mul3A_1803 = vector.broadcast %mul3A_1802 : i32 to vector<16xi32>
      %mul3A_1804 = arith.muli %min3A_4, %mul3A_1803 : vector<16xi32>
      %add3A_1805 = arith.addi %mul3A_1804, %broadcast_in_dim3A_1801 : vector<16xi32>
      %gather3A_1806 = tpu.vector_load_idx %arg11[%add3A_1805, %and3A_286] : memref<256x128xf32, #tpu.memory_space<vmem>>[vector<16xi32>, vector<16xi32>], vector<16xf32>,
      %add3A_1807 = arith.constant 64 : i32
      %add3A_1808 = vector.broadcast %add3A_1807 : i32 to vector<16xi32>
      %add3A_1809 = arith.addi %broadcast_in_dim3A_1801, %add3A_1808 : vector<16xi32>
      tpu.vector_store_idx %arg13[%iota3A, %add3A_1809], %gather3A_1806 masked %lt3A_6 : memref<16x128xf32, #tpu.memory_space<vmem>>[vector<16xi32>, vector<16xi32>], vector<16xf32>, vector<16xi1>
      %broadcast_in_dim3A_1810 = arith.constant 9 : i32
      %broadcast_in_dim3A_1811 = vector.broadcast %broadcast_in_dim3A_1810 : i32 to vector<16xi32>
      %mul3A_1812 = arith.constant 32 : i32
      %mul3A_1813 = vector.broadcast %mul3A_1812 : i32 to vector<16xi32>
      %mul3A_1814 = arith.muli %min3A_4, %mul3A_1813 : vector<16xi32>
      %add3A_1815 = arith.addi %mul3A_1814, %broadcast_in_dim3A_1811 : vector<16xi32>
      %gather3A_1816 = tpu.vector_load_idx %arg11[%add3A_1815, %and3A_286] : memref<256x128xf32, #tpu.memory_space<vmem>>[vector<16xi32>, vector<16xi32>], vector<16xf32>,
      %add3A_1817 = arith.constant 64 : i32
      %add3A_1818 = vector.broadcast %add3A_1817 : i32 to vector<16xi32>
      %add3A_1819 = arith.addi %broadcast_in_dim3A_1811, %add3A_1818 : vector<16xi32>
      tpu.vector_store_idx %arg13[%iota3A, %add3A_1819], %gather3A_1816 masked %lt3A_6 : memref<16x128xf32, #tpu.memory_space<vmem>>[vector<16xi32>, vector<16xi32>], vector<16xf32>, vector<16xi1>
      %broadcast_in_dim3A_1820 = arith.constant 10 : i32
      %broadcast_in_dim3A_1821 = vector.broadcast %broadcast_in_dim3A_1820 : i32 to vector<16xi32>
      %mul3A_1822 = arith.constant 32 : i32
      %mul3A_1823 = vector.broadcast %mul3A_1822 : i32 to vector<16xi32>
      %mul3A_1824 = arith.muli %min3A_4, %mul3A_1823 : vector<16xi32>
      %add3A_1825 = arith.addi %mul3A_1824, %broadcast_in_dim3A_1821 : vector<16xi32>
      %gather3A_1826 = tpu.vector_load_idx %arg11[%add3A_1825, %and3A_286] : memref<256x128xf32, #tpu.memory_space<vmem>>[vector<16xi32>, vector<16xi32>], vector<16xf32>,
      %add3A_1827 = arith.constant 64 : i32
      %add3A_1828 = vector.broadcast %add3A_1827 : i32 to vector<16xi32>
      %add3A_1829 = arith.addi %broadcast_in_dim3A_1821, %add3A_1828 : vector<16xi32>
      tpu.vector_store_idx %arg13[%iota3A, %add3A_1829], %gather3A_1826 masked %lt3A_6 : memref<16x128xf32, #tpu.memory_space<vmem>>[vector<16xi32>, vector<16xi32>], vector<16xf32>, vector<16xi1>
      %broadcast_in_dim3A_1830 = arith.constant 11 : i32
      %broadcast_in_dim3A_1831 = vector.broadcast %broadcast_in_dim3A_1830 : i32 to vector<16xi32>
      %mul3A_1832 = arith.constant 32 : i32
      %mul3A_1833 = vector.broadcast %mul3A_1832 : i32 to vector<16xi32>
      %mul3A_1834 = arith.muli %min3A_4, %mul3A_1833 : vector<16xi32>
      %add3A_1835 = arith.addi %mul3A_1834, %broadcast_in_dim3A_1831 : vector<16xi32>
      %gather3A_1836 = tpu.vector_load_idx %arg11[%add3A_1835, %and3A_286] : memref<256x128xf32, #tpu.memory_space<vmem>>[vector<16xi32>, vector<16xi32>], vector<16xf32>,
      %add3A_1837 = arith.constant 64 : i32
      %add3A_1838 = vector.broadcast %add3A_1837 : i32 to vector<16xi32>
      %add3A_1839 = arith.addi %broadcast_in_dim3A_1831, %add3A_1838 : vector<16xi32>
      tpu.vector_store_idx %arg13[%iota3A, %add3A_1839], %gather3A_1836 masked %lt3A_6 : memref<16x128xf32, #tpu.memory_space<vmem>>[vector<16xi32>, vector<16xi32>], vector<16xf32>, vector<16xi1>
      %broadcast_in_dim3A_1840 = arith.constant 12 : i32
      %broadcast_in_dim3A_1841 = vector.broadcast %broadcast_in_dim3A_1840 : i32 to vector<16xi32>
      %mul3A_1842 = arith.constant 32 : i32
      %mul3A_1843 = vector.broadcast %mul3A_1842 : i32 to vector<16xi32>
      %mul3A_1844 = arith.muli %min3A_4, %mul3A_1843 : vector<16xi32>
      %add3A_1845 = arith.addi %mul3A_1844, %broadcast_in_dim3A_1841 : vector<16xi32>
      %gather3A_1846 = tpu.vector_load_idx %arg11[%add3A_1845, %and3A_286] : memref<256x128xf32, #tpu.memory_space<vmem>>[vector<16xi32>, vector<16xi32>], vector<16xf32>,
      %add3A_1847 = arith.constant 64 : i32
      %add3A_1848 = vector.broadcast %add3A_1847 : i32 to vector<16xi32>
      %add3A_1849 = arith.addi %broadcast_in_dim3A_1841, %add3A_1848 : vector<16xi32>
      tpu.vector_store_idx %arg13[%iota3A, %add3A_1849], %gather3A_1846 masked %lt3A_6 : memref<16x128xf32, #tpu.memory_space<vmem>>[vector<16xi32>, vector<16xi32>], vector<16xf32>, vector<16xi1>
      %broadcast_in_dim3A_1850 = arith.constant 13 : i32
      %broadcast_in_dim3A_1851 = vector.broadcast %broadcast_in_dim3A_1850 : i32 to vector<16xi32>
      %mul3A_1852 = arith.constant 32 : i32
      %mul3A_1853 = vector.broadcast %mul3A_1852 : i32 to vector<16xi32>
      %mul3A_1854 = arith.muli %min3A_4, %mul3A_1853 : vector<16xi32>
      %add3A_1855 = arith.addi %mul3A_1854, %broadcast_in_dim3A_1851 : vector<16xi32>
      %gather3A_1856 = tpu.vector_load_idx %arg11[%add3A_1855, %and3A_286] : memref<256x128xf32, #tpu.memory_space<vmem>>[vector<16xi32>, vector<16xi32>], vector<16xf32>,
      %add3A_1857 = arith.constant 64 : i32
      %add3A_1858 = vector.broadcast %add3A_1857 : i32 to vector<16xi32>
      %add3A_1859 = arith.addi %broadcast_in_dim3A_1851, %add3A_1858 : vector<16xi32>
      tpu.vector_store_idx %arg13[%iota3A, %add3A_1859], %gather3A_1856 masked %lt3A_6 : memref<16x128xf32, #tpu.memory_space<vmem>>[vector<16xi32>, vector<16xi32>], vector<16xf32>, vector<16xi1>
      %broadcast_in_dim3A_1860 = arith.constant 14 : i32
      %broadcast_in_dim3A_1861 = vector.broadcast %broadcast_in_dim3A_1860 : i32 to vector<16xi32>
      %mul3A_1862 = arith.constant 32 : i32
      %mul3A_1863 = vector.broadcast %mul3A_1862 : i32 to vector<16xi32>
      %mul3A_1864 = arith.muli %min3A_4, %mul3A_1863 : vector<16xi32>
      %add3A_1865 = arith.addi %mul3A_1864, %broadcast_in_dim3A_1861 : vector<16xi32>
      %gather3A_1866 = tpu.vector_load_idx %arg11[%add3A_1865, %and3A_286] : memref<256x128xf32, #tpu.memory_space<vmem>>[vector<16xi32>, vector<16xi32>], vector<16xf32>,
      %add3A_1867 = arith.constant 64 : i32
      %add3A_1868 = vector.broadcast %add3A_1867 : i32 to vector<16xi32>
      %add3A_1869 = arith.addi %broadcast_in_dim3A_1861, %add3A_1868 : vector<16xi32>
      tpu.vector_store_idx %arg13[%iota3A, %add3A_1869], %gather3A_1866 masked %lt3A_6 : memref<16x128xf32, #tpu.memory_space<vmem>>[vector<16xi32>, vector<16xi32>], vector<16xf32>, vector<16xi1>
      %broadcast_in_dim3A_1870 = arith.constant 15 : i32
      %broadcast_in_dim3A_1871 = vector.broadcast %broadcast_in_dim3A_1870 : i32 to vector<16xi32>
      %mul3A_1872 = arith.constant 32 : i32
      %mul3A_1873 = vector.broadcast %mul3A_1872 : i32 to vector<16xi32>
      %mul3A_1874 = arith.muli %min3A_4, %mul3A_1873 : vector<16xi32>
      %add3A_1875 = arith.addi %mul3A_1874, %broadcast_in_dim3A_1871 : vector<16xi32>
      %gather3A_1876 = tpu.vector_load_idx %arg11[%add3A_1875, %and3A_286] : memref<256x128xf32, #tpu.memory_space<vmem>>[vector<16xi32>, vector<16xi32>], vector<16xf32>,
      %add3A_1877 = arith.constant 64 : i32
      %add3A_1878 = vector.broadcast %add3A_1877 : i32 to vector<16xi32>
      %add3A_1879 = arith.addi %broadcast_in_dim3A_1871, %add3A_1878 : vector<16xi32>
      tpu.vector_store_idx %arg13[%iota3A, %add3A_1879], %gather3A_1876 masked %lt3A_6 : memref<16x128xf32, #tpu.memory_space<vmem>>[vector<16xi32>, vector<16xi32>], vector<16xf32>, vector<16xi1>
      %broadcast_in_dim3A_1880 = arith.constant 16 : i32
      %broadcast_in_dim3A_1881 = vector.broadcast %broadcast_in_dim3A_1880 : i32 to vector<16xi32>
      %mul3A_1882 = arith.constant 32 : i32
      %mul3A_1883 = vector.broadcast %mul3A_1882 : i32 to vector<16xi32>
      %mul3A_1884 = arith.muli %min3A_4, %mul3A_1883 : vector<16xi32>
      %add3A_1885 = arith.addi %mul3A_1884, %broadcast_in_dim3A_1881 : vector<16xi32>
      %gather3A_1886 = tpu.vector_load_idx %arg11[%add3A_1885, %and3A_286] : memref<256x128xf32, #tpu.memory_space<vmem>>[vector<16xi32>, vector<16xi32>], vector<16xf32>,
      %add3A_1887 = arith.constant 64 : i32
      %add3A_1888 = vector.broadcast %add3A_1887 : i32 to vector<16xi32>
      %add3A_1889 = arith.addi %broadcast_in_dim3A_1881, %add3A_1888 : vector<16xi32>
      tpu.vector_store_idx %arg13[%iota3A, %add3A_1889], %gather3A_1886 masked %lt3A_6 : memref<16x128xf32, #tpu.memory_space<vmem>>[vector<16xi32>, vector<16xi32>], vector<16xf32>, vector<16xi1>
      %broadcast_in_dim3A_1890 = arith.constant 17 : i32
      %broadcast_in_dim3A_1891 = vector.broadcast %broadcast_in_dim3A_1890 : i32 to vector<16xi32>
      %mul3A_1892 = arith.constant 32 : i32
      %mul3A_1893 = vector.broadcast %mul3A_1892 : i32 to vector<16xi32>
      %mul3A_1894 = arith.muli %min3A_4, %mul3A_1893 : vector<16xi32>
      %add3A_1895 = arith.addi %mul3A_1894, %broadcast_in_dim3A_1891 : vector<16xi32>
      %gather3A_1896 = tpu.vector_load_idx %arg11[%add3A_1895, %and3A_286] : memref<256x128xf32, #tpu.memory_space<vmem>>[vector<16xi32>, vector<16xi32>], vector<16xf32>,
      %add3A_1897 = arith.constant 64 : i32
      %add3A_1898 = vector.broadcast %add3A_1897 : i32 to vector<16xi32>
      %add3A_1899 = arith.addi %broadcast_in_dim3A_1891, %add3A_1898 : vector<16xi32>
      tpu.vector_store_idx %arg13[%iota3A, %add3A_1899], %gather3A_1896 masked %lt3A_6 : memref<16x128xf32, #tpu.memory_space<vmem>>[vector<16xi32>, vector<16xi32>], vector<16xf32>, vector<16xi1>
      %broadcast_in_dim3A_1900 = arith.constant 18 : i32
      %broadcast_in_dim3A_1901 = vector.broadcast %broadcast_in_dim3A_1900 : i32 to vector<16xi32>
      %mul3A_1902 = arith.constant 32 : i32
      %mul3A_1903 = vector.broadcast %mul3A_1902 : i32 to vector<16xi32>
      %mul3A_1904 = arith.muli %min3A_4, %mul3A_1903 : vector<16xi32>
      %add3A_1905 = arith.addi %mul3A_1904, %broadcast_in_dim3A_1901 : vector<16xi32>
      %gather3A_1906 = tpu.vector_load_idx %arg11[%add3A_1905, %and3A_286] : memref<256x128xf32, #tpu.memory_space<vmem>>[vector<16xi32>, vector<16xi32>], vector<16xf32>,
      %add3A_1907 = arith.constant 64 : i32
      %add3A_1908 = vector.broadcast %add3A_1907 : i32 to vector<16xi32>
      %add3A_1909 = arith.addi %broadcast_in_dim3A_1901, %add3A_1908 : vector<16xi32>
      tpu.vector_store_idx %arg13[%iota3A, %add3A_1909], %gather3A_1906 masked %lt3A_6 : memref<16x128xf32, #tpu.memory_space<vmem>>[vector<16xi32>, vector<16xi32>], vector<16xf32>, vector<16xi1>
      %broadcast_in_dim3A_1910 = arith.constant 19 : i32
      %broadcast_in_dim3A_1911 = vector.broadcast %broadcast_in_dim3A_1910 : i32 to vector<16xi32>
      %mul3A_1912 = arith.constant 32 : i32
      %mul3A_1913 = vector.broadcast %mul3A_1912 : i32 to vector<16xi32>
      %mul3A_1914 = arith.muli %min3A_4, %mul3A_1913 : vector<16xi32>
      %add3A_1915 = arith.addi %mul3A_1914, %broadcast_in_dim3A_1911 : vector<16xi32>
      %gather3A_1916 = tpu.vector_load_idx %arg11[%add3A_1915, %and3A_286] : memref<256x128xf32, #tpu.memory_space<vmem>>[vector<16xi32>, vector<16xi32>], vector<16xf32>,
      %add3A_1917 = arith.constant 64 : i32
      %add3A_1918 = vector.broadcast %add3A_1917 : i32 to vector<16xi32>
      %add3A_1919 = arith.addi %broadcast_in_dim3A_1911, %add3A_1918 : vector<16xi32>
      tpu.vector_store_idx %arg13[%iota3A, %add3A_1919], %gather3A_1916 masked %lt3A_6 : memref<16x128xf32, #tpu.memory_space<vmem>>[vector<16xi32>, vector<16xi32>], vector<16xf32>, vector<16xi1>
      %broadcast_in_dim3A_1920 = arith.constant 20 : i32
      %broadcast_in_dim3A_1921 = vector.broadcast %broadcast_in_dim3A_1920 : i32 to vector<16xi32>
      %mul3A_1922 = arith.constant 32 : i32
      %mul3A_1923 = vector.broadcast %mul3A_1922 : i32 to vector<16xi32>
      %mul3A_1924 = arith.muli %min3A_4, %mul3A_1923 : vector<16xi32>
      %add3A_1925 = arith.addi %mul3A_1924, %broadcast_in_dim3A_1921 : vector<16xi32>
      %gather3A_1926 = tpu.vector_load_idx %arg11[%add3A_1925, %and3A_286] : memref<256x128xf32, #tpu.memory_space<vmem>>[vector<16xi32>, vector<16xi32>], vector<16xf32>,
      %add3A_1927 = arith.constant 64 : i32
      %add3A_1928 = vector.broadcast %add3A_1927 : i32 to vector<16xi32>
      %add3A_1929 = arith.addi %broadcast_in_dim3A_1921, %add3A_1928 : vector<16xi32>
      tpu.vector_store_idx %arg13[%iota3A, %add3A_1929], %gather3A_1926 masked %lt3A_6 : memref<16x128xf32, #tpu.memory_space<vmem>>[vector<16xi32>, vector<16xi32>], vector<16xf32>, vector<16xi1>
      %broadcast_in_dim3A_1930 = arith.constant 21 : i32
      %broadcast_in_dim3A_1931 = vector.broadcast %broadcast_in_dim3A_1930 : i32 to vector<16xi32>
      %mul3A_1932 = arith.constant 32 : i32
      %mul3A_1933 = vector.broadcast %mul3A_1932 : i32 to vector<16xi32>
      %mul3A_1934 = arith.muli %min3A_4, %mul3A_1933 : vector<16xi32>
      %add3A_1935 = arith.addi %mul3A_1934, %broadcast_in_dim3A_1931 : vector<16xi32>
      %gather3A_1936 = tpu.vector_load_idx %arg11[%add3A_1935, %and3A_286] : memref<256x128xf32, #tpu.memory_space<vmem>>[vector<16xi32>, vector<16xi32>], vector<16xf32>,
      %add3A_1937 = arith.constant 64 : i32
      %add3A_1938 = vector.broadcast %add3A_1937 : i32 to vector<16xi32>
      %add3A_1939 = arith.addi %broadcast_in_dim3A_1931, %add3A_1938 : vector<16xi32>
      tpu.vector_store_idx %arg13[%iota3A, %add3A_1939], %gather3A_1936 masked %lt3A_6 : memref<16x128xf32, #tpu.memory_space<vmem>>[vector<16xi32>, vector<16xi32>], vector<16xf32>, vector<16xi1>
      %broadcast_in_dim3A_1940 = arith.constant 22 : i32
      %broadcast_in_dim3A_1941 = vector.broadcast %broadcast_in_dim3A_1940 : i32 to vector<16xi32>
      %mul3A_1942 = arith.constant 32 : i32
      %mul3A_1943 = vector.broadcast %mul3A_1942 : i32 to vector<16xi32>
      %mul3A_1944 = arith.muli %min3A_4, %mul3A_1943 : vector<16xi32>
      %add3A_1945 = arith.addi %mul3A_1944, %broadcast_in_dim3A_1941 : vector<16xi32>
      %gather3A_1946 = tpu.vector_load_idx %arg11[%add3A_1945, %and3A_286] : memref<256x128xf32, #tpu.memory_space<vmem>>[vector<16xi32>, vector<16xi32>], vector<16xf32>,
      %add3A_1947 = arith.constant 64 : i32
      %add3A_1948 = vector.broadcast %add3A_1947 : i32 to vector<16xi32>
      %add3A_1949 = arith.addi %broadcast_in_dim3A_1941, %add3A_1948 : vector<16xi32>
      tpu.vector_store_idx %arg13[%iota3A, %add3A_1949], %gather3A_1946 masked %lt3A_6 : memref<16x128xf32, #tpu.memory_space<vmem>>[vector<16xi32>, vector<16xi32>], vector<16xf32>, vector<16xi1>
      %broadcast_in_dim3A_1950 = arith.constant 23 : i32
      %broadcast_in_dim3A_1951 = vector.broadcast %broadcast_in_dim3A_1950 : i32 to vector<16xi32>
      %mul3A_1952 = arith.constant 32 : i32
      %mul3A_1953 = vector.broadcast %mul3A_1952 : i32 to vector<16xi32>
      %mul3A_1954 = arith.muli %min3A_4, %mul3A_1953 : vector<16xi32>
      %add3A_1955 = arith.addi %mul3A_1954, %broadcast_in_dim3A_1951 : vector<16xi32>
      %gather3A_1956 = tpu.vector_load_idx %arg11[%add3A_1955, %and3A_286] : memref<256x128xf32, #tpu.memory_space<vmem>>[vector<16xi32>, vector<16xi32>], vector<16xf32>,
      %add3A_1957 = arith.constant 64 : i32
      %add3A_1958 = vector.broadcast %add3A_1957 : i32 to vector<16xi32>
      %add3A_1959 = arith.addi %broadcast_in_dim3A_1951, %add3A_1958 : vector<16xi32>
      tpu.vector_store_idx %arg13[%iota3A, %add3A_1959], %gather3A_1956 masked %lt3A_6 : memref<16x128xf32, #tpu.memory_space<vmem>>[vector<16xi32>, vector<16xi32>], vector<16xf32>, vector<16xi1>
      %broadcast_in_dim3A_1960 = arith.constant 24 : i32
      %broadcast_in_dim3A_1961 = vector.broadcast %broadcast_in_dim3A_1960 : i32 to vector<16xi32>
      %mul3A_1962 = arith.constant 32 : i32
      %mul3A_1963 = vector.broadcast %mul3A_1962 : i32 to vector<16xi32>
      %mul3A_1964 = arith.muli %min3A_4, %mul3A_1963 : vector<16xi32>
      %add3A_1965 = arith.addi %mul3A_1964, %broadcast_in_dim3A_1961 : vector<16xi32>
      %gather3A_1966 = tpu.vector_load_idx %arg11[%add3A_1965, %and3A_286] : memref<256x128xf32, #tpu.memory_space<vmem>>[vector<16xi32>, vector<16xi32>], vector<16xf32>,
      %add3A_1967 = arith.constant 64 : i32
      %add3A_1968 = vector.broadcast %add3A_1967 : i32 to vector<16xi32>
      %add3A_1969 = arith.addi %broadcast_in_dim3A_1961, %add3A_1968 : vector<16xi32>
      tpu.vector_store_idx %arg13[%iota3A, %add3A_1969], %gather3A_1966 masked %lt3A_6 : memref<16x128xf32, #tpu.memory_space<vmem>>[vector<16xi32>, vector<16xi32>], vector<16xf32>, vector<16xi1>
      %broadcast_in_dim3A_1970 = arith.constant 25 : i32
      %broadcast_in_dim3A_1971 = vector.broadcast %broadcast_in_dim3A_1970 : i32 to vector<16xi32>
      %mul3A_1972 = arith.constant 32 : i32
      %mul3A_1973 = vector.broadcast %mul3A_1972 : i32 to vector<16xi32>
      %mul3A_1974 = arith.muli %min3A_4, %mul3A_1973 : vector<16xi32>
      %add3A_1975 = arith.addi %mul3A_1974, %broadcast_in_dim3A_1971 : vector<16xi32>
      %gather3A_1976 = tpu.vector_load_idx %arg11[%add3A_1975, %and3A_286] : memref<256x128xf32, #tpu.memory_space<vmem>>[vector<16xi32>, vector<16xi32>], vector<16xf32>,
      %add3A_1977 = arith.constant 64 : i32
      %add3A_1978 = vector.broadcast %add3A_1977 : i32 to vector<16xi32>
      %add3A_1979 = arith.addi %broadcast_in_dim3A_1971, %add3A_1978 : vector<16xi32>
      tpu.vector_store_idx %arg13[%iota3A, %add3A_1979], %gather3A_1976 masked %lt3A_6 : memref<16x128xf32, #tpu.memory_space<vmem>>[vector<16xi32>, vector<16xi32>], vector<16xf32>, vector<16xi1>
      %broadcast_in_dim3A_1980 = arith.constant 26 : i32
      %broadcast_in_dim3A_1981 = vector.broadcast %broadcast_in_dim3A_1980 : i32 to vector<16xi32>
      %mul3A_1982 = arith.constant 32 : i32
      %mul3A_1983 = vector.broadcast %mul3A_1982 : i32 to vector<16xi32>
      %mul3A_1984 = arith.muli %min3A_4, %mul3A_1983 : vector<16xi32>
      %add3A_1985 = arith.addi %mul3A_1984, %broadcast_in_dim3A_1981 : vector<16xi32>
      %gather3A_1986 = tpu.vector_load_idx %arg11[%add3A_1985, %and3A_286] : memref<256x128xf32, #tpu.memory_space<vmem>>[vector<16xi32>, vector<16xi32>], vector<16xf32>,
      %add3A_1987 = arith.constant 64 : i32
      %add3A_1988 = vector.broadcast %add3A_1987 : i32 to vector<16xi32>
      %add3A_1989 = arith.addi %broadcast_in_dim3A_1981, %add3A_1988 : vector<16xi32>
      tpu.vector_store_idx %arg13[%iota3A, %add3A_1989], %gather3A_1986 masked %lt3A_6 : memref<16x128xf32, #tpu.memory_space<vmem>>[vector<16xi32>, vector<16xi32>], vector<16xf32>, vector<16xi1>
      %broadcast_in_dim3A_1990 = arith.constant 27 : i32
      %broadcast_in_dim3A_1991 = vector.broadcast %broadcast_in_dim3A_1990 : i32 to vector<16xi32>
      %mul3A_1992 = arith.constant 32 : i32
      %mul3A_1993 = vector.broadcast %mul3A_1992 : i32 to vector<16xi32>
      %mul3A_1994 = arith.muli %min3A_4, %mul3A_1993 : vector<16xi32>
      %add3A_1995 = arith.addi %mul3A_1994, %broadcast_in_dim3A_1991 : vector<16xi32>
      %gather3A_1996 = tpu.vector_load_idx %arg11[%add3A_1995, %and3A_286] : memref<256x128xf32, #tpu.memory_space<vmem>>[vector<16xi32>, vector<16xi32>], vector<16xf32>,
      %add3A_1997 = arith.constant 64 : i32
      %add3A_1998 = vector.broadcast %add3A_1997 : i32 to vector<16xi32>
      %add3A_1999 = arith.addi %broadcast_in_dim3A_1991, %add3A_1998 : vector<16xi32>
      tpu.vector_store_idx %arg13[%iota3A, %add3A_1999], %gather3A_1996 masked %lt3A_6 : memref<16x128xf32, #tpu.memory_space<vmem>>[vector<16xi32>, vector<16xi32>], vector<16xf32>, vector<16xi1>
      %broadcast_in_dim3A_2000 = arith.constant 28 : i32
      %broadcast_in_dim3A_2001 = vector.broadcast %broadcast_in_dim3A_2000 : i32 to vector<16xi32>
      %mul3A_2002 = arith.constant 32 : i32
      %mul3A_2003 = vector.broadcast %mul3A_2002 : i32 to vector<16xi32>
      %mul3A_2004 = arith.muli %min3A_4, %mul3A_2003 : vector<16xi32>
      %add3A_2005 = arith.addi %mul3A_2004, %broadcast_in_dim3A_2001 : vector<16xi32>
      %gather3A_2006 = tpu.vector_load_idx %arg11[%add3A_2005, %and3A_286] : memref<256x128xf32, #tpu.memory_space<vmem>>[vector<16xi32>, vector<16xi32>], vector<16xf32>,
      %add3A_2007 = arith.constant 64 : i32
      %add3A_2008 = vector.broadcast %add3A_2007 : i32 to vector<16xi32>
      %add3A_2009 = arith.addi %broadcast_in_dim3A_2001, %add3A_2008 : vector<16xi32>
      tpu.vector_store_idx %arg13[%iota3A, %add3A_2009], %gather3A_2006 masked %lt3A_6 : memref<16x128xf32, #tpu.memory_space<vmem>>[vector<16xi32>, vector<16xi32>], vector<16xf32>, vector<16xi1>
      %broadcast_in_dim3A_2010 = arith.constant 29 : i32
      %broadcast_in_dim3A_2011 = vector.broadcast %broadcast_in_dim3A_2010 : i32 to vector<16xi32>
      %mul3A_2012 = arith.constant 32 : i32
      %mul3A_2013 = vector.broadcast %mul3A_2012 : i32 to vector<16xi32>
      %mul3A_2014 = arith.muli %min3A_4, %mul3A_2013 : vector<16xi32>
      %add3A_2015 = arith.addi %mul3A_2014, %broadcast_in_dim3A_2011 : vector<16xi32>
      %gather3A_2016 = tpu.vector_load_idx %arg11[%add3A_2015, %and3A_286] : memref<256x128xf32, #tpu.memory_space<vmem>>[vector<16xi32>, vector<16xi32>], vector<16xf32>,
      %add3A_2017 = arith.constant 64 : i32
      %add3A_2018 = vector.broadcast %add3A_2017 : i32 to vector<16xi32>
      %add3A_2019 = arith.addi %broadcast_in_dim3A_2011, %add3A_2018 : vector<16xi32>
      tpu.vector_store_idx %arg13[%iota3A, %add3A_2019], %gather3A_2016 masked %lt3A_6 : memref<16x128xf32, #tpu.memory_space<vmem>>[vector<16xi32>, vector<16xi32>], vector<16xf32>, vector<16xi1>
      %broadcast_in_dim3A_2020 = arith.constant 30 : i32
      %broadcast_in_dim3A_2021 = vector.broadcast %broadcast_in_dim3A_2020 : i32 to vector<16xi32>
      %mul3A_2022 = arith.constant 32 : i32
      %mul3A_2023 = vector.broadcast %mul3A_2022 : i32 to vector<16xi32>
      %mul3A_2024 = arith.muli %min3A_4, %mul3A_2023 : vector<16xi32>
      %add3A_2025 = arith.addi %mul3A_2024, %broadcast_in_dim3A_2021 : vector<16xi32>
      %gather3A_2026 = tpu.vector_load_idx %arg11[%add3A_2025, %and3A_286] : memref<256x128xf32, #tpu.memory_space<vmem>>[vector<16xi32>, vector<16xi32>], vector<16xf32>,
      %add3A_2027 = arith.constant 64 : i32
      %add3A_2028 = vector.broadcast %add3A_2027 : i32 to vector<16xi32>
      %add3A_2029 = arith.addi %broadcast_in_dim3A_2021, %add3A_2028 : vector<16xi32>
      tpu.vector_store_idx %arg13[%iota3A, %add3A_2029], %gather3A_2026 masked %lt3A_6 : memref<16x128xf32, #tpu.memory_space<vmem>>[vector<16xi32>, vector<16xi32>], vector<16xf32>, vector<16xi1>
      %broadcast_in_dim3A_2030 = arith.constant 31 : i32
      %broadcast_in_dim3A_2031 = vector.broadcast %broadcast_in_dim3A_2030 : i32 to vector<16xi32>
      %mul3A_2032 = arith.constant 32 : i32
      %mul3A_2033 = vector.broadcast %mul3A_2032 : i32 to vector<16xi32>
      %mul3A_2034 = arith.muli %min3A_4, %mul3A_2033 : vector<16xi32>
      %add3A_2035 = arith.addi %mul3A_2034, %broadcast_in_dim3A_2031 : vector<16xi32>
      %gather3A_2036 = tpu.vector_load_idx %arg11[%add3A_2035, %and3A_286] : memref<256x128xf32, #tpu.memory_space<vmem>>[vector<16xi32>, vector<16xi32>], vector<16xf32>,
      %add3A_2037 = arith.constant 64 : i32
      %add3A_2038 = vector.broadcast %add3A_2037 : i32 to vector<16xi32>
      %add3A_2039 = arith.addi %broadcast_in_dim3A_2031, %add3A_2038 : vector<16xi32>
      tpu.vector_store_idx %arg13[%iota3A, %add3A_2039], %gather3A_2036 masked %lt3A_6 : memref<16x128xf32, #tpu.memory_space<vmem>>[vector<16xi32>, vector<16xi32>], vector<16xf32>, vector<16xi1>
      %slice3A_2040 = vector.extract_strided_slice %get3A_284 {offsets = [0], sizes = [1], strides = [1]} : vector<16xi32> to vector<1xi32>
      %squeeze3A_2041 = vector.extract %slice3A_2040[0] : i32 from vector<1xi32>
      %shift_right_arithmetic3A_2042 = arith.constant 7 : i32
      %shift_right_arithmetic3A_2043 = arith.shrsi %squeeze3A_2041, %shift_right_arithmetic3A_2042 : i32
      %min3A_2044 = arith.constant 7812 : i32
      %min3A_2045 = arith.minsi %shift_right_arithmetic3A_2043, %min3A_2044 : i32
      %max3A_2046 = arith.constant 0 : i32
      %max3A_2047 = arith.maxsi %min3A_2045, %max3A_2046 : i32
      %mul3A_2048 = arith.constant 128 : i32
      %mul3A_2049 = arith.muli %max3A_2047, %mul3A_2048 : i32
      %multiple_of3A_2050 = tpu.assume_multiple %mul3A_2049, 128 : i32
      %dma_start3A_2051 = arith.constant 0 : i32
      %dma_start3A_2052 = arith.constant 0 : i32
      %dma_start3A_2053 = tpu.memref_slice %arg11[%dma_start3A_2051, %dma_start3A_2052] : memref<256x128xf32, #tpu.memory_space<vmem>> -> memref<32x128xf32, #tpu.memory_space<vmem>>
      %dma_start3A_2054 = arith.constant 0 : i32
      %dma_start3A_2055 = tpu.memref_slice %arg2[%dma_start3A_2054, %multiple_of3A_2050] : memref<32x1000000xf32, #tpu.memory_space<hbm>> -> memref<32x128xf32, #tpu.memory_space<hbm>>
      %dma_start3A_2056 = arith.constant 0 : i32
      %dma_start3A_2057 = arith.constant 0 : i32
      %dma_start3A_2058 = tpu.memref_slice %arg11[%dma_start3A_2056, %dma_start3A_2057] : memref<256x128xf32, #tpu.memory_space<vmem>> -> memref<32x128xf32, #tpu.memory_space<vmem>>
      %dma_start3A_2059 = arith.constant 0 : i32
      %dma_start3A_2060 = tpu.memref_slice %arg2[%dma_start3A_2059, %multiple_of3A_2050] : memref<32x1000000xf32, #tpu.memory_space<hbm>> -> memref<32x128xf32, #tpu.memory_space<hbm>>
      tpu.enqueue_dma source(%dma_start3A_2060 : memref<32x128xf32, #tpu.memory_space<hbm>>) target(%dma_start3A_2058 : memref<32x128xf32, #tpu.memory_space<vmem>>) target_semaphore(%arg14 : memref<!tpu.dma_semaphore, #tpu.memory_space<semaphore_mem>>)
      %slice3A_2061 = vector.extract_strided_slice %get3A_284 {offsets = [1], sizes = [1], strides = [1]} : vector<16xi32> to vector<1xi32>
      %squeeze3A_2062 = vector.extract %slice3A_2061[0] : i32 from vector<1xi32>
      %shift_right_arithmetic3A_2063 = arith.constant 7 : i32
      %shift_right_arithmetic3A_2064 = arith.shrsi %squeeze3A_2062, %shift_right_arithmetic3A_2063 : i32
      %min3A_2065 = arith.constant 7812 : i32
      %min3A_2066 = arith.minsi %shift_right_arithmetic3A_2064, %min3A_2065 : i32
      %max3A_2067 = arith.constant 0 : i32
      %max3A_2068 = arith.maxsi %min3A_2066, %max3A_2067 : i32
      %mul3A_2069 = arith.constant 128 : i32
      %mul3A_2070 = arith.muli %max3A_2068, %mul3A_2069 : i32
      %multiple_of3A_2071 = tpu.assume_multiple %mul3A_2070, 128 : i32
      %dma_start3A_2072 = arith.constant 32 : i32
      %dma_start3A_2073 = arith.constant 0 : i32
      %dma_start3A_2074 = tpu.memref_slice %arg11[%dma_start3A_2072, %dma_start3A_2073] : memref<256x128xf32, #tpu.memory_space<vmem>> -> memref<32x128xf32, #tpu.memory_space<vmem>>
      %dma_start3A_2075 = arith.constant 0 : i32
      %dma_start3A_2076 = tpu.memref_slice %arg2[%dma_start3A_2075, %multiple_of3A_2071] : memref<32x1000000xf32, #tpu.memory_space<hbm>> -> memref<32x128xf32, #tpu.memory_space<hbm>>
      %dma_start3A_2077 = arith.constant 32 : i32
      %dma_start3A_2078 = arith.constant 0 : i32
      %dma_start3A_2079 = tpu.memref_slice %arg11[%dma_start3A_2077, %dma_start3A_2078] : memref<256x128xf32, #tpu.memory_space<vmem>> -> memref<32x128xf32, #tpu.memory_space<vmem>>
      %dma_start3A_2080 = arith.constant 0 : i32
      %dma_start3A_2081 = tpu.memref_slice %arg2[%dma_start3A_2080, %multiple_of3A_2071] : memref<32x1000000xf32, #tpu.memory_space<hbm>> -> memref<32x128xf32, #tpu.memory_space<hbm>>
      tpu.enqueue_dma source(%dma_start3A_2081 : memref<32x128xf32, #tpu.memory_space<hbm>>) target(%dma_start3A_2079 : memref<32x128xf32, #tpu.memory_space<vmem>>) target_semaphore(%arg14 : memref<!tpu.dma_semaphore, #tpu.memory_space<semaphore_mem>>)
      %slice3A_2082 = vector.extract_strided_slice %get3A_284 {offsets = [2], sizes = [1], strides = [1]} : vector<16xi32> to vector<1xi32>
      %squeeze3A_2083 = vector.extract %slice3A_2082[0] : i32 from vector<1xi32>
      %shift_right_arithmetic3A_2084 = arith.constant 7 : i32
      %shift_right_arithmetic3A_2085 = arith.shrsi %squeeze3A_2083, %shift_right_arithmetic3A_2084 : i32
      %min3A_2086 = arith.constant 7812 : i32
      %min3A_2087 = arith.minsi %shift_right_arithmetic3A_2085, %min3A_2086 : i32
      %max3A_2088 = arith.constant 0 : i32
      %max3A_2089 = arith.maxsi %min3A_2087, %max3A_2088 : i32
      %mul3A_2090 = arith.constant 128 : i32
      %mul3A_2091 = arith.muli %max3A_2089, %mul3A_2090 : i32
      %multiple_of3A_2092 = tpu.assume_multiple %mul3A_2091, 128 : i32
      %dma_start3A_2093 = arith.constant 64 : i32
      %dma_start3A_2094 = arith.constant 0 : i32
      %dma_start3A_2095 = tpu.memref_slice %arg11[%dma_start3A_2093, %dma_start3A_2094] : memref<256x128xf32, #tpu.memory_space<vmem>> -> memref<32x128xf32, #tpu.memory_space<vmem>>
      %dma_start3A_2096 = arith.constant 0 : i32
      %dma_start3A_2097 = tpu.memref_slice %arg2[%dma_start3A_2096, %multiple_of3A_2092] : memref<32x1000000xf32, #tpu.memory_space<hbm>> -> memref<32x128xf32, #tpu.memory_space<hbm>>
      %dma_start3A_2098 = arith.constant 64 : i32
      %dma_start3A_2099 = arith.constant 0 : i32
      %dma_start3A_2100 = tpu.memref_slice %arg11[%dma_start3A_2098, %dma_start3A_2099] : memref<256x128xf32, #tpu.memory_space<vmem>> -> memref<32x128xf32, #tpu.memory_space<vmem>>
      %dma_start3A_2101 = arith.constant 0 : i32
      %dma_start3A_2102 = tpu.memref_slice %arg2[%dma_start3A_2101, %multiple_of3A_2092] : memref<32x1000000xf32, #tpu.memory_space<hbm>> -> memref<32x128xf32, #tpu.memory_space<hbm>>
      tpu.enqueue_dma source(%dma_start3A_2102 : memref<32x128xf32, #tpu.memory_space<hbm>>) target(%dma_start3A_2100 : memref<32x128xf32, #tpu.memory_space<vmem>>) target_semaphore(%arg14 : memref<!tpu.dma_semaphore, #tpu.memory_space<semaphore_mem>>)
      %slice3A_2103 = vector.extract_strided_slice %get3A_284 {offsets = [3], sizes = [1], strides = [1]} : vector<16xi32> to vector<1xi32>
      %squeeze3A_2104 = vector.extract %slice3A_2103[0] : i32 from vector<1xi32>
      %shift_right_arithmetic3A_2105 = arith.constant 7 : i32
      %shift_right_arithmetic3A_2106 = arith.shrsi %squeeze3A_2104, %shift_right_arithmetic3A_2105 : i32
      %min3A_2107 = arith.constant 7812 : i32
      %min3A_2108 = arith.minsi %shift_right_arithmetic3A_2106, %min3A_2107 : i32
      %max3A_2109 = arith.constant 0 : i32
      %max3A_2110 = arith.maxsi %min3A_2108, %max3A_2109 : i32
      %mul3A_2111 = arith.constant 128 : i32
      %mul3A_2112 = arith.muli %max3A_2110, %mul3A_2111 : i32
      %multiple_of3A_2113 = tpu.assume_multiple %mul3A_2112, 128 : i32
      %dma_start3A_2114 = arith.constant 96 : i32
      %dma_start3A_2115 = arith.constant 0 : i32
      %dma_start3A_2116 = tpu.memref_slice %arg11[%dma_start3A_2114, %dma_start3A_2115] : memref<256x128xf32, #tpu.memory_space<vmem>> -> memref<32x128xf32, #tpu.memory_space<vmem>>
      %dma_start3A_2117 = arith.constant 0 : i32
      %dma_start3A_2118 = tpu.memref_slice %arg2[%dma_start3A_2117, %multiple_of3A_2113] : memref<32x1000000xf32, #tpu.memory_space<hbm>> -> memref<32x128xf32, #tpu.memory_space<hbm>>
      %dma_start3A_2119 = arith.constant 96 : i32
      %dma_start3A_2120 = arith.constant 0 : i32
      %dma_start3A_2121 = tpu.memref_slice %arg11[%dma_start3A_2119, %dma_start3A_2120] : memref<256x128xf32, #tpu.memory_space<vmem>> -> memref<32x128xf32, #tpu.memory_space<vmem>>
      %dma_start3A_2122 = arith.constant 0 : i32
      %dma_start3A_2123 = tpu.memref_slice %arg2[%dma_start3A_2122, %multiple_of3A_2113] : memref<32x1000000xf32, #tpu.memory_space<hbm>> -> memref<32x128xf32, #tpu.memory_space<hbm>>
      tpu.enqueue_dma source(%dma_start3A_2123 : memref<32x128xf32, #tpu.memory_space<hbm>>) target(%dma_start3A_2121 : memref<32x128xf32, #tpu.memory_space<vmem>>) target_semaphore(%arg14 : memref<!tpu.dma_semaphore, #tpu.memory_space<semaphore_mem>>)
      %slice3A_2124 = vector.extract_strided_slice %get3A_284 {offsets = [4], sizes = [1], strides = [1]} : vector<16xi32> to vector<1xi32>
      %squeeze3A_2125 = vector.extract %slice3A_2124[0] : i32 from vector<1xi32>
      %shift_right_arithmetic3A_2126 = arith.constant 7 : i32
      %shift_right_arithmetic3A_2127 = arith.shrsi %squeeze3A_2125, %shift_right_arithmetic3A_2126 : i32
      %min3A_2128 = arith.constant 7812 : i32
      %min3A_2129 = arith.minsi %shift_right_arithmetic3A_2127, %min3A_2128 : i32
      %max3A_2130 = arith.constant 0 : i32
      %max3A_2131 = arith.maxsi %min3A_2129, %max3A_2130 : i32
      %mul3A_2132 = arith.constant 128 : i32
      %mul3A_2133 = arith.muli %max3A_2131, %mul3A_2132 : i32
      %multiple_of3A_2134 = tpu.assume_multiple %mul3A_2133, 128 : i32
      %dma_start3A_2135 = arith.constant 128 : i32
      %dma_start3A_2136 = arith.constant 0 : i32
      %dma_start3A_2137 = tpu.memref_slice %arg11[%dma_start3A_2135, %dma_start3A_2136] : memref<256x128xf32, #tpu.memory_space<vmem>> -> memref<32x128xf32, #tpu.memory_space<vmem>>
      %dma_start3A_2138 = arith.constant 0 : i32
      %dma_start3A_2139 = tpu.memref_slice %arg2[%dma_start3A_2138, %multiple_of3A_2134] : memref<32x1000000xf32, #tpu.memory_space<hbm>> -> memref<32x128xf32, #tpu.memory_space<hbm>>
      %dma_start3A_2140 = arith.constant 128 : i32
      %dma_start3A_2141 = arith.constant 0 : i32
      %dma_start3A_2142 = tpu.memref_slice %arg11[%dma_start3A_2140, %dma_start3A_2141] : memref<256x128xf32, #tpu.memory_space<vmem>> -> memref<32x128xf32, #tpu.memory_space<vmem>>
      %dma_start3A_2143 = arith.constant 0 : i32
      %dma_start3A_2144 = tpu.memref_slice %arg2[%dma_start3A_2143, %multiple_of3A_2134] : memref<32x1000000xf32, #tpu.memory_space<hbm>> -> memref<32x128xf32, #tpu.memory_space<hbm>>
      tpu.enqueue_dma source(%dma_start3A_2144 : memref<32x128xf32, #tpu.memory_space<hbm>>) target(%dma_start3A_2142 : memref<32x128xf32, #tpu.memory_space<vmem>>) target_semaphore(%arg14 : memref<!tpu.dma_semaphore, #tpu.memory_space<semaphore_mem>>)
      %slice3A_2145 = vector.extract_strided_slice %get3A_284 {offsets = [5], sizes = [1], strides = [1]} : vector<16xi32> to vector<1xi32>
      %squeeze3A_2146 = vector.extract %slice3A_2145[0] : i32 from vector<1xi32>
      %shift_right_arithmetic3A_2147 = arith.constant 7 : i32
      %shift_right_arithmetic3A_2148 = arith.shrsi %squeeze3A_2146, %shift_right_arithmetic3A_2147 : i32
      %min3A_2149 = arith.constant 7812 : i32
      %min3A_2150 = arith.minsi %shift_right_arithmetic3A_2148, %min3A_2149 : i32
      %max3A_2151 = arith.constant 0 : i32
      %max3A_2152 = arith.maxsi %min3A_2150, %max3A_2151 : i32
      %mul3A_2153 = arith.constant 128 : i32
      %mul3A_2154 = arith.muli %max3A_2152, %mul3A_2153 : i32
      %multiple_of3A_2155 = tpu.assume_multiple %mul3A_2154, 128 : i32
      %dma_start3A_2156 = arith.constant 160 : i32
      %dma_start3A_2157 = arith.constant 0 : i32
      %dma_start3A_2158 = tpu.memref_slice %arg11[%dma_start3A_2156, %dma_start3A_2157] : memref<256x128xf32, #tpu.memory_space<vmem>> -> memref<32x128xf32, #tpu.memory_space<vmem>>
      %dma_start3A_2159 = arith.constant 0 : i32
      %dma_start3A_2160 = tpu.memref_slice %arg2[%dma_start3A_2159, %multiple_of3A_2155] : memref<32x1000000xf32, #tpu.memory_space<hbm>> -> memref<32x128xf32, #tpu.memory_space<hbm>>
      %dma_start3A_2161 = arith.constant 160 : i32
      %dma_start3A_2162 = arith.constant 0 : i32
      %dma_start3A_2163 = tpu.memref_slice %arg11[%dma_start3A_2161, %dma_start3A_2162] : memref<256x128xf32, #tpu.memory_space<vmem>> -> memref<32x128xf32, #tpu.memory_space<vmem>>
      %dma_start3A_2164 = arith.constant 0 : i32
      %dma_start3A_2165 = tpu.memref_slice %arg2[%dma_start3A_2164, %multiple_of3A_2155] : memref<32x1000000xf32, #tpu.memory_space<hbm>> -> memref<32x128xf32, #tpu.memory_space<hbm>>
      tpu.enqueue_dma source(%dma_start3A_2165 : memref<32x128xf32, #tpu.memory_space<hbm>>) target(%dma_start3A_2163 : memref<32x128xf32, #tpu.memory_space<vmem>>) target_semaphore(%arg14 : memref<!tpu.dma_semaphore, #tpu.memory_space<semaphore_mem>>)
      %slice3A_2166 = vector.extract_strided_slice %get3A_284 {offsets = [6], sizes = [1], strides = [1]} : vector<16xi32> to vector<1xi32>
      %squeeze3A_2167 = vector.extract %slice3A_2166[0] : i32 from vector<1xi32>
      %shift_right_arithmetic3A_2168 = arith.constant 7 : i32
      %shift_right_arithmetic3A_2169 = arith.shrsi %squeeze3A_2167, %shift_right_arithmetic3A_2168 : i32
      %min3A_2170 = arith.constant 7812 : i32
      %min3A_2171 = arith.minsi %shift_right_arithmetic3A_2169, %min3A_2170 : i32
      %max3A_2172 = arith.constant 0 : i32
      %max3A_2173 = arith.maxsi %min3A_2171, %max3A_2172 : i32
      %mul3A_2174 = arith.constant 128 : i32
      %mul3A_2175 = arith.muli %max3A_2173, %mul3A_2174 : i32
      %multiple_of3A_2176 = tpu.assume_multiple %mul3A_2175, 128 : i32
      %dma_start3A_2177 = arith.constant 192 : i32
      %dma_start3A_2178 = arith.constant 0 : i32
      %dma_start3A_2179 = tpu.memref_slice %arg11[%dma_start3A_2177, %dma_start3A_2178] : memref<256x128xf32, #tpu.memory_space<vmem>> -> memref<32x128xf32, #tpu.memory_space<vmem>>
      %dma_start3A_2180 = arith.constant 0 : i32
      %dma_start3A_2181 = tpu.memref_slice %arg2[%dma_start3A_2180, %multiple_of3A_2176] : memref<32x1000000xf32, #tpu.memory_space<hbm>> -> memref<32x128xf32, #tpu.memory_space<hbm>>
      %dma_start3A_2182 = arith.constant 192 : i32
      %dma_start3A_2183 = arith.constant 0 : i32
      %dma_start3A_2184 = tpu.memref_slice %arg11[%dma_start3A_2182, %dma_start3A_2183] : memref<256x128xf32, #tpu.memory_space<vmem>> -> memref<32x128xf32, #tpu.memory_space<vmem>>
      %dma_start3A_2185 = arith.constant 0 : i32
      %dma_start3A_2186 = tpu.memref_slice %arg2[%dma_start3A_2185, %multiple_of3A_2176] : memref<32x1000000xf32, #tpu.memory_space<hbm>> -> memref<32x128xf32, #tpu.memory_space<hbm>>
      tpu.enqueue_dma source(%dma_start3A_2186 : memref<32x128xf32, #tpu.memory_space<hbm>>) target(%dma_start3A_2184 : memref<32x128xf32, #tpu.memory_space<vmem>>) target_semaphore(%arg14 : memref<!tpu.dma_semaphore, #tpu.memory_space<semaphore_mem>>)
      %slice3A_2187 = vector.extract_strided_slice %get3A_284 {offsets = [7], sizes = [1], strides = [1]} : vector<16xi32> to vector<1xi32>
      %squeeze3A_2188 = vector.extract %slice3A_2187[0] : i32 from vector<1xi32>
      %shift_right_arithmetic3A_2189 = arith.constant 7 : i32
      %shift_right_arithmetic3A_2190 = arith.shrsi %squeeze3A_2188, %shift_right_arithmetic3A_2189 : i32
      %min3A_2191 = arith.constant 7812 : i32
      %min3A_2192 = arith.minsi %shift_right_arithmetic3A_2190, %min3A_2191 : i32
      %max3A_2193 = arith.constant 0 : i32
      %max3A_2194 = arith.maxsi %min3A_2192, %max3A_2193 : i32
      %mul3A_2195 = arith.constant 128 : i32
      %mul3A_2196 = arith.muli %max3A_2194, %mul3A_2195 : i32
      %multiple_of3A_2197 = tpu.assume_multiple %mul3A_2196, 128 : i32
      %dma_start3A_2198 = arith.constant 224 : i32
      %dma_start3A_2199 = arith.constant 0 : i32
      %dma_start3A_2200 = tpu.memref_slice %arg11[%dma_start3A_2198, %dma_start3A_2199] : memref<256x128xf32, #tpu.memory_space<vmem>> -> memref<32x128xf32, #tpu.memory_space<vmem>>
      %dma_start3A_2201 = arith.constant 0 : i32
      %dma_start3A_2202 = tpu.memref_slice %arg2[%dma_start3A_2201, %multiple_of3A_2197] : memref<32x1000000xf32, #tpu.memory_space<hbm>> -> memref<32x128xf32, #tpu.memory_space<hbm>>
      %dma_start3A_2203 = arith.constant 224 : i32
      %dma_start3A_2204 = arith.constant 0 : i32
      %dma_start3A_2205 = tpu.memref_slice %arg11[%dma_start3A_2203, %dma_start3A_2204] : memref<256x128xf32, #tpu.memory_space<vmem>> -> memref<32x128xf32, #tpu.memory_space<vmem>>
      %dma_start3A_2206 = arith.constant 0 : i32
      %dma_start3A_2207 = tpu.memref_slice %arg2[%dma_start3A_2206, %multiple_of3A_2197] : memref<32x1000000xf32, #tpu.memory_space<hbm>> -> memref<32x128xf32, #tpu.memory_space<hbm>>
      tpu.enqueue_dma source(%dma_start3A_2207 : memref<32x128xf32, #tpu.memory_space<hbm>>) target(%dma_start3A_2205 : memref<32x128xf32, #tpu.memory_space<vmem>>) target_semaphore(%arg14 : memref<!tpu.dma_semaphore, #tpu.memory_space<semaphore_mem>>)
      %dma_wait3A_2208 = arith.constant 0 : i32
      %dma_wait3A_2209 = arith.constant 0 : i32
      %dma_wait3A_2210 = tpu.memref_slice %arg12[%dma_wait3A_2208, %dma_wait3A_2209] : memref<256x128xf32, #tpu.memory_space<vmem>> -> memref<32x128xf32, #tpu.memory_space<vmem>>
      %dma_wait3A_2211 = arith.constant 0 : i32
      %dma_wait3A_2212 = arith.constant 0 : i32
      %dma_wait3A_2213 = tpu.memref_slice %arg2[%dma_wait3A_2211, %dma_wait3A_2212] : memref<32x1000000xf32, #tpu.memory_space<hbm>> -> memref<32x128xf32, #tpu.memory_space<hbm>>
      %dma_wait3A_2214 = arith.constant 0 : i32
      %dma_wait3A_2215 = arith.constant 0 : i32
      %dma_wait3A_2216 = tpu.memref_slice %arg12[%dma_wait3A_2214, %dma_wait3A_2215] : memref<256x128xf32, #tpu.memory_space<vmem>> -> memref<32x128xf32, #tpu.memory_space<vmem>>
      %dma_wait3A_2217 = arith.constant 0 : i32
      %dma_wait3A_2218 = arith.constant 0 : i32
      %dma_wait3A_2219 = tpu.memref_slice %arg2[%dma_wait3A_2217, %dma_wait3A_2218] : memref<32x1000000xf32, #tpu.memory_space<hbm>> -> memref<32x128xf32, #tpu.memory_space<hbm>>
      tpu.wait_dma2 semaphore(%arg15 : memref<!tpu.dma_semaphore, #tpu.memory_space<semaphore_mem>>) src(%dma_wait3A_2219 : memref<32x128xf32, #tpu.memory_space<hbm>>) dst(%dma_wait3A_2216 : memref<32x128xf32, #tpu.memory_space<vmem>>)
      %dma_wait3A_2220 = arith.constant 32 : i32
      %dma_wait3A_2221 = arith.constant 0 : i32
      %dma_wait3A_2222 = tpu.memref_slice %arg12[%dma_wait3A_2220, %dma_wait3A_2221] : memref<256x128xf32, #tpu.memory_space<vmem>> -> memref<32x128xf32, #tpu.memory_space<vmem>>
      %dma_wait3A_2223 = arith.constant 0 : i32
      %dma_wait3A_2224 = arith.constant 0 : i32
      %dma_wait3A_2225 = tpu.memref_slice %arg2[%dma_wait3A_2223, %dma_wait3A_2224] : memref<32x1000000xf32, #tpu.memory_space<hbm>> -> memref<32x128xf32, #tpu.memory_space<hbm>>
      %dma_wait3A_2226 = arith.constant 32 : i32
      %dma_wait3A_2227 = arith.constant 0 : i32
      %dma_wait3A_2228 = tpu.memref_slice %arg12[%dma_wait3A_2226, %dma_wait3A_2227] : memref<256x128xf32, #tpu.memory_space<vmem>> -> memref<32x128xf32, #tpu.memory_space<vmem>>
      %dma_wait3A_2229 = arith.constant 0 : i32
      %dma_wait3A_2230 = arith.constant 0 : i32
      %dma_wait3A_2231 = tpu.memref_slice %arg2[%dma_wait3A_2229, %dma_wait3A_2230] : memref<32x1000000xf32, #tpu.memory_space<hbm>> -> memref<32x128xf32, #tpu.memory_space<hbm>>
      tpu.wait_dma2 semaphore(%arg15 : memref<!tpu.dma_semaphore, #tpu.memory_space<semaphore_mem>>) src(%dma_wait3A_2231 : memref<32x128xf32, #tpu.memory_space<hbm>>) dst(%dma_wait3A_2228 : memref<32x128xf32, #tpu.memory_space<vmem>>)
      %dma_wait3A_2232 = arith.constant 64 : i32
      %dma_wait3A_2233 = arith.constant 0 : i32
      %dma_wait3A_2234 = tpu.memref_slice %arg12[%dma_wait3A_2232, %dma_wait3A_2233] : memref<256x128xf32, #tpu.memory_space<vmem>> -> memref<32x128xf32, #tpu.memory_space<vmem>>
      %dma_wait3A_2235 = arith.constant 0 : i32
      %dma_wait3A_2236 = arith.constant 0 : i32
      %dma_wait3A_2237 = tpu.memref_slice %arg2[%dma_wait3A_2235, %dma_wait3A_2236] : memref<32x1000000xf32, #tpu.memory_space<hbm>> -> memref<32x128xf32, #tpu.memory_space<hbm>>
      %dma_wait3A_2238 = arith.constant 64 : i32
      %dma_wait3A_2239 = arith.constant 0 : i32
      %dma_wait3A_2240 = tpu.memref_slice %arg12[%dma_wait3A_2238, %dma_wait3A_2239] : memref<256x128xf32, #tpu.memory_space<vmem>> -> memref<32x128xf32, #tpu.memory_space<vmem>>
      %dma_wait3A_2241 = arith.constant 0 : i32
      %dma_wait3A_2242 = arith.constant 0 : i32
      %dma_wait3A_2243 = tpu.memref_slice %arg2[%dma_wait3A_2241, %dma_wait3A_2242] : memref<32x1000000xf32, #tpu.memory_space<hbm>> -> memref<32x128xf32, #tpu.memory_space<hbm>>
      tpu.wait_dma2 semaphore(%arg15 : memref<!tpu.dma_semaphore, #tpu.memory_space<semaphore_mem>>) src(%dma_wait3A_2243 : memref<32x128xf32, #tpu.memory_space<hbm>>) dst(%dma_wait3A_2240 : memref<32x128xf32, #tpu.memory_space<vmem>>)
      %dma_wait3A_2244 = arith.constant 96 : i32
      %dma_wait3A_2245 = arith.constant 0 : i32
      %dma_wait3A_2246 = tpu.memref_slice %arg12[%dma_wait3A_2244, %dma_wait3A_2245] : memref<256x128xf32, #tpu.memory_space<vmem>> -> memref<32x128xf32, #tpu.memory_space<vmem>>
      %dma_wait3A_2247 = arith.constant 0 : i32
      %dma_wait3A_2248 = arith.constant 0 : i32
      %dma_wait3A_2249 = tpu.memref_slice %arg2[%dma_wait3A_2247, %dma_wait3A_2248] : memref<32x1000000xf32, #tpu.memory_space<hbm>> -> memref<32x128xf32, #tpu.memory_space<hbm>>
      %dma_wait3A_2250 = arith.constant 96 : i32
      %dma_wait3A_2251 = arith.constant 0 : i32
      %dma_wait3A_2252 = tpu.memref_slice %arg12[%dma_wait3A_2250, %dma_wait3A_2251] : memref<256x128xf32, #tpu.memory_space<vmem>> -> memref<32x128xf32, #tpu.memory_space<vmem>>
      %dma_wait3A_2253 = arith.constant 0 : i32
      %dma_wait3A_2254 = arith.constant 0 : i32
      %dma_wait3A_2255 = tpu.memref_slice %arg2[%dma_wait3A_2253, %dma_wait3A_2254] : memref<32x1000000xf32, #tpu.memory_space<hbm>> -> memref<32x128xf32, #tpu.memory_space<hbm>>
      tpu.wait_dma2 semaphore(%arg15 : memref<!tpu.dma_semaphore, #tpu.memory_space<semaphore_mem>>) src(%dma_wait3A_2255 : memref<32x128xf32, #tpu.memory_space<hbm>>) dst(%dma_wait3A_2252 : memref<32x128xf32, #tpu.memory_space<vmem>>)
      %dma_wait3A_2256 = arith.constant 128 : i32
      %dma_wait3A_2257 = arith.constant 0 : i32
      %dma_wait3A_2258 = tpu.memref_slice %arg12[%dma_wait3A_2256, %dma_wait3A_2257] : memref<256x128xf32, #tpu.memory_space<vmem>> -> memref<32x128xf32, #tpu.memory_space<vmem>>
      %dma_wait3A_2259 = arith.constant 0 : i32
      %dma_wait3A_2260 = arith.constant 0 : i32
      %dma_wait3A_2261 = tpu.memref_slice %arg2[%dma_wait3A_2259, %dma_wait3A_2260] : memref<32x1000000xf32, #tpu.memory_space<hbm>> -> memref<32x128xf32, #tpu.memory_space<hbm>>
      %dma_wait3A_2262 = arith.constant 128 : i32
      %dma_wait3A_2263 = arith.constant 0 : i32
      %dma_wait3A_2264 = tpu.memref_slice %arg12[%dma_wait3A_2262, %dma_wait3A_2263] : memref<256x128xf32, #tpu.memory_space<vmem>> -> memref<32x128xf32, #tpu.memory_space<vmem>>
      %dma_wait3A_2265 = arith.constant 0 : i32
      %dma_wait3A_2266 = arith.constant 0 : i32
      %dma_wait3A_2267 = tpu.memref_slice %arg2[%dma_wait3A_2265, %dma_wait3A_2266] : memref<32x1000000xf32, #tpu.memory_space<hbm>> -> memref<32x128xf32, #tpu.memory_space<hbm>>
      tpu.wait_dma2 semaphore(%arg15 : memref<!tpu.dma_semaphore, #tpu.memory_space<semaphore_mem>>) src(%dma_wait3A_2267 : memref<32x128xf32, #tpu.memory_space<hbm>>) dst(%dma_wait3A_2264 : memref<32x128xf32, #tpu.memory_space<vmem>>)
      %dma_wait3A_2268 = arith.constant 160 : i32
      %dma_wait3A_2269 = arith.constant 0 : i32
      %dma_wait3A_2270 = tpu.memref_slice %arg12[%dma_wait3A_2268, %dma_wait3A_2269] : memref<256x128xf32, #tpu.memory_space<vmem>> -> memref<32x128xf32, #tpu.memory_space<vmem>>
      %dma_wait3A_2271 = arith.constant 0 : i32
      %dma_wait3A_2272 = arith.constant 0 : i32
      %dma_wait3A_2273 = tpu.memref_slice %arg2[%dma_wait3A_2271, %dma_wait3A_2272] : memref<32x1000000xf32, #tpu.memory_space<hbm>> -> memref<32x128xf32, #tpu.memory_space<hbm>>
      %dma_wait3A_2274 = arith.constant 160 : i32
      %dma_wait3A_2275 = arith.constant 0 : i32
      %dma_wait3A_2276 = tpu.memref_slice %arg12[%dma_wait3A_2274, %dma_wait3A_2275] : memref<256x128xf32, #tpu.memory_space<vmem>> -> memref<32x128xf32, #tpu.memory_space<vmem>>
      %dma_wait3A_2277 = arith.constant 0 : i32
      %dma_wait3A_2278 = arith.constant 0 : i32
      %dma_wait3A_2279 = tpu.memref_slice %arg2[%dma_wait3A_2277, %dma_wait3A_2278] : memref<32x1000000xf32, #tpu.memory_space<hbm>> -> memref<32x128xf32, #tpu.memory_space<hbm>>
      tpu.wait_dma2 semaphore(%arg15 : memref<!tpu.dma_semaphore, #tpu.memory_space<semaphore_mem>>) src(%dma_wait3A_2279 : memref<32x128xf32, #tpu.memory_space<hbm>>) dst(%dma_wait3A_2276 : memref<32x128xf32, #tpu.memory_space<vmem>>)
      %dma_wait3A_2280 = arith.constant 192 : i32
      %dma_wait3A_2281 = arith.constant 0 : i32
      %dma_wait3A_2282 = tpu.memref_slice %arg12[%dma_wait3A_2280, %dma_wait3A_2281] : memref<256x128xf32, #tpu.memory_space<vmem>> -> memref<32x128xf32, #tpu.memory_space<vmem>>
      %dma_wait3A_2283 = arith.constant 0 : i32
      %dma_wait3A_2284 = arith.constant 0 : i32
      %dma_wait3A_2285 = tpu.memref_slice %arg2[%dma_wait3A_2283, %dma_wait3A_2284] : memref<32x1000000xf32, #tpu.memory_space<hbm>> -> memref<32x128xf32, #tpu.memory_space<hbm>>
      %dma_wait3A_2286 = arith.constant 192 : i32
      %dma_wait3A_2287 = arith.constant 0 : i32
      %dma_wait3A_2288 = tpu.memref_slice %arg12[%dma_wait3A_2286, %dma_wait3A_2287] : memref<256x128xf32, #tpu.memory_space<vmem>> -> memref<32x128xf32, #tpu.memory_space<vmem>>
      %dma_wait3A_2289 = arith.constant 0 : i32
      %dma_wait3A_2290 = arith.constant 0 : i32
      %dma_wait3A_2291 = tpu.memref_slice %arg2[%dma_wait3A_2289, %dma_wait3A_2290] : memref<32x1000000xf32, #tpu.memory_space<hbm>> -> memref<32x128xf32, #tpu.memory_space<hbm>>
      tpu.wait_dma2 semaphore(%arg15 : memref<!tpu.dma_semaphore, #tpu.memory_space<semaphore_mem>>) src(%dma_wait3A_2291 : memref<32x128xf32, #tpu.memory_space<hbm>>) dst(%dma_wait3A_2288 : memref<32x128xf32, #tpu.memory_space<vmem>>)
      %dma_wait3A_2292 = arith.constant 224 : i32
      %dma_wait3A_2293 = arith.constant 0 : i32
      %dma_wait3A_2294 = tpu.memref_slice %arg12[%dma_wait3A_2292, %dma_wait3A_2293] : memref<256x128xf32, #tpu.memory_space<vmem>> -> memref<32x128xf32, #tpu.memory_space<vmem>>
      %dma_wait3A_2295 = arith.constant 0 : i32
      %dma_wait3A_2296 = arith.constant 0 : i32
      %dma_wait3A_2297 = tpu.memref_slice %arg2[%dma_wait3A_2295, %dma_wait3A_2296] : memref<32x1000000xf32, #tpu.memory_space<hbm>> -> memref<32x128xf32, #tpu.memory_space<hbm>>
      %dma_wait3A_2298 = arith.constant 224 : i32
      %dma_wait3A_2299 = arith.constant 0 : i32
      %dma_wait3A_2300 = tpu.memref_slice %arg12[%dma_wait3A_2298, %dma_wait3A_2299] : memref<256x128xf32, #tpu.memory_space<vmem>> -> memref<32x128xf32, #tpu.memory_space<vmem>>
      %dma_wait3A_2301 = arith.constant 0 : i32
      %dma_wait3A_2302 = arith.constant 0 : i32
      %dma_wait3A_2303 = tpu.memref_slice %arg2[%dma_wait3A_2301, %dma_wait3A_2302] : memref<32x1000000xf32, #tpu.memory_space<hbm>> -> memref<32x128xf32, #tpu.memory_space<hbm>>
      tpu.wait_dma2 semaphore(%arg15 : memref<!tpu.dma_semaphore, #tpu.memory_space<semaphore_mem>>) src(%dma_wait3A_2303 : memref<32x128xf32, #tpu.memory_space<hbm>>) dst(%dma_wait3A_2300 : memref<32x128xf32, #tpu.memory_space<vmem>>)
      %broadcast_in_dim3A_2304 = arith.constant 0 : i32
      %broadcast_in_dim3A_2305 = vector.broadcast %broadcast_in_dim3A_2304 : i32 to vector<16xi32>
      %mul3A_2306 = arith.constant 32 : i32
      %mul3A_2307 = vector.broadcast %mul3A_2306 : i32 to vector<16xi32>
      %mul3A_2308 = arith.muli %min3A_4, %mul3A_2307 : vector<16xi32>
      %add3A_2309 = arith.addi %mul3A_2308, %broadcast_in_dim3A_2305 : vector<16xi32>
      %gather3A_2310 = tpu.vector_load_idx %arg12[%add3A_2309, %and3A_289] : memref<256x128xf32, #tpu.memory_space<vmem>>[vector<16xi32>, vector<16xi32>], vector<16xf32>,
      %add3A_2311 = arith.constant 96 : i32
      %add3A_2312 = vector.broadcast %add3A_2311 : i32 to vector<16xi32>
      %add3A_2313 = arith.addi %broadcast_in_dim3A_2305, %add3A_2312 : vector<16xi32>
      tpu.vector_store_idx %arg13[%iota3A, %add3A_2313], %gather3A_2310 masked %lt3A_6 : memref<16x128xf32, #tpu.memory_space<vmem>>[vector<16xi32>, vector<16xi32>], vector<16xf32>, vector<16xi1>
      %broadcast_in_dim3A_2314 = arith.constant 1 : i32
      %broadcast_in_dim3A_2315 = vector.broadcast %broadcast_in_dim3A_2314 : i32 to vector<16xi32>
      %mul3A_2316 = arith.constant 32 : i32
      %mul3A_2317 = vector.broadcast %mul3A_2316 : i32 to vector<16xi32>
      %mul3A_2318 = arith.muli %min3A_4, %mul3A_2317 : vector<16xi32>
      %add3A_2319 = arith.addi %mul3A_2318, %broadcast_in_dim3A_2315 : vector<16xi32>
      %gather3A_2320 = tpu.vector_load_idx %arg12[%add3A_2319, %and3A_289] : memref<256x128xf32, #tpu.memory_space<vmem>>[vector<16xi32>, vector<16xi32>], vector<16xf32>,
      %add3A_2321 = arith.constant 96 : i32
      %add3A_2322 = vector.broadcast %add3A_2321 : i32 to vector<16xi32>
      %add3A_2323 = arith.addi %broadcast_in_dim3A_2315, %add3A_2322 : vector<16xi32>
      tpu.vector_store_idx %arg13[%iota3A, %add3A_2323], %gather3A_2320 masked %lt3A_6 : memref<16x128xf32, #tpu.memory_space<vmem>>[vector<16xi32>, vector<16xi32>], vector<16xf32>, vector<16xi1>
      %broadcast_in_dim3A_2324 = arith.constant 2 : i32
      %broadcast_in_dim3A_2325 = vector.broadcast %broadcast_in_dim3A_2324 : i32 to vector<16xi32>
      %mul3A_2326 = arith.constant 32 : i32
      %mul3A_2327 = vector.broadcast %mul3A_2326 : i32 to vector<16xi32>
      %mul3A_2328 = arith.muli %min3A_4, %mul3A_2327 : vector<16xi32>
      %add3A_2329 = arith.addi %mul3A_2328, %broadcast_in_dim3A_2325 : vector<16xi32>
      %gather3A_2330 = tpu.vector_load_idx %arg12[%add3A_2329, %and3A_289] : memref<256x128xf32, #tpu.memory_space<vmem>>[vector<16xi32>, vector<16xi32>], vector<16xf32>,
      %add3A_2331 = arith.constant 96 : i32
      %add3A_2332 = vector.broadcast %add3A_2331 : i32 to vector<16xi32>
      %add3A_2333 = arith.addi %broadcast_in_dim3A_2325, %add3A_2332 : vector<16xi32>
      tpu.vector_store_idx %arg13[%iota3A, %add3A_2333], %gather3A_2330 masked %lt3A_6 : memref<16x128xf32, #tpu.memory_space<vmem>>[vector<16xi32>, vector<16xi32>], vector<16xf32>, vector<16xi1>
      %broadcast_in_dim3A_2334 = arith.constant 3 : i32
      %broadcast_in_dim3A_2335 = vector.broadcast %broadcast_in_dim3A_2334 : i32 to vector<16xi32>
      %mul3A_2336 = arith.constant 32 : i32
      %mul3A_2337 = vector.broadcast %mul3A_2336 : i32 to vector<16xi32>
      %mul3A_2338 = arith.muli %min3A_4, %mul3A_2337 : vector<16xi32>
      %add3A_2339 = arith.addi %mul3A_2338, %broadcast_in_dim3A_2335 : vector<16xi32>
      %gather3A_2340 = tpu.vector_load_idx %arg12[%add3A_2339, %and3A_289] : memref<256x128xf32, #tpu.memory_space<vmem>>[vector<16xi32>, vector<16xi32>], vector<16xf32>,
      %add3A_2341 = arith.constant 96 : i32
      %add3A_2342 = vector.broadcast %add3A_2341 : i32 to vector<16xi32>
      %add3A_2343 = arith.addi %broadcast_in_dim3A_2335, %add3A_2342 : vector<16xi32>
      tpu.vector_store_idx %arg13[%iota3A, %add3A_2343], %gather3A_2340 masked %lt3A_6 : memref<16x128xf32, #tpu.memory_space<vmem>>[vector<16xi32>, vector<16xi32>], vector<16xf32>, vector<16xi1>
      %broadcast_in_dim3A_2344 = arith.constant 4 : i32
      %broadcast_in_dim3A_2345 = vector.broadcast %broadcast_in_dim3A_2344 : i32 to vector<16xi32>
      %mul3A_2346 = arith.constant 32 : i32
      %mul3A_2347 = vector.broadcast %mul3A_2346 : i32 to vector<16xi32>
      %mul3A_2348 = arith.muli %min3A_4, %mul3A_2347 : vector<16xi32>
      %add3A_2349 = arith.addi %mul3A_2348, %broadcast_in_dim3A_2345 : vector<16xi32>
      %gather3A_2350 = tpu.vector_load_idx %arg12[%add3A_2349, %and3A_289] : memref<256x128xf32, #tpu.memory_space<vmem>>[vector<16xi32>, vector<16xi32>], vector<16xf32>,
      %add3A_2351 = arith.constant 96 : i32
      %add3A_2352 = vector.broadcast %add3A_2351 : i32 to vector<16xi32>
      %add3A_2353 = arith.addi %broadcast_in_dim3A_2345, %add3A_2352 : vector<16xi32>
      tpu.vector_store_idx %arg13[%iota3A, %add3A_2353], %gather3A_2350 masked %lt3A_6 : memref<16x128xf32, #tpu.memory_space<vmem>>[vector<16xi32>, vector<16xi32>], vector<16xf32>, vector<16xi1>
      %broadcast_in_dim3A_2354 = arith.constant 5 : i32
      %broadcast_in_dim3A_2355 = vector.broadcast %broadcast_in_dim3A_2354 : i32 to vector<16xi32>
      %mul3A_2356 = arith.constant 32 : i32
      %mul3A_2357 = vector.broadcast %mul3A_2356 : i32 to vector<16xi32>
      %mul3A_2358 = arith.muli %min3A_4, %mul3A_2357 : vector<16xi32>
      %add3A_2359 = arith.addi %mul3A_2358, %broadcast_in_dim3A_2355 : vector<16xi32>
      %gather3A_2360 = tpu.vector_load_idx %arg12[%add3A_2359, %and3A_289] : memref<256x128xf32, #tpu.memory_space<vmem>>[vector<16xi32>, vector<16xi32>], vector<16xf32>,
      %add3A_2361 = arith.constant 96 : i32
      %add3A_2362 = vector.broadcast %add3A_2361 : i32 to vector<16xi32>
      %add3A_2363 = arith.addi %broadcast_in_dim3A_2355, %add3A_2362 : vector<16xi32>
      tpu.vector_store_idx %arg13[%iota3A, %add3A_2363], %gather3A_2360 masked %lt3A_6 : memref<16x128xf32, #tpu.memory_space<vmem>>[vector<16xi32>, vector<16xi32>], vector<16xf32>, vector<16xi1>
      %broadcast_in_dim3A_2364 = arith.constant 6 : i32
      %broadcast_in_dim3A_2365 = vector.broadcast %broadcast_in_dim3A_2364 : i32 to vector<16xi32>
      %mul3A_2366 = arith.constant 32 : i32
      %mul3A_2367 = vector.broadcast %mul3A_2366 : i32 to vector<16xi32>
      %mul3A_2368 = arith.muli %min3A_4, %mul3A_2367 : vector<16xi32>
      %add3A_2369 = arith.addi %mul3A_2368, %broadcast_in_dim3A_2365 : vector<16xi32>
      %gather3A_2370 = tpu.vector_load_idx %arg12[%add3A_2369, %and3A_289] : memref<256x128xf32, #tpu.memory_space<vmem>>[vector<16xi32>, vector<16xi32>], vector<16xf32>,
      %add3A_2371 = arith.constant 96 : i32
      %add3A_2372 = vector.broadcast %add3A_2371 : i32 to vector<16xi32>
      %add3A_2373 = arith.addi %broadcast_in_dim3A_2365, %add3A_2372 : vector<16xi32>
      tpu.vector_store_idx %arg13[%iota3A, %add3A_2373], %gather3A_2370 masked %lt3A_6 : memref<16x128xf32, #tpu.memory_space<vmem>>[vector<16xi32>, vector<16xi32>], vector<16xf32>, vector<16xi1>
      %broadcast_in_dim3A_2374 = arith.constant 7 : i32
      %broadcast_in_dim3A_2375 = vector.broadcast %broadcast_in_dim3A_2374 : i32 to vector<16xi32>
      %mul3A_2376 = arith.constant 32 : i32
      %mul3A_2377 = vector.broadcast %mul3A_2376 : i32 to vector<16xi32>
      %mul3A_2378 = arith.muli %min3A_4, %mul3A_2377 : vector<16xi32>
      %add3A_2379 = arith.addi %mul3A_2378, %broadcast_in_dim3A_2375 : vector<16xi32>
      %gather3A_2380 = tpu.vector_load_idx %arg12[%add3A_2379, %and3A_289] : memref<256x128xf32, #tpu.memory_space<vmem>>[vector<16xi32>, vector<16xi32>], vector<16xf32>,
      %add3A_2381 = arith.constant 96 : i32
      %add3A_2382 = vector.broadcast %add3A_2381 : i32 to vector<16xi32>
      %add3A_2383 = arith.addi %broadcast_in_dim3A_2375, %add3A_2382 : vector<16xi32>
      tpu.vector_store_idx %arg13[%iota3A, %add3A_2383], %gather3A_2380 masked %lt3A_6 : memref<16x128xf32, #tpu.memory_space<vmem>>[vector<16xi32>, vector<16xi32>], vector<16xf32>, vector<16xi1>
      %broadcast_in_dim3A_2384 = arith.constant 8 : i32
      %broadcast_in_dim3A_2385 = vector.broadcast %broadcast_in_dim3A_2384 : i32 to vector<16xi32>
      %mul3A_2386 = arith.constant 32 : i32
      %mul3A_2387 = vector.broadcast %mul3A_2386 : i32 to vector<16xi32>
      %mul3A_2388 = arith.muli %min3A_4, %mul3A_2387 : vector<16xi32>
      %add3A_2389 = arith.addi %mul3A_2388, %broadcast_in_dim3A_2385 : vector<16xi32>
      %gather3A_2390 = tpu.vector_load_idx %arg12[%add3A_2389, %and3A_289] : memref<256x128xf32, #tpu.memory_space<vmem>>[vector<16xi32>, vector<16xi32>], vector<16xf32>,
      %add3A_2391 = arith.constant 96 : i32
      %add3A_2392 = vector.broadcast %add3A_2391 : i32 to vector<16xi32>
      %add3A_2393 = arith.addi %broadcast_in_dim3A_2385, %add3A_2392 : vector<16xi32>
      tpu.vector_store_idx %arg13[%iota3A, %add3A_2393], %gather3A_2390 masked %lt3A_6 : memref<16x128xf32, #tpu.memory_space<vmem>>[vector<16xi32>, vector<16xi32>], vector<16xf32>, vector<16xi1>
      %broadcast_in_dim3A_2394 = arith.constant 9 : i32
      %broadcast_in_dim3A_2395 = vector.broadcast %broadcast_in_dim3A_2394 : i32 to vector<16xi32>
      %mul3A_2396 = arith.constant 32 : i32
      %mul3A_2397 = vector.broadcast %mul3A_2396 : i32 to vector<16xi32>
      %mul3A_2398 = arith.muli %min3A_4, %mul3A_2397 : vector<16xi32>
      %add3A_2399 = arith.addi %mul3A_2398, %broadcast_in_dim3A_2395 : vector<16xi32>
      %gather3A_2400 = tpu.vector_load_idx %arg12[%add3A_2399, %and3A_289] : memref<256x128xf32, #tpu.memory_space<vmem>>[vector<16xi32>, vector<16xi32>], vector<16xf32>,
      %add3A_2401 = arith.constant 96 : i32
      %add3A_2402 = vector.broadcast %add3A_2401 : i32 to vector<16xi32>
      %add3A_2403 = arith.addi %broadcast_in_dim3A_2395, %add3A_2402 : vector<16xi32>
      tpu.vector_store_idx %arg13[%iota3A, %add3A_2403], %gather3A_2400 masked %lt3A_6 : memref<16x128xf32, #tpu.memory_space<vmem>>[vector<16xi32>, vector<16xi32>], vector<16xf32>, vector<16xi1>
      %broadcast_in_dim3A_2404 = arith.constant 10 : i32
      %broadcast_in_dim3A_2405 = vector.broadcast %broadcast_in_dim3A_2404 : i32 to vector<16xi32>
      %mul3A_2406 = arith.constant 32 : i32
      %mul3A_2407 = vector.broadcast %mul3A_2406 : i32 to vector<16xi32>
      %mul3A_2408 = arith.muli %min3A_4, %mul3A_2407 : vector<16xi32>
      %add3A_2409 = arith.addi %mul3A_2408, %broadcast_in_dim3A_2405 : vector<16xi32>
      %gather3A_2410 = tpu.vector_load_idx %arg12[%add3A_2409, %and3A_289] : memref<256x128xf32, #tpu.memory_space<vmem>>[vector<16xi32>, vector<16xi32>], vector<16xf32>,
      %add3A_2411 = arith.constant 96 : i32
      %add3A_2412 = vector.broadcast %add3A_2411 : i32 to vector<16xi32>
      %add3A_2413 = arith.addi %broadcast_in_dim3A_2405, %add3A_2412 : vector<16xi32>
      tpu.vector_store_idx %arg13[%iota3A, %add3A_2413], %gather3A_2410 masked %lt3A_6 : memref<16x128xf32, #tpu.memory_space<vmem>>[vector<16xi32>, vector<16xi32>], vector<16xf32>, vector<16xi1>
      %broadcast_in_dim3A_2414 = arith.constant 11 : i32
      %broadcast_in_dim3A_2415 = vector.broadcast %broadcast_in_dim3A_2414 : i32 to vector<16xi32>
      %mul3A_2416 = arith.constant 32 : i32
      %mul3A_2417 = vector.broadcast %mul3A_2416 : i32 to vector<16xi32>
      %mul3A_2418 = arith.muli %min3A_4, %mul3A_2417 : vector<16xi32>
      %add3A_2419 = arith.addi %mul3A_2418, %broadcast_in_dim3A_2415 : vector<16xi32>
      %gather3A_2420 = tpu.vector_load_idx %arg12[%add3A_2419, %and3A_289] : memref<256x128xf32, #tpu.memory_space<vmem>>[vector<16xi32>, vector<16xi32>], vector<16xf32>,
      %add3A_2421 = arith.constant 96 : i32
      %add3A_2422 = vector.broadcast %add3A_2421 : i32 to vector<16xi32>
      %add3A_2423 = arith.addi %broadcast_in_dim3A_2415, %add3A_2422 : vector<16xi32>
      tpu.vector_store_idx %arg13[%iota3A, %add3A_2423], %gather3A_2420 masked %lt3A_6 : memref<16x128xf32, #tpu.memory_space<vmem>>[vector<16xi32>, vector<16xi32>], vector<16xf32>, vector<16xi1>
      %broadcast_in_dim3A_2424 = arith.constant 12 : i32
      %broadcast_in_dim3A_2425 = vector.broadcast %broadcast_in_dim3A_2424 : i32 to vector<16xi32>
      %mul3A_2426 = arith.constant 32 : i32
      %mul3A_2427 = vector.broadcast %mul3A_2426 : i32 to vector<16xi32>
      %mul3A_2428 = arith.muli %min3A_4, %mul3A_2427 : vector<16xi32>
      %add3A_2429 = arith.addi %mul3A_2428, %broadcast_in_dim3A_2425 : vector<16xi32>
      %gather3A_2430 = tpu.vector_load_idx %arg12[%add3A_2429, %and3A_289] : memref<256x128xf32, #tpu.memory_space<vmem>>[vector<16xi32>, vector<16xi32>], vector<16xf32>,
      %add3A_2431 = arith.constant 96 : i32
      %add3A_2432 = vector.broadcast %add3A_2431 : i32 to vector<16xi32>
      %add3A_2433 = arith.addi %broadcast_in_dim3A_2425, %add3A_2432 : vector<16xi32>
      tpu.vector_store_idx %arg13[%iota3A, %add3A_2433], %gather3A_2430 masked %lt3A_6 : memref<16x128xf32, #tpu.memory_space<vmem>>[vector<16xi32>, vector<16xi32>], vector<16xf32>, vector<16xi1>
      %broadcast_in_dim3A_2434 = arith.constant 13 : i32
      %broadcast_in_dim3A_2435 = vector.broadcast %broadcast_in_dim3A_2434 : i32 to vector<16xi32>
      %mul3A_2436 = arith.constant 32 : i32
      %mul3A_2437 = vector.broadcast %mul3A_2436 : i32 to vector<16xi32>
      %mul3A_2438 = arith.muli %min3A_4, %mul3A_2437 : vector<16xi32>
      %add3A_2439 = arith.addi %mul3A_2438, %broadcast_in_dim3A_2435 : vector<16xi32>
      %gather3A_2440 = tpu.vector_load_idx %arg12[%add3A_2439, %and3A_289] : memref<256x128xf32, #tpu.memory_space<vmem>>[vector<16xi32>, vector<16xi32>], vector<16xf32>,
      %add3A_2441 = arith.constant 96 : i32
      %add3A_2442 = vector.broadcast %add3A_2441 : i32 to vector<16xi32>
      %add3A_2443 = arith.addi %broadcast_in_dim3A_2435, %add3A_2442 : vector<16xi32>
      tpu.vector_store_idx %arg13[%iota3A, %add3A_2443], %gather3A_2440 masked %lt3A_6 : memref<16x128xf32, #tpu.memory_space<vmem>>[vector<16xi32>, vector<16xi32>], vector<16xf32>, vector<16xi1>
      %broadcast_in_dim3A_2444 = arith.constant 14 : i32
      %broadcast_in_dim3A_2445 = vector.broadcast %broadcast_in_dim3A_2444 : i32 to vector<16xi32>
      %mul3A_2446 = arith.constant 32 : i32
      %mul3A_2447 = vector.broadcast %mul3A_2446 : i32 to vector<16xi32>
      %mul3A_2448 = arith.muli %min3A_4, %mul3A_2447 : vector<16xi32>
      %add3A_2449 = arith.addi %mul3A_2448, %broadcast_in_dim3A_2445 : vector<16xi32>
      %gather3A_2450 = tpu.vector_load_idx %arg12[%add3A_2449, %and3A_289] : memref<256x128xf32, #tpu.memory_space<vmem>>[vector<16xi32>, vector<16xi32>], vector<16xf32>,
      %add3A_2451 = arith.constant 96 : i32
      %add3A_2452 = vector.broadcast %add3A_2451 : i32 to vector<16xi32>
      %add3A_2453 = arith.addi %broadcast_in_dim3A_2445, %add3A_2452 : vector<16xi32>
      tpu.vector_store_idx %arg13[%iota3A, %add3A_2453], %gather3A_2450 masked %lt3A_6 : memref<16x128xf32, #tpu.memory_space<vmem>>[vector<16xi32>, vector<16xi32>], vector<16xf32>, vector<16xi1>
      %broadcast_in_dim3A_2454 = arith.constant 15 : i32
      %broadcast_in_dim3A_2455 = vector.broadcast %broadcast_in_dim3A_2454 : i32 to vector<16xi32>
      %mul3A_2456 = arith.constant 32 : i32
      %mul3A_2457 = vector.broadcast %mul3A_2456 : i32 to vector<16xi32>
      %mul3A_2458 = arith.muli %min3A_4, %mul3A_2457 : vector<16xi32>
      %add3A_2459 = arith.addi %mul3A_2458, %broadcast_in_dim3A_2455 : vector<16xi32>
      %gather3A_2460 = tpu.vector_load_idx %arg12[%add3A_2459, %and3A_289] : memref<256x128xf32, #tpu.memory_space<vmem>>[vector<16xi32>, vector<16xi32>], vector<16xf32>,
      %add3A_2461 = arith.constant 96 : i32
      %add3A_2462 = vector.broadcast %add3A_2461 : i32 to vector<16xi32>
      %add3A_2463 = arith.addi %broadcast_in_dim3A_2455, %add3A_2462 : vector<16xi32>
      tpu.vector_store_idx %arg13[%iota3A, %add3A_2463], %gather3A_2460 masked %lt3A_6 : memref<16x128xf32, #tpu.memory_space<vmem>>[vector<16xi32>, vector<16xi32>], vector<16xf32>, vector<16xi1>
      %broadcast_in_dim3A_2464 = arith.constant 16 : i32
      %broadcast_in_dim3A_2465 = vector.broadcast %broadcast_in_dim3A_2464 : i32 to vector<16xi32>
      %mul3A_2466 = arith.constant 32 : i32
      %mul3A_2467 = vector.broadcast %mul3A_2466 : i32 to vector<16xi32>
      %mul3A_2468 = arith.muli %min3A_4, %mul3A_2467 : vector<16xi32>
      %add3A_2469 = arith.addi %mul3A_2468, %broadcast_in_dim3A_2465 : vector<16xi32>
      %gather3A_2470 = tpu.vector_load_idx %arg12[%add3A_2469, %and3A_289] : memref<256x128xf32, #tpu.memory_space<vmem>>[vector<16xi32>, vector<16xi32>], vector<16xf32>,
      %add3A_2471 = arith.constant 96 : i32
      %add3A_2472 = vector.broadcast %add3A_2471 : i32 to vector<16xi32>
      %add3A_2473 = arith.addi %broadcast_in_dim3A_2465, %add3A_2472 : vector<16xi32>
      tpu.vector_store_idx %arg13[%iota3A, %add3A_2473], %gather3A_2470 masked %lt3A_6 : memref<16x128xf32, #tpu.memory_space<vmem>>[vector<16xi32>, vector<16xi32>], vector<16xf32>, vector<16xi1>
      %broadcast_in_dim3A_2474 = arith.constant 17 : i32
      %broadcast_in_dim3A_2475 = vector.broadcast %broadcast_in_dim3A_2474 : i32 to vector<16xi32>
      %mul3A_2476 = arith.constant 32 : i32
      %mul3A_2477 = vector.broadcast %mul3A_2476 : i32 to vector<16xi32>
      %mul3A_2478 = arith.muli %min3A_4, %mul3A_2477 : vector<16xi32>
      %add3A_2479 = arith.addi %mul3A_2478, %broadcast_in_dim3A_2475 : vector<16xi32>
      %gather3A_2480 = tpu.vector_load_idx %arg12[%add3A_2479, %and3A_289] : memref<256x128xf32, #tpu.memory_space<vmem>>[vector<16xi32>, vector<16xi32>], vector<16xf32>,
      %add3A_2481 = arith.constant 96 : i32
      %add3A_2482 = vector.broadcast %add3A_2481 : i32 to vector<16xi32>
      %add3A_2483 = arith.addi %broadcast_in_dim3A_2475, %add3A_2482 : vector<16xi32>
      tpu.vector_store_idx %arg13[%iota3A, %add3A_2483], %gather3A_2480 masked %lt3A_6 : memref<16x128xf32, #tpu.memory_space<vmem>>[vector<16xi32>, vector<16xi32>], vector<16xf32>, vector<16xi1>
      %broadcast_in_dim3A_2484 = arith.constant 18 : i32
      %broadcast_in_dim3A_2485 = vector.broadcast %broadcast_in_dim3A_2484 : i32 to vector<16xi32>
      %mul3A_2486 = arith.constant 32 : i32
      %mul3A_2487 = vector.broadcast %mul3A_2486 : i32 to vector<16xi32>
      %mul3A_2488 = arith.muli %min3A_4, %mul3A_2487 : vector<16xi32>
      %add3A_2489 = arith.addi %mul3A_2488, %broadcast_in_dim3A_2485 : vector<16xi32>
      %gather3A_2490 = tpu.vector_load_idx %arg12[%add3A_2489, %and3A_289] : memref<256x128xf32, #tpu.memory_space<vmem>>[vector<16xi32>, vector<16xi32>], vector<16xf32>,
      %add3A_2491 = arith.constant 96 : i32
      %add3A_2492 = vector.broadcast %add3A_2491 : i32 to vector<16xi32>
      %add3A_2493 = arith.addi %broadcast_in_dim3A_2485, %add3A_2492 : vector<16xi32>
      tpu.vector_store_idx %arg13[%iota3A, %add3A_2493], %gather3A_2490 masked %lt3A_6 : memref<16x128xf32, #tpu.memory_space<vmem>>[vector<16xi32>, vector<16xi32>], vector<16xf32>, vector<16xi1>
      %broadcast_in_dim3A_2494 = arith.constant 19 : i32
      %broadcast_in_dim3A_2495 = vector.broadcast %broadcast_in_dim3A_2494 : i32 to vector<16xi32>
      %mul3A_2496 = arith.constant 32 : i32
      %mul3A_2497 = vector.broadcast %mul3A_2496 : i32 to vector<16xi32>
      %mul3A_2498 = arith.muli %min3A_4, %mul3A_2497 : vector<16xi32>
      %add3A_2499 = arith.addi %mul3A_2498, %broadcast_in_dim3A_2495 : vector<16xi32>
      %gather3A_2500 = tpu.vector_load_idx %arg12[%add3A_2499, %and3A_289] : memref<256x128xf32, #tpu.memory_space<vmem>>[vector<16xi32>, vector<16xi32>], vector<16xf32>,
      %add3A_2501 = arith.constant 96 : i32
      %add3A_2502 = vector.broadcast %add3A_2501 : i32 to vector<16xi32>
      %add3A_2503 = arith.addi %broadcast_in_dim3A_2495, %add3A_2502 : vector<16xi32>
      tpu.vector_store_idx %arg13[%iota3A, %add3A_2503], %gather3A_2500 masked %lt3A_6 : memref<16x128xf32, #tpu.memory_space<vmem>>[vector<16xi32>, vector<16xi32>], vector<16xf32>, vector<16xi1>
      %broadcast_in_dim3A_2504 = arith.constant 20 : i32
      %broadcast_in_dim3A_2505 = vector.broadcast %broadcast_in_dim3A_2504 : i32 to vector<16xi32>
      %mul3A_2506 = arith.constant 32 : i32
      %mul3A_2507 = vector.broadcast %mul3A_2506 : i32 to vector<16xi32>
      %mul3A_2508 = arith.muli %min3A_4, %mul3A_2507 : vector<16xi32>
      %add3A_2509 = arith.addi %mul3A_2508, %broadcast_in_dim3A_2505 : vector<16xi32>
      %gather3A_2510 = tpu.vector_load_idx %arg12[%add3A_2509, %and3A_289] : memref<256x128xf32, #tpu.memory_space<vmem>>[vector<16xi32>, vector<16xi32>], vector<16xf32>,
      %add3A_2511 = arith.constant 96 : i32
      %add3A_2512 = vector.broadcast %add3A_2511 : i32 to vector<16xi32>
      %add3A_2513 = arith.addi %broadcast_in_dim3A_2505, %add3A_2512 : vector<16xi32>
      tpu.vector_store_idx %arg13[%iota3A, %add3A_2513], %gather3A_2510 masked %lt3A_6 : memref<16x128xf32, #tpu.memory_space<vmem>>[vector<16xi32>, vector<16xi32>], vector<16xf32>, vector<16xi1>
      %broadcast_in_dim3A_2514 = arith.constant 21 : i32
      %broadcast_in_dim3A_2515 = vector.broadcast %broadcast_in_dim3A_2514 : i32 to vector<16xi32>
      %mul3A_2516 = arith.constant 32 : i32
      %mul3A_2517 = vector.broadcast %mul3A_2516 : i32 to vector<16xi32>
      %mul3A_2518 = arith.muli %min3A_4, %mul3A_2517 : vector<16xi32>
      %add3A_2519 = arith.addi %mul3A_2518, %broadcast_in_dim3A_2515 : vector<16xi32>
      %gather3A_2520 = tpu.vector_load_idx %arg12[%add3A_2519, %and3A_289] : memref<256x128xf32, #tpu.memory_space<vmem>>[vector<16xi32>, vector<16xi32>], vector<16xf32>,
      %add3A_2521 = arith.constant 96 : i32
      %add3A_2522 = vector.broadcast %add3A_2521 : i32 to vector<16xi32>
      %add3A_2523 = arith.addi %broadcast_in_dim3A_2515, %add3A_2522 : vector<16xi32>
      tpu.vector_store_idx %arg13[%iota3A, %add3A_2523], %gather3A_2520 masked %lt3A_6 : memref<16x128xf32, #tpu.memory_space<vmem>>[vector<16xi32>, vector<16xi32>], vector<16xf32>, vector<16xi1>
      %broadcast_in_dim3A_2524 = arith.constant 22 : i32
      %broadcast_in_dim3A_2525 = vector.broadcast %broadcast_in_dim3A_2524 : i32 to vector<16xi32>
      %mul3A_2526 = arith.constant 32 : i32
      %mul3A_2527 = vector.broadcast %mul3A_2526 : i32 to vector<16xi32>
      %mul3A_2528 = arith.muli %min3A_4, %mul3A_2527 : vector<16xi32>
      %add3A_2529 = arith.addi %mul3A_2528, %broadcast_in_dim3A_2525 : vector<16xi32>
      %gather3A_2530 = tpu.vector_load_idx %arg12[%add3A_2529, %and3A_289] : memref<256x128xf32, #tpu.memory_space<vmem>>[vector<16xi32>, vector<16xi32>], vector<16xf32>,
      %add3A_2531 = arith.constant 96 : i32
      %add3A_2532 = vector.broadcast %add3A_2531 : i32 to vector<16xi32>
      %add3A_2533 = arith.addi %broadcast_in_dim3A_2525, %add3A_2532 : vector<16xi32>
      tpu.vector_store_idx %arg13[%iota3A, %add3A_2533], %gather3A_2530 masked %lt3A_6 : memref<16x128xf32, #tpu.memory_space<vmem>>[vector<16xi32>, vector<16xi32>], vector<16xf32>, vector<16xi1>
      %broadcast_in_dim3A_2534 = arith.constant 23 : i32
      %broadcast_in_dim3A_2535 = vector.broadcast %broadcast_in_dim3A_2534 : i32 to vector<16xi32>
      %mul3A_2536 = arith.constant 32 : i32
      %mul3A_2537 = vector.broadcast %mul3A_2536 : i32 to vector<16xi32>
      %mul3A_2538 = arith.muli %min3A_4, %mul3A_2537 : vector<16xi32>
      %add3A_2539 = arith.addi %mul3A_2538, %broadcast_in_dim3A_2535 : vector<16xi32>
      %gather3A_2540 = tpu.vector_load_idx %arg12[%add3A_2539, %and3A_289] : memref<256x128xf32, #tpu.memory_space<vmem>>[vector<16xi32>, vector<16xi32>], vector<16xf32>,
      %add3A_2541 = arith.constant 96 : i32
      %add3A_2542 = vector.broadcast %add3A_2541 : i32 to vector<16xi32>
      %add3A_2543 = arith.addi %broadcast_in_dim3A_2535, %add3A_2542 : vector<16xi32>
      tpu.vector_store_idx %arg13[%iota3A, %add3A_2543], %gather3A_2540 masked %lt3A_6 : memref<16x128xf32, #tpu.memory_space<vmem>>[vector<16xi32>, vector<16xi32>], vector<16xf32>, vector<16xi1>
      %broadcast_in_dim3A_2544 = arith.constant 24 : i32
      %broadcast_in_dim3A_2545 = vector.broadcast %broadcast_in_dim3A_2544 : i32 to vector<16xi32>
      %mul3A_2546 = arith.constant 32 : i32
      %mul3A_2547 = vector.broadcast %mul3A_2546 : i32 to vector<16xi32>
      %mul3A_2548 = arith.muli %min3A_4, %mul3A_2547 : vector<16xi32>
      %add3A_2549 = arith.addi %mul3A_2548, %broadcast_in_dim3A_2545 : vector<16xi32>
      %gather3A_2550 = tpu.vector_load_idx %arg12[%add3A_2549, %and3A_289] : memref<256x128xf32, #tpu.memory_space<vmem>>[vector<16xi32>, vector<16xi32>], vector<16xf32>,
      %add3A_2551 = arith.constant 96 : i32
      %add3A_2552 = vector.broadcast %add3A_2551 : i32 to vector<16xi32>
      %add3A_2553 = arith.addi %broadcast_in_dim3A_2545, %add3A_2552 : vector<16xi32>
      tpu.vector_store_idx %arg13[%iota3A, %add3A_2553], %gather3A_2550 masked %lt3A_6 : memref<16x128xf32, #tpu.memory_space<vmem>>[vector<16xi32>, vector<16xi32>], vector<16xf32>, vector<16xi1>
      %broadcast_in_dim3A_2554 = arith.constant 25 : i32
      %broadcast_in_dim3A_2555 = vector.broadcast %broadcast_in_dim3A_2554 : i32 to vector<16xi32>
      %mul3A_2556 = arith.constant 32 : i32
      %mul3A_2557 = vector.broadcast %mul3A_2556 : i32 to vector<16xi32>
      %mul3A_2558 = arith.muli %min3A_4, %mul3A_2557 : vector<16xi32>
      %add3A_2559 = arith.addi %mul3A_2558, %broadcast_in_dim3A_2555 : vector<16xi32>
      %gather3A_2560 = tpu.vector_load_idx %arg12[%add3A_2559, %and3A_289] : memref<256x128xf32, #tpu.memory_space<vmem>>[vector<16xi32>, vector<16xi32>], vector<16xf32>,
      %add3A_2561 = arith.constant 96 : i32
      %add3A_2562 = vector.broadcast %add3A_2561 : i32 to vector<16xi32>
      %add3A_2563 = arith.addi %broadcast_in_dim3A_2555, %add3A_2562 : vector<16xi32>
      tpu.vector_store_idx %arg13[%iota3A, %add3A_2563], %gather3A_2560 masked %lt3A_6 : memref<16x128xf32, #tpu.memory_space<vmem>>[vector<16xi32>, vector<16xi32>], vector<16xf32>, vector<16xi1>
      %broadcast_in_dim3A_2564 = arith.constant 26 : i32
      %broadcast_in_dim3A_2565 = vector.broadcast %broadcast_in_dim3A_2564 : i32 to vector<16xi32>
      %mul3A_2566 = arith.constant 32 : i32
      %mul3A_2567 = vector.broadcast %mul3A_2566 : i32 to vector<16xi32>
      %mul3A_2568 = arith.muli %min3A_4, %mul3A_2567 : vector<16xi32>
      %add3A_2569 = arith.addi %mul3A_2568, %broadcast_in_dim3A_2565 : vector<16xi32>
      %gather3A_2570 = tpu.vector_load_idx %arg12[%add3A_2569, %and3A_289] : memref<256x128xf32, #tpu.memory_space<vmem>>[vector<16xi32>, vector<16xi32>], vector<16xf32>,
      %add3A_2571 = arith.constant 96 : i32
      %add3A_2572 = vector.broadcast %add3A_2571 : i32 to vector<16xi32>
      %add3A_2573 = arith.addi %broadcast_in_dim3A_2565, %add3A_2572 : vector<16xi32>
      tpu.vector_store_idx %arg13[%iota3A, %add3A_2573], %gather3A_2570 masked %lt3A_6 : memref<16x128xf32, #tpu.memory_space<vmem>>[vector<16xi32>, vector<16xi32>], vector<16xf32>, vector<16xi1>
      %broadcast_in_dim3A_2574 = arith.constant 27 : i32
      %broadcast_in_dim3A_2575 = vector.broadcast %broadcast_in_dim3A_2574 : i32 to vector<16xi32>
      %mul3A_2576 = arith.constant 32 : i32
      %mul3A_2577 = vector.broadcast %mul3A_2576 : i32 to vector<16xi32>
      %mul3A_2578 = arith.muli %min3A_4, %mul3A_2577 : vector<16xi32>
      %add3A_2579 = arith.addi %mul3A_2578, %broadcast_in_dim3A_2575 : vector<16xi32>
      %gather3A_2580 = tpu.vector_load_idx %arg12[%add3A_2579, %and3A_289] : memref<256x128xf32, #tpu.memory_space<vmem>>[vector<16xi32>, vector<16xi32>], vector<16xf32>,
      %add3A_2581 = arith.constant 96 : i32
      %add3A_2582 = vector.broadcast %add3A_2581 : i32 to vector<16xi32>
      %add3A_2583 = arith.addi %broadcast_in_dim3A_2575, %add3A_2582 : vector<16xi32>
      tpu.vector_store_idx %arg13[%iota3A, %add3A_2583], %gather3A_2580 masked %lt3A_6 : memref<16x128xf32, #tpu.memory_space<vmem>>[vector<16xi32>, vector<16xi32>], vector<16xf32>, vector<16xi1>
      %broadcast_in_dim3A_2584 = arith.constant 28 : i32
      %broadcast_in_dim3A_2585 = vector.broadcast %broadcast_in_dim3A_2584 : i32 to vector<16xi32>
      %mul3A_2586 = arith.constant 32 : i32
      %mul3A_2587 = vector.broadcast %mul3A_2586 : i32 to vector<16xi32>
      %mul3A_2588 = arith.muli %min3A_4, %mul3A_2587 : vector<16xi32>
      %add3A_2589 = arith.addi %mul3A_2588, %broadcast_in_dim3A_2585 : vector<16xi32>
      %gather3A_2590 = tpu.vector_load_idx %arg12[%add3A_2589, %and3A_289] : memref<256x128xf32, #tpu.memory_space<vmem>>[vector<16xi32>, vector<16xi32>], vector<16xf32>,
      %add3A_2591 = arith.constant 96 : i32
      %add3A_2592 = vector.broadcast %add3A_2591 : i32 to vector<16xi32>
      %add3A_2593 = arith.addi %broadcast_in_dim3A_2585, %add3A_2592 : vector<16xi32>
      tpu.vector_store_idx %arg13[%iota3A, %add3A_2593], %gather3A_2590 masked %lt3A_6 : memref<16x128xf32, #tpu.memory_space<vmem>>[vector<16xi32>, vector<16xi32>], vector<16xf32>, vector<16xi1>
      %broadcast_in_dim3A_2594 = arith.constant 29 : i32
      %broadcast_in_dim3A_2595 = vector.broadcast %broadcast_in_dim3A_2594 : i32 to vector<16xi32>
      %mul3A_2596 = arith.constant 32 : i32
      %mul3A_2597 = vector.broadcast %mul3A_2596 : i32 to vector<16xi32>
      %mul3A_2598 = arith.muli %min3A_4, %mul3A_2597 : vector<16xi32>
      %add3A_2599 = arith.addi %mul3A_2598, %broadcast_in_dim3A_2595 : vector<16xi32>
      %gather3A_2600 = tpu.vector_load_idx %arg12[%add3A_2599, %and3A_289] : memref<256x128xf32, #tpu.memory_space<vmem>>[vector<16xi32>, vector<16xi32>], vector<16xf32>,
      %add3A_2601 = arith.constant 96 : i32
      %add3A_2602 = vector.broadcast %add3A_2601 : i32 to vector<16xi32>
      %add3A_2603 = arith.addi %broadcast_in_dim3A_2595, %add3A_2602 : vector<16xi32>
      tpu.vector_store_idx %arg13[%iota3A, %add3A_2603], %gather3A_2600 masked %lt3A_6 : memref<16x128xf32, #tpu.memory_space<vmem>>[vector<16xi32>, vector<16xi32>], vector<16xf32>, vector<16xi1>
      %broadcast_in_dim3A_2604 = arith.constant 30 : i32
      %broadcast_in_dim3A_2605 = vector.broadcast %broadcast_in_dim3A_2604 : i32 to vector<16xi32>
      %mul3A_2606 = arith.constant 32 : i32
      %mul3A_2607 = vector.broadcast %mul3A_2606 : i32 to vector<16xi32>
      %mul3A_2608 = arith.muli %min3A_4, %mul3A_2607 : vector<16xi32>
      %add3A_2609 = arith.addi %mul3A_2608, %broadcast_in_dim3A_2605 : vector<16xi32>
      %gather3A_2610 = tpu.vector_load_idx %arg12[%add3A_2609, %and3A_289] : memref<256x128xf32, #tpu.memory_space<vmem>>[vector<16xi32>, vector<16xi32>], vector<16xf32>,
      %add3A_2611 = arith.constant 96 : i32
      %add3A_2612 = vector.broadcast %add3A_2611 : i32 to vector<16xi32>
      %add3A_2613 = arith.addi %broadcast_in_dim3A_2605, %add3A_2612 : vector<16xi32>
      tpu.vector_store_idx %arg13[%iota3A, %add3A_2613], %gather3A_2610 masked %lt3A_6 : memref<16x128xf32, #tpu.memory_space<vmem>>[vector<16xi32>, vector<16xi32>], vector<16xf32>, vector<16xi1>
      %broadcast_in_dim3A_2614 = arith.constant 31 : i32
      %broadcast_in_dim3A_2615 = vector.broadcast %broadcast_in_dim3A_2614 : i32 to vector<16xi32>
      %mul3A_2616 = arith.constant 32 : i32
      %mul3A_2617 = vector.broadcast %mul3A_2616 : i32 to vector<16xi32>
      %mul3A_2618 = arith.muli %min3A_4, %mul3A_2617 : vector<16xi32>
      %add3A_2619 = arith.addi %mul3A_2618, %broadcast_in_dim3A_2615 : vector<16xi32>
      %gather3A_2620 = tpu.vector_load_idx %arg12[%add3A_2619, %and3A_289] : memref<256x128xf32, #tpu.memory_space<vmem>>[vector<16xi32>, vector<16xi32>], vector<16xf32>,
      %add3A_2621 = arith.constant 96 : i32
      %add3A_2622 = vector.broadcast %add3A_2621 : i32 to vector<16xi32>
      %add3A_2623 = arith.addi %broadcast_in_dim3A_2615, %add3A_2622 : vector<16xi32>
      tpu.vector_store_idx %arg13[%iota3A, %add3A_2623], %gather3A_2620 masked %lt3A_6 : memref<16x128xf32, #tpu.memory_space<vmem>>[vector<16xi32>, vector<16xi32>], vector<16xf32>, vector<16xi1>
      %mul3A_2624 = arith.constant 8 : i32
      %mul3A_2625 = arith.muli %scan3A_270, %mul3A_2624 : i32
      %add3A_2626 = arith.addi %mul3A_2, %mul3A_2625 : i32
      "tpu.region"() ({
        %run_scoped3A = tpu.sem_alloc : memref<!tpu.dma_semaphore, #tpu.memory_space<semaphore_mem>>
        %dma_start3A_2627 = arith.constant 0 : i32
        %dma_start3A_2628 = arith.constant 0 : i32
        %dma_start3A_2629 = tpu.memref_slice %arg13[%dma_start3A_2627, %dma_start3A_2628] : memref<16x128xf32, #tpu.memory_space<vmem>> -> memref<8x128xf32, #tpu.memory_space<vmem>>
        %dma_start3A_2630 = arith.constant 0 : i32
        %dma_start3A_2631 = tpu.memref_slice %arg8[%add3A_2626, %dma_start3A_2630] : memref<16384x128xf32, #tpu.memory_space<hbm>> -> memref<8x128xf32, #tpu.memory_space<hbm>>
        %dma_start3A_2632 = arith.constant 0 : i32
        %dma_start3A_2633 = tpu.memref_slice %arg8[%add3A_2626, %dma_start3A_2632] : memref<16384x128xf32, #tpu.memory_space<hbm>> -> memref<8x128xf32, #tpu.memory_space<hbm>>
        %dma_start3A_2634 = arith.constant 0 : i32
        %dma_start3A_2635 = arith.constant 0 : i32
        %dma_start3A_2636 = tpu.memref_slice %arg13[%dma_start3A_2634, %dma_start3A_2635] : memref<16x128xf32, #tpu.memory_space<vmem>> -> memref<8x128xf32, #tpu.memory_space<vmem>>
        tpu.enqueue_dma source(%dma_start3A_2636 : memref<8x128xf32, #tpu.memory_space<vmem>>) target(%dma_start3A_2633 : memref<8x128xf32, #tpu.memory_space<hbm>>) target_semaphore(%run_scoped3A : memref<!tpu.dma_semaphore, #tpu.memory_space<semaphore_mem>>)
        %dma_wait3A_2637 = arith.constant 0 : i32
        %dma_wait3A_2638 = arith.constant 0 : i32
        %dma_wait3A_2639 = tpu.memref_slice %arg13[%dma_wait3A_2637, %dma_wait3A_2638] : memref<16x128xf32, #tpu.memory_space<vmem>> -> memref<8x128xf32, #tpu.memory_space<vmem>>
        %dma_wait3A_2640 = arith.constant 0 : i32
        %dma_wait3A_2641 = tpu.memref_slice %arg8[%add3A_2626, %dma_wait3A_2640] : memref<16384x128xf32, #tpu.memory_space<hbm>> -> memref<8x128xf32, #tpu.memory_space<hbm>>
        %dma_wait3A_2642 = arith.constant 0 : i32
        %dma_wait3A_2643 = tpu.memref_slice %arg8[%add3A_2626, %dma_wait3A_2642] : memref<16384x128xf32, #tpu.memory_space<hbm>> -> memref<8x128xf32, #tpu.memory_space<hbm>>
        %dma_wait3A_2644 = arith.constant 0 : i32
        %dma_wait3A_2645 = arith.constant 0 : i32
        %dma_wait3A_2646 = tpu.memref_slice %arg13[%dma_wait3A_2644, %dma_wait3A_2645] : memref<16x128xf32, #tpu.memory_space<vmem>> -> memref<8x128xf32, #tpu.memory_space<vmem>>
        tpu.wait_dma2 semaphore(%run_scoped3A : memref<!tpu.dma_semaphore, #tpu.memory_space<semaphore_mem>>) src(%dma_wait3A_2646 : memref<8x128xf32, #tpu.memory_space<vmem>>) dst(%dma_wait3A_2643 : memref<8x128xf32, #tpu.memory_space<hbm>>)
        tpu.yield
      }) : () -> ()
    }
    %scan3A_174 = arith.constant 64 : i32
    %dma_wait3A = arith.constant 0 : i32
    %dma_wait3A_175 = arith.constant 0 : i32
    %dma_wait3A_176 = tpu.memref_slice %arg11[%dma_wait3A, %dma_wait3A_175] : memref<256x128xf32, #tpu.memory_space<vmem>> -> memref<32x128xf32, #tpu.memory_space<vmem>>
    %dma_wait3A_177 = arith.constant 0 : i32
    %dma_wait3A_178 = arith.constant 0 : i32
    %dma_wait3A_179 = tpu.memref_slice %arg2[%dma_wait3A_177, %dma_wait3A_178] : memref<32x1000000xf32, #tpu.memory_space<hbm>> -> memref<32x128xf32, #tpu.memory_space<hbm>>
    %dma_wait3A_180 = arith.constant 0 : i32
    %dma_wait3A_181 = arith.constant 0 : i32
    %dma_wait3A_182 = tpu.memref_slice %arg11[%dma_wait3A_180, %dma_wait3A_181] : memref<256x128xf32, #tpu.memory_space<vmem>> -> memref<32x128xf32, #tpu.memory_space<vmem>>
    %dma_wait3A_183 = arith.constant 0 : i32
    %dma_wait3A_184 = arith.constant 0 : i32
    %dma_wait3A_185 = tpu.memref_slice %arg2[%dma_wait3A_183, %dma_wait3A_184] : memref<32x1000000xf32, #tpu.memory_space<hbm>> -> memref<32x128xf32, #tpu.memory_space<hbm>>
    tpu.wait_dma2 semaphore(%arg14 : memref<!tpu.dma_semaphore, #tpu.memory_space<semaphore_mem>>) src(%dma_wait3A_185 : memref<32x128xf32, #tpu.memory_space<hbm>>) dst(%dma_wait3A_182 : memref<32x128xf32, #tpu.memory_space<vmem>>)
    %dma_wait3A_186 = arith.constant 32 : i32
    %dma_wait3A_187 = arith.constant 0 : i32
    %dma_wait3A_188 = tpu.memref_slice %arg11[%dma_wait3A_186, %dma_wait3A_187] : memref<256x128xf32, #tpu.memory_space<vmem>> -> memref<32x128xf32, #tpu.memory_space<vmem>>
    %dma_wait3A_189 = arith.constant 0 : i32
    %dma_wait3A_190 = arith.constant 0 : i32
    %dma_wait3A_191 = tpu.memref_slice %arg2[%dma_wait3A_189, %dma_wait3A_190] : memref<32x1000000xf32, #tpu.memory_space<hbm>> -> memref<32x128xf32, #tpu.memory_space<hbm>>
    %dma_wait3A_192 = arith.constant 32 : i32
    %dma_wait3A_193 = arith.constant 0 : i32
    %dma_wait3A_194 = tpu.memref_slice %arg11[%dma_wait3A_192, %dma_wait3A_193] : memref<256x128xf32, #tpu.memory_space<vmem>> -> memref<32x128xf32, #tpu.memory_space<vmem>>
    %dma_wait3A_195 = arith.constant 0 : i32
    %dma_wait3A_196 = arith.constant 0 : i32
    %dma_wait3A_197 = tpu.memref_slice %arg2[%dma_wait3A_195, %dma_wait3A_196] : memref<32x1000000xf32, #tpu.memory_space<hbm>> -> memref<32x128xf32, #tpu.memory_space<hbm>>
    tpu.wait_dma2 semaphore(%arg14 : memref<!tpu.dma_semaphore, #tpu.memory_space<semaphore_mem>>) src(%dma_wait3A_197 : memref<32x128xf32, #tpu.memory_space<hbm>>) dst(%dma_wait3A_194 : memref<32x128xf32, #tpu.memory_space<vmem>>)
    %dma_wait3A_198 = arith.constant 64 : i32
    %dma_wait3A_199 = arith.constant 0 : i32
    %dma_wait3A_200 = tpu.memref_slice %arg11[%dma_wait3A_198, %dma_wait3A_199] : memref<256x128xf32, #tpu.memory_space<vmem>> -> memref<32x128xf32, #tpu.memory_space<vmem>>
    %dma_wait3A_201 = arith.constant 0 : i32
    %dma_wait3A_202 = arith.constant 0 : i32
    %dma_wait3A_203 = tpu.memref_slice %arg2[%dma_wait3A_201, %dma_wait3A_202] : memref<32x1000000xf32, #tpu.memory_space<hbm>> -> memref<32x128xf32, #tpu.memory_space<hbm>>
    %dma_wait3A_204 = arith.constant 64 : i32
    %dma_wait3A_205 = arith.constant 0 : i32
    %dma_wait3A_206 = tpu.memref_slice %arg11[%dma_wait3A_204, %dma_wait3A_205] : memref<256x128xf32, #tpu.memory_space<vmem>> -> memref<32x128xf32, #tpu.memory_space<vmem>>
    %dma_wait3A_207 = arith.constant 0 : i32
    %dma_wait3A_208 = arith.constant 0 : i32
    %dma_wait3A_209 = tpu.memref_slice %arg2[%dma_wait3A_207, %dma_wait3A_208] : memref<32x1000000xf32, #tpu.memory_space<hbm>> -> memref<32x128xf32, #tpu.memory_space<hbm>>
    tpu.wait_dma2 semaphore(%arg14 : memref<!tpu.dma_semaphore, #tpu.memory_space<semaphore_mem>>) src(%dma_wait3A_209 : memref<32x128xf32, #tpu.memory_space<hbm>>) dst(%dma_wait3A_206 : memref<32x128xf32, #tpu.memory_space<vmem>>)
    %dma_wait3A_210 = arith.constant 96 : i32
    %dma_wait3A_211 = arith.constant 0 : i32
    %dma_wait3A_212 = tpu.memref_slice %arg11[%dma_wait3A_210, %dma_wait3A_211] : memref<256x128xf32, #tpu.memory_space<vmem>> -> memref<32x128xf32, #tpu.memory_space<vmem>>
    %dma_wait3A_213 = arith.constant 0 : i32
    %dma_wait3A_214 = arith.constant 0 : i32
    %dma_wait3A_215 = tpu.memref_slice %arg2[%dma_wait3A_213, %dma_wait3A_214] : memref<32x1000000xf32, #tpu.memory_space<hbm>> -> memref<32x128xf32, #tpu.memory_space<hbm>>
    %dma_wait3A_216 = arith.constant 96 : i32
    %dma_wait3A_217 = arith.constant 0 : i32
    %dma_wait3A_218 = tpu.memref_slice %arg11[%dma_wait3A_216, %dma_wait3A_217] : memref<256x128xf32, #tpu.memory_space<vmem>> -> memref<32x128xf32, #tpu.memory_space<vmem>>
    %dma_wait3A_219 = arith.constant 0 : i32
    %dma_wait3A_220 = arith.constant 0 : i32
    %dma_wait3A_221 = tpu.memref_slice %arg2[%dma_wait3A_219, %dma_wait3A_220] : memref<32x1000000xf32, #tpu.memory_space<hbm>> -> memref<32x128xf32, #tpu.memory_space<hbm>>
    tpu.wait_dma2 semaphore(%arg14 : memref<!tpu.dma_semaphore, #tpu.memory_space<semaphore_mem>>) src(%dma_wait3A_221 : memref<32x128xf32, #tpu.memory_space<hbm>>) dst(%dma_wait3A_218 : memref<32x128xf32, #tpu.memory_space<vmem>>)
    %dma_wait3A_222 = arith.constant 128 : i32
    %dma_wait3A_223 = arith.constant 0 : i32
    %dma_wait3A_224 = tpu.memref_slice %arg11[%dma_wait3A_222, %dma_wait3A_223] : memref<256x128xf32, #tpu.memory_space<vmem>> -> memref<32x128xf32, #tpu.memory_space<vmem>>
    %dma_wait3A_225 = arith.constant 0 : i32
    %dma_wait3A_226 = arith.constant 0 : i32
    %dma_wait3A_227 = tpu.memref_slice %arg2[%dma_wait3A_225, %dma_wait3A_226] : memref<32x1000000xf32, #tpu.memory_space<hbm>> -> memref<32x128xf32, #tpu.memory_space<hbm>>
    %dma_wait3A_228 = arith.constant 128 : i32
    %dma_wait3A_229 = arith.constant 0 : i32
    %dma_wait3A_230 = tpu.memref_slice %arg11[%dma_wait3A_228, %dma_wait3A_229] : memref<256x128xf32, #tpu.memory_space<vmem>> -> memref<32x128xf32, #tpu.memory_space<vmem>>
    %dma_wait3A_231 = arith.constant 0 : i32
    %dma_wait3A_232 = arith.constant 0 : i32
    %dma_wait3A_233 = tpu.memref_slice %arg2[%dma_wait3A_231, %dma_wait3A_232] : memref<32x1000000xf32, #tpu.memory_space<hbm>> -> memref<32x128xf32, #tpu.memory_space<hbm>>
    tpu.wait_dma2 semaphore(%arg14 : memref<!tpu.dma_semaphore, #tpu.memory_space<semaphore_mem>>) src(%dma_wait3A_233 : memref<32x128xf32, #tpu.memory_space<hbm>>) dst(%dma_wait3A_230 : memref<32x128xf32, #tpu.memory_space<vmem>>)
    %dma_wait3A_234 = arith.constant 160 : i32
    %dma_wait3A_235 = arith.constant 0 : i32
    %dma_wait3A_236 = tpu.memref_slice %arg11[%dma_wait3A_234, %dma_wait3A_235] : memref<256x128xf32, #tpu.memory_space<vmem>> -> memref<32x128xf32, #tpu.memory_space<vmem>>
    %dma_wait3A_237 = arith.constant 0 : i32
    %dma_wait3A_238 = arith.constant 0 : i32
    %dma_wait3A_239 = tpu.memref_slice %arg2[%dma_wait3A_237, %dma_wait3A_238] : memref<32x1000000xf32, #tpu.memory_space<hbm>> -> memref<32x128xf32, #tpu.memory_space<hbm>>
    %dma_wait3A_240 = arith.constant 160 : i32
    %dma_wait3A_241 = arith.constant 0 : i32
    %dma_wait3A_242 = tpu.memref_slice %arg11[%dma_wait3A_240, %dma_wait3A_241] : memref<256x128xf32, #tpu.memory_space<vmem>> -> memref<32x128xf32, #tpu.memory_space<vmem>>
    %dma_wait3A_243 = arith.constant 0 : i32
    %dma_wait3A_244 = arith.constant 0 : i32
    %dma_wait3A_245 = tpu.memref_slice %arg2[%dma_wait3A_243, %dma_wait3A_244] : memref<32x1000000xf32, #tpu.memory_space<hbm>> -> memref<32x128xf32, #tpu.memory_space<hbm>>
    tpu.wait_dma2 semaphore(%arg14 : memref<!tpu.dma_semaphore, #tpu.memory_space<semaphore_mem>>) src(%dma_wait3A_245 : memref<32x128xf32, #tpu.memory_space<hbm>>) dst(%dma_wait3A_242 : memref<32x128xf32, #tpu.memory_space<vmem>>)
    %dma_wait3A_246 = arith.constant 192 : i32
    %dma_wait3A_247 = arith.constant 0 : i32
    %dma_wait3A_248 = tpu.memref_slice %arg11[%dma_wait3A_246, %dma_wait3A_247] : memref<256x128xf32, #tpu.memory_space<vmem>> -> memref<32x128xf32, #tpu.memory_space<vmem>>
    %dma_wait3A_249 = arith.constant 0 : i32
    %dma_wait3A_250 = arith.constant 0 : i32
    %dma_wait3A_251 = tpu.memref_slice %arg2[%dma_wait3A_249, %dma_wait3A_250] : memref<32x1000000xf32, #tpu.memory_space<hbm>> -> memref<32x128xf32, #tpu.memory_space<hbm>>
    %dma_wait3A_252 = arith.constant 192 : i32
    %dma_wait3A_253 = arith.constant 0 : i32
    %dma_wait3A_254 = tpu.memref_slice %arg11[%dma_wait3A_252, %dma_wait3A_253] : memref<256x128xf32, #tpu.memory_space<vmem>> -> memref<32x128xf32, #tpu.memory_space<vmem>>
    %dma_wait3A_255 = arith.constant 0 : i32
    %dma_wait3A_256 = arith.constant 0 : i32
    %dma_wait3A_257 = tpu.memref_slice %arg2[%dma_wait3A_255, %dma_wait3A_256] : memref<32x1000000xf32, #tpu.memory_space<hbm>> -> memref<32x128xf32, #tpu.memory_space<hbm>>
    tpu.wait_dma2 semaphore(%arg14 : memref<!tpu.dma_semaphore, #tpu.memory_space<semaphore_mem>>) src(%dma_wait3A_257 : memref<32x128xf32, #tpu.memory_space<hbm>>) dst(%dma_wait3A_254 : memref<32x128xf32, #tpu.memory_space<vmem>>)
    %dma_wait3A_258 = arith.constant 224 : i32
    %dma_wait3A_259 = arith.constant 0 : i32
    %dma_wait3A_260 = tpu.memref_slice %arg11[%dma_wait3A_258, %dma_wait3A_259] : memref<256x128xf32, #tpu.memory_space<vmem>> -> memref<32x128xf32, #tpu.memory_space<vmem>>
    %dma_wait3A_261 = arith.constant 0 : i32
    %dma_wait3A_262 = arith.constant 0 : i32
    %dma_wait3A_263 = tpu.memref_slice %arg2[%dma_wait3A_261, %dma_wait3A_262] : memref<32x1000000xf32, #tpu.memory_space<hbm>> -> memref<32x128xf32, #tpu.memory_space<hbm>>
    %dma_wait3A_264 = arith.constant 224 : i32
    %dma_wait3A_265 = arith.constant 0 : i32
    %dma_wait3A_266 = tpu.memref_slice %arg11[%dma_wait3A_264, %dma_wait3A_265] : memref<256x128xf32, #tpu.memory_space<vmem>> -> memref<32x128xf32, #tpu.memory_space<vmem>>
    %dma_wait3A_267 = arith.constant 0 : i32
    %dma_wait3A_268 = arith.constant 0 : i32
    %dma_wait3A_269 = tpu.memref_slice %arg2[%dma_wait3A_267, %dma_wait3A_268] : memref<32x1000000xf32, #tpu.memory_space<hbm>> -> memref<32x128xf32, #tpu.memory_space<hbm>>
    tpu.wait_dma2 semaphore(%arg14 : memref<!tpu.dma_semaphore, #tpu.memory_space<semaphore_mem>>) src(%dma_wait3A_269 : memref<32x128xf32, #tpu.memory_space<hbm>>) dst(%dma_wait3A_266 : memref<32x128xf32, #tpu.memory_space<vmem>>)
    return
  }
}

module attributes {stable_mosaic.version = 14 : i64} {
  func.func @_tc_body(%arg0: i32, %arg1: memref<2048x128xf32, #tpu.memory_space<vmem>>, %arg2: memref<64x64xf32, #tpu.memory_space<vmem>>, %arg3: memref<1x64xf32, #tpu.memory_space<vmem>>, %arg4: memref<64x32xf32, #tpu.memory_space<vmem>>, %arg5: memref<1x32xf32, #tpu.memory_space<vmem>>, %arg6: memref<32x16xf32, #tpu.memory_space<vmem>>, %arg7: memref<1x16xf32, #tpu.memory_space<vmem>>, %arg8: memref<16x8xf32, #tpu.memory_space<vmem>>, %arg9: memref<1x8xf32, #tpu.memory_space<vmem>>, %arg10: memref<32x1xf32, #tpu.memory_space<vmem>>, %arg11: memref<8x1xf32, #tpu.memory_space<vmem>>, %arg12: memref<1x1xf32, #tpu.memory_space<vmem>>, %arg13: memref<2048x1xf32, #tpu.memory_space<vmem>>) attributes {dimension_semantics = [#tpu.dimension_semantics<arbitrary>], iteration_bounds = array<i64: 8>, scalar_prefetch = 0 : i64, scratch_operands = 0 : i64, tpu.core_type = #tpu.core_type<tc>, window_params = [{transform_indices = @transform_0, window_bounds = array<i64: 2048, 128>}, {pipeline_mode = #tpu.pipeline_mode<synchronous>, transform_indices = @transform_1, window_bounds = array<i64: 64, 64>}, {pipeline_mode = #tpu.pipeline_mode<synchronous>, transform_indices = @transform_2, window_bounds = array<i64: 1, 64>}, {pipeline_mode = #tpu.pipeline_mode<synchronous>, transform_indices = @transform_3, window_bounds = array<i64: 64, 32>}, {pipeline_mode = #tpu.pipeline_mode<synchronous>, transform_indices = @transform_4, window_bounds = array<i64: 1, 32>}, {pipeline_mode = #tpu.pipeline_mode<synchronous>, transform_indices = @transform_5, window_bounds = array<i64: 32, 16>}, {pipeline_mode = #tpu.pipeline_mode<synchronous>, transform_indices = @transform_6, window_bounds = array<i64: 1, 16>}, {pipeline_mode = #tpu.pipeline_mode<synchronous>, transform_indices = @transform_7, window_bounds = array<i64: 16, 8>}, {pipeline_mode = #tpu.pipeline_mode<synchronous>, transform_indices = @transform_8, window_bounds = array<i64: 1, 8>}, {pipeline_mode = #tpu.pipeline_mode<synchronous>, transform_indices = @transform_9, window_bounds = array<i64: 32, 1>}, {pipeline_mode = #tpu.pipeline_mode<synchronous>, transform_indices = @transform_10, window_bounds = array<i64: 8, 1>}, {pipeline_mode = #tpu.pipeline_mode<synchronous>, transform_indices = @transform_11, window_bounds = array<i64: 1, 1>}, {transform_indices = @transform_12, window_bounds = array<i64: 2048, 1>}]} {
    %get3A = arith.constant 0 : index
    %get3A_0 = arith.constant 0 : index
    %get3A_1 = vector.load %arg1[%get3A, %get3A_0] : memref<2048x128xf32, #tpu.memory_space<vmem>>, vector<2048x128xf32>
    %slice3A = vector.extract_strided_slice %get3A_1 {offsets = [0, 0], sizes = [2048, 32], strides = [1, 1]} : vector<2048x128xf32> to vector<2048x32xf32>
    %slice3A_2 = vector.extract_strided_slice %get3A_1 {offsets = [0, 32], sizes = [2048, 32], strides = [1, 1]} : vector<2048x128xf32> to vector<2048x32xf32>
    %slice3A_3 = vector.extract_strided_slice %get3A_1 {offsets = [0, 64], sizes = [2048, 32], strides = [1, 1]} : vector<2048x128xf32> to vector<2048x32xf32>
    %slice3A_4 = vector.extract_strided_slice %get3A_1 {offsets = [0, 96], sizes = [2048, 32], strides = [1, 1]} : vector<2048x128xf32> to vector<2048x32xf32>
    %mul3A = arith.mulf %slice3A, %slice3A_2 : vector<2048x32xf32>
    %get3A_5 = arith.constant 0 : index
    %get3A_6 = arith.constant 0 : index
    %get3A_7 = vector.load %arg2[%get3A_5, %get3A_6] : memref<64x64xf32, #tpu.memory_space<vmem>>, vector<64x64xf32>
    %slice3A_8 = vector.extract_strided_slice %get3A_7 {offsets = [0, 0], sizes = [32, 64], strides = [1, 1]} : vector<64x64xf32> to vector<32x64xf32>
    %dot_general3A = arith.constant dense<0.000000e+00> : vector<2048x64xf32>
    %dot_general3A_9 = tpu.matmul %slice3A_3, %slice3A_8, %dot_general3A {dimension_numbers = #tpu.dot_dimension_numbers<[1], [0], [0], [1], [0, 0, 1, 1], [], []>, transpose_lhs_hint = false} : vector<2048x32xf32>, vector<32x64xf32>, vector<2048x64xf32> -> vector<2048x64xf32>
    %slice3A_10 = vector.extract_strided_slice %get3A_7 {offsets = [32, 0], sizes = [32, 64], strides = [1, 1]} : vector<64x64xf32> to vector<32x64xf32>
    %dot_general3A_11 = arith.constant dense<0.000000e+00> : vector<2048x64xf32>
    %dot_general3A_12 = tpu.matmul %slice3A_4, %slice3A_10, %dot_general3A_11 {dimension_numbers = #tpu.dot_dimension_numbers<[1], [0], [0], [1], [0, 0, 1, 1], [], []>, transpose_lhs_hint = false} : vector<2048x32xf32>, vector<32x64xf32>, vector<2048x64xf32> -> vector<2048x64xf32>
    %add3A = arith.addf %dot_general3A_9, %dot_general3A_12 : vector<2048x64xf32>
    %get3A_13 = arith.constant 0 : index
    %get3A_14 = arith.constant 0 : index
    %get3A_15 = vector.load %arg3[%get3A_13, %get3A_14] : memref<1x64xf32, #tpu.memory_space<vmem>>, vector<1x64xf32>
    %add3A_16 = vector.broadcast %get3A_15 : vector<1x64xf32> to vector<2048x64xf32>
    %add3A_17 = arith.addf %add3A, %add3A_16 : vector<2048x64xf32>
    %max3A = arith.constant 0.000000e+00 : f32
    %max3A_18 = vector.broadcast %max3A : f32 to vector<2048x64xf32>
    %max3A_19 = arith.maximumf %add3A_17, %max3A_18 : vector<2048x64xf32>
    %get3A_20 = arith.constant 0 : index
    %get3A_21 = arith.constant 0 : index
    %get3A_22 = vector.load %arg4[%get3A_20, %get3A_21] : memref<64x32xf32, #tpu.memory_space<vmem>>, vector<64x32xf32>
    %dot_general3A_23 = arith.constant dense<0.000000e+00> : vector<2048x32xf32>
    %dot_general3A_24 = tpu.matmul %max3A_19, %get3A_22, %dot_general3A_23 {dimension_numbers = #tpu.dot_dimension_numbers<[1], [0], [0], [1], [0, 0, 1, 1], [], []>, transpose_lhs_hint = false} : vector<2048x64xf32>, vector<64x32xf32>, vector<2048x32xf32> -> vector<2048x32xf32>
    %get3A_25 = arith.constant 0 : index
    %get3A_26 = arith.constant 0 : index
    %get3A_27 = vector.load %arg5[%get3A_25, %get3A_26] : memref<1x32xf32, #tpu.memory_space<vmem>>, vector<1x32xf32>
    %add3A_28 = vector.broadcast %get3A_27 : vector<1x32xf32> to vector<2048x32xf32>
    %add3A_29 = arith.addf %dot_general3A_24, %add3A_28 : vector<2048x32xf32>
    %max3A_30 = arith.constant 0.000000e+00 : f32
    %max3A_31 = vector.broadcast %max3A_30 : f32 to vector<2048x32xf32>
    %max3A_32 = arith.maximumf %add3A_29, %max3A_31 : vector<2048x32xf32>
    %get3A_33 = arith.constant 0 : index
    %get3A_34 = arith.constant 0 : index
    %get3A_35 = vector.load %arg6[%get3A_33, %get3A_34] : memref<32x16xf32, #tpu.memory_space<vmem>>, vector<32x16xf32>
    %dot_general3A_36 = arith.constant dense<0.000000e+00> : vector<2048x16xf32>
    %dot_general3A_37 = tpu.matmul %max3A_32, %get3A_35, %dot_general3A_36 {dimension_numbers = #tpu.dot_dimension_numbers<[1], [0], [0], [1], [0, 0, 1, 1], [], []>, transpose_lhs_hint = false} : vector<2048x32xf32>, vector<32x16xf32>, vector<2048x16xf32> -> vector<2048x16xf32>
    %get3A_38 = arith.constant 0 : index
    %get3A_39 = arith.constant 0 : index
    %get3A_40 = vector.load %arg7[%get3A_38, %get3A_39] : memref<1x16xf32, #tpu.memory_space<vmem>>, vector<1x16xf32>
    %add3A_41 = vector.broadcast %get3A_40 : vector<1x16xf32> to vector<2048x16xf32>
    %add3A_42 = arith.addf %dot_general3A_37, %add3A_41 : vector<2048x16xf32>
    %max3A_43 = arith.constant 0.000000e+00 : f32
    %max3A_44 = vector.broadcast %max3A_43 : f32 to vector<2048x16xf32>
    %max3A_45 = arith.maximumf %add3A_42, %max3A_44 : vector<2048x16xf32>
    %get3A_46 = arith.constant 0 : index
    %get3A_47 = arith.constant 0 : index
    %get3A_48 = vector.load %arg8[%get3A_46, %get3A_47] : memref<16x8xf32, #tpu.memory_space<vmem>>, vector<16x8xf32>
    %dot_general3A_49 = arith.constant dense<0.000000e+00> : vector<2048x8xf32>
    %dot_general3A_50 = tpu.matmul %max3A_45, %get3A_48, %dot_general3A_49 {dimension_numbers = #tpu.dot_dimension_numbers<[1], [0], [0], [1], [0, 0, 1, 1], [], []>, transpose_lhs_hint = false} : vector<2048x16xf32>, vector<16x8xf32>, vector<2048x8xf32> -> vector<2048x8xf32>
    %get3A_51 = arith.constant 0 : index
    %get3A_52 = arith.constant 0 : index
    %get3A_53 = vector.load %arg9[%get3A_51, %get3A_52] : memref<1x8xf32, #tpu.memory_space<vmem>>, vector<1x8xf32>
    %add3A_54 = vector.broadcast %get3A_53 : vector<1x8xf32> to vector<2048x8xf32>
    %add3A_55 = arith.addf %dot_general3A_50, %add3A_54 : vector<2048x8xf32>
    %max3A_56 = arith.constant 0.000000e+00 : f32
    %max3A_57 = vector.broadcast %max3A_56 : f32 to vector<2048x8xf32>
    %max3A_58 = arith.maximumf %add3A_55, %max3A_57 : vector<2048x8xf32>
    %get3A_59 = arith.constant 0 : index
    %get3A_60 = arith.constant 0 : index
    %get3A_61 = vector.load %arg10[%get3A_59, %get3A_60] : memref<32x1xf32, #tpu.memory_space<vmem>>, vector<32x1xf32>
    %dot_general3A_62 = arith.constant dense<0.000000e+00> : vector<2048x1xf32>
    %dot_general3A_63 = tpu.matmul %mul3A, %get3A_61, %dot_general3A_62 {dimension_numbers = #tpu.dot_dimension_numbers<[1], [0], [0], [1], [0, 0, 1, 1], [], []>, transpose_lhs_hint = false} : vector<2048x32xf32>, vector<32x1xf32>, vector<2048x1xf32> -> vector<2048x1xf32>
    %get3A_64 = arith.constant 0 : index
    %get3A_65 = arith.constant 0 : index
    %get3A_66 = vector.load %arg11[%get3A_64, %get3A_65] : memref<8x1xf32, #tpu.memory_space<vmem>>, vector<8x1xf32>
    %dot_general3A_67 = arith.constant dense<0.000000e+00> : vector<2048x1xf32>
    %dot_general3A_68 = tpu.matmul %max3A_58, %get3A_66, %dot_general3A_67 {dimension_numbers = #tpu.dot_dimension_numbers<[1], [0], [0], [1], [0, 0, 1, 1], [], []>, transpose_lhs_hint = false} : vector<2048x8xf32>, vector<8x1xf32>, vector<2048x1xf32> -> vector<2048x1xf32>
    %add3A_69 = arith.addf %dot_general3A_63, %dot_general3A_68 : vector<2048x1xf32>
    %get3A_70 = arith.constant 0 : index
    %get3A_71 = arith.constant 0 : index
    %get3A_72 = vector.load %arg12[%get3A_70, %get3A_71] : memref<1x1xf32, #tpu.memory_space<vmem>>, vector<1x1xf32>
    %add3A_73 = vector.broadcast %get3A_72 : vector<1x1xf32> to vector<2048x1xf32>
    %add3A_74 = arith.addf %add3A_69, %add3A_73 : vector<2048x1xf32>
    %neg3A = arith.constant 0.000000e+00 : f32
    %neg3A_75 = vector.broadcast %neg3A : f32 to vector<2048x1xf32>
    %neg3A_76 = arith.subf %neg3A_75, %add3A_74 : vector<2048x1xf32>
    %exp3A = math.exp %neg3A_76 : vector<2048x1xf32>
    %add3A_77 = arith.constant 1.000000e+00 : f32
    %add3A_78 = vector.broadcast %add3A_77 : f32 to vector<2048x1xf32>
    %add3A_79 = arith.addf %add3A_78, %exp3A : vector<2048x1xf32>
    %div3A = arith.constant 1.000000e+00 : f32
    %div3A_80 = vector.broadcast %div3A : f32 to vector<2048x1xf32>
    %div3A_81 = arith.divf %div3A_80, %add3A_79 : vector<2048x1xf32>
    %swap3A = arith.constant 0 : index
    %swap3A_82 = arith.constant 0 : index
    %swap3A_83 = vector.load %arg13[%swap3A, %swap3A_82] : memref<2048x1xf32, #tpu.memory_space<vmem>>, vector<2048x1xf32>
    tpu.vector_store %arg13[%swap3A, %swap3A_82], %div3A_81 {strides = array<i32>} : memref<2048x1xf32, #tpu.memory_space<vmem>>, vector<2048x1xf32>,
    return
  }
  func.func @transform_0(%arg0: i32) -> (i32, i32) {
    %c0_i32 = arith.constant 0 : i32
    %c0_i32_0 = arith.constant 0 : i32
    return %arg0, %c0_i32 : i32, i32
  }
  func.func @transform_1(%arg0: i32) -> (i32, i32) {
    %c0_i32 = arith.constant 0 : i32
    %c0_i32_0 = arith.constant 0 : i32
    %c0_i32_1 = arith.constant 0 : i32
    return %c0_i32, %c0_i32_0 : i32, i32
  }
  func.func @transform_2(%arg0: i32) -> (i32, i32) {
    %c0_i32 = arith.constant 0 : i32
    %c0_i32_0 = arith.constant 0 : i32
    %c0_i32_1 = arith.constant 0 : i32
    return %c0_i32, %c0_i32_0 : i32, i32
  }
  func.func @transform_3(%arg0: i32) -> (i32, i32) {
    %c0_i32 = arith.constant 0 : i32
    %c0_i32_0 = arith.constant 0 : i32
    %c0_i32_1 = arith.constant 0 : i32
    return %c0_i32, %c0_i32_0 : i32, i32
  }
  func.func @transform_4(%arg0: i32) -> (i32, i32) {
    %c0_i32 = arith.constant 0 : i32
    %c0_i32_0 = arith.constant 0 : i32
    %c0_i32_1 = arith.constant 0 : i32
    return %c0_i32, %c0_i32_0 : i32, i32
  }
  func.func @transform_5(%arg0: i32) -> (i32, i32) {
    %c0_i32 = arith.constant 0 : i32
    %c0_i32_0 = arith.constant 0 : i32
    %c0_i32_1 = arith.constant 0 : i32
    return %c0_i32, %c0_i32_0 : i32, i32
  }
  func.func @transform_6(%arg0: i32) -> (i32, i32) {
    %c0_i32 = arith.constant 0 : i32
    %c0_i32_0 = arith.constant 0 : i32
    %c0_i32_1 = arith.constant 0 : i32
    return %c0_i32, %c0_i32_0 : i32, i32
  }
  func.func @transform_7(%arg0: i32) -> (i32, i32) {
    %c0_i32 = arith.constant 0 : i32
    %c0_i32_0 = arith.constant 0 : i32
    %c0_i32_1 = arith.constant 0 : i32
    return %c0_i32, %c0_i32_0 : i32, i32
  }
  func.func @transform_8(%arg0: i32) -> (i32, i32) {
    %c0_i32 = arith.constant 0 : i32
    %c0_i32_0 = arith.constant 0 : i32
    %c0_i32_1 = arith.constant 0 : i32
    return %c0_i32, %c0_i32_0 : i32, i32
  }
  func.func @transform_9(%arg0: i32) -> (i32, i32) {
    %c0_i32 = arith.constant 0 : i32
    %c0_i32_0 = arith.constant 0 : i32
    %c0_i32_1 = arith.constant 0 : i32
    return %c0_i32, %c0_i32_0 : i32, i32
  }
  func.func @transform_10(%arg0: i32) -> (i32, i32) {
    %c0_i32 = arith.constant 0 : i32
    %c0_i32_0 = arith.constant 0 : i32
    %c0_i32_1 = arith.constant 0 : i32
    return %c0_i32, %c0_i32_0 : i32, i32
  }
  func.func @transform_11(%arg0: i32) -> (i32, i32) {
    %c0_i32 = arith.constant 0 : i32
    %c0_i32_0 = arith.constant 0 : i32
    %c0_i32_1 = arith.constant 0 : i32
    return %c0_i32, %c0_i32_0 : i32, i32
  }
  func.func @transform_12(%arg0: i32) -> (i32, i32) {
    %c0_i32 = arith.constant 0 : i32
    %c0_i32_0 = arith.constant 0 : i32
    return %arg0, %c0_i32 : i32, i32
  }
}

</mosaic_0001>

<sc_bundles>
// kernel: kernel.4.cloned.1.call-start
scs
__scs_entry_jumppad:
0x0: {  	(pc) =	sbr.rel $0x88, $3  }
0x1: {  	(tag) =	ssettag $0x0;
	lr =	simm.s32 $0x1  }
0x2: {  	[smem:$0x3F91] =	sst lr;
	_ =	strace $0xD0000000  }
0x3: {  	_ = 	snop  }
0x4: {  	_ = 	snop  }
0x5: {  	_ = 	snop  }
0x6: {  	_ = 	snop  }
0x7: {  	_ = 	snop  }
__scs_overlays_trampoline_lowered:
0x8: {  	[smem:$0x3FA0] =	sst s0  }
0x9: {  	[smem:$0x3FA1] =	sst s1  }
0xa: {  	[smem:$0x3FA2] =	sst s2  }
0xb: {  	[smem:$0x3FA3] =	sst s3  }
0xc: {  	[smem:$0x3FA4] =	sst s4  }
0xd: {  	[smem:$0x3FA5] =	sst s5  }
0xe: {  	[smem:$0x3FA6] =	sst s6  }
0xf: {  	[smem:$0x3FA7] =	sst s7  }
0x10: {  	[smem:$0x3FA8] =	sst s8  }
0x11: {  	[smem:$0x3FA9] =	sst s9;
	s0 =	simm.s32 @!p0 $0x0  }
0x12: {  	s1 =	sld [smem:$0x3F8F];
	s0 =	simm.s32 @p0 $0x1  }
0x13: {  	[smem:$0x3FAA] =	sst s0;
	s0 =	simm.s32 @!p1 $0x0  }
0x14: {  	s2 =	sld [smem:$0x3F8E];
	s0 =	simm.s32 @p1 $0x1  }
0x15: {  	[smem:$0x3FAB] =	sst s0;
	s0 =	simm.s32 @!p2 $0x0  }
0x16: {  	s3 =	sld [smem:$0x3FDB];
	s0 =	simm.s32 @p2 $0x1  }
0x17: {  	s4 =	simm.s32 $0x1BF5;
	[smem:$0x3FAD] =	sst s0  }
0x18: {  	s0 =	sld [smem:$0x3F90];
	_ =	swait.ge [sflag:s4], $0x0  }
0x19: {  	s7 =	sld [smem:$0x3F91]  }
0x1a: {  	s8 =	sadd.s32 $0xFFFFE003, lr  }
0x1b: {  	s9 =	sadd.s32 $0xFFFFFEF7, lr;
	s5 =	simm.s32 $0xFFFFFFFF;
	p2 =	slt.u32 s8, $0xFFFFF086  }
0x1c: {  	p1 =	slt.u32 s9, $0xF7A;
	s5 =	simm.s32 @!p2 $0x0  }
0x1d: {  	s5 =	simm.s32 @p1 $0x1;
	p0 =	seq.s32 s7, s2  }
0x1e: {  	s7 =	smul.u32 @!p0 $0xF7A, s2;
	p2 =	seq.s32 @!p0 s5, $0x0  }
0x1f: {  	s9 =	smul.u32 $0xF7A, s1;
	s8 =	simm.s32 @!p0 $0x1BF5;
	p2 =	por !p2, p0  }
0x20: {  	[sflag:s8] =	ssyncset.s32 @!p0 $0xFFFFF086;
	s6 =	sadd.s32 @!p0 s3, s7;
	s7 =	simm.s32 @!p0 $0x108  }
0x21: {  	s3 =	sadd.s32 s3, s9;
	s6 =	sadd.s32 @!p0 $0x88, s6;
	s7 =	simm.s32 @p2 $0x1082  }
0x22: {  	[simem:s7], [sflag:s8] =	dma.local @!p0 [hbm:s6], $0xF7A  }
0x23: {  	s9 =	sor.u32 $0xD0000000, s2;
	s6 =	simm.s32 $0x108;
	_ =	swait.ge @!p0 [sflag:s8], $0x0  }
0x24: {  	s3 =	sadd.s32 $0x88, s3;
	s6 =	simm.s32 @!p1 $0x1082;
	[sflag:s4] =	ssyncset.s32 $0xFFFFF086  }
0x25: {  	[simem:s6], [sflag:s4] =	dma.local [hbm:s3], $0xF7A  }
0x26: {  	[smem:$0x3F91] =	sst s1;
	(tag) =	ssettag s2;
	_ =	strace s9  }
0x27: {  	s1 =	sld [smem:$0x3FA1]  }
0x28: {  	s2 =	sld [smem:$0x3FA2]  }
0x29: {  	s4 =	sld [smem:$0x3FA4]  }
0x2a: {  	p0 =	seq.s32 s5, $0x0;
	s5 =	sld [smem:$0x3FA5]  }
0x2b: {  	s6 =	sld [smem:$0x3FA6]  }
0x2c: {  	s7 =	sld [smem:$0x3FA7]  }
0x2d: {  	s3 =	simm.s32 $0x108;
	s8 =	sld [smem:$0x3FA8]  }
0x2e: {  	s3 =	simm.s32 @!p0 $0x1082;
	s9 =	sld [smem:$0x3FA9]  }
0x2f: {  	lr =	sadd.s32 s0, s3;
	s0 =	sld [smem:$0x3FA0]  }
0x30: {  	s3 =	sld [smem:$0x3FA3]  }
0x31: {  	[smem:$0x3FAC] =	sst s10  }
0x32: {  	s10 =	sld [smem:$0x3FAA];
	_ =	sdelay $0x3  }
0x33: {  	p0 =	seq.s32 s10, $0x1;
	s10 =	sld [smem:$0x3FAC];
	_ =	sdelay $0x3  }
0x34: {  	[smem:$0x3FAC] =	sst s10  }
0x35: {  	s10 =	sld [smem:$0x3FAB];
	_ =	sdelay $0x3  }
0x36: {  	p1 =	seq.s32 s10, $0x1;
	s10 =	sld [smem:$0x3FAC];
	_ =	sdelay $0x3  }
0x37: {  	[smem:$0x3FAC] =	sst s10  }
0x38: {  	s10 =	sld [smem:$0x3FAD]  }
0x39: {  	_ = 	snop;
	(pc) =	sbr.ind lr, $3  }
0x3a: {  	_ = 	snop  }
0x3b: {  	_ = 	snop  }
0x3c: {  	p2 =	seq.s32 s10, $0x1;
	s10 =	sld [smem:$0x3FAC]  }
0x3d: {  	_ =	shalt  }
0x3e: {  	_ =	shalt  }
0x3f: {  	_ =	shalt  }
0x40: {  	_ =	shalt  }
0x41: {  	_ =	shalt  }
0x42: {  	_ =	shalt  }
0x43: {  	_ =	shalt  }
0x44: {  	_ =	shalt  }
0x45: {  	_ =	shalt  }
0x46: {  	_ =	shalt  }
0x47: {  	_ =	shalt  }
0x48: {  	_ =	shalt  }
0x49: {  	_ =	shalt  }
0x4a: {  	_ =	shalt  }
0x4b: {  	_ =	shalt  }
0x4c: {  	_ =	shalt  }
0x4d: {  	_ =	shalt  }
0x4e: {  	_ =	shalt  }
0x4f: {  	_ =	shalt  }
0x50: {  	_ =	shalt  }
0x51: {  	_ =	shalt  }
0x52: {  	_ =	shalt  }
0x53: {  	_ =	shalt  }
0x54: {  	_ =	shalt  }
0x55: {  	_ =	shalt  }
0x56: {  	_ =	shalt  }
0x57: {  	_ =	shalt  }
0x58: {  	_ =	shalt  }
0x59: {  	_ =	shalt  }
0x5a: {  	_ =	shalt  }
0x5b: {  	_ =	shalt  }
0x5c: {  	_ =	shalt  }
0x5d: {  	_ =	shalt  }
0x5e: {  	_ =	shalt  }
0x5f: {  	_ =	shalt  }
0x60: {  	_ =	shalt  }
0x61: {  	_ =	shalt  }
0x62: {  	_ =	shalt  }
0x63: {  	_ =	shalt  }
0x64: {  	_ =	shalt  }
0x65: {  	_ =	shalt  }
0x66: {  	_ =	shalt  }
0x67: {  	_ =	shalt  }
0x68: {  	_ =	shalt  }
0x69: {  	_ =	shalt  }
0x6a: {  	_ =	shalt  }
0x6b: {  	_ =	shalt  }
0x6c: {  	_ =	shalt  }
0x6d: {  	_ =	shalt  }
0x6e: {  	_ =	shalt  }
0x6f: {  	_ =	shalt  }
0x70: {  	_ =	shalt  }
0x71: {  	_ =	shalt  }
0x72: {  	_ =	shalt  }
0x73: {  	_ =	shalt  }
0x74: {  	_ =	shalt  }
0x75: {  	_ =	shalt  }
0x76: {  	_ =	shalt  }
0x77: {  	_ =	shalt  }
0x78: {  	_ =	shalt  }
0x79: {  	_ =	shalt  }
0x7a: {  	_ =	shalt  }
0x7b: {  	_ =	shalt  }
0x7c: {  	_ =	shalt  }
0x7d: {  	_ =	shalt  }
0x7e: {  	_ =	shalt  }
0x7f: {  	_ =	shalt  }
0x80: {  	_ =	shalt  }
0x81: {  	_ =	shalt  }
0x82: {  	_ =	shalt  }
0x83: {  	_ =	shalt  }
0x84: {  	_ =	shalt  }
0x85: {  	_ =	shalt  }
0x86: {  	_ =	shalt  }
0x87: {  	_ =	shalt  }
.Lfunc_end0:
.L_simem_size_0:
called_computation_lowered:
.L_overlay_start_0:
0x88: {  	s2 =	sld [smem:$0x3FD9]  }
0x89: {  	s3 =	sld [smem:$0x3FFE];
	_ =	sdelay $0x1  }
0x8a: {  	s1 =	srdreg.scid  }
0x8b: {  	s0 =	sand.u32 $0x1, s1  }
0x8c: {  	s17 =	sshll.u32 s0, $0xA;
	s2 =	sadd.s32 s3, s2  }
0x8d: {  	s2 =	sadd.s32 s2, s17  }
0x8e: {  	[smem:$0x3FB8] =	sst s2  }
0x8f: {  	_ = 	snop  }
0x90: {  	s2 =	sld [smem:$0x3FC9]  }
0x91: {  	s18 =	sld [smem:$0x3FC8]  }
0x92: {  	s4 =	sld [smem:$0x3FC7]  }
0x93: {  	s5 =	sld [smem:$0x3FC6]  }
0x94: {  	s6 =	sld [smem:$0x3FC5]  }
0x95: {  	s7 =	sld [smem:$0x3FC4];
	(tm) =	ssettm $0x1  }
0x96: {  	s8 =	sld [smem:$0x3FFB];
	_ =	sdelay $0x3  }
0x97: {  	_ =	strace s8  }
0x98: {  	s8 =	sld [smem:$0x3FFC];
	_ =	sdelay $0x3  }
0x99: {  	_ =	strace s8  }
0x9a: {  	s8 =	sld [smem:$0x3FFD];
	_ =	sdelay $0x3  }
0x9b: {  	_ =	strace s8  }
0x9c: {  	_ =	strace $0x8FFFFFFF  }
0x9d: {  	s19 =	sld [smem:$0x3FDB];
	_ =	sdelay $0x1  }
0x9e: {  	s9 =	simm.s32 $_scs_section_size  }
0x9f: {  	s10 =	simm.s32 $_size__tile_overlayer_lowered;
	s11 =	simm.s32 $_tile_overlayer_lowered  }
0xa0: {  	s22 =	simm.s32 $0x1BFF;
	s21 =	sshll.u32 s11, $0x1;
	s8 =	sadd.s32 s9, s19  }
0xa1: {  	s12 =	simm.s32 $0x0;
	s20 =	sshll.u32 s10, $0x1;
	s10 =	sadd.s32 s21, s8  }
0xa2: {  	[timem:s12], [sflag:s22] =	dma.local [hbm:s10], s20  }
0xa3: {  	_ =	swait.ge [sflag:s22], s20  }
0xa4: {  	s9 =	ssub.s32 $0x0, s20;
	[sflag:s22] =	ssyncset.done $0x0  }
0xa5: {  	[sflag:s22] =	ssyncadd.s32 s9;
	_ =	sdelay $0x1  }
0xa6: {  	s23 =	simm.s32 $0x1B8B  }
0xa7: {  	_ =	swait.ge [sflag:s23], $0x1  }
0xa8: {  	[sflag:s23] =	ssyncset.done $0x0  }
0xa9: {  	s25 =	simm.s32 $0x1B8E;
	s24 =	sld [smem:$0x3FFE];
	[sflag:s23] =	ssyncadd.s32 $0xFFFFFFFF  }
0xaa: {  	s26 =	simm.s32 $execute0_lowered;
	[smem:$0x3FD2] =	sst s25  }
0xab: {  	s10 =	sshll.u32 s26, $0x1;
	_ =	strace $0x80000046;
	[dreg:$0x1] =	wrdreg $0xFFFFFFFF  }
0xac: {  	s28 =	simm.s32 $_size_execute0_lowered;
	s8 =	sadd.s32 s8, s10;
	[dreg:$0x0] =	wrdreg $0x0  }
0xad: {  	s10 =	sshll.u32 s28, $0x1;
	[dreg:$0x2] =	wrdreg s8  }
0xae: {  	[dreg:$0x3] =	wrdreg s10  }
0xaf: {  	[dreg:$0x4] =	wrdreg $0xC0  }
0xb0: {  	_ =	task [dreg:s12], $0x5FFFF  }
0xb1: {  	[dreg:$0x1] =	wrdreg $0xFFFFFFFF  }
0xb2: {  	[dreg:$0x0] =	wrdreg $0x60  }
0xb3: {  	[dreg:$0x2] =	wrdreg s4  }
0xb4: {  	[dreg:$0x3] =	wrdreg s5  }
0xb5: {  	[dreg:$0x4] =	wrdreg s6  }
0xb6: {  	[dreg:$0x5] =	wrdreg s7  }
0xb7: {  	[dreg:$0x6] =	wrdreg s2  }
0xb8: {  	[dreg:$0x7] =	wrdreg s18  }
0xb9: {  	[dreg:$0x8] =	wrdreg s24  }
0xba: {  	[dreg:$0x9] =	wrdreg $0x9  }
0xbb: {  	_ =	task.clear_ibuf [dreg:s12], $0xAFFFF;
	_ =	strace $0x90000046  }
0xbc: {  	s29 =	simm.s32 $0x9;
	_ =	strace $0x80000048  }
0xbd: {  	_ =	swait.ge [sflag:s29], $0x1  }
0xbe: {  	[sflag:s29] =	ssyncadd.s32 $0xFFFFFFFF  }
0xbf: {  	_ =	strace $0x90000048  }
0xc0: {  	_ =	sfence  }
0xc1: {  	s30 =	sld [smem:$0x0];
	_ =	sdelay $0x2  }
0xc2: {  	s31 =	sshll.u32 s1, $0xD;
	s1 =	sshrl.u32 s1, $0x2  }
0xc3: {  	s3 =	sand.u32 $0x4000, s31;
	s1 =	sadd.s32 s1, s30  }
0xc4: {  	s0 =	sor.u32 s3, s0;
	s1 =	sshll.u32 s1, $0x11  }
0xc5: {  	s0 =	sor.u32 s1, s0  }
0xc6: {  	s0 =	sadd.s32 $0x8F2B, s0  }
0xc7: {  	[sflag:s0] =	ssyncadd.remote.s32 $0x1  }
0xc8: {  	_ =	sfence.sel $0xFFFF  }
0xc9: {  	[dreg:$0x0] =	wrdreg $0xFFFFFFFF;
	(pc) =	sbr.abs _section_cstart, $3  }
0xca: {  	[dreg:$0x1] =	wrdreg $0xFFFFFFFF  }
0xcb: {  	_ =	task.clear_ibuf [dreg:s12], $0x2FFFF;
	_ =	strace $0x9FFFFFFF  }
0xcc: {  	(tm) =	ssettm $0x7FFFFFFF  }
0xcd: {  	_ =	shalt  }
tec
execute0_lowered:
.L_overlay_start_1:
0x0: {  	(tag) =	ssettag $0x1  }
0x1: {  	v0 =	vimm.s32 $0x7000;
	vm6 =	vcmask $0x300  }
0x2: {  	vm5 =	vcmask $0x704;
	v0 =	vsel vm6, $0x0, v0  }
0x3: {  	vm4 =	vcmask $0xB08;
	v1 =	vimm.s32 $0x7080;
	v0 =	vsel vm5, $0x1000, v0  }
0x4: {  	vm2 =	vcmask $0xF0C;
	v1 =	vsel vm6, $0x80, v1;
	v0 =	vsel vm4, $0x2000, v0  }
0x5: {  	vm3 =	vcmask $0x1310;
	v1 =	vsel vm5, $0x1080, v1;
	v0 =	vsel vm2, $0x3000, v0  }
0x6: {  	vm1 =	vcmask $0x1714;
	v1 =	vsel vm4, $0x2080, v1;
	v0 =	vsel vm3, $0x4000, v0  }
0x7: {  	vm0 =	vcmask $0x1B18;
	v1 =	vsel vm2, $0x3080, v1;
	v0 =	vsel vm1, $0x5000, v0  }
0x8: {  	v2 =	vsel vm3, $0x4080, v1;
	v10 =	vsel vm0, $0x6000, v0;
	v0 =	vlaneseq.u32  }
0x9: {  	v1 =	vmul.u32 $0x80, v0;
	v0 =	vsel vm1, $0x5080, v2;
	v2 =	vimm.s32 $0x7100  }
0xa: {  	v12 =	vsel vm0, $0x6080, v0;
	v0 =	vsel vm6, $0x100, v2;
	v2 =	vimm.s32 $0x7180  }
0xb: {  	v0 =	vsel vm5, $0x1100, v0;
	v2 =	vsel vm6, $0x180, v2  }
0xc: {  	v3 =	vimm.s32 $0x7200;
	v0 =	vsel vm4, $0x2100, v0;
	v2 =	vsel vm5, $0x1180, v2  }
0xd: {  	v3 =	vsel vm6, $0x200, v3;
	v0 =	vsel vm2, $0x3100, v0;
	v2 =	vsel vm4, $0x2180, v2  }
0xe: {  	v3 =	vsel vm5, $0x1200, v3;
	v0 =	vsel vm3, $0x4100, v0;
	v2 =	vsel vm2, $0x3180, v2  }
0xf: {  	v3 =	vsel vm4, $0x2200, v3;
	v0 =	vsel vm1, $0x5100, v0;
	v2 =	vsel vm3, $0x4180, v2  }
0x10: {  	v14 =	vsel vm0, $0x6100, v0;
	v0 =	vsel vm1, $0x5180, v2;
	v2 =	vsel vm2, $0x3200, v3  }
0x11: {  	v16 =	vsel vm0, $0x6180, v0;
	v0 =	vsel vm3, $0x4200, v2  }
0x12: {  	v2 =	vimm.s32 $0x7280;
	v0 =	vsel vm1, $0x5200, v0  }
0x13: {  	v18 =	vsel vm0, $0x6200, v0;
	v0 =	vsel vm6, $0x280, v2;
	v2 =	vimm.s32 $0x7300  }
0x14: {  	v0 =	vsel vm5, $0x1280, v0;
	v2 =	vsel vm6, $0x300, v2  }
0x15: {  	v3 =	vimm.s32 $0x7380;
	v0 =	vsel vm4, $0x2280, v0;
	v2 =	vsel vm5, $0x1300, v2  }
0x16: {  	v3 =	vsel vm6, $0x380, v3;
	v0 =	vsel vm2, $0x3280, v0;
	v2 =	vsel vm4, $0x2300, v2  }
0x17: {  	v3 =	vsel vm5, $0x1380, v3;
	v0 =	vsel vm3, $0x4280, v0;
	v2 =	vsel vm2, $0x3300, v2  }
0x18: {  	v3 =	vsel vm4, $0x2380, v3;
	v0 =	vsel vm1, $0x5280, v0;
	v2 =	vsel vm3, $0x4300, v2  }
0x19: {  	v20 =	vsel vm0, $0x6280, v0;
	v0 =	vsel vm1, $0x5300, v2;
	v2 =	vsel vm2, $0x3380, v3  }
0x1a: {  	v22 =	vsel vm0, $0x6300, v0;
	v0 =	vsel vm3, $0x4380, v2  }
0x1b: {  	v2 =	vimm.s32 $0x7400;
	v0 =	vsel vm1, $0x5380, v0  }
0x1c: {  	v24 =	vsel vm0, $0x6380, v0;
	v0 =	vsel vm6, $0x400, v2;
	v2 =	vimm.s32 $0x7480  }
0x1d: {  	v0 =	vsel vm5, $0x1400, v0;
	v2 =	vsel vm6, $0x480, v2  }
0x1e: {  	v3 =	vimm.s32 $0x7500;
	v0 =	vsel vm4, $0x2400, v0;
	v2 =	vsel vm5, $0x1480, v2  }
0x1f: {  	v3 =	vsel vm6, $0x500, v3;
	v0 =	vsel vm2, $0x3400, v0;
	v2 =	vsel vm4, $0x2480, v2  }
0x20: {  	v3 =	vsel vm5, $0x1500, v3;
	v0 =	vsel vm3, $0x4400, v0;
	v2 =	vsel vm2, $0x3480, v2  }
0x21: {  	v3 =	vsel vm4, $0x2500, v3;
	v0 =	vsel vm1, $0x5400, v0;
	v2 =	vsel vm3, $0x4480, v2  }
0x22: {  	v28 =	vsel vm0, $0x6400, v0;
	v0 =	vsel vm1, $0x5480, v2;
	v2 =	vsel vm2, $0x3500, v3  }
0x23: {  	v32 =	vsel vm0, $0x6480, v0;
	v0 =	vsel vm3, $0x4500, v2  }
0x24: {  	v2 =	vimm.s32 $0x7580;
	v0 =	vsel vm1, $0x5500, v0  }
0x25: {  	v34 =	vsel vm0, $0x6500, v0;
	v0 =	vsel vm6, $0x580, v2;
	v2 =	vimm.s32 $0x7600  }
0x26: {  	v0 =	vsel vm5, $0x1580, v0;
	v2 =	vsel vm6, $0x600, v2  }
0x27: {  	v3 =	vimm.s32 $0x7680;
	v0 =	vsel vm4, $0x2580, v0;
	v2 =	vsel vm5, $0x1600, v2  }
0x28: {  	v3 =	vsel vm6, $0x680, v3;
	v0 =	vsel vm2, $0x3580, v0;
	v2 =	vsel vm4, $0x2600, v2  }
0x29: {  	v3 =	vsel vm5, $0x1680, v3;
	v0 =	vsel vm3, $0x4580, v0;
	v2 =	vsel vm2, $0x3600, v2  }
0x2a: {  	v3 =	vsel vm4, $0x2680, v3;
	v0 =	vsel vm1, $0x5580, v0;
	v2 =	vsel vm3, $0x4600, v2  }
0x2b: {  	v36 =	vsel vm0, $0x6580, v0;
	v0 =	vsel vm1, $0x5600, v2;
	v2 =	vsel vm2, $0x3680, v3  }
0x2c: {  	v38 =	vsel vm0, $0x6600, v0;
	v0 =	vsel vm3, $0x4680, v2  }
0x2d: {  	v2 =	vimm.s32 $0x7700;
	v0 =	vsel vm1, $0x5680, v0  }
0x2e: {  	v40 =	vsel vm0, $0x6680, v0;
	v0 =	vsel vm6, $0x700, v2;
	v2 =	vimm.s32 $0x7780  }
0x2f: {  	v0 =	vsel vm5, $0x1700, v0;
	v2 =	vsel vm6, $0x780, v2  }
0x30: {  	v3 =	vimm.s32 $0x7800;
	v0 =	vsel vm4, $0x2700, v0;
	v2 =	vsel vm5, $0x1780, v2  }
0x31: {  	v3 =	vsel vm6, $0x800, v3;
	v0 =	vsel vm2, $0x3700, v0;
	v2 =	vsel vm4, $0x2780, v2  }
0x32: {  	v3 =	vsel vm5, $0x1800, v3;
	v0 =	vsel vm3, $0x4700, v0;
	v2 =	vsel vm2, $0x3780, v2  }
0x33: {  	v3 =	vsel vm4, $0x2800, v3;
	v0 =	vsel vm1, $0x5700, v0;
	v2 =	vsel vm3, $0x4780, v2  }
0x34: {  	v42 =	vsel vm0, $0x6700, v0;
	v0 =	vsel vm1, $0x5780, v2;
	v2 =	vsel vm2, $0x3800, v3  }
0x35: {  	v44 =	vsel vm0, $0x6780, v0;
	v0 =	vsel vm3, $0x4800, v2  }
0x36: {  	v2 =	vimm.s32 $0x7880;
	v0 =	vsel vm1, $0x5800, v0  }
0x37: {  	v46 =	vsel vm0, $0x6800, v0;
	v0 =	vsel vm6, $0x880, v2;
	v2 =	vimm.s32 $0x7900  }
0x38: {  	v0 =	vsel vm5, $0x1880, v0;
	v2 =	vsel vm6, $0x900, v2  }
0x39: {  	v3 =	vimm.s32 $0x7980;
	v0 =	vsel vm4, $0x2880, v0;
	v2 =	vsel vm5, $0x1900, v2  }
0x3a: {  	v3 =	vsel vm6, $0x980, v3;
	v0 =	vsel vm2, $0x3880, v0;
	v2 =	vsel vm4, $0x2900, v2  }
0x3b: {  	v3 =	vsel vm5, $0x1980, v3;
	v0 =	vsel vm3, $0x4880, v0;
	v2 =	vsel vm2, $0x3900, v2  }
0x3c: {  	v3 =	vsel vm4, $0x2980, v3;
	v0 =	vsel vm1, $0x5880, v0;
	v2 =	vsel vm3, $0x4900, v2  }
0x3d: {  	v48 =	vsel vm0, $0x6880, v0;
	v0 =	vsel vm1, $0x5900, v2;
	v2 =	vsel vm2, $0x3980, v3  }
0x3e: {  	v50 =	vsel vm0, $0x6900, v0;
	v0 =	vsel vm3, $0x4980, v2  }
0x3f: {  	v2 =	vimm.s32 $0x7A00;
	v0 =	vsel vm1, $0x5980, v0  }
0x40: {  	v52 =	vsel vm0, $0x6980, v0;
	v0 =	vsel vm6, $0xA00, v2;
	v2 =	vimm.s32 $0x7A80  }
0x41: {  	v0 =	vsel vm5, $0x1A00, v0;
	v2 =	vsel vm6, $0xA80, v2  }
0x42: {  	v3 =	vimm.s32 $0x7B00;
	v0 =	vsel vm4, $0x2A00, v0;
	v2 =	vsel vm5, $0x1A80, v2  }
0x43: {  	v3 =	vsel vm6, $0xB00, v3;
	v0 =	vsel vm2, $0x3A00, v0;
	v2 =	vsel vm4, $0x2A80, v2  }
0x44: {  	v3 =	vsel vm5, $0x1B00, v3;
	v0 =	vsel vm3, $0x4A00, v0;
	v2 =	vsel vm2, $0x3A80, v2  }
0x45: {  	v3 =	vsel vm4, $0x2B00, v3;
	v0 =	vsel vm1, $0x5A00, v0;
	v2 =	vsel vm3, $0x4A80, v2  }
0x46: {  	v54 =	vsel vm0, $0x6A00, v0;
	v0 =	vsel vm1, $0x5A80, v2;
	v2 =	vsel vm2, $0x3B00, v3  }
0x47: {  	v56 =	vsel vm0, $0x6A80, v0;
	v0 =	vsel vm3, $0x4B00, v2  }
0x48: {  	v2 =	vimm.s32 $0x7B80;
	v0 =	vsel vm1, $0x5B00, v0  }
0x49: {  	v58 =	vsel vm0, $0x6B00, v0;
	v0 =	vsel vm6, $0xB80, v2;
	v2 =	vimm.s32 $0x7C00  }
0x4a: {  	v0 =	vsel vm5, $0x1B80, v0;
	v2 =	vsel vm6, $0xC00, v2  }
0x4b: {  	v3 =	vimm.s32 $0x7C80;
	v0 =	vsel vm4, $0x2B80, v0;
	v2 =	vsel vm5, $0x1C00, v2  }
0x4c: {  	v3 =	vsel vm6, $0xC80, v3;
	v0 =	vsel vm2, $0x3B80, v0;
	v2 =	vsel vm4, $0x2C00, v2  }
0x4d: {  	s0 =	rddreg [dreg:$0x0];
	v3 =	vsel vm5, $0x1C80, v3;
	v0 =	vsel vm3, $0x4B80, v0;
	v2 =	vsel vm2, $0x3C00, v2  }
0x4e: {  	s1 =	rddreg [dreg:$0x1];
	v3 =	vsel vm4, $0x2C80, v3;
	v0 =	vsel vm1, $0x5B80, v0;
	v2 =	vsel vm3, $0x4C00, v2  }
0x4f: {  	s2 =	rddreg [dreg:$0x2];
	v60 =	vsel vm0, $0x6B80, v0;
	v0 =	vsel vm1, $0x5C00, v2;
	v2 =	vsel vm2, $0x3C80, v3  }
0x50: {  	s3 =	rddreg [dreg:$0x3];
	v62 =	vsel vm0, $0x6C00, v0;
	v0 =	vsel vm3, $0x4C80, v2  }
0x51: {  	s4 =	rddreg [dreg:$0x4];
	v3 =	vor.u32 $0x19, v1;
	v0 =	vsel vm1, $0x5C80, v0  }
0x52: {  	s5 =	rddreg [dreg:$0x5];
	s16 =	simm.s32 $0x0;
	[tilespmem:$0x1FC30] =	vst v3;
	v0 =	vsel vm0, $0x6C80, v0  }
0x53: {  	[smem:$0x7FF] =	sst s16;
	[tilespmem:$0x1FC20] =	vst v0  }
0x54: {  	s6 =	rddreg [dreg:$0x6];
	_ =	strace $0x80000047;
	[tilespmem:$0x1FCF0] =	vst v10  }
0x55: {  	v4 =	vor.u32 $0x1, v1;
	[tilespmem:$0x1FD00] =	vst v12  }
0x56: {  	[tilespmem:$0x1FD10] =	vst v4  }
0x57: {  	v5 =	vor.u32 $0x2, v1;
	[tilespmem:$0x1FD20] =	vst v14  }
0x58: {  	[tilespmem:$0x1FD30] =	vst v5  }
0x59: {  	v7 =	vor.u32 $0x3, v1;
	[tilespmem:$0x1FD40] =	vst v16  }
0x5a: {  	[tilespmem:$0x1FD50] =	vst v7  }
0x5b: {  	v8 =	vor.u32 $0x4, v1;
	[tilespmem:$0x1FD60] =	vst v18  }
0x5c: {  	[tilespmem:$0x1FD70] =	vst v8  }
0x5d: {  	v9 =	vor.u32 $0x5, v1;
	[tilespmem:$0x1FD80] =	vst v20  }
0x5e: {  	[tilespmem:$0x1FD90] =	vst v9  }
0x5f: {  	v11 =	vor.u32 $0x6, v1;
	[tilespmem:$0x1FDA0] =	vst v22  }
0x60: {  	[tilespmem:$0x1FDB0] =	vst v11  }
0x61: {  	v26 =	vor.u32 $0x7, v1;
	[tilespmem:$0x1FDC0] =	vst v24  }
0x62: {  	[tilespmem:$0x1FDD0] =	vst v26  }
0x63: {  	v30 =	vor.u32 $0x8, v1;
	[tilespmem:$0x1FDE0] =	vst v28  }
0x64: {  	[tilespmem:$0x1FDF0] =	vst v30  }
0x65: {  	v33 =	vor.u32 $0x9, v1;
	[tilespmem:$0x1FE00] =	vst v32  }
0x66: {  	[tilespmem:$0x1FE10] =	vst v33  }
0x67: {  	v35 =	vor.u32 $0xA, v1;
	[tilespmem:$0x1FE20] =	vst v34  }
0x68: {  	[tilespmem:$0x1FE30] =	vst v35  }
0x69: {  	v37 =	vor.u32 $0xB, v1;
	[tilespmem:$0x1FE40] =	vst v36  }
0x6a: {  	[tilespmem:$0x1FE50] =	vst v37  }
0x6b: {  	v39 =	vor.u32 $0xC, v1;
	[tilespmem:$0x1FE60] =	vst v38  }
0x6c: {  	[tilespmem:$0x1FE70] =	vst v39  }
0x6d: {  	v41 =	vor.u32 $0xD, v1;
	[tilespmem:$0x1FE80] =	vst v40  }
0x6e: {  	[tilespmem:$0x1FE90] =	vst v41  }
0x6f: {  	v43 =	vor.u32 $0xE, v1;
	[tilespmem:$0x1FEA0] =	vst v42  }
0x70: {  	[tilespmem:$0x1FEB0] =	vst v43  }
0x71: {  	v45 =	vor.u32 $0xF, v1;
	[tilespmem:$0x1FEC0] =	vst v44  }
0x72: {  	[tilespmem:$0x1FED0] =	vst v45  }
0x73: {  	v47 =	vor.u32 $0x10, v1;
	[tilespmem:$0x1FEE0] =	vst v46  }
0x74: {  	[tilespmem:$0x1FEF0] =	vst v47  }
0x75: {  	v49 =	vor.u32 $0x11, v1;
	v2 =	vimm.s32 $0x7D00;
	[tilespmem:$0x1FF00] =	vst v48  }
0x76: {  	v0 =	vsel vm6, $0xD00, v2;
	[tilespmem:$0x1FF10] =	vst v49  }
0x77: {  	v51 =	vor.u32 $0x12, v1;
	v2 =	vimm.s32 $0x7D80;
	v0 =	vsel vm5, $0x1D00, v0;
	[tilespmem:$0x1FF20] =	vst v50  }
0x78: {  	v53 =	vor.u32 $0x13, v1;
	v2 =	vsel vm6, $0xD80, v2;
	[tilespmem:$0x1FF30] =	vst v51;
	v0 =	vsel vm4, $0x2D00, v0  }
0x79: {  	v55 =	vor.u32 $0x14, v1;
	[tilespmem:$0x1FF40] =	vst v52;
	v2 =	vsel vm5, $0x1D80, v2;
	v0 =	vsel vm2, $0x3D00, v0  }
0x7a: {  	v3 =	vimm.s32 $0x7E00;
	[tilespmem:$0x1FF50] =	vst v53;
	v2 =	vsel vm4, $0x2D80, v2;
	v0 =	vsel vm3, $0x4D00, v0  }
0x7b: {  	v3 =	vsel vm6, $0xE00, v3;
	[tilespmem:$0x1FF60] =	vst v54;
	v2 =	vsel vm2, $0x3D80, v2;
	v0 =	vsel vm1, $0x5D00, v0  }
0x7c: {  	v3 =	vsel vm5, $0x1E00, v3;
	[tilespmem:$0x1FF70] =	vst v55;
	v2 =	vsel vm3, $0x4D80, v2;
	v0 =	vsel vm0, $0x6D00, v0  }
0x7d: {  	v3 =	vsel vm4, $0x2E00, v3;
	[tilespmem:$0x1FC40] =	vst v0;
	v0 =	vsel vm1, $0x5D80, v2  }
0x7e: {  	[tilespmem:$0x1FF80] =	vst v56;
	v2 =	vsel vm2, $0x3E00, v3;
	v0 =	vsel vm0, $0x6D80, v0  }
0x7f: {  	v57 =	vor.u32 $0x15, v1;
	[tilespmem:$0x1FC60] =	vst v0;
	v0 =	vsel vm3, $0x4E00, v2  }
0x80: {  	s7 =	srdreg.scid;
	[tilespmem:$0x1FF90] =	vst v57;
	v2 =	vor.u32 $0x1B, v1;
	v0 =	vsel vm1, $0x5E00, v0  }
0x81: {  	s9 =	stileid.u32;
	s11 =	simm.s32 $0x3;
	s13 =	simm.s32 $0x7A1400;
	[tilespmem:$0x1FC70] =	vst v2;
	v0 =	vsel vm0, $0x6E00, v0  }
0x82: {  	s14 =	simm.s32 $0x400;
	s15 =	simm.s32 $0x500;
	s17 =	simm.s32 $0x4500;
	v2 =	vimm.s32 $0x7E80;
	[tilespmem:$0x1FC80] =	vst v0;
	v0 =	vor.u32 $0x1C, v1  }
0x83: {  	s19 =	simm.s32 $0x6500;
	s20 =	simm.s32 $0x7500;
	s31 =	simm.s32 $0xB500;
	[tilespmem:$0x1FC90] =	vst v0;
	v0 =	vsel vm6, $0xE80, v2  }
0x84: {  	s18 =	simm.s32 $0x5500;
	s28 =	simm.s32 $0x4500;
	s29 =	simm.s32 $0x5500;
	v59 =	vor.u32 $0x16, v1;
	v61 =	vor.u32 $0x17, v1;
	[tilespmem:$0x1FFA0] =	vst v58;
	v0 =	vsel vm5, $0x1E80, v0  }
0x85: {  	s12 =	simm.s32 $0x2;
	s30 =	simm.s32 $0x6500;
	s22 =	simm.s32 $0x7500;
	[tilespmem:$0x1FFB0] =	vst v59;
	v3 =	vor.u32 $0x1A, v1;
	v2 =	vimm.s32 $0x7F00;
	v0 =	vsel vm4, $0x2E80, v0  }
0x86: {  	s7 =	sand.u32 $0x1, s7;
	s8 =	sshll.u32 s9, $0xE;
	s9 =	sshll.u32 s9, $0xA;
	[tilespmem:$0x1FC50] =	vst v3;
	v3 =	vimm.s32 $0x7F80;
	v2 =	vsel vm6, $0xF00, v2;
	v0 =	vsel vm2, $0x3E80, v0  }
0x87: {  	s10 =	sshll.u32 s7, $0x9;
	s6 =	sadd.s32 s8, s6;
	s23 =	ssub.s32 $0x2, s7;
	[tilespmem:$0x1FFC0] =	vst v60;
	v3 =	vsel vm6, $0xF80, v3;
	v2 =	vsel vm5, $0x1F00, v2;
	v0 =	vsel vm3, $0x4E80, v0  }
0x88: {  	s7 =	sshll.u32 s7, $0xD;
	s9 =	sor.u32 s10, s9;
	s24 =	sshrl.u32 s23, $0x1;
	[tilespmem:$0x1FFD0] =	vst v61;
	v3 =	vsel vm5, $0x1F80, v3;
	v2 =	vsel vm4, $0x2F00, v2;
	v0 =	vsel vm1, $0x5E80, v0  }
0x89: {  	s25 =	sadd.s32 s7, s6;
	s10 =	simm.s32 $0x3500;
	s6 =	simm.s32 $0x10500;
	[tilespmem:$0x1FFE0] =	vst v62;
	v3 =	vsel vm4, $0x2F80, v3;
	v2 =	vsel vm2, $0x3F00, v2;
	v0 =	vsel vm0, $0x6E80, v0  }
0x8a: {  	s7 =	simm.s32 $0x0;
	s9 =	sshrl.u32 s9, $0x3;
	s8 =	ssub.s32 s23, s24;
	v63 =	vor.u32 $0x18, v1;
	v3 =	vsel vm2, $0x3F80, v3;
	[tilespmem:$0x1FCA0] =	vst v0;
	v0 =	vsel vm3, $0x4F00, v2  }
0x8b: {  	s23 =	simm.s32 $0x8500;
	s24 =	simm.s32 $0xA500;
	s4 =	sadd.s32 s4, s9;
	[tilespmem:$0x1FFF0] =	vst v63;
	v2 =	vsel vm3, $0x4F80, v3;
	v3 =	vor.u32 $0x1D, v1;
	v0 =	vsel vm1, $0x5F00, v0  }
0x8c: {  	s5 =	sadd.s32 s5, s9;
	s26 =	smax.u32 s8, $0x1;
	[dreg:$0x8] =	wrdreg s4;
	[tilespmem:$0x1FCB0] =	vst v3;
	v0 =	vsel vm0, $0x6F00, v0  }
0x8d: {  	s8 =	simm.s32 $0x1500;
	s9 =	simm.s32 $0x2500;
	[dreg:$0x9] =	wrdreg s5;
	v2 =	vsel vm1, $0x5F80, v2;
	[tilespmem:$0x1FCC0] =	vst v0;
	v0 =	vor.u32 $0x1E, v1  }
0x8e: {  	[dreg:$0xa] =	wrdreg s26;
	s4 =	sadd.s32 $0x1400, s25;
	s25 =	simm.s32 $0xC500;
	[tilespmem:$0x1FCD0] =	vst v0;
	v0 =	vsel vm0, $0x6F80, v2  }
0x8f: {  	s26 =	simm.s32 $0xD500;
	[dreg:$0xb] =	wrdreg s4;
	s4 =	simm.s32 $0x1;
	[tilespmem:$0x1FCE0] =	vst v0  }
.LBB2_1:
0x90: {  	[dreg:$0xc] =	wrdreg s7  }
0x91: {  	s5 =	rddreg [dreg:$0x8]  }
0x92: {  	[tilespmem:s16], [sflag:$0x3] =	stream.linear.gather [hbm4b:s5+s16], $0x200, $0x38;
	[tilespmem:$0x10D00] =	vst v63  }
0x93: {  	_ =	swait.ge [sflag:s11], $0x200  }
0x94: {  	[sflag:s11] =	ssyncset.done $0x0  }
0x95: {  	s21 =	simm.s32 $0x280;
	s7 =	rddreg [dreg:$0x9];
	[sflag:s11] =	ssyncadd.s32 $0xFFFFFE00  }
0x96: {  	[tilespmem:s21], [sflag:$0x3] =	stream.linear.gather [hbm4b:s7+s16], $0x200, $0x38;
	[tilespmem:$0x10D00] =	vst v63  }
0x97: {  	_ =	swait.ge [sflag:s11], $0x200  }
0x98: {  	[sflag:s11] =	ssyncset.done $0x0  }
0x99: {  	[sflag:s11] =	ssyncadd.s32 $0xFFFFFE00  }
0x9a: {  	v0 =	vld [tilespmem:$0x0];
	_ =	sdelay $0x4  }
0x9b: {  	v0 =	vshra.s32 v0, $0x7  }
0x9c: {  	(v2sf) =	vpush v0, $0x0;
	_ =	sdelay $0x6  }
0x9d: {  	(v2sf) =	vpush v0, $0x1;
	_ =	sdelay $0x6  }
0x9e: {  	(v2sf) =	vpush v0, $0x2  }
0x9f: {  	s5 =	spop (v2sf)  }
0xa0: {  	p0 =	sgt.s32 s5, $0x0  }
0xa1: {  	s5 =	simm.s32 @!p0 $0x0  }
0xa2: {  	s5 =	smin.u32 s5, $0x1E84  }
0xa3: {  	s5 =	sshll.u32 s5, $0x7  }
0xa4: {  	s5 =	sadd.s32 s0, s5  }
0xa5: {  	(v2sf) =	vpush v0, $0x3;
	[tilespmem:s15], [sflag:$0x1] =	stream.strided.gather [hbm4b:s5+s14], $0x1000, s13, s14, $0x38;
	[tilespmem:$0x10D00] =	vst v63  }
0xa6: {  	s5 =	spop (v2sf)  }
0xa7: {  	p0 =	sgt.s32 s5, $0x0  }
0xa8: {  	s5 =	simm.s32 @!p0 $0x0  }
0xa9: {  	s5 =	smin.u32 s5, $0x1E84  }
0xaa: {  	s5 =	sshll.u32 s5, $0x7  }
0xab: {  	s5 =	sadd.s32 s0, s5  }
0xac: {  	(v2sf) =	vpush v0, $0x4;
	[tilespmem:s8], [sflag:$0x1] =	stream.strided.gather [hbm4b:s5+s14], $0x1000, s13, s14, $0x38;
	[tilespmem:$0x10D00] =	vst v63  }
0xad: {  	s5 =	spop (v2sf)  }
0xae: {  	p0 =	sgt.s32 s5, $0x0  }
0xaf: {  	(v2sf) =	vpush v0, $0x5;
	s5 =	simm.s32 @!p0 $0x0  }
0xb0: {  	s5 =	smin.u32 s5, $0x1E84  }
0xb1: {  	s5 =	sshll.u32 s5, $0x7  }
0xb2: {  	s5 =	sadd.s32 s0, s5  }
0xb3: {  	[tilespmem:s9], [sflag:$0x1] =	stream.strided.gather [hbm4b:s5+s14], $0x1000, s13, s14, $0x38;
	[tilespmem:$0x10D00] =	vst v63  }
0xb4: {  	s5 =	spop (v2sf)  }
0xb5: {  	(v2sf) =	vpush v0, $0x6;
	p0 =	sgt.s32 s5, $0x0  }
0xb6: {  	s5 =	simm.s32 @!p0 $0x0  }
0xb7: {  	s5 =	smin.u32 s5, $0x1E84  }
0xb8: {  	s5 =	sshll.u32 s5, $0x7  }
0xb9: {  	s5 =	sadd.s32 s0, s5  }
0xba: {  	[tilespmem:s10], [sflag:$0x1] =	stream.strided.gather [hbm4b:s5+s14], $0x1000, s13, s14, $0x38;
	[tilespmem:$0x10D00] =	vst v63  }
0xbb: {  	s5 =	spop (v2sf)  }
0xbc: {  	p0 =	sgt.s32 s5, $0x0  }
0xbd: {  	(v2sf) =	vpush v0, $0x7;
	s5 =	simm.s32 @!p0 $0x0  }
0xbe: {  	s5 =	smin.u32 s5, $0x1E84;
	s7 =	spop (v2sf)  }
0xbf: {  	s5 =	sshll.u32 s5, $0x7;
	p0 =	sgt.s32 s7, $0x0  }
0xc0: {  	s5 =	sadd.s32 s0, s5;
	s7 =	simm.s32 @!p0 $0x0  }
0xc1: {  	[tilespmem:s17], [sflag:$0x1] =	stream.strided.gather [hbm4b:s5+s14], $0x1000, s13, s14, $0x38;
	[tilespmem:$0x10D00] =	vst v63  }
0xc2: {  	s17 =	smin.u32 s7, $0x1E84  }
0xc3: {  	s5 =	sshll.u32 s17, $0x7  }
0xc4: {  	s5 =	sadd.s32 s0, s5;
	s7 =	spop (v2sf)  }
0xc5: {  	[tilespmem:s18], [sflag:$0x1] =	stream.strided.gather [hbm4b:s5+s14], $0x1000, s13, s14, $0x38;
	[tilespmem:$0x10D00] =	vst v63  }
0xc6: {  	p0 =	sgt.s32 s7, $0x0  }
0xc7: {  	s7 =	simm.s32 @!p0 $0x0  }
0xc8: {  	s21 =	smin.u32 s7, $0x1E84  }
0xc9: {  	s5 =	sshll.u32 s21, $0x7  }
0xca: {  	s5 =	sadd.s32 s0, s5  }
0xcb: {  	[tilespmem:s19], [sflag:$0x1] =	stream.strided.gather [hbm4b:s5+s14], $0x1000, s13, s14, $0x38;
	[tilespmem:$0x10D00] =	vst v63  }
0xcc: {  	s5 =	spop (v2sf)  }
0xcd: {  	p0 =	sgt.s32 s5, $0x0  }
0xce: {  	s5 =	simm.s32 @!p0 $0x0  }
0xcf: {  	s5 =	smin.u32 s5, $0x1E84  }
0xd0: {  	s9 =	simm.s32 $0x0;
	s5 =	sshll.u32 s5, $0x7  }
0xd1: {  	s10 =	rddreg [dreg:$0xb];
	s19 =	simm.s32 $0x9500;
	s5 =	sadd.s32 s0, s5  }
0xd2: {  	[tilespmem:s20], [sflag:$0x1] =	stream.strided.gather [hbm4b:s5+s14], $0x1000, s13, s14, $0x38;
	[tilespmem:$0x10D00] =	vst v63  }
.LBB2_2:
0xd3: {  	s5 =	sshra.s32 s9, $0x2  }
0xd4: {  	v0 =	vld [tilespmem:s5+$0x280];
	_ =	sdelay $0x4  }
0xd5: {  	v3 =	vshra.s32 v0, $0x7  }
0xd6: {  	(v2sf) =	vpush v3, $0x0  }
0xd7: {  	(v2sf) =	vpush v3, $0x1;
	_ =	sdelay $0x7  }
0xd8: {  	(v2sf) =	vpush v3, $0x2;
	_ =	sdelay $0x5  }
0xd9: {  	v2 =	vld [tilespmem:s5+$0x0];
	s7 =	spop (v2sf)  }
0xda: {  	v6 =	vld [tilespmem:s5+$0x8];
	(v2sf) =	vpush v3, $0x3;
	p0 =	sgt.s32 s7, $0x0;
	s5 =	spop (v2sf)  }
0xdb: {  	s7 =	simm.s32 @!p0 $0x0;
	p0 =	sgt.s32 s5, $0x0  }
0xdc: {  	s7 =	smin.u32 s7, $0x1E84;
	s5 =	simm.s32 @!p0 $0x0  }
0xdd: {  	s8 =	sshll.u32 s7, $0x7;
	s5 =	smin.u32 s5, $0x1E84  }
0xde: {  	s20 =	sadd.s32 s1, s8;
	s7 =	sshll.u32 s5, $0x7  }
0xdf: {  	[tilespmem:s23], [sflag:$0x2] =	stream.strided.gather [hbm4b:s20+s14], $0x1000, s13, s14, $0x38;
	[tilespmem:$0x10D00] =	vst v63  }
0xe0: {  	s5 =	sadd.s32 s1, s7  }
0xe1: {  	(v2sf) =	vpush v3, $0x4;
	[tilespmem:s19], [sflag:$0x2] =	stream.strided.gather [hbm4b:s5+s14], $0x1000, s13, s14, $0x38;
	[tilespmem:$0x10D00] =	vst v63  }
0xe2: {  	s5 =	spop (v2sf)  }
0xe3: {  	p0 =	sgt.s32 s5, $0x0  }
0xe4: {  	s5 =	simm.s32 @!p0 $0x0  }
0xe5: {  	s5 =	smin.u32 s5, $0x1E84  }
0xe6: {  	s5 =	sshll.u32 s5, $0x7  }
0xe7: {  	s16 =	sadd.s32 s1, s5  }
0xe8: {  	(v2sf) =	vpush v3, $0x5;
	[tilespmem:s24], [sflag:$0x2] =	stream.strided.gather [hbm4b:s16+s14], $0x1000, s13, s14, $0x38;
	[tilespmem:$0x10D00] =	vst v63  }
0xe9: {  	s16 =	spop (v2sf)  }
0xea: {  	p0 =	sgt.s32 s16, $0x0  }
0xeb: {  	s16 =	simm.s32 @!p0 $0x0  }
0xec: {  	s16 =	smin.u32 s16, $0x1E84  }
0xed: {  	s16 =	sshll.u32 s16, $0x7  }
0xee: {  	s17 =	sadd.s32 s1, s16  }
0xef: {  	(v2sf) =	vpush v3, $0x6;
	[tilespmem:s31], [sflag:$0x2] =	stream.strided.gather [hbm4b:s17+s14], $0x1000, s13, s14, $0x38;
	[tilespmem:$0x10D00] =	vst v63  }
0xf0: {  	s17 =	spop (v2sf)  }
0xf1: {  	p0 =	sgt.s32 s17, $0x0  }
0xf2: {  	s17 =	simm.s32 @!p0 $0x0  }
0xf3: {  	s17 =	smin.u32 s17, $0x1E84  }
0xf4: {  	s24 =	sshll.u32 s17, $0x7  }
0xf5: {  	s17 =	sadd.s32 s1, s24  }
0xf6: {  	(v2sf) =	vpush v3, $0x7;
	[tilespmem:s25], [sflag:$0x2] =	stream.strided.gather [hbm4b:s17+s14], $0x1000, s13, s14, $0x38;
	[tilespmem:$0x10D00] =	vst v63  }
0xf7: {  	s17 =	spop (v2sf)  }
0xf8: {  	p0 =	sgt.s32 s17, $0x0  }
0xf9: {  	s17 =	simm.s32 @!p0 $0x0  }
0xfa: {  	s17 =	smin.u32 s17, $0x1E84  }
0xfb: {  	s17 =	sshll.u32 s17, $0x7  }
0xfc: {  	s18 =	sadd.s32 s1, s17  }
0xfd: {  	[tilespmem:s26], [sflag:$0x2] =	stream.strided.gather [hbm4b:s18+s14], $0x1000, s13, s14, $0x38;
	[tilespmem:$0x10D00] =	vst v63  }
0xfe: {  	s18 =	spop (v2sf)  }
0xff: {  	p0 =	sgt.s32 s18, $0x0  }
0x100: {  	s18 =	simm.s32 @!p0 $0x0  }
0x101: {  	s18 =	smin.u32 s18, $0x1E84  }
0x102: {  	s25 =	sshll.u32 s18, $0x7  }
0x103: {  	s11 =	simm.s32 $0xE500;
	s18 =	sadd.s32 s1, s25  }
0x104: {  	[tilespmem:s11], [sflag:$0x2] =	stream.strided.gather [hbm4b:s18+s14], $0x1000, s13, s14, $0x38;
	[tilespmem:$0x10D00] =	vst v63  }
0x105: {  	s18 =	spop (v2sf)  }
0x106: {  	p0 =	sgt.s32 s18, $0x0  }
0x107: {  	s18 =	simm.s32 @!p0 $0x0  }
0x108: {  	s18 =	smin.u32 s18, $0x1E84  }
0x109: {  	s18 =	sshll.u32 s18, $0x7  }
0x10a: {  	[tilespmem:$0x1FBD0] =	vst v6;
	s11 =	simm.s32 $0xF500;
	s21 =	sadd.s32 s1, s18  }
0x10b: {  	[tilespmem:s11], [sflag:$0x2] =	stream.strided.gather [hbm4b:s21+s14], $0x1000, s13, s14, $0x38;
	[tilespmem:$0x10D00] =	vst v63  }
0x10c: {  	_ =	swait.ge [sflag:s4], $0x1000  }
0x10d: {  	[sflag:s4] =	ssyncset.done $0x0  }
0x10e: {  	[sflag:s4] =	ssyncadd.s32 $0xFFFFF000  }
0x10f: {  	_ =	swait.ge [sflag:s4], $0x1000  }
0x110: {  	[sflag:s4] =	ssyncset.done $0x0  }
0x111: {  	[sflag:s4] =	ssyncadd.s32 $0xFFFFF000  }
0x112: {  	_ =	swait.ge [sflag:s4], $0x1000  }
0x113: {  	[sflag:s4] =	ssyncset.done $0x0  }
0x114: {  	[sflag:s4] =	ssyncadd.s32 $0xFFFFF000  }
0x115: {  	_ =	swait.ge [sflag:s4], $0x1000  }
0x116: {  	[sflag:s4] =	ssyncset.done $0x0  }
0x117: {  	[sflag:s4] =	ssyncadd.s32 $0xFFFFF000  }
0x118: {  	_ =	swait.ge [sflag:s4], $0x1000  }
0x119: {  	[sflag:s4] =	ssyncset.done $0x0  }
0x11a: {  	[sflag:s4] =	ssyncadd.s32 $0xFFFFF000  }
0x11b: {  	_ =	swait.ge [sflag:s4], $0x1000  }
0x11c: {  	[sflag:s4] =	ssyncset.done $0x0  }
0x11d: {  	[sflag:s4] =	ssyncadd.s32 $0xFFFFF000  }
0x11e: {  	v6 =	vand.u32 $0x7F, v2;
	_ =	swait.ge [sflag:s4], $0x1000  }
0x11f: {  	v3 =	vor.u32 v10, v6;
	[sflag:s4] =	ssyncset.done $0x0  }
0x120: {  	[tilespmem:$0x1FB80] =	vst v3;
	[sflag:s4] =	ssyncadd.s32 $0xFFFFF000  }
0x121: {  	_ =	swait.ge [sflag:s4], $0x1000  }
0x122: {  	[sflag:s4] =	ssyncset.done $0x0  }
0x123: {  	[sflag:s4] =	ssyncadd.s32 $0xFFFFF000  }
0x124: {  	v3 =	vld.idx.msk [tilespmem:v3+s15+$0x0], $0xffff  }
0x125: {  	v13 =	vor.u32 v12, v6;
	_ =	sdelay $0x3  }
0x126: {  	[tilespmem:v1+s6+$0x0] =	vst.idx.msk $0xff, v3  }
0x127: {  	v3 =	vld.idx.msk [tilespmem:v13+s15+$0x0], $0xffff  }
0x128: {  	[tilespmem:$0x1FB90] =	vst v13;
	v13 =	vor.u32 v14, v6;
	_ =	sdelay $0x3  }
0x129: {  	[tilespmem:v4+s6+$0x0] =	vst.idx.msk $0xff, v3  }
0x12a: {  	v3 =	vld.idx.msk [tilespmem:v13+s15+$0x0], $0xffff  }
0x12b: {  	v17 =	vor.u32 v16, v6;
	_ =	sdelay $0x3  }
0x12c: {  	[tilespmem:v5+s6+$0x0] =	vst.idx.msk $0xff, v3  }
0x12d: {  	v3 =	vld.idx.msk [tilespmem:v17+s15+$0x0], $0xffff  }
0x12e: {  	v19 =	vor.u32 v18, v6;
	_ =	sdelay $0x3  }
0x12f: {  	[tilespmem:v7+s6+$0x0] =	vst.idx.msk $0xff, v3  }
0x130: {  	v3 =	vld.idx.msk [tilespmem:v19+s15+$0x0], $0xffff  }
0x131: {  	v21 =	vor.u32 v20, v6;
	_ =	sdelay $0x3  }
0x132: {  	[tilespmem:v8+s6+$0x0] =	vst.idx.msk $0xff, v3  }
0x133: {  	v3 =	vld.idx.msk [tilespmem:v21+s15+$0x0], $0xffff  }
0x134: {  	v23 =	vor.u32 v22, v6;
	_ =	sdelay $0x3  }
0x135: {  	[tilespmem:v9+s6+$0x0] =	vst.idx.msk $0xff, v3  }
0x136: {  	v3 =	vld.idx.msk [tilespmem:v23+s15+$0x0], $0xffff  }
0x137: {  	v25 =	vor.u32 v24, v6;
	_ =	sdelay $0x3  }
0x138: {  	[tilespmem:v11+s6+$0x0] =	vst.idx.msk $0xff, v3  }
0x139: {  	v3 =	vld.idx.msk [tilespmem:v25+s15+$0x0], $0xffff  }
0x13a: {  	v27 =	vor.u32 v28, v6;
	_ =	sdelay $0x3  }
0x13b: {  	[tilespmem:v26+s6+$0x0] =	vst.idx.msk $0xff, v3  }
0x13c: {  	v3 =	vld.idx.msk [tilespmem:v27+s15+$0x0], $0xffff  }
0x13d: {  	v29 =	vor.u32 v32, v6;
	_ =	sdelay $0x3  }
0x13e: {  	[tilespmem:v30+s6+$0x0] =	vst.idx.msk $0xff, v3  }
0x13f: {  	v3 =	vld.idx.msk [tilespmem:v29+s15+$0x0], $0xffff  }
0x140: {  	v31 =	vor.u32 v34, v6;
	_ =	sdelay $0x3  }
0x141: {  	[tilespmem:v33+s6+$0x0] =	vst.idx.msk $0xff, v3  }
0x142: {  	v3 =	vld.idx.msk [tilespmem:v31+s15+$0x0], $0xffff  }
0x143: {  	v33 =	vor.u32 v36, v6;
	_ =	sdelay $0x3  }
0x144: {  	[tilespmem:v35+s6+$0x0] =	vst.idx.msk $0xff, v3  }
0x145: {  	v3 =	vld.idx.msk [tilespmem:v33+s15+$0x0], $0xffff  }
0x146: {  	v35 =	vor.u32 v38, v6;
	_ =	sdelay $0x3  }
0x147: {  	[tilespmem:v37+s6+$0x0] =	vst.idx.msk $0xff, v3  }
0x148: {  	v3 =	vld.idx.msk [tilespmem:v35+s15+$0x0], $0xffff  }
0x149: {  	v37 =	vor.u32 v40, v6;
	_ =	sdelay $0x3  }
0x14a: {  	[tilespmem:v39+s6+$0x0] =	vst.idx.msk $0xff, v3  }
0x14b: {  	v3 =	vld.idx.msk [tilespmem:v37+s15+$0x0], $0xffff  }
0x14c: {  	v39 =	vor.u32 v42, v6;
	_ =	sdelay $0x3  }
0x14d: {  	[tilespmem:v41+s6+$0x0] =	vst.idx.msk $0xff, v3  }
0x14e: {  	v3 =	vld.idx.msk [tilespmem:v39+s15+$0x0], $0xffff  }
0x14f: {  	v41 =	vor.u32 v44, v6;
	_ =	sdelay $0x3  }
0x150: {  	[tilespmem:v43+s6+$0x0] =	vst.idx.msk $0xff, v3  }
0x151: {  	v3 =	vld.idx.msk [tilespmem:v41+s15+$0x0], $0xffff  }
0x152: {  	v43 =	vor.u32 v46, v6;
	_ =	sdelay $0x3  }
0x153: {  	[tilespmem:v45+s6+$0x0] =	vst.idx.msk $0xff, v3  }
0x154: {  	v3 =	vld.idx.msk [tilespmem:v43+s15+$0x0], $0xffff  }
0x155: {  	v45 =	vor.u32 v48, v6;
	_ =	sdelay $0x3  }
0x156: {  	[tilespmem:v47+s6+$0x0] =	vst.idx.msk $0xff, v3  }
0x157: {  	v3 =	vld.idx.msk [tilespmem:v45+s15+$0x0], $0xffff  }
0x158: {  	v47 =	vor.u32 v50, v6;
	_ =	sdelay $0x3  }
0x159: {  	[tilespmem:v49+s6+$0x0] =	vst.idx.msk $0xff, v3  }
0x15a: {  	v3 =	vld.idx.msk [tilespmem:v47+s15+$0x0], $0xffff  }
0x15b: {  	v49 =	vor.u32 v52, v6;
	_ =	sdelay $0x3  }
0x15c: {  	[tilespmem:v51+s6+$0x0] =	vst.idx.msk $0xff, v3  }
0x15d: {  	v3 =	vld.idx.msk [tilespmem:v49+s15+$0x0], $0xffff  }
0x15e: {  	v51 =	vor.u32 v54, v6;
	_ =	sdelay $0x3  }
0x15f: {  	[tilespmem:v53+s6+$0x0] =	vst.idx.msk $0xff, v3  }
0x160: {  	v3 =	vld.idx.msk [tilespmem:v51+s15+$0x0], $0xffff  }
0x161: {  	v53 =	vor.u32 v56, v6;
	_ =	sdelay $0x3  }
0x162: {  	[tilespmem:v55+s6+$0x0] =	vst.idx.msk $0xff, v3  }
0x163: {  	v3 =	vld.idx.msk [tilespmem:v53+s15+$0x0], $0xffff  }
0x164: {  	v55 =	vor.u32 v58, v6;
	_ =	sdelay $0x3  }
0x165: {  	[tilespmem:v57+s6+$0x0] =	vst.idx.msk $0xff, v3  }
0x166: {  	v3 =	vld.idx.msk [tilespmem:v55+s15+$0x0], $0xffff  }
0x167: {  	v57 =	vor.u32 v60, v6;
	_ =	sdelay $0x3  }
0x168: {  	[tilespmem:v59+s6+$0x0] =	vst.idx.msk $0xff, v3  }
0x169: {  	v3 =	vld.idx.msk [tilespmem:v57+s15+$0x0], $0xffff  }
0x16a: {  	v59 =	vor.u32 v62, v6;
	_ =	sdelay $0x2  }
0x16b: {  	v5 =	vld [tilespmem:$0x1FC20]  }
0x16c: {  	[tilespmem:v61+s6+$0x0] =	vst.idx.msk $0xff, v3  }
0x16d: {  	v3 =	vld.idx.msk [tilespmem:v59+s15+$0x0], $0xffff;
	_ =	sdelay $0x2  }
0x16e: {  	v61 =	vor.u32 v5, v6;
	_ =	sdelay $0x1  }
0x16f: {  	[tilespmem:v63+s6+$0x0] =	vst.idx.msk $0xff, v3;
	v3 =	vld [tilespmem:$0x1FC30]  }
0x170: {  	v9 =	vld [tilespmem:$0x1FC40];
	_ =	sdelay $0x1  }
0x171: {  	v4 =	vld.idx.msk [tilespmem:v61+s15+$0x0], $0xffff;
	_ =	sdelay $0x2  }
0x172: {  	v7 =	vor.u32 v9, v6;
	_ =	sdelay $0x1  }
0x173: {  	[tilespmem:v3+s6+$0x0] =	vst.idx.msk $0xff, v4;
	v3 =	vld [tilespmem:$0x1FC50]  }
0x174: {  	v11 =	vld [tilespmem:$0x1FC60];
	_ =	sdelay $0x1  }
0x175: {  	v4 =	vld.idx.msk [tilespmem:v7+s15+$0x0], $0xffff;
	_ =	sdelay $0x2  }
0x176: {  	v63 =	vor.u32 v11, v6;
	_ =	sdelay $0x1  }
0x177: {  	[tilespmem:v3+s6+$0x0] =	vst.idx.msk $0xff, v4;
	v3 =	vld [tilespmem:$0x1FC70]  }
0x178: {  	v4 =	vld [tilespmem:$0x1FC80];
	_ =	sdelay $0x1  }
0x179: {  	[tilespmem:$0x1FBB0] =	vst v7;
	v7 =	vld.idx.msk [tilespmem:v63+s15+$0x0], $0xffff;
	_ =	sdelay $0x2  }
0x17a: {  	v8 =	vor.u32 v4, v6;
	_ =	sdelay $0x1  }
0x17b: {  	[tilespmem:v3+s6+$0x0] =	vst.idx.msk $0xff, v7;
	v3 =	vld [tilespmem:$0x1FC90]  }
0x17c: {  	v15 =	vld [tilespmem:$0x1FCA0];
	_ =	sdelay $0x1  }
0x17d: {  	v7 =	vld.idx.msk [tilespmem:v8+s15+$0x0], $0xffff;
	_ =	sdelay $0x2  }
0x17e: {  	[tilespmem:$0x1FBC0] =	vst v8;
	v8 =	vor.u32 v15, v6  }
0x17f: {  	[tilespmem:$0x1FBA0] =	vst v13;
	v13 =	vld [tilespmem:$0x1FCC0]  }
0x180: {  	[tilespmem:v3+s6+$0x0] =	vst.idx.msk $0xff, v7;
	v3 =	vld [tilespmem:$0x1FCB0];
	_ =	sdelay $0x2  }
0x181: {  	[tilespmem:$0x1FBE0] =	vst v8;
	v8 =	vld.idx.msk [tilespmem:v8+s15+$0x0], $0xffff  }
0x182: {  	v2 =	vshra.s32 v2, $0x7;
	v7 =	vor.u32 v13, v6  }
0x183: {  	(v2sf) =	vpush v2, $0x0;
	_ =	sdelay $0x2  }
0x184: {  	[tilespmem:v3+s6+$0x0] =	vst.idx.msk $0xff, v8  }
0x185: {  	v8 =	vld.idx.msk [tilespmem:v7+s15+$0x0], $0xffff  }
0x186: {  	[tilespmem:$0x1FBF0] =	vst v7;
	v7 =	vld [tilespmem:$0x1FCE0]  }
0x187: {  	v3 =	vld [tilespmem:$0x1FCD0]  }
0x188: {  	(v2sf) =	vpush v2, $0x1;
	_ =	sdelay $0x2  }
0x189: {  	v6 =	vor.u32 v7, v6;
	_ =	sdelay $0x3  }
0x18a: {  	(v2sf) =	vpush v2, $0x2;
	[tilespmem:v3+s6+$0x0] =	vst.idx.msk $0xff, v8  }
0x18b: {  	s19 =	spop (v2sf);
	[tilespmem:$0x1FC00] =	vst v6;
	v8 =	vor.u32 $0x1F, v1;
	v6 =	vld.idx.msk [tilespmem:v6+s15+$0x0], $0xffff  }
0x18c: {  	p0 =	sgt.s32 s19, $0x0  }
0x18d: {  	s19 =	simm.s32 @!p0 $0x0  }
0x18e: {  	s19 =	smin.u32 s19, $0x1E84  }
0x18f: {  	s19 =	sshll.u32 s19, $0x7  }
0x190: {  	s19 =	sadd.s32 s2, s19;
	[tilespmem:v8+s6+$0x0] =	vst.idx.msk $0xff, v6  }
0x191: {  	(v2sf) =	vpush v2, $0x3;
	[tilespmem:s15], [sflag:$0x1] =	stream.strided.gather [hbm4b:s19+s14], $0x1000, s13, s14, $0x38;
	[tilespmem:$0x10D00] =	vst v63  }
0x192: {  	s19 =	spop (v2sf)  }
0x193: {  	p0 =	sgt.s32 s19, $0x0  }
0x194: {  	s19 =	simm.s32 @!p0 $0x0  }
0x195: {  	s19 =	smin.u32 s19, $0x1E84  }
0x196: {  	s19 =	sshll.u32 s19, $0x7  }
0x197: {  	s20 =	simm.s32 $0x1500;
	s19 =	sadd.s32 s2, s19  }
0x198: {  	(v2sf) =	vpush v2, $0x4;
	[tilespmem:s20], [sflag:$0x1] =	stream.strided.gather [hbm4b:s19+s14], $0x1000, s13, s14, $0x38;
	[tilespmem:$0x10D00] =	vst v63  }
0x199: {  	s19 =	spop (v2sf)  }
0x19a: {  	p0 =	sgt.s32 s19, $0x0  }
0x19b: {  	s19 =	simm.s32 @!p0 $0x0  }
0x19c: {  	s19 =	smin.u32 s19, $0x1E84  }
0x19d: {  	s19 =	sshll.u32 s19, $0x7  }
0x19e: {  	s21 =	simm.s32 $0x2500;
	s19 =	sadd.s32 s2, s19  }
0x19f: {  	(v2sf) =	vpush v2, $0x5;
	[tilespmem:s21], [sflag:$0x1] =	stream.strided.gather [hbm4b:s19+s14], $0x1000, s13, s14, $0x38;
	[tilespmem:$0x10D00] =	vst v63  }
0x1a0: {  	s19 =	spop (v2sf)  }
0x1a1: {  	p0 =	sgt.s32 s19, $0x0  }
0x1a2: {  	s19 =	simm.s32 @!p0 $0x0  }
0x1a3: {  	s19 =	smin.u32 s19, $0x1E84  }
0x1a4: {  	s19 =	sshll.u32 s19, $0x7  }
0x1a5: {  	s21 =	simm.s32 $0x3500;
	s19 =	sadd.s32 s2, s19  }
0x1a6: {  	(v2sf) =	vpush v2, $0x6;
	[tilespmem:s21], [sflag:$0x1] =	stream.strided.gather [hbm4b:s19+s14], $0x1000, s13, s14, $0x38;
	[tilespmem:$0x10D00] =	vst v63  }
0x1a7: {  	s19 =	spop (v2sf)  }
0x1a8: {  	p0 =	sgt.s32 s19, $0x0  }
0x1a9: {  	s19 =	simm.s32 @!p0 $0x0  }
0x1aa: {  	s19 =	smin.u32 s19, $0x1E84  }
0x1ab: {  	s19 =	sshll.u32 s19, $0x7  }
0x1ac: {  	s19 =	sadd.s32 s2, s19  }
0x1ad: {  	(v2sf) =	vpush v2, $0x7;
	[tilespmem:s28], [sflag:$0x1] =	stream.strided.gather [hbm4b:s19+s14], $0x1000, s13, s14, $0x38;
	[tilespmem:$0x10D00] =	vst v63  }
0x1ae: {  	s19 =	spop (v2sf)  }
0x1af: {  	p0 =	sgt.s32 s19, $0x0  }
0x1b0: {  	s19 =	simm.s32 @!p0 $0x0  }
0x1b1: {  	s19 =	smin.u32 s19, $0x1E84  }
0x1b2: {  	s19 =	sshll.u32 s19, $0x7  }
0x1b3: {  	s19 =	sadd.s32 s2, s19  }
0x1b4: {  	[tilespmem:s29], [sflag:$0x1] =	stream.strided.gather [hbm4b:s19+s14], $0x1000, s13, s14, $0x38;
	[tilespmem:$0x10D00] =	vst v63  }
0x1b5: {  	s19 =	spop (v2sf)  }
0x1b6: {  	p0 =	sgt.s32 s19, $0x0  }
0x1b7: {  	s19 =	simm.s32 @!p0 $0x0  }
0x1b8: {  	s19 =	smin.u32 s19, $0x1E84  }
0x1b9: {  	s19 =	sshll.u32 s19, $0x7  }
0x1ba: {  	s19 =	sadd.s32 s2, s19  }
0x1bb: {  	[tilespmem:s30], [sflag:$0x1] =	stream.strided.gather [hbm4b:s19+s14], $0x1000, s13, s14, $0x38;
	[tilespmem:$0x10D00] =	vst v63  }
0x1bc: {  	s19 =	spop (v2sf)  }
0x1bd: {  	p0 =	sgt.s32 s19, $0x0  }
0x1be: {  	s19 =	simm.s32 @!p0 $0x0  }
0x1bf: {  	s19 =	smin.u32 s19, $0x1E84  }
0x1c0: {  	s19 =	sshll.u32 s19, $0x7  }
0x1c1: {  	s19 =	sadd.s32 s2, s19  }
0x1c2: {  	[tilespmem:s22], [sflag:$0x1] =	stream.strided.gather [hbm4b:s19+s14], $0x1000, s13, s14, $0x38;
	[tilespmem:$0x10D00] =	vst v63  }
0x1c3: {  	_ =	swait.ge [sflag:s12], $0x1000  }
0x1c4: {  	[sflag:s12] =	ssyncset.done $0x0  }
0x1c5: {  	[sflag:s12] =	ssyncadd.s32 $0xFFFFF000  }
0x1c6: {  	_ =	swait.ge [sflag:s12], $0x1000  }
0x1c7: {  	[sflag:s12] =	ssyncset.done $0x0  }
0x1c8: {  	[sflag:s12] =	ssyncadd.s32 $0xFFFFF000  }
0x1c9: {  	_ =	swait.ge [sflag:s12], $0x1000  }
0x1ca: {  	[sflag:s12] =	ssyncset.done $0x0  }
0x1cb: {  	[sflag:s12] =	ssyncadd.s32 $0xFFFFF000  }
0x1cc: {  	_ =	swait.ge [sflag:s12], $0x1000  }
0x1cd: {  	[sflag:s12] =	ssyncset.done $0x0  }
0x1ce: {  	[sflag:s12] =	ssyncadd.s32 $0xFFFFF000  }
0x1cf: {  	_ =	swait.ge [sflag:s12], $0x1000  }
0x1d0: {  	[sflag:s12] =	ssyncset.done $0x0  }
0x1d1: {  	[sflag:s12] =	ssyncadd.s32 $0xFFFFF000  }
0x1d2: {  	_ =	swait.ge [sflag:s12], $0x1000  }
0x1d3: {  	[sflag:s12] =	ssyncset.done $0x0  }
0x1d4: {  	[sflag:s12] =	ssyncadd.s32 $0xFFFFF000  }
0x1d5: {  	v0 =	vand.u32 $0x7F, v0;
	_ =	swait.ge [sflag:s12], $0x1000  }
0x1d6: {  	v2 =	vor.u32 v10, v0;
	[sflag:s12] =	ssyncset.done $0x0  }
0x1d7: {  	[tilespmem:$0x1FC10] =	vst v2;
	[sflag:s12] =	ssyncadd.s32 $0xFFFFF000  }
0x1d8: {  	_ =	swait.ge [sflag:s12], $0x1000  }
0x1d9: {  	[sflag:s12] =	ssyncset.done $0x0  }
0x1da: {  	[sflag:s12] =	ssyncadd.s32 $0xFFFFF000  }
0x1db: {  	v8 =	vor.u32 $0x20, v1;
	v2 =	vld.idx.msk [tilespmem:v2+s23+$0x0], $0xffff  }
0x1dc: {  	v6 =	vor.u32 v12, v0;
	_ =	sdelay $0x3  }
0x1dd: {  	[tilespmem:v8+s6+$0x0] =	vst.idx.msk $0xff, v2  }
0x1de: {  	v10 =	vor.u32 $0x21, v1;
	v2 =	vld.idx.msk [tilespmem:v6+s23+$0x0], $0xffff  }
0x1df: {  	v8 =	vor.u32 v14, v0;
	_ =	sdelay $0x3  }
0x1e0: {  	[tilespmem:v10+s6+$0x0] =	vst.idx.msk $0xff, v2  }
0x1e1: {  	v12 =	vor.u32 $0x22, v1;
	v2 =	vld.idx.msk [tilespmem:v8+s23+$0x0], $0xffff  }
0x1e2: {  	v10 =	vor.u32 v16, v0;
	_ =	sdelay $0x3  }
0x1e3: {  	[tilespmem:v12+s6+$0x0] =	vst.idx.msk $0xff, v2  }
0x1e4: {  	v14 =	vor.u32 $0x23, v1;
	v2 =	vld.idx.msk [tilespmem:v10+s23+$0x0], $0xffff  }
0x1e5: {  	v12 =	vor.u32 v18, v0;
	_ =	sdelay $0x3  }
0x1e6: {  	[tilespmem:v14+s6+$0x0] =	vst.idx.msk $0xff, v2  }
0x1e7: {  	v16 =	vor.u32 $0x24, v1;
	v2 =	vld.idx.msk [tilespmem:v12+s23+$0x0], $0xffff  }
0x1e8: {  	v14 =	vor.u32 v20, v0;
	_ =	sdelay $0x3  }
0x1e9: {  	[tilespmem:v16+s6+$0x0] =	vst.idx.msk $0xff, v2  }
0x1ea: {  	v18 =	vor.u32 $0x25, v1;
	v2 =	vld.idx.msk [tilespmem:v14+s23+$0x0], $0xffff  }
0x1eb: {  	v16 =	vor.u32 v22, v0;
	_ =	sdelay $0x3  }
0x1ec: {  	[tilespmem:v18+s6+$0x0] =	vst.idx.msk $0xff, v2  }
0x1ed: {  	v20 =	vor.u32 $0x26, v1;
	v2 =	vld.idx.msk [tilespmem:v16+s23+$0x0], $0xffff  }
0x1ee: {  	v18 =	vor.u32 v24, v0;
	_ =	sdelay $0x3  }
0x1ef: {  	[tilespmem:v20+s6+$0x0] =	vst.idx.msk $0xff, v2  }
0x1f0: {  	v22 =	vor.u32 $0x27, v1;
	v2 =	vld.idx.msk [tilespmem:v18+s23+$0x0], $0xffff  }
0x1f1: {  	v20 =	vor.u32 v28, v0;
	_ =	sdelay $0x3  }
0x1f2: {  	[tilespmem:v22+s6+$0x0] =	vst.idx.msk $0xff, v2  }
0x1f3: {  	v24 =	vor.u32 $0x28, v1;
	v2 =	vld.idx.msk [tilespmem:v20+s23+$0x0], $0xffff  }
0x1f4: {  	v22 =	vor.u32 v32, v0;
	_ =	sdelay $0x3  }
0x1f5: {  	[tilespmem:v24+s6+$0x0] =	vst.idx.msk $0xff, v2  }
0x1f6: {  	v26 =	vor.u32 $0x29, v1;
	v2 =	vld.idx.msk [tilespmem:v22+s23+$0x0], $0xffff  }
0x1f7: {  	v24 =	vor.u32 v34, v0;
	_ =	sdelay $0x3  }
0x1f8: {  	[tilespmem:v26+s6+$0x0] =	vst.idx.msk $0xff, v2  }
0x1f9: {  	v28 =	vor.u32 $0x2A, v1;
	v2 =	vld.idx.msk [tilespmem:v24+s23+$0x0], $0xffff  }
0x1fa: {  	v26 =	vor.u32 v36, v0;
	_ =	sdelay $0x3  }
0x1fb: {  	[tilespmem:v28+s6+$0x0] =	vst.idx.msk $0xff, v2  }
0x1fc: {  	v30 =	vor.u32 $0x2B, v1;
	v2 =	vld.idx.msk [tilespmem:v26+s23+$0x0], $0xffff  }
0x1fd: {  	v28 =	vor.u32 v38, v0;
	_ =	sdelay $0x3  }
0x1fe: {  	[tilespmem:v30+s6+$0x0] =	vst.idx.msk $0xff, v2  }
0x1ff: {  	v36 =	vor.u32 $0x2C, v1;
	v2 =	vld.idx.msk [tilespmem:v28+s23+$0x0], $0xffff  }
0x200: {  	v30 =	vor.u32 v40, v0;
	_ =	sdelay $0x3  }
0x201: {  	[tilespmem:v36+s6+$0x0] =	vst.idx.msk $0xff, v2  }
0x202: {  	v38 =	vor.u32 $0x2D, v1;
	v2 =	vld.idx.msk [tilespmem:v30+s23+$0x0], $0xffff  }
0x203: {  	v32 =	vor.u32 v42, v0;
	_ =	sdelay $0x3  }
0x204: {  	[tilespmem:v38+s6+$0x0] =	vst.idx.msk $0xff, v2  }
0x205: {  	v40 =	vor.u32 $0x2E, v1;
	v2 =	vld.idx.msk [tilespmem:v32+s23+$0x0], $0xffff  }
0x206: {  	v34 =	vor.u32 v44, v0;
	_ =	sdelay $0x3  }
0x207: {  	[tilespmem:v40+s6+$0x0] =	vst.idx.msk $0xff, v2  }
0x208: {  	v42 =	vor.u32 $0x2F, v1;
	v2 =	vld.idx.msk [tilespmem:v34+s23+$0x0], $0xffff  }
0x209: {  	v36 =	vor.u32 v46, v0;
	_ =	sdelay $0x3  }
0x20a: {  	[tilespmem:v42+s6+$0x0] =	vst.idx.msk $0xff, v2  }
0x20b: {  	v44 =	vor.u32 $0x30, v1;
	v2 =	vld.idx.msk [tilespmem:v36+s23+$0x0], $0xffff  }
0x20c: {  	v38 =	vor.u32 v48, v0;
	_ =	sdelay $0x3  }
0x20d: {  	[tilespmem:v44+s6+$0x0] =	vst.idx.msk $0xff, v2  }
0x20e: {  	v46 =	vor.u32 $0x31, v1;
	v2 =	vld.idx.msk [tilespmem:v38+s23+$0x0], $0xffff  }
0x20f: {  	v40 =	vor.u32 v50, v0;
	_ =	sdelay $0x3  }
0x210: {  	[tilespmem:v46+s6+$0x0] =	vst.idx.msk $0xff, v2  }
0x211: {  	v48 =	vor.u32 $0x32, v1;
	v2 =	vld.idx.msk [tilespmem:v40+s23+$0x0], $0xffff  }
0x212: {  	v42 =	vor.u32 v52, v0;
	_ =	sdelay $0x3  }
0x213: {  	[tilespmem:v48+s6+$0x0] =	vst.idx.msk $0xff, v2  }
0x214: {  	v50 =	vor.u32 $0x33, v1;
	v2 =	vld.idx.msk [tilespmem:v42+s23+$0x0], $0xffff  }
0x215: {  	v44 =	vor.u32 v54, v0;
	_ =	sdelay $0x3  }
0x216: {  	[tilespmem:v50+s6+$0x0] =	vst.idx.msk $0xff, v2  }
0x217: {  	v52 =	vor.u32 $0x34, v1;
	v2 =	vld.idx.msk [tilespmem:v44+s23+$0x0], $0xffff  }
0x218: {  	v46 =	vor.u32 v56, v0;
	_ =	sdelay $0x3  }
0x219: {  	[tilespmem:v52+s6+$0x0] =	vst.idx.msk $0xff, v2  }
0x21a: {  	v54 =	vor.u32 $0x35, v1;
	v2 =	vld.idx.msk [tilespmem:v46+s23+$0x0], $0xffff  }
0x21b: {  	v48 =	vor.u32 v58, v0;
	_ =	sdelay $0x3  }
0x21c: {  	[tilespmem:v54+s6+$0x0] =	vst.idx.msk $0xff, v2  }
0x21d: {  	v56 =	vor.u32 $0x36, v1;
	v2 =	vld.idx.msk [tilespmem:v48+s23+$0x0], $0xffff  }
0x21e: {  	v50 =	vor.u32 v60, v0;
	_ =	sdelay $0x3  }
0x21f: {  	[tilespmem:v56+s6+$0x0] =	vst.idx.msk $0xff, v2  }
0x220: {  	v58 =	vor.u32 $0x37, v1;
	v2 =	vld.idx.msk [tilespmem:v50+s23+$0x0], $0xffff  }
0x221: {  	v52 =	vor.u32 v62, v0;
	_ =	sdelay $0x3  }
0x222: {  	[tilespmem:v58+s6+$0x0] =	vst.idx.msk $0xff, v2  }
0x223: {  	v60 =	vor.u32 $0x38, v1;
	v2 =	vld.idx.msk [tilespmem:v52+s23+$0x0], $0xffff  }
0x224: {  	v54 =	vor.u32 v5, v0;
	_ =	sdelay $0x3  }
0x225: {  	[tilespmem:v60+s6+$0x0] =	vst.idx.msk $0xff, v2  }
0x226: {  	v62 =	vor.u32 $0x39, v1;
	v2 =	vld.idx.msk [tilespmem:v54+s23+$0x0], $0xffff  }
0x227: {  	v56 =	vor.u32 v9, v0;
	_ =	sdelay $0x3  }
0x228: {  	[tilespmem:v62+s6+$0x0] =	vst.idx.msk $0xff, v2  }
0x229: {  	v60 =	vor.u32 $0x3A, v1;
	v2 =	vld.idx.msk [tilespmem:v56+s23+$0x0], $0xffff  }
0x22a: {  	v58 =	vor.u32 v11, v0;
	_ =	sdelay $0x3  }
0x22b: {  	[tilespmem:v60+s6+$0x0] =	vst.idx.msk $0xff, v2  }
0x22c: {  	v62 =	vor.u32 $0x3B, v1;
	v2 =	vld.idx.msk [tilespmem:v58+s23+$0x0], $0xffff  }
0x22d: {  	v60 =	vor.u32 v4, v0;
	_ =	sdelay $0x3  }
0x22e: {  	[tilespmem:v62+s6+$0x0] =	vst.idx.msk $0xff, v2  }
0x22f: {  	v2 =	vor.u32 $0x3C, v1;
	v3 =	vld.idx.msk [tilespmem:v60+s23+$0x0], $0xffff  }
0x230: {  	v62 =	vor.u32 v15, v0;
	_ =	sdelay $0x3  }
0x231: {  	[tilespmem:v2+s6+$0x0] =	vst.idx.msk $0xff, v3  }
0x232: {  	v2 =	vor.u32 $0x3D, v1;
	v3 =	vld.idx.msk [tilespmem:v62+s23+$0x0], $0xffff  }
0x233: {  	v4 =	vor.u32 v13, v0;
	_ =	sdelay $0x3  }
0x234: {  	[tilespmem:v2+s6+$0x0] =	vst.idx.msk $0xff, v3  }
0x235: {  	v3 =	vor.u32 $0x3E, v1;
	v2 =	vld.idx.msk [tilespmem:v4+s23+$0x0], $0xffff  }
0x236: {  	v0 =	vor.u32 v7, v0;
	_ =	sdelay $0x3  }
0x237: {  	[tilespmem:v3+s6+$0x0] =	vst.idx.msk $0xff, v2  }
0x238: {  	v3 =	vor.u32 $0x3F, v1;
	v2 =	vld.idx.msk [tilespmem:v0+s23+$0x0], $0xffff;
	_ =	sdelay $0x4  }
0x239: {  	s8 =	sadd.s32 s3, s8;
	[tilespmem:v3+s6+$0x0] =	vst.idx.msk $0xff, v2  }
0x23a: {  	[tilespmem:s23], [sflag:$0x2] =	stream.strided.gather [hbm4b:s8+s14], $0x1000, s13, s14, $0x38;
	[tilespmem:$0x10D00] =	vst v63  }
0x23b: {  	s7 =	sadd.s32 s3, s7;
	s19 =	simm.s32 $0x9500  }
0x23c: {  	[tilespmem:s19], [sflag:$0x2] =	stream.strided.gather [hbm4b:s7+s14], $0x1000, s13, s14, $0x38;
	[tilespmem:$0x10D00] =	vst v63  }
0x23d: {  	s5 =	sadd.s32 s3, s5;
	s31 =	simm.s32 $0xA500  }
0x23e: {  	[tilespmem:s31], [sflag:$0x2] =	stream.strided.gather [hbm4b:s5+s14], $0x1000, s13, s14, $0x38;
	[tilespmem:$0x10D00] =	vst v63  }
0x23f: {  	s7 =	sadd.s32 s3, s16;
	s31 =	simm.s32 $0xB500  }
0x240: {  	[tilespmem:s31], [sflag:$0x2] =	stream.strided.gather [hbm4b:s7+s14], $0x1000, s13, s14, $0x38;
	[tilespmem:$0x10D00] =	vst v63  }
0x241: {  	s26 =	simm.s32 $0xC500;
	s8 =	sadd.s32 s3, s24  }
0x242: {  	[tilespmem:s26], [sflag:$0x2] =	stream.strided.gather [hbm4b:s8+s14], $0x1000, s13, s14, $0x38;
	[tilespmem:$0x10D00] =	vst v63  }
0x243: {  	s7 =	sadd.s32 s3, s17;
	s26 =	simm.s32 $0xD500  }
0x244: {  	[tilespmem:s26], [sflag:$0x2] =	stream.strided.gather [hbm4b:s7+s14], $0x1000, s13, s14, $0x38;
	[tilespmem:$0x10D00] =	vst v63  }
0x245: {  	s17 =	simm.s32 $0xE500;
	s8 =	sadd.s32 s3, s25  }
0x246: {  	[tilespmem:s17], [sflag:$0x2] =	stream.strided.gather [hbm4b:s8+s14], $0x1000, s13, s14, $0x38;
	[tilespmem:$0x10D00] =	vst v63  }
0x247: {  	s18 =	sadd.s32 s3, s18  }
0x248: {  	[tilespmem:s11], [sflag:$0x2] =	stream.strided.gather [hbm4b:s18+s14], $0x1000, s13, s14, $0x38;
	[tilespmem:$0x10D00] =	vst v63  }
0x249: {  	_ =	swait.ge [sflag:s4], $0x1000  }
0x24a: {  	[sflag:s4] =	ssyncset.done $0x0  }
0x24b: {  	[sflag:s4] =	ssyncadd.s32 $0xFFFFF000  }
0x24c: {  	_ =	swait.ge [sflag:s4], $0x1000  }
0x24d: {  	[sflag:s4] =	ssyncset.done $0x0  }
0x24e: {  	[sflag:s4] =	ssyncadd.s32 $0xFFFFF000  }
0x24f: {  	_ =	swait.ge [sflag:s4], $0x1000  }
0x250: {  	[sflag:s4] =	ssyncset.done $0x0  }
0x251: {  	[sflag:s4] =	ssyncadd.s32 $0xFFFFF000  }
0x252: {  	_ =	swait.ge [sflag:s4], $0x1000  }
0x253: {  	[sflag:s4] =	ssyncset.done $0x0  }
0x254: {  	[sflag:s4] =	ssyncadd.s32 $0xFFFFF000  }
0x255: {  	_ =	swait.ge [sflag:s4], $0x1000  }
0x256: {  	[sflag:s4] =	ssyncset.done $0x0  }
0x257: {  	[sflag:s4] =	ssyncadd.s32 $0xFFFFF000  }
0x258: {  	_ =	swait.ge [sflag:s4], $0x1000  }
0x259: {  	[sflag:s4] =	ssyncset.done $0x0  }
0x25a: {  	[sflag:s4] =	ssyncadd.s32 $0xFFFFF000  }
0x25b: {  	_ =	swait.ge [sflag:s4], $0x1000  }
0x25c: {  	[sflag:s4] =	ssyncset.done $0x0  }
0x25d: {  	[sflag:s4] =	ssyncadd.s32 $0xFFFFF000  }
0x25e: {  	_ =	swait.ge [sflag:s4], $0x1000  }
0x25f: {  	v2 =	vld [tilespmem:$0x1FB80];
	_ =	sdelay $0x5  }
0x260: {  	[sflag:s4] =	ssyncset.done $0x0  }
0x261: {  	[sflag:s4] =	ssyncadd.s32 $0xFFFFF000  }
0x262: {  	v3 =	vor.u32 $0x40, v1;
	v2 =	vld.idx.msk [tilespmem:v2+s15+$0x0], $0xffff;
	_ =	sdelay $0x4  }
0x263: {  	[tilespmem:v3+s6+$0x0] =	vst.idx.msk $0xff, v2;
	v2 =	vld [tilespmem:$0x1FB90];
	_ =	sdelay $0x7  }
0x264: {  	v3 =	vor.u32 $0x41, v1;
	v2 =	vld.idx.msk [tilespmem:v2+s15+$0x0], $0xffff;
	_ =	sdelay $0x4  }
0x265: {  	[tilespmem:v3+s6+$0x0] =	vst.idx.msk $0xff, v2;
	v2 =	vld [tilespmem:$0x1FBA0];
	_ =	sdelay $0x7  }
0x266: {  	v3 =	vor.u32 $0x42, v1;
	v2 =	vld.idx.msk [tilespmem:v2+s15+$0x0], $0xffff;
	_ =	sdelay $0x4  }
0x267: {  	[tilespmem:v3+s6+$0x0] =	vst.idx.msk $0xff, v2  }
0x268: {  	v3 =	vor.u32 $0x43, v1;
	v2 =	vld.idx.msk [tilespmem:v17+s15+$0x0], $0xffff;
	_ =	sdelay $0x4  }
0x269: {  	[tilespmem:v3+s6+$0x0] =	vst.idx.msk $0xff, v2  }
0x26a: {  	v3 =	vor.u32 $0x44, v1;
	v2 =	vld.idx.msk [tilespmem:v19+s15+$0x0], $0xffff;
	_ =	sdelay $0x4  }
0x26b: {  	[tilespmem:v3+s6+$0x0] =	vst.idx.msk $0xff, v2  }
0x26c: {  	v3 =	vor.u32 $0x45, v1;
	v2 =	vld.idx.msk [tilespmem:v21+s15+$0x0], $0xffff;
	_ =	sdelay $0x4  }
0x26d: {  	[tilespmem:v3+s6+$0x0] =	vst.idx.msk $0xff, v2  }
0x26e: {  	v3 =	vor.u32 $0x46, v1;
	v2 =	vld.idx.msk [tilespmem:v23+s15+$0x0], $0xffff;
	_ =	sdelay $0x4  }
0x26f: {  	[tilespmem:v3+s6+$0x0] =	vst.idx.msk $0xff, v2  }
0x270: {  	v3 =	vor.u32 $0x47, v1;
	v2 =	vld.idx.msk [tilespmem:v25+s15+$0x0], $0xffff;
	_ =	sdelay $0x4  }
0x271: {  	[tilespmem:v3+s6+$0x0] =	vst.idx.msk $0xff, v2  }
0x272: {  	v3 =	vor.u32 $0x48, v1;
	v2 =	vld.idx.msk [tilespmem:v27+s15+$0x0], $0xffff;
	_ =	sdelay $0x4  }
0x273: {  	[tilespmem:v3+s6+$0x0] =	vst.idx.msk $0xff, v2  }
0x274: {  	v3 =	vor.u32 $0x49, v1;
	v2 =	vld.idx.msk [tilespmem:v29+s15+$0x0], $0xffff;
	_ =	sdelay $0x4  }
0x275: {  	[tilespmem:v3+s6+$0x0] =	vst.idx.msk $0xff, v2  }
0x276: {  	v3 =	vor.u32 $0x4A, v1;
	v2 =	vld.idx.msk [tilespmem:v31+s15+$0x0], $0xffff;
	_ =	sdelay $0x4  }
0x277: {  	[tilespmem:v3+s6+$0x0] =	vst.idx.msk $0xff, v2  }
0x278: {  	v3 =	vor.u32 $0x4B, v1;
	v2 =	vld.idx.msk [tilespmem:v33+s15+$0x0], $0xffff;
	_ =	sdelay $0x4  }
0x279: {  	[tilespmem:v3+s6+$0x0] =	vst.idx.msk $0xff, v2  }
0x27a: {  	v3 =	vor.u32 $0x4C, v1;
	v2 =	vld.idx.msk [tilespmem:v35+s15+$0x0], $0xffff;
	_ =	sdelay $0x4  }
0x27b: {  	[tilespmem:v3+s6+$0x0] =	vst.idx.msk $0xff, v2  }
0x27c: {  	v3 =	vor.u32 $0x4D, v1;
	v2 =	vld.idx.msk [tilespmem:v37+s15+$0x0], $0xffff;
	_ =	sdelay $0x4  }
0x27d: {  	[tilespmem:v3+s6+$0x0] =	vst.idx.msk $0xff, v2  }
0x27e: {  	v3 =	vor.u32 $0x4E, v1;
	v2 =	vld.idx.msk [tilespmem:v39+s15+$0x0], $0xffff;
	_ =	sdelay $0x4  }
0x27f: {  	[tilespmem:v3+s6+$0x0] =	vst.idx.msk $0xff, v2  }
0x280: {  	v3 =	vor.u32 $0x4F, v1;
	v2 =	vld.idx.msk [tilespmem:v41+s15+$0x0], $0xffff;
	_ =	sdelay $0x4  }
0x281: {  	[tilespmem:v3+s6+$0x0] =	vst.idx.msk $0xff, v2  }
0x282: {  	v3 =	vor.u32 $0x50, v1;
	v2 =	vld.idx.msk [tilespmem:v43+s15+$0x0], $0xffff;
	_ =	sdelay $0x4  }
0x283: {  	[tilespmem:v3+s6+$0x0] =	vst.idx.msk $0xff, v2  }
0x284: {  	v3 =	vor.u32 $0x51, v1;
	v2 =	vld.idx.msk [tilespmem:v45+s15+$0x0], $0xffff;
	_ =	sdelay $0x4  }
0x285: {  	[tilespmem:v3+s6+$0x0] =	vst.idx.msk $0xff, v2  }
0x286: {  	v3 =	vor.u32 $0x52, v1;
	v2 =	vld.idx.msk [tilespmem:v47+s15+$0x0], $0xffff;
	_ =	sdelay $0x4  }
0x287: {  	[tilespmem:v3+s6+$0x0] =	vst.idx.msk $0xff, v2  }
0x288: {  	v3 =	vor.u32 $0x53, v1;
	v2 =	vld.idx.msk [tilespmem:v49+s15+$0x0], $0xffff;
	_ =	sdelay $0x4  }
0x289: {  	[tilespmem:v3+s6+$0x0] =	vst.idx.msk $0xff, v2  }
0x28a: {  	v3 =	vor.u32 $0x54, v1;
	v2 =	vld.idx.msk [tilespmem:v51+s15+$0x0], $0xffff;
	_ =	sdelay $0x4  }
0x28b: {  	[tilespmem:v3+s6+$0x0] =	vst.idx.msk $0xff, v2  }
0x28c: {  	v3 =	vor.u32 $0x55, v1;
	v2 =	vld.idx.msk [tilespmem:v53+s15+$0x0], $0xffff;
	_ =	sdelay $0x4  }
0x28d: {  	[tilespmem:v3+s6+$0x0] =	vst.idx.msk $0xff, v2  }
0x28e: {  	v3 =	vor.u32 $0x56, v1;
	v2 =	vld.idx.msk [tilespmem:v55+s15+$0x0], $0xffff;
	_ =	sdelay $0x4  }
0x28f: {  	[tilespmem:v3+s6+$0x0] =	vst.idx.msk $0xff, v2  }
0x290: {  	v3 =	vor.u32 $0x57, v1;
	v2 =	vld.idx.msk [tilespmem:v57+s15+$0x0], $0xffff;
	_ =	sdelay $0x4  }
0x291: {  	[tilespmem:v3+s6+$0x0] =	vst.idx.msk $0xff, v2  }
0x292: {  	v3 =	vor.u32 $0x58, v1;
	v2 =	vld.idx.msk [tilespmem:v59+s15+$0x0], $0xffff;
	_ =	sdelay $0x4  }
0x293: {  	[tilespmem:v3+s6+$0x0] =	vst.idx.msk $0xff, v2  }
0x294: {  	v3 =	vor.u32 $0x59, v1;
	v2 =	vld.idx.msk [tilespmem:v61+s15+$0x0], $0xffff;
	_ =	sdelay $0x4  }
0x295: {  	[tilespmem:v3+s6+$0x0] =	vst.idx.msk $0xff, v2;
	v2 =	vld [tilespmem:$0x1FBB0];
	_ =	sdelay $0x7  }
0x296: {  	v3 =	vor.u32 $0x5A, v1;
	v2 =	vld.idx.msk [tilespmem:v2+s15+$0x0], $0xffff;
	_ =	sdelay $0x4  }
0x297: {  	[tilespmem:v3+s6+$0x0] =	vst.idx.msk $0xff, v2  }
0x298: {  	v3 =	vor.u32 $0x5B, v1;
	v2 =	vld.idx.msk [tilespmem:v63+s15+$0x0], $0xffff;
	_ =	sdelay $0x4  }
0x299: {  	[tilespmem:v3+s6+$0x0] =	vst.idx.msk $0xff, v2;
	v2 =	vld [tilespmem:$0x1FBC0];
	_ =	sdelay $0x7  }
0x29a: {  	v3 =	vor.u32 $0x5C, v1;
	v2 =	vld.idx.msk [tilespmem:v2+s15+$0x0], $0xffff;
	_ =	sdelay $0x4  }
0x29b: {  	[tilespmem:v3+s6+$0x0] =	vst.idx.msk $0xff, v2;
	v2 =	vld [tilespmem:$0x1FBE0];
	_ =	sdelay $0x7  }
0x29c: {  	v3 =	vor.u32 $0x5D, v1;
	v2 =	vld.idx.msk [tilespmem:v2+s15+$0x0], $0xffff;
	_ =	sdelay $0x3  }
0x29d: {  	v5 =	vld [tilespmem:$0x1FBD0]  }
0x29e: {  	[tilespmem:v3+s6+$0x0] =	vst.idx.msk $0xff, v2;
	v2 =	vld [tilespmem:$0x1FBF0];
	_ =	sdelay $0x4  }
0x29f: {  	v5 =	vshra.s32 v5, $0x7  }
0x2a0: {  	(v2sf) =	vpush v5, $0x0;
	_ =	sdelay $0x1  }
0x2a1: {  	v3 =	vor.u32 $0x5E, v1;
	v2 =	vld.idx.msk [tilespmem:v2+s15+$0x0], $0xffff;
	_ =	sdelay $0x4  }
0x2a2: {  	(v2sf) =	vpush v5, $0x1;
	[tilespmem:v3+s6+$0x0] =	vst.idx.msk $0xff, v2;
	v2 =	vld [tilespmem:$0x1FC00];
	_ =	sdelay $0x6  }
0x2a3: {  	(v2sf) =	vpush v5, $0x2  }
0x2a4: {  	s5 =	spop (v2sf);
	v3 =	vor.u32 $0x5F, v1;
	v2 =	vld.idx.msk [tilespmem:v2+s15+$0x0], $0xffff  }
0x2a5: {  	p0 =	sgt.s32 s5, $0x0  }
0x2a6: {  	s5 =	simm.s32 @!p0 $0x0  }
0x2a7: {  	s5 =	smin.u32 s5, $0x1E84  }
0x2a8: {  	s5 =	sshll.u32 s5, $0x7  }
0x2a9: {  	s5 =	sadd.s32 s0, s5;
	[tilespmem:v3+s6+$0x0] =	vst.idx.msk $0xff, v2  }
0x2aa: {  	(v2sf) =	vpush v5, $0x3;
	[tilespmem:s15], [sflag:$0x1] =	stream.strided.gather [hbm4b:s5+s14], $0x1000, s13, s14, $0x38;
	[tilespmem:$0x10D00] =	vst v63  }
0x2ab: {  	s5 =	spop (v2sf)  }
0x2ac: {  	p0 =	sgt.s32 s5, $0x0  }
0x2ad: {  	s5 =	simm.s32 @!p0 $0x0  }
0x2ae: {  	s5 =	smin.u32 s5, $0x1E84  }
0x2af: {  	s5 =	sshll.u32 s5, $0x7  }
0x2b0: {  	s5 =	sadd.s32 s0, s5  }
0x2b1: {  	(v2sf) =	vpush v5, $0x4;
	[tilespmem:s20], [sflag:$0x1] =	stream.strided.gather [hbm4b:s5+s14], $0x1000, s13, s14, $0x38;
	[tilespmem:$0x10D00] =	vst v63  }
0x2b2: {  	s5 =	spop (v2sf)  }
0x2b3: {  	p0 =	sgt.s32 s5, $0x0  }
0x2b4: {  	s5 =	simm.s32 @!p0 $0x0  }
0x2b5: {  	s5 =	smin.u32 s5, $0x1E84  }
0x2b6: {  	s5 =	sshll.u32 s5, $0x7  }
0x2b7: {  	s20 =	simm.s32 $0x2500;
	s5 =	sadd.s32 s0, s5  }
0x2b8: {  	(v2sf) =	vpush v5, $0x5;
	[tilespmem:s20], [sflag:$0x1] =	stream.strided.gather [hbm4b:s5+s14], $0x1000, s13, s14, $0x38;
	[tilespmem:$0x10D00] =	vst v63  }
0x2b9: {  	s5 =	spop (v2sf)  }
0x2ba: {  	p0 =	sgt.s32 s5, $0x0  }
0x2bb: {  	s5 =	simm.s32 @!p0 $0x0  }
0x2bc: {  	s5 =	smin.u32 s5, $0x1E84  }
0x2bd: {  	s5 =	sshll.u32 s5, $0x7  }
0x2be: {  	s5 =	sadd.s32 s0, s5  }
0x2bf: {  	(v2sf) =	vpush v5, $0x6;
	[tilespmem:s21], [sflag:$0x1] =	stream.strided.gather [hbm4b:s5+s14], $0x1000, s13, s14, $0x38;
	[tilespmem:$0x10D00] =	vst v63  }
0x2c0: {  	s5 =	spop (v2sf)  }
0x2c1: {  	p0 =	sgt.s32 s5, $0x0  }
0x2c2: {  	s5 =	simm.s32 @!p0 $0x0  }
0x2c3: {  	s5 =	smin.u32 s5, $0x1E84  }
0x2c4: {  	s5 =	sshll.u32 s5, $0x7  }
0x2c5: {  	s5 =	sadd.s32 s0, s5  }
0x2c6: {  	(v2sf) =	vpush v5, $0x7;
	[tilespmem:s28], [sflag:$0x1] =	stream.strided.gather [hbm4b:s5+s14], $0x1000, s13, s14, $0x38;
	[tilespmem:$0x10D00] =	vst v63  }
0x2c7: {  	s5 =	spop (v2sf)  }
0x2c8: {  	p0 =	sgt.s32 s5, $0x0  }
0x2c9: {  	v9 =	vld [tilespmem:$0x1FD90];
	s5 =	simm.s32 @!p0 $0x0  }
0x2ca: {  	v11 =	vld [tilespmem:$0x1FDB0];
	s5 =	smin.u32 s5, $0x1E84  }
0x2cb: {  	v7 =	vld [tilespmem:$0x1FD50];
	s5 =	sshll.u32 s5, $0x7  }
0x2cc: {  	v33 =	vld [tilespmem:$0x1FE10];
	s5 =	sadd.s32 s0, s5  }
0x2cd: {  	v35 =	vld [tilespmem:$0x1FE30];
	[tilespmem:s29], [sflag:$0x1] =	stream.strided.gather [hbm4b:s5+s14], $0x1000, s13, s14, $0x38  }
0x2ce: {  	v37 =	vld [tilespmem:$0x1FE50];
	s5 =	spop (v2sf)  }
0x2cf: {  	v39 =	vld [tilespmem:$0x1FE70];
	p0 =	sgt.s32 s5, $0x0  }
0x2d0: {  	v41 =	vld [tilespmem:$0x1FE90];
	s5 =	simm.s32 @!p0 $0x0  }
0x2d1: {  	v43 =	vld [tilespmem:$0x1FEB0];
	s5 =	smin.u32 s5, $0x1E84  }
0x2d2: {  	v45 =	vld [tilespmem:$0x1FED0];
	s5 =	sshll.u32 s5, $0x7  }
0x2d3: {  	v47 =	vld [tilespmem:$0x1FEF0];
	s5 =	sadd.s32 s0, s5  }
0x2d4: {  	v49 =	vld [tilespmem:$0x1FF10];
	[tilespmem:s30], [sflag:$0x1] =	stream.strided.gather [hbm4b:s5+s14], $0x1000, s13, s14, $0x38  }
0x2d5: {  	v51 =	vld [tilespmem:$0x1FF30];
	s5 =	spop (v2sf)  }
0x2d6: {  	v53 =	vld [tilespmem:$0x1FF50];
	p0 =	sgt.s32 s5, $0x0  }
0x2d7: {  	v55 =	vld [tilespmem:$0x1FF70];
	s5 =	simm.s32 @!p0 $0x0  }
0x2d8: {  	v57 =	vld [tilespmem:$0x1FF90];
	s5 =	smin.u32 s5, $0x1E84  }
0x2d9: {  	v59 =	vld [tilespmem:$0x1FFB0];
	s5 =	sshll.u32 s5, $0x7  }
0x2da: {  	v61 =	vld [tilespmem:$0x1FFD0];
	s5 =	sadd.s32 s0, s5  }
0x2db: {  	v63 =	vld [tilespmem:$0x1FFF0];
	[tilespmem:s22], [sflag:$0x1] =	stream.strided.gather [hbm4b:s5+s14], $0x1000, s13, s14, $0x38  }
0x2dc: {  	v5 =	vld [tilespmem:$0x1FD30];
	_ =	swait.ge [sflag:s12], $0x1000  }
0x2dd: {  	[sflag:s12] =	ssyncset.done $0x0  }
0x2de: {  	[sflag:s12] =	ssyncadd.s32 $0xFFFFF000  }
0x2df: {  	_ =	swait.ge [sflag:s12], $0x1000  }
0x2e0: {  	[sflag:s12] =	ssyncset.done $0x0  }
0x2e1: {  	[sflag:s12] =	ssyncadd.s32 $0xFFFFF000  }
0x2e2: {  	_ =	swait.ge [sflag:s12], $0x1000  }
0x2e3: {  	[sflag:s12] =	ssyncset.done $0x0  }
0x2e4: {  	[sflag:s12] =	ssyncadd.s32 $0xFFFFF000  }
0x2e5: {  	_ =	swait.ge [sflag:s12], $0x1000  }
0x2e6: {  	[sflag:s12] =	ssyncset.done $0x0  }
0x2e7: {  	[sflag:s12] =	ssyncadd.s32 $0xFFFFF000  }
0x2e8: {  	_ =	swait.ge [sflag:s12], $0x1000  }
0x2e9: {  	[sflag:s12] =	ssyncset.done $0x0  }
0x2ea: {  	[sflag:s12] =	ssyncadd.s32 $0xFFFFF000  }
0x2eb: {  	_ =	swait.ge [sflag:s12], $0x1000  }
0x2ec: {  	[sflag:s12] =	ssyncset.done $0x0  }
0x2ed: {  	[sflag:s12] =	ssyncadd.s32 $0xFFFFF000  }
0x2ee: {  	_ =	swait.ge [sflag:s12], $0x1000  }
0x2ef: {  	[sflag:s12] =	ssyncset.done $0x0  }
0x2f0: {  	[sflag:s12] =	ssyncadd.s32 $0xFFFFF000  }
0x2f1: {  	_ =	swait.ge [sflag:s12], $0x1000  }
0x2f2: {  	v2 =	vld [tilespmem:$0x1FC10];
	_ =	sdelay $0x5  }
0x2f3: {  	[sflag:s12] =	ssyncset.done $0x0  }
0x2f4: {  	[sflag:s12] =	ssyncadd.s32 $0xFFFFF000  }
0x2f5: {  	v3 =	vor.u32 $0x60, v1;
	v2 =	vld.idx.msk [tilespmem:v2+s23+$0x0], $0xffff;
	_ =	sdelay $0x4  }
0x2f6: {  	[tilespmem:v3+s6+$0x0] =	vst.idx.msk $0xff, v2  }
0x2f7: {  	v3 =	vor.u32 $0x61, v1;
	v2 =	vld.idx.msk [tilespmem:v6+s23+$0x0], $0xffff;
	_ =	sdelay $0x4  }
0x2f8: {  	[tilespmem:v3+s6+$0x0] =	vst.idx.msk $0xff, v2  }
0x2f9: {  	v3 =	vor.u32 $0x62, v1;
	v2 =	vld.idx.msk [tilespmem:v8+s23+$0x0], $0xffff;
	_ =	sdelay $0x4  }
0x2fa: {  	[tilespmem:v3+s6+$0x0] =	vst.idx.msk $0xff, v2  }
0x2fb: {  	v3 =	vor.u32 $0x63, v1;
	v2 =	vld.idx.msk [tilespmem:v10+s23+$0x0], $0xffff;
	_ =	sdelay $0x4  }
0x2fc: {  	[tilespmem:v3+s6+$0x0] =	vst.idx.msk $0xff, v2  }
0x2fd: {  	v3 =	vor.u32 $0x64, v1;
	v2 =	vld.idx.msk [tilespmem:v12+s23+$0x0], $0xffff;
	_ =	sdelay $0x4  }
0x2fe: {  	[tilespmem:v3+s6+$0x0] =	vst.idx.msk $0xff, v2  }
0x2ff: {  	v3 =	vor.u32 $0x65, v1;
	v2 =	vld.idx.msk [tilespmem:v14+s23+$0x0], $0xffff;
	_ =	sdelay $0x4  }
0x300: {  	[tilespmem:v3+s6+$0x0] =	vst.idx.msk $0xff, v2  }
0x301: {  	v3 =	vor.u32 $0x66, v1;
	v2 =	vld.idx.msk [tilespmem:v16+s23+$0x0], $0xffff;
	_ =	sdelay $0x4  }
0x302: {  	[tilespmem:v3+s6+$0x0] =	vst.idx.msk $0xff, v2  }
0x303: {  	v3 =	vor.u32 $0x67, v1;
	v2 =	vld.idx.msk [tilespmem:v18+s23+$0x0], $0xffff;
	_ =	sdelay $0x4  }
0x304: {  	[tilespmem:v3+s6+$0x0] =	vst.idx.msk $0xff, v2  }
0x305: {  	v3 =	vor.u32 $0x68, v1;
	v2 =	vld.idx.msk [tilespmem:v20+s23+$0x0], $0xffff;
	_ =	sdelay $0x4  }
0x306: {  	[tilespmem:v3+s6+$0x0] =	vst.idx.msk $0xff, v2  }
0x307: {  	v3 =	vor.u32 $0x69, v1;
	v2 =	vld.idx.msk [tilespmem:v22+s23+$0x0], $0xffff;
	_ =	sdelay $0x4  }
0x308: {  	[tilespmem:v3+s6+$0x0] =	vst.idx.msk $0xff, v2  }
0x309: {  	v3 =	vor.u32 $0x6A, v1;
	v2 =	vld.idx.msk [tilespmem:v24+s23+$0x0], $0xffff;
	_ =	sdelay $0x4  }
0x30a: {  	[tilespmem:v3+s6+$0x0] =	vst.idx.msk $0xff, v2  }
0x30b: {  	v3 =	vor.u32 $0x6B, v1;
	v2 =	vld.idx.msk [tilespmem:v26+s23+$0x0], $0xffff;
	_ =	sdelay $0x4  }
0x30c: {  	[tilespmem:v3+s6+$0x0] =	vst.idx.msk $0xff, v2  }
0x30d: {  	v3 =	vor.u32 $0x6C, v1;
	v2 =	vld.idx.msk [tilespmem:v28+s23+$0x0], $0xffff;
	_ =	sdelay $0x4  }
0x30e: {  	[tilespmem:v3+s6+$0x0] =	vst.idx.msk $0xff, v2  }
0x30f: {  	v3 =	vor.u32 $0x6D, v1;
	v2 =	vld.idx.msk [tilespmem:v30+s23+$0x0], $0xffff;
	_ =	sdelay $0x4  }
0x310: {  	[tilespmem:v3+s6+$0x0] =	vst.idx.msk $0xff, v2  }
0x311: {  	v3 =	vor.u32 $0x6E, v1;
	v2 =	vld.idx.msk [tilespmem:v32+s23+$0x0], $0xffff;
	_ =	sdelay $0x4  }
0x312: {  	[tilespmem:v3+s6+$0x0] =	vst.idx.msk $0xff, v2  }
0x313: {  	v3 =	vor.u32 $0x6F, v1;
	v2 =	vld.idx.msk [tilespmem:v34+s23+$0x0], $0xffff;
	_ =	sdelay $0x4  }
0x314: {  	[tilespmem:v3+s6+$0x0] =	vst.idx.msk $0xff, v2  }
0x315: {  	v3 =	vor.u32 $0x70, v1;
	v2 =	vld.idx.msk [tilespmem:v36+s23+$0x0], $0xffff;
	_ =	sdelay $0x4  }
0x316: {  	[tilespmem:v3+s6+$0x0] =	vst.idx.msk $0xff, v2  }
0x317: {  	v3 =	vor.u32 $0x71, v1;
	v2 =	vld.idx.msk [tilespmem:v38+s23+$0x0], $0xffff;
	_ =	sdelay $0x4  }
0x318: {  	[tilespmem:v3+s6+$0x0] =	vst.idx.msk $0xff, v2  }
0x319: {  	v3 =	vor.u32 $0x72, v1;
	v2 =	vld.idx.msk [tilespmem:v40+s23+$0x0], $0xffff;
	_ =	sdelay $0x4  }
0x31a: {  	[tilespmem:v3+s6+$0x0] =	vst.idx.msk $0xff, v2  }
0x31b: {  	v3 =	vor.u32 $0x73, v1;
	v2 =	vld.idx.msk [tilespmem:v42+s23+$0x0], $0xffff;
	_ =	sdelay $0x4  }
0x31c: {  	[tilespmem:v3+s6+$0x0] =	vst.idx.msk $0xff, v2  }
0x31d: {  	v3 =	vor.u32 $0x74, v1;
	v2 =	vld.idx.msk [tilespmem:v44+s23+$0x0], $0xffff;
	_ =	sdelay $0x4  }
0x31e: {  	[tilespmem:v3+s6+$0x0] =	vst.idx.msk $0xff, v2  }
0x31f: {  	v3 =	vor.u32 $0x75, v1;
	v2 =	vld.idx.msk [tilespmem:v46+s23+$0x0], $0xffff;
	_ =	sdelay $0x4  }
0x320: {  	[tilespmem:v3+s6+$0x0] =	vst.idx.msk $0xff, v2  }
0x321: {  	v3 =	vor.u32 $0x76, v1;
	v2 =	vld.idx.msk [tilespmem:v48+s23+$0x0], $0xffff;
	_ =	sdelay $0x4  }
0x322: {  	[tilespmem:v3+s6+$0x0] =	vst.idx.msk $0xff, v2  }
0x323: {  	v3 =	vor.u32 $0x77, v1;
	v2 =	vld.idx.msk [tilespmem:v50+s23+$0x0], $0xffff;
	_ =	sdelay $0x4  }
0x324: {  	[tilespmem:v3+s6+$0x0] =	vst.idx.msk $0xff, v2  }
0x325: {  	v3 =	vor.u32 $0x78, v1;
	v2 =	vld.idx.msk [tilespmem:v52+s23+$0x0], $0xffff;
	_ =	sdelay $0x4  }
0x326: {  	[tilespmem:v3+s6+$0x0] =	vst.idx.msk $0xff, v2  }
0x327: {  	v3 =	vor.u32 $0x79, v1;
	v2 =	vld.idx.msk [tilespmem:v54+s23+$0x0], $0xffff;
	_ =	sdelay $0x4  }
0x328: {  	[tilespmem:v3+s6+$0x0] =	vst.idx.msk $0xff, v2  }
0x329: {  	v3 =	vor.u32 $0x7A, v1;
	v2 =	vld.idx.msk [tilespmem:v56+s23+$0x0], $0xffff;
	_ =	sdelay $0x3  }
0x32a: {  	v8 =	vld [tilespmem:$0x1FD70]  }
0x32b: {  	v10 =	vld [tilespmem:$0x1FCF0];
	[tilespmem:v3+s6+$0x0] =	vst.idx.msk $0xff, v2  }
0x32c: {  	v3 =	vor.u32 $0x7B, v1;
	v2 =	vld.idx.msk [tilespmem:v58+s23+$0x0], $0xffff  }
0x32d: {  	v12 =	vld [tilespmem:$0x1FD00]  }
0x32e: {  	v14 =	vld [tilespmem:$0x1FD20]  }
0x32f: {  	v16 =	vld [tilespmem:$0x1FD40]  }
0x330: {  	v18 =	vld [tilespmem:$0x1FD60]  }
0x331: {  	v20 =	vld [tilespmem:$0x1FD80];
	[tilespmem:v3+s6+$0x0] =	vst.idx.msk $0xff, v2  }
0x332: {  	v3 =	vor.u32 $0x7C, v1;
	v2 =	vld.idx.msk [tilespmem:v60+s23+$0x0], $0xffff  }
0x333: {  	v22 =	vld [tilespmem:$0x1FDA0]  }
0x334: {  	v24 =	vld [tilespmem:$0x1FDC0]  }
0x335: {  	v26 =	vld [tilespmem:$0x1FDD0]  }
0x336: {  	v28 =	vld [tilespmem:$0x1FDE0]  }
0x337: {  	v30 =	vld [tilespmem:$0x1FDF0];
	[tilespmem:v3+s6+$0x0] =	vst.idx.msk $0xff, v2  }
0x338: {  	v3 =	vor.u32 $0x7D, v1;
	v2 =	vld.idx.msk [tilespmem:v62+s23+$0x0], $0xffff  }
0x339: {  	v32 =	vld [tilespmem:$0x1FE00]  }
0x33a: {  	v34 =	vld [tilespmem:$0x1FE20]  }
0x33b: {  	v36 =	vld [tilespmem:$0x1FE40]  }
0x33c: {  	v38 =	vld [tilespmem:$0x1FE60]  }
0x33d: {  	v40 =	vld [tilespmem:$0x1FE80];
	[tilespmem:v3+s6+$0x0] =	vst.idx.msk $0xff, v2  }
0x33e: {  	v3 =	vor.u32 $0x7E, v1;
	v2 =	vld.idx.msk [tilespmem:v4+s23+$0x0], $0xffff  }
0x33f: {  	v42 =	vld [tilespmem:$0x1FEA0]  }
0x340: {  	v44 =	vld [tilespmem:$0x1FEC0]  }
0x341: {  	v46 =	vld [tilespmem:$0x1FEE0]  }
0x342: {  	v48 =	vld [tilespmem:$0x1FF00]  }
0x343: {  	v50 =	vld [tilespmem:$0x1FF20];
	[tilespmem:v3+s6+$0x0] =	vst.idx.msk $0xff, v2  }
0x344: {  	v2 =	vor.u32 $0x7F, v1;
	v0 =	vld.idx.msk [tilespmem:v0+s23+$0x0], $0xffff  }
0x345: {  	v52 =	vld [tilespmem:$0x1FF40]  }
0x346: {  	v54 =	vld [tilespmem:$0x1FF60]  }
0x347: {  	v56 =	vld [tilespmem:$0x1FF80]  }
0x348: {  	p0 =	sne.s32 s9, $0x7E0;
	v58 =	vld [tilespmem:$0x1FFA0]  }
.Ltmp0:
0x349: {  	s16 =	simm.s32 $0x0;
	s11 =	simm.s32 $0x3;
	v60 =	vld [tilespmem:$0x1FFC0];
	[tilespmem:v2+s6+$0x0] =	vst.idx.msk $0xff, v0;
	(pc) =	sbr.rel @p0 .LBB2_2-.Ltmp0, $4  }
0x34a: {  	v62 =	vld [tilespmem:$0x1FFE0];
	[hbm4b:s10+s16] =	stream.linear.scatter [tilespmem:s6], [sflag:$0x3], $0x400, $0x38  }
0x34b: {  	v4 =	vld [tilespmem:$0x1FD10];
	_ =	swait.ge [sflag:s11], $0x400  }
0x34c: {  	s24 =	simm.s32 $0xA500;
	s25 =	simm.s32 $0xC500;
	[sflag:s11] =	ssyncset.done $0x0  }
0x34d: {  	s9 =	sadd.s32 $0x20, s9;
	s10 =	sadd.s32 $0x80, s10;
	[sflag:s11] =	ssyncadd.s32 $0xFFFFFC00  }
0x34e: {  	_ =	swait.ge [sflag:s4], $0x1000  }
0x34f: {  	[sflag:s4] =	ssyncset.done $0x0  }
0x350: {  	[sflag:s4] =	ssyncadd.s32 $0xFFFFF000  }
0x351: {  	_ =	swait.ge [sflag:s4], $0x1000  }
0x352: {  	[sflag:s4] =	ssyncset.done $0x0  }
0x353: {  	[sflag:s4] =	ssyncadd.s32 $0xFFFFF000  }
0x354: {  	_ =	swait.ge [sflag:s4], $0x1000  }
0x355: {  	[sflag:s4] =	ssyncset.done $0x0  }
0x356: {  	[sflag:s4] =	ssyncadd.s32 $0xFFFFF000  }
0x357: {  	_ =	swait.ge [sflag:s4], $0x1000  }
0x358: {  	[sflag:s4] =	ssyncset.done $0x0  }
0x359: {  	[sflag:s4] =	ssyncadd.s32 $0xFFFFF000  }
0x35a: {  	_ =	swait.ge [sflag:s4], $0x1000  }
0x35b: {  	[sflag:s4] =	ssyncset.done $0x0  }
0x35c: {  	[sflag:s4] =	ssyncadd.s32 $0xFFFFF000  }
0x35d: {  	_ =	swait.ge [sflag:s4], $0x1000  }
0x35e: {  	[sflag:s4] =	ssyncset.done $0x0  }
0x35f: {  	[sflag:s4] =	ssyncadd.s32 $0xFFFFF000  }
0x360: {  	_ =	swait.ge [sflag:s4], $0x1000  }
0x361: {  	[sflag:s4] =	ssyncset.done $0x0  }
0x362: {  	[sflag:s4] =	ssyncadd.s32 $0xFFFFF000  }
0x363: {  	_ =	swait.ge [sflag:s4], $0x1000  }
0x364: {  	s7 =	rddreg [dreg:$0xc]  }
0x365: {  	s5 =	rddreg [dreg:$0xa];
	s7 =	sadd.s32 $0x1, s7  }
0x366: {  	p0 =	sne.s32 s7, s5  }
.Ltmp1:
0x367: {  	_ = 	snop;
	(pc) =	sbr.rel @p0 .LBB2_1-.Ltmp1, $4  }
0x368: {  	_ = 	snop  }
0x369: {  	s8 =	simm.s32 $0x1500;
	s9 =	simm.s32 $0x2500;
	s10 =	simm.s32 $0x3500  }
0x36a: {  	s17 =	simm.s32 $0x4500;
	s18 =	simm.s32 $0x5500;
	[sflag:s4] =	ssyncset.done $0x0  }
0x36b: {  	s19 =	simm.s32 $0x6500;
	s20 =	simm.s32 $0x7500;
	[sflag:s4] =	ssyncadd.s32 $0xFFFFF000  }
0x36c: {  	_ =	sfence.sel $0x180000  }
0x36d: {  	[bflag:$0x0] =	sbarrier.arrive $0xFFFF  }
0x36e: {  	_ =	strace $0x90000047  }
0x36f: {  	s0 =	stileid.u32;
	[bflag:$0x2] =	sbarrier.arrive $0xFFFF  }
0x370: {  	p0 =	sne.s32 s0, $0x0;
	s0 =	rddreg [dreg:$0x7]  }
0x371: {  	s0 =	sadd.s32 @!p0 $0x100000, s0  }
0x372: {  	[sflag:s0] =	ssyncadd.tile.s32 @!p0 $0x1;
	_ =	shalt  }
.Lfunc_end2:
_tile_overlayer_lowered:
.L_overlay_start_2:
0x373: {  	(tag) =	ssettag $0x2  }
0x374: {  	s0 =	rddreg [dreg:$0x0];
	s2 =	stileid.u32  }
0x375: {  	s1 =	rddreg [dreg:$0x1];
	p0 =	sne.s32 s2, $0x0  }
0x376: {  	s3 =	rddreg [dreg:$0x2];
	[bflag:$0x3] =	sbarrier.arrive $0xFFFF;
	s2 =	simm.s32 @!p0 $0x1C03  }
0x377: {  	[timem:s3], [sflag:s2] =	dma.local @!p0 [hbm:s0], s1  }
0x378: {  	s0 =	simm.s32 @!p0 $0x3  }
0x379: {  	_ =	swait.ge @!p0 [sflag:s0], s1  }
0x37a: {  	s1 =	ssub.s32 @!p0 $0x0, s1;
	[sflag:s0] =	ssyncset.done @!p0 $0x0  }
0x37b: {  	[sflag:s0] =	ssyncadd.s32 @!p0 s1  }
0x37c: {  	[bflag:$0x3] =	sbarrier.arrive $0xFFFF  }
0x37d: {  	_ =	shalt  }

</sc_bundles>
